<compile_context>
chip_gen: v7x
topology: tpu7x:2x2x1
jax: 0.10.2.dev20260603
libtpu: 0.0.44.dev20260713+nightly
codegen_flags: <defaults>
</compile_context>

<pallas_src>
import jax
import jax.numpy as jnp
from jax import lax
from jax.experimental import pallas as pl
from jax.experimental.pallas import tpu as pltpu
from jax.experimental.pallas import tpu_sc as plsc

N = 10000
E = 320000
F = 128
H = 8
C = 16

NC = 2
NS = 16
NW = NC * NS
EPT = E // NW
B = 40
NCH = EPT // B
NPAD = 10240
RPT = NPAD // NS
BR = 400

f32 = jnp.float32



def _lin_body(x_ref, w_ref, ss_ref, sd_ref, h_ref, ha_ref, a2_ref):
    h = jnp.dot(x_ref[...], w_ref[...], preferred_element_type=f32)
    asrc = jnp.dot(h, ss_ref[...], preferred_element_type=f32)
    adst = jnp.dot(h, sd_ref[...], preferred_element_type=f32)
    z = jnp.zeros_like(asrc)
    h_ref[...] = h
    ha_ref[...] = jnp.concatenate([asrc, z], axis=1)
    a2_ref[...] = jnp.concatenate([adst, z], axis=1)


def _linear(x, W, Ss, Sd):
    return pl.pallas_call(
        _lin_body,
        grid=(N // BR,),
        in_specs=[
            pl.BlockSpec((BR, F), lambda i: (i, 0)),
            pl.BlockSpec((F, F), lambda i: (0, 0)),
            pl.BlockSpec((F, H), lambda i: (0, 0)),
            pl.BlockSpec((F, H), lambda i: (0, 0)),
        ],
        out_specs=[
            pl.BlockSpec((BR, F), lambda i: (i, 0)),
            pl.BlockSpec((BR, 16), lambda i: (i, 0)),
            pl.BlockSpec((BR, 16), lambda i: (i, 0)),
        ],
        out_shape=[
            jax.ShapeDtypeStruct((N, F), f32),
            jax.ShapeDtypeStruct((N, 16), f32),
            jax.ShapeDtypeStruct((N, 16), f32),
        ],
    )(x, W, Ss, Sd)


def _combine(pH0, pH1, pD0, pD1, h, ha, a2, b, expm):
    pH = pH0[...] + pH1[...]
    pD = pD0[...] + pD1[...]
    a = ha[:, 0:H] + a2[:, 0:H]
    a = jnp.where(a >= 0, a, 0.2 * a)
    ex = jnp.exp(a)
    denom = pD[:, 0:H] + ex
    exb = jnp.dot(ex, expm[...], preferred_element_type=f32)
    dinv = jnp.dot(1.0 / denom, expm[...], preferred_element_type=f32)
    return (pH + exb * h[...]) * dinv + b[...]


def _mid_body(pH0, pH1, pD0, pD1, h, ha, a2, b, expm, w2, ss, sd,
              h2_ref, ha2_ref, a22_ref):
    out = _combine(pH0, pH1, pD0, pD1, h, ha, a2, b, expm)
    x2 = jnp.where(out > 0, out, jnp.exp(out) - 1.0)
    h2 = jnp.dot(x2, w2[...], preferred_element_type=f32)
    asrc2 = jnp.dot(h2, ss[...], preferred_element_type=f32)
    adst2 = jnp.dot(h2, sd[...], preferred_element_type=f32)
    z = jnp.zeros_like(asrc2)
    h2_ref[...] = h2
    ha2_ref[...] = jnp.concatenate([asrc2, z], axis=1)
    a22_ref[...] = jnp.concatenate([adst2, z], axis=1)


def _final_body(pH0, pH1, pD0, pD1, h, ha, a2, b, expm, out_ref):
    out = _combine(pH0, pH1, pD0, pD1, h, ha, a2, b, expm)
    m = jnp.max(out, axis=1, keepdims=True)
    s = out - m
    out_ref[...] = s - jnp.log(jnp.sum(jnp.exp(s), axis=1, keepdims=True))


_SPEC_H = pl.BlockSpec((BR, F), lambda i: (i, 0))
_SPEC_16 = pl.BlockSpec((BR, 16), lambda i: (i, 0))
_SPEC_B = pl.BlockSpec((1, F), lambda i: (0, 0))
_SPEC_EXPM = pl.BlockSpec((H, F), lambda i: (0, 0))
_SPEC_W = pl.BlockSpec((F, F), lambda i: (0, 0))
_SPEC_S = pl.BlockSpec((F, H), lambda i: (0, 0))


def _combine_mid(pH0, pH1, pD0, pD1, h, ha, a2, b, expm, W2, Ss2, Sd2):
    return pl.pallas_call(
        _mid_body,
        grid=(N // BR,),
        in_specs=[_SPEC_H, _SPEC_H, _SPEC_16, _SPEC_16, _SPEC_H, _SPEC_16,
                  _SPEC_16, _SPEC_B, _SPEC_EXPM, _SPEC_W, _SPEC_S, _SPEC_S],
        out_specs=[
            pl.BlockSpec((BR, F), lambda i: (i, 0)),
            pl.BlockSpec((BR, 16), lambda i: (i, 0)),
            pl.BlockSpec((BR, 16), lambda i: (i, 0)),
        ],
        out_shape=[
            jax.ShapeDtypeStruct((N, F), f32),
            jax.ShapeDtypeStruct((N, 16), f32),
            jax.ShapeDtypeStruct((N, 16), f32),
        ],
    )(pH0, pH1, pD0, pD1, h, ha, a2, b, expm, W2, Ss2, Sd2)


def _combine_final(pH0, pH1, pD0, pD1, h, ha, a2, b, expm):
    return pl.pallas_call(
        _final_body,
        grid=(N // BR,),
        in_specs=[_SPEC_H, _SPEC_H, _SPEC_16, _SPEC_16, _SPEC_H, _SPEC_16,
                  _SPEC_16, _SPEC_B, _SPEC_EXPM],
        out_specs=pl.BlockSpec((BR, F), lambda i: (i, 0)),
        out_shape=jax.ShapeDtypeStruct((N, F), f32),
    )(pH0, pH1, pD0, pD1, h, ha, a2, b, expm)



_GDN = lax.GatherDimensionNumbers(
    offset_dims=(), collapsed_slice_dims=(0,), start_index_map=(0,))


def _bcast(vec, k):
    idx = jnp.full((16, 1), k, jnp.int32)
    return lax.gather(vec, idx, dimension_numbers=_GDN, slice_sizes=(1,),
                      mode=lax.GatherScatterMode.PROMISE_IN_BOUNDS)


def _edge_body(h, ha, a2, srcr, dstr, zrH, zrD,
               pH0, pH1, pD0, pD1,
               srcv, dstv, hb0, hb1, hab0, hab1,
               ab0, ab1, accH, accD, sg0, sg1, ss0, ss1):
    cid = lax.axis_index("c")
    sid = lax.axis_index("s")
    wid = sid * NC + cid

    hbs = (hb0, hb1)
    habs = (hab0, hab1)
    abs_ = (ab0, ab1)
    sgs = (sg0, sg1)
    sss = (ss0, ss1)

    pltpu.sync_copy(srcr.at[wid], srcv)
    pltpu.sync_copy(dstr.at[wid], dstv)
    rows = pl.ds(sid * RPT, RPT)
    pltpu.sync_copy(zrH, accH.at[rows])
    pltpu.sync_copy(zrD, accD.at[rows])
    plsc.subcore_barrier()

    def gstart(c, b):
        pltpu.async_copy(h.at[srcv.at[c]], hbs[b], sgs[b])
        pltpu.async_copy(ha.at[srcv.at[c]], habs[b], sgs[b])
        pltpu.async_copy(a2.at[dstv.at[c]], abs_[b], sgs[b])

    def gwait(c, b):
        pltpu.make_async_copy(h.at[srcv.at[c]], hbs[b], sgs[b]).wait()
        pltpu.make_async_copy(ha.at[srcv.at[c]], habs[b], sgs[b]).wait()
        pltpu.make_async_copy(a2.at[dstv.at[c]], abs_[b], sgs[b]).wait()

    def sstart(c, b):
        pltpu.async_copy(hbs[b], accH.at[dstv.at[c]], sss[b], add=True)
        pltpu.async_copy(habs[b], accD.at[dstv.at[c]], sss[b], add=True)

    def swait(c, b):
        pltpu.make_async_copy(hbs[b], accH.at[dstv.at[c]], sss[b]).wait()
        pltpu.make_async_copy(habs[b], accD.at[dstv.at[c]], sss[b]).wait()

    def compute(b):
        hb = hbs[b]
        hab = habs[b]
        ab = abs_[b]

        @pl.loop(0, B)
        def _(e):
            v = hab[e] + ab[e]
            v = jnp.where(v >= 0, v, 0.2 * v)
            ex = jnp.exp(v)
            hab[e] = ex
            for k in range(H):
                bk = _bcast(ex, k)
                sl = pl.ds(16 * k, 16)
                hb[e, sl] = hb[e, sl] * bk

    NMAIN = NCH - 2 if NCH % 2 == 0 else NCH - 1

    gstart(0, 0)

    @pl.loop(0, NMAIN, step=2)
    def _(p):
        for j in range(2):
            c = p + j
            b = j
            b1 = 1 - j
            gwait(c, b)

            @pl.when(c >= 1)
            def _():
                swait(c - 1, b1)

            gstart(c + 1, b1)
            compute(b)
            sstart(c, b)

    for c in range(NMAIN, NCH):
        b = c % 2
        b1 = 1 - b
        gwait(c, b)
        swait(c - 1, b1)
        if c + 1 < NCH:
            gstart(c + 1, b1)
        compute(b)
        sstart(c, b)
    swait(NCH - 1, (NCH - 1) % 2)

    plsc.subcore_barrier()

    @pl.when(cid == 0)
    def _():
        pltpu.sync_copy(accH.at[rows], pH0.at[rows])
        pltpu.sync_copy(accD.at[rows], pD0.at[rows])

    @pl.when(cid == 1)
    def _():
        pltpu.sync_copy(accH.at[rows], pH1.at[rows])
        pltpu.sync_copy(accD.at[rows], pD1.at[rows])


_edge_call = pl.kernel(
    _edge_body,
    out_type=(
        jax.ShapeDtypeStruct((NPAD, F), f32),
        jax.ShapeDtypeStruct((NPAD, F), f32),
        jax.ShapeDtypeStruct((NPAD, 16), f32),
        jax.ShapeDtypeStruct((NPAD, 16), f32),
    ),
    mesh=plsc.VectorSubcoreMesh(core_axis_name="c", subcore_axis_name="s"),
    compiler_params=pltpu.CompilerParams(use_tc_tiling_on_sc=False),
    scratch_types=[
        pltpu.VMEM((NCH, B), jnp.int32),
        pltpu.VMEM((NCH, B), jnp.int32),
        pltpu.VMEM((B, F), f32),
        pltpu.VMEM((B, F), f32),
        pltpu.VMEM((B, 16), f32),
        pltpu.VMEM((B, 16), f32),
        pltpu.VMEM((B, 16), f32),
        pltpu.VMEM((B, 16), f32),
        pltpu.VMEM_SHARED((NPAD, F), f32),
        pltpu.VMEM_SHARED((NPAD, 16), f32),
        pltpu.SemaphoreType.DMA,
        pltpu.SemaphoreType.DMA,
        pltpu.SemaphoreType.DMA,
        pltpu.SemaphoreType.DMA,
    ],
)



def _att_fold(att):
    return (att[:, :, None] * jnp.eye(H, dtype=f32)[:, None, :]).reshape(H * C, H)


def kernel(x, edge_index, W1, att_src1, att_dst1, b1,
           W2, att_src2, att_dst2, b2):
    Ss1 = _att_fold(att_src1)
    Sd1 = _att_fold(att_dst1)
    Ss2 = _att_fold(att_src2)
    Sd2 = _att_fold(att_dst2)
    expm = jnp.repeat(jnp.eye(H, dtype=f32), C, axis=1)
    src_r = edge_index[0].reshape(NW, NCH, B)
    dst_r = edge_index[1].reshape(NW, NCH, B)
    zrH = jnp.zeros((RPT, F), f32)
    zrD = jnp.zeros((RPT, 16), f32)
    b1r = b1.reshape(1, F)
    b2r = b2.reshape(1, F)

    h1, ha1, a21 = _linear(x, W1, Ss1, Sd1)
    pH0, pH1, pD0, pD1 = _edge_call(h1, ha1, a21, src_r, dst_r, zrH, zrD)
    h2, ha2, a22 = _combine_mid(pH0, pH1, pD0, pD1, h1, ha1, a21, b1r, expm,
                                W2, Ss2, Sd2)
    qH0, qH1, qD0, qD1 = _edge_call(h2, ha2, a22, src_r, dst_r, zrH, zrD)
    return _combine_final(qH0, qH1, qD0, qD1, h2, ha2, a22, b2r, expm)

# --- scband reference (transcript-rebuilt; emitter-appended) ---
"""Pipeline reference for scband-gat-net-85985245266267 (READ-ONLY COPY).

The authoritative reference and input builder live on the scoring server;
editing this copy changes nothing except your own understanding.
"""

import jax, jax.numpy as jnp
import numpy as np

N = 10000
E = 320000
F = 128
H = 8
C = 16


def setup_inputs(seed: int = 0) -> dict:
    key = jax.random.key(seed)
    ks = jax.random.split(key, 10)
    x = jax.random.normal(ks[0], (N, F), dtype=jnp.float32)
    edge_index = jax.random.randint(ks[1], (2, E), 0, N, dtype=jnp.int32)
    s = 1.0 / np.sqrt(F)
    W1 = jax.random.normal(ks[2], (F, H * C), dtype=jnp.float32) * s
    att_src1 = jax.random.normal(ks[3], (H, C), dtype=jnp.float32) * s
    att_dst1 = jax.random.normal(ks[4], (H, C), dtype=jnp.float32) * s
    b1 = jnp.zeros((H * C,), dtype=jnp.float32)
    W2 = jax.random.normal(ks[5], (F, H * C), dtype=jnp.float32) * s
    att_src2 = jax.random.normal(ks[6], (H, C), dtype=jnp.float32) * s
    att_dst2 = jax.random.normal(ks[7], (H, C), dtype=jnp.float32) * s
    b2 = jnp.zeros((H * C,), dtype=jnp.float32)
    return {"x": x, "edge_index": edge_index, "W1": W1, "att_src1": att_src1,
            "att_dst1": att_dst1, "b1": b1, "W2": W2, "att_src2": att_src2,
            "att_dst2": att_dst2, "b2": b2}


def _gat_layer(x, src, dst, W, att_src, att_dst, bias):
    # PyG GATConv: linear -> per-head attention logits -> leaky_relu ->
    # segment softmax over incoming edges (grouped by dst) -> weighted sum -> bias
    h = (x @ W).reshape(-1, H, C)                      # [N, H, C]
    alpha_src = (h * att_src[None, :, :]).sum(-1)      # [N, H]
    alpha_dst = (h * att_dst[None, :, :]).sum(-1)      # [N, H]
    alpha = alpha_src[src] + alpha_dst[dst]            # [E, H] gather
    alpha = jax.nn.leaky_relu(alpha, negative_slope=0.2)
    amax = jax.ops.segment_max(alpha, dst, num_segments=N)
    amax = jnp.where(jnp.isfinite(amax), amax, 0.0)
    ex = jnp.exp(alpha - amax[dst])
    denom = jax.ops.segment_sum(ex, dst, num_segments=N)
    attn = ex / (denom[dst] + 1e-16)                   # [E, H]
    msg = h[src] * attn[:, :, None]                    # [E, H, C]
    out = jax.ops.segment_sum(msg, dst, num_segments=N)  # [N, H, C] scatter-add
    return out.reshape(N, H * C) + bias


def reference(x, edge_index, W1, att_src1, att_dst1, b1, W2, att_src2, att_dst2, b2):
    # Dropout(p=0.0) layers are identity. GATConv default adds self-loops.
    loops = jnp.arange(N, dtype=edge_index.dtype)
    ei = jnp.concatenate([edge_index, jnp.stack([loops, loops])], axis=1)
    src, dst = ei[0], ei[1]
    h = _gat_layer(x, src, dst, W1, att_src1, att_dst1, b1)
    h = jax.nn.elu(h)
    h = _gat_layer(h, src, dst, W2, att_src2, att_dst2, b2)
    return jax.nn.log_softmax(h, axis=1)

if __name__ == "__main__":
    import jax
    _d = setup_inputs()
    print(jax.jit(kernel)(*tuple(_d.values())))

</pallas_src>

<mosaic_0001>
#map = affine_map<(d0, d1) -> (0, 0)>
#map1 = affine_map<(d0, d1) -> (0, 0, 0)>
module attributes {stable_mosaic.version = 14 : i64} {
  func.func @_edge_body(%arg0: i32, %arg1: i32, %arg2: memref<10000x128xf32, #tpu.memory_space<hbm>>, %arg3: memref<10000x16xf32, #tpu.memory_space<hbm>>, %arg4: memref<10000x16xf32, #tpu.memory_space<hbm>>, %arg5: memref<32x250x40xi32, #tpu.memory_space<hbm>>, %arg6: memref<32x250x40xi32, #tpu.memory_space<hbm>>, %arg7: memref<640x128xf32, #tpu.memory_space<hbm>>, %arg8: memref<640x16xf32, #tpu.memory_space<hbm>>, %arg9: memref<10240x128xf32, #tpu.memory_space<hbm>>, %arg10: memref<10240x128xf32, #tpu.memory_space<hbm>>, %arg11: memref<10240x16xf32, #tpu.memory_space<hbm>>, %arg12: memref<10240x16xf32, #tpu.memory_space<hbm>>, %arg13: memref<250x40xi32, #tpu.memory_space<vmem>>, %arg14: memref<250x40xi32, #tpu.memory_space<vmem>>, %arg15: memref<40x128xf32, #tpu.memory_space<vmem>>, %arg16: memref<40x128xf32, #tpu.memory_space<vmem>>, %arg17: memref<40x16xf32, #tpu.memory_space<vmem>>, %arg18: memref<40x16xf32, #tpu.memory_space<vmem>>, %arg19: memref<40x16xf32, #tpu.memory_space<vmem>>, %arg20: memref<40x16xf32, #tpu.memory_space<vmem>>, %arg21: memref<10240x128xf32, #tpu.memory_space<vmem_shared>>, %arg22: memref<10240x16xf32, #tpu.memory_space<vmem_shared>>, %arg23: memref<!tpu.dma_semaphore, #tpu.memory_space<semaphore_mem>>, %arg24: memref<!tpu.dma_semaphore, #tpu.memory_space<semaphore_mem>>, %arg25: memref<!tpu.dma_semaphore, #tpu.memory_space<semaphore_mem>>, %arg26: memref<!tpu.dma_semaphore, #tpu.memory_space<semaphore_mem>>) attributes {dimension_semantics = [#tpu.dimension_semantics<core_parallel>, #tpu.dimension_semantics<subcore_parallel>], iteration_bounds = array<i64: 2, 16>, scalar_prefetch = 0 : i64, scratch_operands = 14 : i64, tpu.core_type = #tpu.core_type<sc_vector_subcore>, window_params = [{transform_indices = #map}, {transform_indices = #map}, {transform_indices = #map}, {transform_indices = #map1}, {transform_indices = #map1}, {transform_indices = #map}, {transform_indices = #map}, {transform_indices = #map}, {transform_indices = #map}, {transform_indices = #map}, {transform_indices = #map}]} {
    %mul3A = arith.constant 2 : i32
    %mul3A_0 = arith.muli %arg1, %mul3A : i32
    %add3A = arith.addi %mul3A_0, %arg0 : i32
    "tpu.region"() ({
      %run_scoped3A = tpu.sem_alloc : memref<!tpu.dma_semaphore, #tpu.memory_space<semaphore_mem>>
      %dma_start3A_177 = arith.constant 0 : i32
      %dma_start3A_178 = arith.constant 0 : i32
      %dma_start3A_179 = tpu.memref_slice %arg5[%add3A, %dma_start3A_177, %dma_start3A_178] : memref<32x250x40xi32, #tpu.memory_space<hbm>> -> memref<1x250x40xi32, #tpu.memory_space<hbm>>
      %dma_start3A_180 = tpu.memref_squeeze %dma_start3A_179 : memref<1x250x40xi32, #tpu.memory_space<hbm>> -> memref<250x40xi32, #tpu.memory_space<hbm>>
      %dma_start3A_181 = arith.constant 0 : i32
      %dma_start3A_182 = arith.constant 0 : i32
      %dma_start3A_183 = tpu.memref_slice %arg5[%add3A, %dma_start3A_181, %dma_start3A_182] : memref<32x250x40xi32, #tpu.memory_space<hbm>> -> memref<1x250x40xi32, #tpu.memory_space<hbm>>
      %dma_start3A_184 = tpu.memref_squeeze %dma_start3A_183 : memref<1x250x40xi32, #tpu.memory_space<hbm>> -> memref<250x40xi32, #tpu.memory_space<hbm>>
      tpu.enqueue_dma source(%dma_start3A_184 : memref<250x40xi32, #tpu.memory_space<hbm>>) target(%arg13 : memref<250x40xi32, #tpu.memory_space<vmem>>) target_semaphore(%run_scoped3A : memref<!tpu.dma_semaphore, #tpu.memory_space<semaphore_mem>>)
      %dma_wait3A_185 = arith.constant 0 : i32
      %dma_wait3A_186 = arith.constant 0 : i32
      %dma_wait3A_187 = tpu.memref_slice %arg5[%add3A, %dma_wait3A_185, %dma_wait3A_186] : memref<32x250x40xi32, #tpu.memory_space<hbm>> -> memref<1x250x40xi32, #tpu.memory_space<hbm>>
      %dma_wait3A_188 = tpu.memref_squeeze %dma_wait3A_187 : memref<1x250x40xi32, #tpu.memory_space<hbm>> -> memref<250x40xi32, #tpu.memory_space<hbm>>
      %dma_wait3A_189 = arith.constant 0 : i32
      %dma_wait3A_190 = arith.constant 0 : i32
      %dma_wait3A_191 = tpu.memref_slice %arg5[%add3A, %dma_wait3A_189, %dma_wait3A_190] : memref<32x250x40xi32, #tpu.memory_space<hbm>> -> memref<1x250x40xi32, #tpu.memory_space<hbm>>
      %dma_wait3A_192 = tpu.memref_squeeze %dma_wait3A_191 : memref<1x250x40xi32, #tpu.memory_space<hbm>> -> memref<250x40xi32, #tpu.memory_space<hbm>>
      tpu.wait_dma2 semaphore(%run_scoped3A : memref<!tpu.dma_semaphore, #tpu.memory_space<semaphore_mem>>) src(%dma_wait3A_192 : memref<250x40xi32, #tpu.memory_space<hbm>>) dst(%arg13 : memref<250x40xi32, #tpu.memory_space<vmem>>)
      tpu.yield
    }) : () -> ()
    "tpu.region"() ({
      %run_scoped3A = tpu.sem_alloc : memref<!tpu.dma_semaphore, #tpu.memory_space<semaphore_mem>>
      %dma_start3A_177 = arith.constant 0 : i32
      %dma_start3A_178 = arith.constant 0 : i32
      %dma_start3A_179 = tpu.memref_slice %arg6[%add3A, %dma_start3A_177, %dma_start3A_178] : memref<32x250x40xi32, #tpu.memory_space<hbm>> -> memref<1x250x40xi32, #tpu.memory_space<hbm>>
      %dma_start3A_180 = tpu.memref_squeeze %dma_start3A_179 : memref<1x250x40xi32, #tpu.memory_space<hbm>> -> memref<250x40xi32, #tpu.memory_space<hbm>>
      %dma_start3A_181 = arith.constant 0 : i32
      %dma_start3A_182 = arith.constant 0 : i32
      %dma_start3A_183 = tpu.memref_slice %arg6[%add3A, %dma_start3A_181, %dma_start3A_182] : memref<32x250x40xi32, #tpu.memory_space<hbm>> -> memref<1x250x40xi32, #tpu.memory_space<hbm>>
      %dma_start3A_184 = tpu.memref_squeeze %dma_start3A_183 : memref<1x250x40xi32, #tpu.memory_space<hbm>> -> memref<250x40xi32, #tpu.memory_space<hbm>>
      tpu.enqueue_dma source(%dma_start3A_184 : memref<250x40xi32, #tpu.memory_space<hbm>>) target(%arg14 : memref<250x40xi32, #tpu.memory_space<vmem>>) target_semaphore(%run_scoped3A : memref<!tpu.dma_semaphore, #tpu.memory_space<semaphore_mem>>)
      %dma_wait3A_185 = arith.constant 0 : i32
      %dma_wait3A_186 = arith.constant 0 : i32
      %dma_wait3A_187 = tpu.memref_slice %arg6[%add3A, %dma_wait3A_185, %dma_wait3A_186] : memref<32x250x40xi32, #tpu.memory_space<hbm>> -> memref<1x250x40xi32, #tpu.memory_space<hbm>>
      %dma_wait3A_188 = tpu.memref_squeeze %dma_wait3A_187 : memref<1x250x40xi32, #tpu.memory_space<hbm>> -> memref<250x40xi32, #tpu.memory_space<hbm>>
      %dma_wait3A_189 = arith.constant 0 : i32
      %dma_wait3A_190 = arith.constant 0 : i32
      %dma_wait3A_191 = tpu.memref_slice %arg6[%add3A, %dma_wait3A_189, %dma_wait3A_190] : memref<32x250x40xi32, #tpu.memory_space<hbm>> -> memref<1x250x40xi32, #tpu.memory_space<hbm>>
      %dma_wait3A_192 = tpu.memref_squeeze %dma_wait3A_191 : memref<1x250x40xi32, #tpu.memory_space<hbm>> -> memref<250x40xi32, #tpu.memory_space<hbm>>
      tpu.wait_dma2 semaphore(%run_scoped3A : memref<!tpu.dma_semaphore, #tpu.memory_space<semaphore_mem>>) src(%dma_wait3A_192 : memref<250x40xi32, #tpu.memory_space<hbm>>) dst(%arg14 : memref<250x40xi32, #tpu.memory_space<vmem>>)
      tpu.yield
    }) : () -> ()
    %mul3A_1 = arith.constant 640 : i32
    %mul3A_2 = arith.muli %arg1, %mul3A_1 : i32
    "tpu.region"() ({
      %run_scoped3A = tpu.sem_alloc : memref<!tpu.dma_semaphore, #tpu.memory_space<semaphore_mem>>
      %dma_start3A_177 = arith.constant 0 : i32
      %dma_start3A_178 = tpu.memref_slice %arg21[%mul3A_2, %dma_start3A_177] : memref<10240x128xf32, #tpu.memory_space<vmem_shared>> -> memref<640x128xf32, #tpu.memory_space<vmem_shared>>
      tpu.enqueue_dma source(%arg7 : memref<640x128xf32, #tpu.memory_space<hbm>>) target(%dma_start3A_178 : memref<640x128xf32, #tpu.memory_space<vmem_shared>>) target_semaphore(%run_scoped3A : memref<!tpu.dma_semaphore, #tpu.memory_space<semaphore_mem>>)
      %dma_wait3A_179 = arith.constant 0 : i32
      %dma_wait3A_180 = tpu.memref_slice %arg21[%mul3A_2, %dma_wait3A_179] : memref<10240x128xf32, #tpu.memory_space<vmem_shared>> -> memref<640x128xf32, #tpu.memory_space<vmem_shared>>
      tpu.wait_dma2 semaphore(%run_scoped3A : memref<!tpu.dma_semaphore, #tpu.memory_space<semaphore_mem>>) src(%arg7 : memref<640x128xf32, #tpu.memory_space<hbm>>) dst(%dma_wait3A_180 : memref<640x128xf32, #tpu.memory_space<vmem_shared>>)
      tpu.yield
    }) : () -> ()
    "tpu.region"() ({
      %run_scoped3A = tpu.sem_alloc : memref<!tpu.dma_semaphore, #tpu.memory_space<semaphore_mem>>
      %dma_start3A_177 = arith.constant 0 : i32
      %dma_start3A_178 = tpu.memref_slice %arg22[%mul3A_2, %dma_start3A_177] : memref<10240x16xf32, #tpu.memory_space<vmem_shared>> -> memref<640x16xf32, #tpu.memory_space<vmem_shared>>
      tpu.enqueue_dma source(%arg8 : memref<640x16xf32, #tpu.memory_space<hbm>>) target(%dma_start3A_178 : memref<640x16xf32, #tpu.memory_space<vmem_shared>>) target_semaphore(%run_scoped3A : memref<!tpu.dma_semaphore, #tpu.memory_space<semaphore_mem>>)
      %dma_wait3A_179 = arith.constant 0 : i32
      %dma_wait3A_180 = tpu.memref_slice %arg22[%mul3A_2, %dma_wait3A_179] : memref<10240x16xf32, #tpu.memory_space<vmem_shared>> -> memref<640x16xf32, #tpu.memory_space<vmem_shared>>
      tpu.wait_dma2 semaphore(%run_scoped3A : memref<!tpu.dma_semaphore, #tpu.memory_space<semaphore_mem>>) src(%arg8 : memref<640x16xf32, #tpu.memory_space<hbm>>) dst(%dma_wait3A_180 : memref<640x16xf32, #tpu.memory_space<vmem_shared>>)
      tpu.yield
    }) : () -> ()
    %barrier3A = arith.constant 0 : index
    tpu.barrier barrier_id(%barrier3A)
    %dma_start3A = arith.constant 0 : i32
    %dma_start3A_3 = arith.constant 0 : i32
    %dma_start3A_4 = tpu.memref_slice %arg13[%dma_start3A, %dma_start3A_3] : memref<250x40xi32, #tpu.memory_space<vmem>> -> memref<1x40xi32, #tpu.memory_space<vmem>>
    %dma_start3A_5 = tpu.memref_squeeze %dma_start3A_4 : memref<1x40xi32, #tpu.memory_space<vmem>> -> memref<40xi32, #tpu.memory_space<vmem>>
    %dma_start3A_6 = arith.constant 0 : i32
    %dma_start3A_7 = arith.constant 0 : i32
    %dma_start3A_8 = tpu.memref_slice %arg2[%dma_start3A_6, %dma_start3A_7] : memref<10000x128xf32, #tpu.memory_space<hbm>> -> memref<10000x128xf32, #tpu.memory_space<hbm>>
    tpu.enqueue_indirect_dma source(%dma_start3A_8 : memref<10000x128xf32, #tpu.memory_space<hbm>>) target(%arg15 : memref<40x128xf32, #tpu.memory_space<vmem>>) offsets(%dma_start3A_5 : memref<40xi32, #tpu.memory_space<vmem>>) semaphore(%arg23 : memref<!tpu.dma_semaphore, #tpu.memory_space<semaphore_mem>>)
    %dma_start3A_9 = arith.constant 0 : i32
    %dma_start3A_10 = arith.constant 0 : i32
    %dma_start3A_11 = tpu.memref_slice %arg13[%dma_start3A_9, %dma_start3A_10] : memref<250x40xi32, #tpu.memory_space<vmem>> -> memref<1x40xi32, #tpu.memory_space<vmem>>
    %dma_start3A_12 = tpu.memref_squeeze %dma_start3A_11 : memref<1x40xi32, #tpu.memory_space<vmem>> -> memref<40xi32, #tpu.memory_space<vmem>>
    %dma_start3A_13 = arith.constant 0 : i32
    %dma_start3A_14 = arith.constant 0 : i32
    %dma_start3A_15 = tpu.memref_slice %arg3[%dma_start3A_13, %dma_start3A_14] : memref<10000x16xf32, #tpu.memory_space<hbm>> -> memref<10000x16xf32, #tpu.memory_space<hbm>>
    tpu.enqueue_indirect_dma source(%dma_start3A_15 : memref<10000x16xf32, #tpu.memory_space<hbm>>) target(%arg17 : memref<40x16xf32, #tpu.memory_space<vmem>>) offsets(%dma_start3A_12 : memref<40xi32, #tpu.memory_space<vmem>>) semaphore(%arg23 : memref<!tpu.dma_semaphore, #tpu.memory_space<semaphore_mem>>)
    %dma_start3A_16 = arith.constant 0 : i32
    %dma_start3A_17 = arith.constant 0 : i32
    %dma_start3A_18 = tpu.memref_slice %arg14[%dma_start3A_16, %dma_start3A_17] : memref<250x40xi32, #tpu.memory_space<vmem>> -> memref<1x40xi32, #tpu.memory_space<vmem>>
    %dma_start3A_19 = tpu.memref_squeeze %dma_start3A_18 : memref<1x40xi32, #tpu.memory_space<vmem>> -> memref<40xi32, #tpu.memory_space<vmem>>
    %dma_start3A_20 = arith.constant 0 : i32
    %dma_start3A_21 = arith.constant 0 : i32
    %dma_start3A_22 = tpu.memref_slice %arg4[%dma_start3A_20, %dma_start3A_21] : memref<10000x16xf32, #tpu.memory_space<hbm>> -> memref<10000x16xf32, #tpu.memory_space<hbm>>
    tpu.enqueue_indirect_dma source(%dma_start3A_22 : memref<10000x16xf32, #tpu.memory_space<hbm>>) target(%arg19 : memref<40x16xf32, #tpu.memory_space<vmem>>) offsets(%dma_start3A_19 : memref<40xi32, #tpu.memory_space<vmem>>) semaphore(%arg23 : memref<!tpu.dma_semaphore, #tpu.memory_space<semaphore_mem>>)
    %scan3A = arith.constant 0 : i32
    %scan3A_23 = arith.constant 124 : i32
    %scan3A_24 = arith.addi %scan3A, %scan3A_23 : i32
    %scan3A_25 = arith.constant 1 : i32
    scf.for %scan3A_177 = %scan3A to %scan3A_24 step %scan3A_25  : i32 {
      %mul3A_178 = arith.constant 2 : i32
      %mul3A_179 = arith.muli %scan3A_177, %mul3A_178 : i32
      %add3A_180 = arith.constant 0 : i32
      %add3A_181 = arith.addi %add3A_180, %mul3A_179 : i32
      %add3A_182 = arith.constant 0 : i32
      %add3A_183 = arith.addi %add3A_181, %add3A_182 : i32
      %dma_wait3A_184 = arith.constant 0 : i32
      %dma_wait3A_185 = tpu.memref_slice %arg13[%add3A_183, %dma_wait3A_184] : memref<250x40xi32, #tpu.memory_space<vmem>> -> memref<1x40xi32, #tpu.memory_space<vmem>>
      %dma_wait3A_186 = tpu.memref_squeeze %dma_wait3A_185 : memref<1x40xi32, #tpu.memory_space<vmem>> -> memref<40xi32, #tpu.memory_space<vmem>>
      %dma_wait3A_187 = arith.constant 0 : i32
      %dma_wait3A_188 = arith.constant 0 : i32
      %dma_wait3A_189 = tpu.memref_slice %arg2[%dma_wait3A_187, %dma_wait3A_188] : memref<10000x128xf32, #tpu.memory_space<hbm>> -> memref<10000x128xf32, #tpu.memory_space<hbm>>
      tpu.wait_indirect_dma semaphore(%arg23 : memref<!tpu.dma_semaphore, #tpu.memory_space<semaphore_mem>>) src(%dma_wait3A_189 : memref<10000x128xf32, #tpu.memory_space<hbm>>) dst(%arg15 : memref<40x128xf32, #tpu.memory_space<vmem>>)
      %dma_wait3A_190 = arith.constant 0 : i32
      %dma_wait3A_191 = tpu.memref_slice %arg13[%add3A_183, %dma_wait3A_190] : memref<250x40xi32, #tpu.memory_space<vmem>> -> memref<1x40xi32, #tpu.memory_space<vmem>>
      %dma_wait3A_192 = tpu.memref_squeeze %dma_wait3A_191 : memref<1x40xi32, #tpu.memory_space<vmem>> -> memref<40xi32, #tpu.memory_space<vmem>>
      %dma_wait3A_193 = arith.constant 0 : i32
      %dma_wait3A_194 = arith.constant 0 : i32
      %dma_wait3A_195 = tpu.memref_slice %arg3[%dma_wait3A_193, %dma_wait3A_194] : memref<10000x16xf32, #tpu.memory_space<hbm>> -> memref<10000x16xf32, #tpu.memory_space<hbm>>
      tpu.wait_indirect_dma semaphore(%arg23 : memref<!tpu.dma_semaphore, #tpu.memory_space<semaphore_mem>>) src(%dma_wait3A_195 : memref<10000x16xf32, #tpu.memory_space<hbm>>) dst(%arg17 : memref<40x16xf32, #tpu.memory_space<vmem>>)
      %dma_wait3A_196 = arith.constant 0 : i32
      %dma_wait3A_197 = tpu.memref_slice %arg14[%add3A_183, %dma_wait3A_196] : memref<250x40xi32, #tpu.memory_space<vmem>> -> memref<1x40xi32, #tpu.memory_space<vmem>>
      %dma_wait3A_198 = tpu.memref_squeeze %dma_wait3A_197 : memref<1x40xi32, #tpu.memory_space<vmem>> -> memref<40xi32, #tpu.memory_space<vmem>>
      %dma_wait3A_199 = arith.constant 0 : i32
      %dma_wait3A_200 = arith.constant 0 : i32
      %dma_wait3A_201 = tpu.memref_slice %arg4[%dma_wait3A_199, %dma_wait3A_200] : memref<10000x16xf32, #tpu.memory_space<hbm>> -> memref<10000x16xf32, #tpu.memory_space<hbm>>
      tpu.wait_indirect_dma semaphore(%arg23 : memref<!tpu.dma_semaphore, #tpu.memory_space<semaphore_mem>>) src(%dma_wait3A_201 : memref<10000x16xf32, #tpu.memory_space<hbm>>) dst(%arg19 : memref<40x16xf32, #tpu.memory_space<vmem>>)
      %ge3A = arith.constant 1 : i32
      %ge3A_202 = arith.cmpi sge, %add3A_183, %ge3A : i32
      %convert_element_type3A_203 = arith.extui %ge3A_202 : i1 to i32
      %cond3A_204 = arith.constant 0 : i32
      %cond3A_205 = arith.cmpi ne, %convert_element_type3A_203, %cond3A_204 : i32
      scf.if %cond3A_205 {
        %sub3A = arith.constant 1 : i32
        %sub3A_305 = arith.subi %add3A_183, %sub3A : i32
        %dma_wait3A_306 = arith.constant 0 : i32
        %dma_wait3A_307 = tpu.memref_slice %arg14[%sub3A_305, %dma_wait3A_306] : memref<250x40xi32, #tpu.memory_space<vmem>> -> memref<1x40xi32, #tpu.memory_space<vmem>>
        %dma_wait3A_308 = tpu.memref_squeeze %dma_wait3A_307 : memref<1x40xi32, #tpu.memory_space<vmem>> -> memref<40xi32, #tpu.memory_space<vmem>>
        %dma_wait3A_309 = arith.constant 0 : i32
        %dma_wait3A_310 = arith.constant 0 : i32
        %dma_wait3A_311 = tpu.memref_slice %arg21[%dma_wait3A_309, %dma_wait3A_310] : memref<10240x128xf32, #tpu.memory_space<vmem_shared>> -> memref<10240x128xf32, #tpu.memory_space<vmem_shared>>
        tpu.wait_indirect_dma semaphore(%arg26 : memref<!tpu.dma_semaphore, #tpu.memory_space<semaphore_mem>>) src(%arg16 : memref<40x128xf32, #tpu.memory_space<vmem>>) dst(%dma_wait3A_311 : memref<10240x128xf32, #tpu.memory_space<vmem_shared>>)
        %dma_wait3A_312 = arith.constant 0 : i32
        %dma_wait3A_313 = tpu.memref_slice %arg14[%sub3A_305, %dma_wait3A_312] : memref<250x40xi32, #tpu.memory_space<vmem>> -> memref<1x40xi32, #tpu.memory_space<vmem>>
        %dma_wait3A_314 = tpu.memref_squeeze %dma_wait3A_313 : memref<1x40xi32, #tpu.memory_space<vmem>> -> memref<40xi32, #tpu.memory_space<vmem>>
        %dma_wait3A_315 = arith.constant 0 : i32
        %dma_wait3A_316 = arith.constant 0 : i32
        %dma_wait3A_317 = tpu.memref_slice %arg22[%dma_wait3A_315, %dma_wait3A_316] : memref<10240x16xf32, #tpu.memory_space<vmem_shared>> -> memref<10240x16xf32, #tpu.memory_space<vmem_shared>>
        tpu.wait_indirect_dma semaphore(%arg26 : memref<!tpu.dma_semaphore, #tpu.memory_space<semaphore_mem>>) src(%arg18 : memref<40x16xf32, #tpu.memory_space<vmem>>) dst(%dma_wait3A_317 : memref<10240x16xf32, #tpu.memory_space<vmem_shared>>)
      } else {
      }
      %add3A_206 = arith.constant 1 : i32
      %add3A_207 = arith.addi %add3A_183, %add3A_206 : i32
      %dma_start3A_208 = arith.constant 0 : i32
      %dma_start3A_209 = tpu.memref_slice %arg13[%add3A_207, %dma_start3A_208] : memref<250x40xi32, #tpu.memory_space<vmem>> -> memref<1x40xi32, #tpu.memory_space<vmem>>
      %dma_start3A_210 = tpu.memref_squeeze %dma_start3A_209 : memref<1x40xi32, #tpu.memory_space<vmem>> -> memref<40xi32, #tpu.memory_space<vmem>>
      %dma_start3A_211 = arith.constant 0 : i32
      %dma_start3A_212 = arith.constant 0 : i32
      %dma_start3A_213 = tpu.memref_slice %arg2[%dma_start3A_211, %dma_start3A_212] : memref<10000x128xf32, #tpu.memory_space<hbm>> -> memref<10000x128xf32, #tpu.memory_space<hbm>>
      tpu.enqueue_indirect_dma source(%dma_start3A_213 : memref<10000x128xf32, #tpu.memory_space<hbm>>) target(%arg16 : memref<40x128xf32, #tpu.memory_space<vmem>>) offsets(%dma_start3A_210 : memref<40xi32, #tpu.memory_space<vmem>>) semaphore(%arg24 : memref<!tpu.dma_semaphore, #tpu.memory_space<semaphore_mem>>)
      %dma_start3A_214 = arith.constant 0 : i32
      %dma_start3A_215 = tpu.memref_slice %arg13[%add3A_207, %dma_start3A_214] : memref<250x40xi32, #tpu.memory_space<vmem>> -> memref<1x40xi32, #tpu.memory_space<vmem>>
      %dma_start3A_216 = tpu.memref_squeeze %dma_start3A_215 : memref<1x40xi32, #tpu.memory_space<vmem>> -> memref<40xi32, #tpu.memory_space<vmem>>
      %dma_start3A_217 = arith.constant 0 : i32
      %dma_start3A_218 = arith.constant 0 : i32
      %dma_start3A_219 = tpu.memref_slice %arg3[%dma_start3A_217, %dma_start3A_218] : memref<10000x16xf32, #tpu.memory_space<hbm>> -> memref<10000x16xf32, #tpu.memory_space<hbm>>
      tpu.enqueue_indirect_dma source(%dma_start3A_219 : memref<10000x16xf32, #tpu.memory_space<hbm>>) target(%arg18 : memref<40x16xf32, #tpu.memory_space<vmem>>) offsets(%dma_start3A_216 : memref<40xi32, #tpu.memory_space<vmem>>) semaphore(%arg24 : memref<!tpu.dma_semaphore, #tpu.memory_space<semaphore_mem>>)
      %dma_start3A_220 = arith.constant 0 : i32
      %dma_start3A_221 = tpu.memref_slice %arg14[%add3A_207, %dma_start3A_220] : memref<250x40xi32, #tpu.memory_space<vmem>> -> memref<1x40xi32, #tpu.memory_space<vmem>>
      %dma_start3A_222 = tpu.memref_squeeze %dma_start3A_221 : memref<1x40xi32, #tpu.memory_space<vmem>> -> memref<40xi32, #tpu.memory_space<vmem>>
      %dma_start3A_223 = arith.constant 0 : i32
      %dma_start3A_224 = arith.constant 0 : i32
      %dma_start3A_225 = tpu.memref_slice %arg4[%dma_start3A_223, %dma_start3A_224] : memref<10000x16xf32, #tpu.memory_space<hbm>> -> memref<10000x16xf32, #tpu.memory_space<hbm>>
      tpu.enqueue_indirect_dma source(%dma_start3A_225 : memref<10000x16xf32, #tpu.memory_space<hbm>>) target(%arg20 : memref<40x16xf32, #tpu.memory_space<vmem>>) offsets(%dma_start3A_222 : memref<40xi32, #tpu.memory_space<vmem>>) semaphore(%arg24 : memref<!tpu.dma_semaphore, #tpu.memory_space<semaphore_mem>>)
      %scan3A_226 = arith.constant 0 : i32
      %scan3A_227 = arith.constant 40 : i32
      %scan3A_228 = arith.addi %scan3A_226, %scan3A_227 : i32
      %scan3A_229 = arith.constant 1 : i32
      scf.for %scan3A_305 = %scan3A_226 to %scan3A_228 step %scan3A_229  : i32 {
        %mul3A_306 = arith.constant 1 : i32
        %mul3A_307 = arith.muli %scan3A_305, %mul3A_306 : i32
        %add3A_308 = arith.constant 0 : i32
        %add3A_309 = arith.addi %add3A_308, %mul3A_307 : i32
        %get3A = arith.index_cast %add3A_309 : i32 to index
        %get3A_310 = arith.constant 0 : index
        %get3A_311 = tpu.vector_load %arg17[%get3A, %get3A_310] {strides = array<i32>} : memref<40x16xf32, #tpu.memory_space<vmem>>, vector<1x16xf32>,
        %get3A_312 = vector.shape_cast %get3A_311 : vector<1x16xf32> to vector<16xf32>
        %get3A_313 = arith.index_cast %add3A_309 : i32 to index
        %get3A_314 = arith.constant 0 : index
        %get3A_315 = tpu.vector_load %arg19[%get3A_313, %get3A_314] {strides = array<i32>} : memref<40x16xf32, #tpu.memory_space<vmem>>, vector<1x16xf32>,
        %get3A_316 = vector.shape_cast %get3A_315 : vector<1x16xf32> to vector<16xf32>
        %add3A_317 = arith.addf %get3A_312, %get3A_316 : vector<16xf32>
        %ge3A_318 = arith.constant 0.000000e+00 : f32
        %ge3A_319 = vector.broadcast %ge3A_318 : f32 to vector<16xf32>
        %ge3A_320 = arith.cmpf oge, %add3A_317, %ge3A_319 : vector<16xf32>
        %mul3A_321 = arith.constant 2.000000e-01 : f32
        %mul3A_322 = vector.broadcast %mul3A_321 : f32 to vector<16xf32>
        %mul3A_323 = arith.mulf %mul3A_322, %add3A_317 : vector<16xf32>
        %select_n3A = arith.select %ge3A_320, %add3A_317, %mul3A_323 : vector<16xi1>, vector<16xf32>
        %exp3A = math.exp %select_n3A : vector<16xf32>
        %swap3A = arith.index_cast %add3A_309 : i32 to index
        %swap3A_324 = arith.constant 0 : index
        %swap3A_325 = tpu.vector_load %arg17[%swap3A, %swap3A_324] {strides = array<i32>} : memref<40x16xf32, #tpu.memory_space<vmem>>, vector<1x16xf32>,
        %swap3A_326 = vector.shape_cast %swap3A_325 : vector<1x16xf32> to vector<16xf32>
        %swap3A_327 = vector.shape_cast %exp3A : vector<16xf32> to vector<1x16xf32>
        tpu.vector_store %arg17[%swap3A, %swap3A_324], %swap3A_327 {strides = array<i32>} : memref<40x16xf32, #tpu.memory_space<vmem>>, vector<1x16xf32>,
        %broadcast_in_dim3A = arith.constant 0 : i32
        %broadcast_in_dim3A_328 = vector.broadcast %broadcast_in_dim3A : i32 to vector<16x1xi32>
        %gather3A = vector.shape_cast %broadcast_in_dim3A_328 : vector<16x1xi32> to vector<16xi32>
        %gather3A_329 = tpu.dynamic_gather %exp3A[%gather3A] in [0] : vector<16xf32>, vector<16xi32> -> vector<16xf32>
        %get3A_330 = arith.index_cast %add3A_309 : i32 to index
        %get3A_331 = arith.constant 0 : index
        %get3A_332 = tpu.vector_load %arg15[%get3A_330, %get3A_331] {strides = array<i32>} : memref<40x128xf32, #tpu.memory_space<vmem>>, vector<1x16xf32>,
        %get3A_333 = vector.shape_cast %get3A_332 : vector<1x16xf32> to vector<16xf32>
        %mul3A_334 = arith.mulf %get3A_333, %gather3A_329 : vector<16xf32>
        %swap3A_335 = arith.index_cast %add3A_309 : i32 to index
        %swap3A_336 = arith.constant 0 : index
        %swap3A_337 = tpu.vector_load %arg15[%swap3A_335, %swap3A_336] {strides = array<i32>} : memref<40x128xf32, #tpu.memory_space<vmem>>, vector<1x16xf32>,
        %swap3A_338 = vector.shape_cast %swap3A_337 : vector<1x16xf32> to vector<16xf32>
        %swap3A_339 = vector.shape_cast %mul3A_334 : vector<16xf32> to vector<1x16xf32>
        tpu.vector_store %arg15[%swap3A_335, %swap3A_336], %swap3A_339 {strides = array<i32>} : memref<40x128xf32, #tpu.memory_space<vmem>>, vector<1x16xf32>,
        %broadcast_in_dim3A_340 = arith.constant 1 : i32
        %broadcast_in_dim3A_341 = vector.broadcast %broadcast_in_dim3A_340 : i32 to vector<16x1xi32>
        %gather3A_342 = vector.shape_cast %broadcast_in_dim3A_341 : vector<16x1xi32> to vector<16xi32>
        %gather3A_343 = tpu.dynamic_gather %exp3A[%gather3A_342] in [0] : vector<16xf32>, vector<16xi32> -> vector<16xf32>
        %get3A_344 = arith.index_cast %add3A_309 : i32 to index
        %get3A_345 = arith.constant 16 : index
        %get3A_346 = tpu.vector_load %arg15[%get3A_344, %get3A_345] {strides = array<i32>} : memref<40x128xf32, #tpu.memory_space<vmem>>, vector<1x16xf32>,
        %get3A_347 = vector.shape_cast %get3A_346 : vector<1x16xf32> to vector<16xf32>
        %mul3A_348 = arith.mulf %get3A_347, %gather3A_343 : vector<16xf32>
        %swap3A_349 = arith.index_cast %add3A_309 : i32 to index
        %swap3A_350 = arith.constant 16 : index
        %swap3A_351 = tpu.vector_load %arg15[%swap3A_349, %swap3A_350] {strides = array<i32>} : memref<40x128xf32, #tpu.memory_space<vmem>>, vector<1x16xf32>,
        %swap3A_352 = vector.shape_cast %swap3A_351 : vector<1x16xf32> to vector<16xf32>
        %swap3A_353 = vector.shape_cast %mul3A_348 : vector<16xf32> to vector<1x16xf32>
        tpu.vector_store %arg15[%swap3A_349, %swap3A_350], %swap3A_353 {strides = array<i32>} : memref<40x128xf32, #tpu.memory_space<vmem>>, vector<1x16xf32>,
        %broadcast_in_dim3A_354 = arith.constant 2 : i32
        %broadcast_in_dim3A_355 = vector.broadcast %broadcast_in_dim3A_354 : i32 to vector<16x1xi32>
        %gather3A_356 = vector.shape_cast %broadcast_in_dim3A_355 : vector<16x1xi32> to vector<16xi32>
        %gather3A_357 = tpu.dynamic_gather %exp3A[%gather3A_356] in [0] : vector<16xf32>, vector<16xi32> -> vector<16xf32>
        %get3A_358 = arith.index_cast %add3A_309 : i32 to index
        %get3A_359 = arith.constant 32 : index
        %get3A_360 = tpu.vector_load %arg15[%get3A_358, %get3A_359] {strides = array<i32>} : memref<40x128xf32, #tpu.memory_space<vmem>>, vector<1x16xf32>,
        %get3A_361 = vector.shape_cast %get3A_360 : vector<1x16xf32> to vector<16xf32>
        %mul3A_362 = arith.mulf %get3A_361, %gather3A_357 : vector<16xf32>
        %swap3A_363 = arith.index_cast %add3A_309 : i32 to index
        %swap3A_364 = arith.constant 32 : index
        %swap3A_365 = tpu.vector_load %arg15[%swap3A_363, %swap3A_364] {strides = array<i32>} : memref<40x128xf32, #tpu.memory_space<vmem>>, vector<1x16xf32>,
        %swap3A_366 = vector.shape_cast %swap3A_365 : vector<1x16xf32> to vector<16xf32>
        %swap3A_367 = vector.shape_cast %mul3A_362 : vector<16xf32> to vector<1x16xf32>
        tpu.vector_store %arg15[%swap3A_363, %swap3A_364], %swap3A_367 {strides = array<i32>} : memref<40x128xf32, #tpu.memory_space<vmem>>, vector<1x16xf32>,
        %broadcast_in_dim3A_368 = arith.constant 3 : i32
        %broadcast_in_dim3A_369 = vector.broadcast %broadcast_in_dim3A_368 : i32 to vector<16x1xi32>
        %gather3A_370 = vector.shape_cast %broadcast_in_dim3A_369 : vector<16x1xi32> to vector<16xi32>
        %gather3A_371 = tpu.dynamic_gather %exp3A[%gather3A_370] in [0] : vector<16xf32>, vector<16xi32> -> vector<16xf32>
        %get3A_372 = arith.index_cast %add3A_309 : i32 to index
        %get3A_373 = arith.constant 48 : index
        %get3A_374 = tpu.vector_load %arg15[%get3A_372, %get3A_373] {strides = array<i32>} : memref<40x128xf32, #tpu.memory_space<vmem>>, vector<1x16xf32>,
        %get3A_375 = vector.shape_cast %get3A_374 : vector<1x16xf32> to vector<16xf32>
        %mul3A_376 = arith.mulf %get3A_375, %gather3A_371 : vector<16xf32>
        %swap3A_377 = arith.index_cast %add3A_309 : i32 to index
        %swap3A_378 = arith.constant 48 : index
        %swap3A_379 = tpu.vector_load %arg15[%swap3A_377, %swap3A_378] {strides = array<i32>} : memref<40x128xf32, #tpu.memory_space<vmem>>, vector<1x16xf32>,
        %swap3A_380 = vector.shape_cast %swap3A_379 : vector<1x16xf32> to vector<16xf32>
        %swap3A_381 = vector.shape_cast %mul3A_376 : vector<16xf32> to vector<1x16xf32>
        tpu.vector_store %arg15[%swap3A_377, %swap3A_378], %swap3A_381 {strides = array<i32>} : memref<40x128xf32, #tpu.memory_space<vmem>>, vector<1x16xf32>,
        %broadcast_in_dim3A_382 = arith.constant 4 : i32
        %broadcast_in_dim3A_383 = vector.broadcast %broadcast_in_dim3A_382 : i32 to vector<16x1xi32>
        %gather3A_384 = vector.shape_cast %broadcast_in_dim3A_383 : vector<16x1xi32> to vector<16xi32>
        %gather3A_385 = tpu.dynamic_gather %exp3A[%gather3A_384] in [0] : vector<16xf32>, vector<16xi32> -> vector<16xf32>
        %get3A_386 = arith.index_cast %add3A_309 : i32 to index
        %get3A_387 = arith.constant 64 : index
        %get3A_388 = tpu.vector_load %arg15[%get3A_386, %get3A_387] {strides = array<i32>} : memref<40x128xf32, #tpu.memory_space<vmem>>, vector<1x16xf32>,
        %get3A_389 = vector.shape_cast %get3A_388 : vector<1x16xf32> to vector<16xf32>
        %mul3A_390 = arith.mulf %get3A_389, %gather3A_385 : vector<16xf32>
        %swap3A_391 = arith.index_cast %add3A_309 : i32 to index
        %swap3A_392 = arith.constant 64 : index
        %swap3A_393 = tpu.vector_load %arg15[%swap3A_391, %swap3A_392] {strides = array<i32>} : memref<40x128xf32, #tpu.memory_space<vmem>>, vector<1x16xf32>,
        %swap3A_394 = vector.shape_cast %swap3A_393 : vector<1x16xf32> to vector<16xf32>
        %swap3A_395 = vector.shape_cast %mul3A_390 : vector<16xf32> to vector<1x16xf32>
        tpu.vector_store %arg15[%swap3A_391, %swap3A_392], %swap3A_395 {strides = array<i32>} : memref<40x128xf32, #tpu.memory_space<vmem>>, vector<1x16xf32>,
        %broadcast_in_dim3A_396 = arith.constant 5 : i32
        %broadcast_in_dim3A_397 = vector.broadcast %broadcast_in_dim3A_396 : i32 to vector<16x1xi32>
        %gather3A_398 = vector.shape_cast %broadcast_in_dim3A_397 : vector<16x1xi32> to vector<16xi32>
        %gather3A_399 = tpu.dynamic_gather %exp3A[%gather3A_398] in [0] : vector<16xf32>, vector<16xi32> -> vector<16xf32>
        %get3A_400 = arith.index_cast %add3A_309 : i32 to index
        %get3A_401 = arith.constant 80 : index
        %get3A_402 = tpu.vector_load %arg15[%get3A_400, %get3A_401] {strides = array<i32>} : memref<40x128xf32, #tpu.memory_space<vmem>>, vector<1x16xf32>,
        %get3A_403 = vector.shape_cast %get3A_402 : vector<1x16xf32> to vector<16xf32>
        %mul3A_404 = arith.mulf %get3A_403, %gather3A_399 : vector<16xf32>
        %swap3A_405 = arith.index_cast %add3A_309 : i32 to index
        %swap3A_406 = arith.constant 80 : index
        %swap3A_407 = tpu.vector_load %arg15[%swap3A_405, %swap3A_406] {strides = array<i32>} : memref<40x128xf32, #tpu.memory_space<vmem>>, vector<1x16xf32>,
        %swap3A_408 = vector.shape_cast %swap3A_407 : vector<1x16xf32> to vector<16xf32>
        %swap3A_409 = vector.shape_cast %mul3A_404 : vector<16xf32> to vector<1x16xf32>
        tpu.vector_store %arg15[%swap3A_405, %swap3A_406], %swap3A_409 {strides = array<i32>} : memref<40x128xf32, #tpu.memory_space<vmem>>, vector<1x16xf32>,
        %broadcast_in_dim3A_410 = arith.constant 6 : i32
        %broadcast_in_dim3A_411 = vector.broadcast %broadcast_in_dim3A_410 : i32 to vector<16x1xi32>
        %gather3A_412 = vector.shape_cast %broadcast_in_dim3A_411 : vector<16x1xi32> to vector<16xi32>
        %gather3A_413 = tpu.dynamic_gather %exp3A[%gather3A_412] in [0] : vector<16xf32>, vector<16xi32> -> vector<16xf32>
        %get3A_414 = arith.index_cast %add3A_309 : i32 to index
        %get3A_415 = arith.constant 96 : index
        %get3A_416 = tpu.vector_load %arg15[%get3A_414, %get3A_415] {strides = array<i32>} : memref<40x128xf32, #tpu.memory_space<vmem>>, vector<1x16xf32>,
        %get3A_417 = vector.shape_cast %get3A_416 : vector<1x16xf32> to vector<16xf32>
        %mul3A_418 = arith.mulf %get3A_417, %gather3A_413 : vector<16xf32>
        %swap3A_419 = arith.index_cast %add3A_309 : i32 to index
        %swap3A_420 = arith.constant 96 : index
        %swap3A_421 = tpu.vector_load %arg15[%swap3A_419, %swap3A_420] {strides = array<i32>} : memref<40x128xf32, #tpu.memory_space<vmem>>, vector<1x16xf32>,
        %swap3A_422 = vector.shape_cast %swap3A_421 : vector<1x16xf32> to vector<16xf32>
        %swap3A_423 = vector.shape_cast %mul3A_418 : vector<16xf32> to vector<1x16xf32>
        tpu.vector_store %arg15[%swap3A_419, %swap3A_420], %swap3A_423 {strides = array<i32>} : memref<40x128xf32, #tpu.memory_space<vmem>>, vector<1x16xf32>,
        %broadcast_in_dim3A_424 = arith.constant 7 : i32
        %broadcast_in_dim3A_425 = vector.broadcast %broadcast_in_dim3A_424 : i32 to vector<16x1xi32>
        %gather3A_426 = vector.shape_cast %broadcast_in_dim3A_425 : vector<16x1xi32> to vector<16xi32>
        %gather3A_427 = tpu.dynamic_gather %exp3A[%gather3A_426] in [0] : vector<16xf32>, vector<16xi32> -> vector<16xf32>
        %get3A_428 = arith.index_cast %add3A_309 : i32 to index
        %get3A_429 = arith.constant 112 : index
        %get3A_430 = tpu.vector_load %arg15[%get3A_428, %get3A_429] {strides = array<i32>} : memref<40x128xf32, #tpu.memory_space<vmem>>, vector<1x16xf32>,
        %get3A_431 = vector.shape_cast %get3A_430 : vector<1x16xf32> to vector<16xf32>
        %mul3A_432 = arith.mulf %get3A_431, %gather3A_427 : vector<16xf32>
        %swap3A_433 = arith.index_cast %add3A_309 : i32 to index
        %swap3A_434 = arith.constant 112 : index
        %swap3A_435 = tpu.vector_load %arg15[%swap3A_433, %swap3A_434] {strides = array<i32>} : memref<40x128xf32, #tpu.memory_space<vmem>>, vector<1x16xf32>,
        %swap3A_436 = vector.shape_cast %swap3A_435 : vector<1x16xf32> to vector<16xf32>
        %swap3A_437 = vector.shape_cast %mul3A_432 : vector<16xf32> to vector<1x16xf32>
        tpu.vector_store %arg15[%swap3A_433, %swap3A_434], %swap3A_437 {strides = array<i32>} : memref<40x128xf32, #tpu.memory_space<vmem>>, vector<1x16xf32>,
      }
      %scan3A_230 = arith.constant 40 : i32
      %dma_start3A_231 = arith.constant 0 : i32
      %dma_start3A_232 = tpu.memref_slice %arg14[%add3A_183, %dma_start3A_231] : memref<250x40xi32, #tpu.memory_space<vmem>> -> memref<1x40xi32, #tpu.memory_space<vmem>>
      %dma_start3A_233 = tpu.memref_squeeze %dma_start3A_232 : memref<1x40xi32, #tpu.memory_space<vmem>> -> memref<40xi32, #tpu.memory_space<vmem>>
      %dma_start3A_234 = arith.constant 0 : i32
      %dma_start3A_235 = arith.constant 0 : i32
      %dma_start3A_236 = tpu.memref_slice %arg21[%dma_start3A_234, %dma_start3A_235] : memref<10240x128xf32, #tpu.memory_space<vmem_shared>> -> memref<10240x128xf32, #tpu.memory_space<vmem_shared>>
      tpu.enqueue_indirect_dma source(%arg15 : memref<40x128xf32, #tpu.memory_space<vmem>>) target(%dma_start3A_236 : memref<10240x128xf32, #tpu.memory_space<vmem_shared>>) offsets(%dma_start3A_233 : memref<40xi32, #tpu.memory_space<vmem>>) semaphore(%arg25 : memref<!tpu.dma_semaphore, #tpu.memory_space<semaphore_mem>>) {add = true}
      %dma_start3A_237 = arith.constant 0 : i32
      %dma_start3A_238 = tpu.memref_slice %arg14[%add3A_183, %dma_start3A_237] : memref<250x40xi32, #tpu.memory_space<vmem>> -> memref<1x40xi32, #tpu.memory_space<vmem>>
      %dma_start3A_239 = tpu.memref_squeeze %dma_start3A_238 : memref<1x40xi32, #tpu.memory_space<vmem>> -> memref<40xi32, #tpu.memory_space<vmem>>
      %dma_start3A_240 = arith.constant 0 : i32
      %dma_start3A_241 = arith.constant 0 : i32
      %dma_start3A_242 = tpu.memref_slice %arg22[%dma_start3A_240, %dma_start3A_241] : memref<10240x16xf32, #tpu.memory_space<vmem_shared>> -> memref<10240x16xf32, #tpu.memory_space<vmem_shared>>
      tpu.enqueue_indirect_dma source(%arg17 : memref<40x16xf32, #tpu.memory_space<vmem>>) target(%dma_start3A_242 : memref<10240x16xf32, #tpu.memory_space<vmem_shared>>) offsets(%dma_start3A_239 : memref<40xi32, #tpu.memory_space<vmem>>) semaphore(%arg25 : memref<!tpu.dma_semaphore, #tpu.memory_space<semaphore_mem>>) {add = true}
      %add3A_243 = arith.constant 1 : i32
      %add3A_244 = arith.addi %add3A_181, %add3A_243 : i32
      %dma_wait3A_245 = arith.constant 0 : i32
      %dma_wait3A_246 = tpu.memref_slice %arg13[%add3A_244, %dma_wait3A_245] : memref<250x40xi32, #tpu.memory_space<vmem>> -> memref<1x40xi32, #tpu.memory_space<vmem>>
      %dma_wait3A_247 = tpu.memref_squeeze %dma_wait3A_246 : memref<1x40xi32, #tpu.memory_space<vmem>> -> memref<40xi32, #tpu.memory_space<vmem>>
      %dma_wait3A_248 = arith.constant 0 : i32
      %dma_wait3A_249 = arith.constant 0 : i32
      %dma_wait3A_250 = tpu.memref_slice %arg2[%dma_wait3A_248, %dma_wait3A_249] : memref<10000x128xf32, #tpu.memory_space<hbm>> -> memref<10000x128xf32, #tpu.memory_space<hbm>>
      tpu.wait_indirect_dma semaphore(%arg24 : memref<!tpu.dma_semaphore, #tpu.memory_space<semaphore_mem>>) src(%dma_wait3A_250 : memref<10000x128xf32, #tpu.memory_space<hbm>>) dst(%arg16 : memref<40x128xf32, #tpu.memory_space<vmem>>)
      %dma_wait3A_251 = arith.constant 0 : i32
      %dma_wait3A_252 = tpu.memref_slice %arg13[%add3A_244, %dma_wait3A_251] : memref<250x40xi32, #tpu.memory_space<vmem>> -> memref<1x40xi32, #tpu.memory_space<vmem>>
      %dma_wait3A_253 = tpu.memref_squeeze %dma_wait3A_252 : memref<1x40xi32, #tpu.memory_space<vmem>> -> memref<40xi32, #tpu.memory_space<vmem>>
      %dma_wait3A_254 = arith.constant 0 : i32
      %dma_wait3A_255 = arith.constant 0 : i32
      %dma_wait3A_256 = tpu.memref_slice %arg3[%dma_wait3A_254, %dma_wait3A_255] : memref<10000x16xf32, #tpu.memory_space<hbm>> -> memref<10000x16xf32, #tpu.memory_space<hbm>>
      tpu.wait_indirect_dma semaphore(%arg24 : memref<!tpu.dma_semaphore, #tpu.memory_space<semaphore_mem>>) src(%dma_wait3A_256 : memref<10000x16xf32, #tpu.memory_space<hbm>>) dst(%arg18 : memref<40x16xf32, #tpu.memory_space<vmem>>)
      %dma_wait3A_257 = arith.constant 0 : i32
      %dma_wait3A_258 = tpu.memref_slice %arg14[%add3A_244, %dma_wait3A_257] : memref<250x40xi32, #tpu.memory_space<vmem>> -> memref<1x40xi32, #tpu.memory_space<vmem>>
      %dma_wait3A_259 = tpu.memref_squeeze %dma_wait3A_258 : memref<1x40xi32, #tpu.memory_space<vmem>> -> memref<40xi32, #tpu.memory_space<vmem>>
      %dma_wait3A_260 = arith.constant 0 : i32
      %dma_wait3A_261 = arith.constant 0 : i32
      %dma_wait3A_262 = tpu.memref_slice %arg4[%dma_wait3A_260, %dma_wait3A_261] : memref<10000x16xf32, #tpu.memory_space<hbm>> -> memref<10000x16xf32, #tpu.memory_space<hbm>>
      tpu.wait_indirect_dma semaphore(%arg24 : memref<!tpu.dma_semaphore, #tpu.memory_space<semaphore_mem>>) src(%dma_wait3A_262 : memref<10000x16xf32, #tpu.memory_space<hbm>>) dst(%arg20 : memref<40x16xf32, #tpu.memory_space<vmem>>)
      %ge3A_263 = arith.constant 1 : i32
      %ge3A_264 = arith.cmpi sge, %add3A_244, %ge3A_263 : i32
      %convert_element_type3A_265 = arith.extui %ge3A_264 : i1 to i32
      %cond3A_266 = arith.constant 0 : i32
      %cond3A_267 = arith.cmpi ne, %convert_element_type3A_265, %cond3A_266 : i32
      scf.if %cond3A_267 {
        %sub3A = arith.constant 1 : i32
        %sub3A_305 = arith.subi %add3A_244, %sub3A : i32
        %dma_wait3A_306 = arith.constant 0 : i32
        %dma_wait3A_307 = tpu.memref_slice %arg14[%sub3A_305, %dma_wait3A_306] : memref<250x40xi32, #tpu.memory_space<vmem>> -> memref<1x40xi32, #tpu.memory_space<vmem>>
        %dma_wait3A_308 = tpu.memref_squeeze %dma_wait3A_307 : memref<1x40xi32, #tpu.memory_space<vmem>> -> memref<40xi32, #tpu.memory_space<vmem>>
        %dma_wait3A_309 = arith.constant 0 : i32
        %dma_wait3A_310 = arith.constant 0 : i32
        %dma_wait3A_311 = tpu.memref_slice %arg21[%dma_wait3A_309, %dma_wait3A_310] : memref<10240x128xf32, #tpu.memory_space<vmem_shared>> -> memref<10240x128xf32, #tpu.memory_space<vmem_shared>>
        tpu.wait_indirect_dma semaphore(%arg25 : memref<!tpu.dma_semaphore, #tpu.memory_space<semaphore_mem>>) src(%arg15 : memref<40x128xf32, #tpu.memory_space<vmem>>) dst(%dma_wait3A_311 : memref<10240x128xf32, #tpu.memory_space<vmem_shared>>)
        %dma_wait3A_312 = arith.constant 0 : i32
        %dma_wait3A_313 = tpu.memref_slice %arg14[%sub3A_305, %dma_wait3A_312] : memref<250x40xi32, #tpu.memory_space<vmem>> -> memref<1x40xi32, #tpu.memory_space<vmem>>
        %dma_wait3A_314 = tpu.memref_squeeze %dma_wait3A_313 : memref<1x40xi32, #tpu.memory_space<vmem>> -> memref<40xi32, #tpu.memory_space<vmem>>
        %dma_wait3A_315 = arith.constant 0 : i32
        %dma_wait3A_316 = arith.constant 0 : i32
        %dma_wait3A_317 = tpu.memref_slice %arg22[%dma_wait3A_315, %dma_wait3A_316] : memref<10240x16xf32, #tpu.memory_space<vmem_shared>> -> memref<10240x16xf32, #tpu.memory_space<vmem_shared>>
        tpu.wait_indirect_dma semaphore(%arg25 : memref<!tpu.dma_semaphore, #tpu.memory_space<semaphore_mem>>) src(%arg17 : memref<40x16xf32, #tpu.memory_space<vmem>>) dst(%dma_wait3A_317 : memref<10240x16xf32, #tpu.memory_space<vmem_shared>>)
      } else {
      }
      %add3A_268 = arith.constant 1 : i32
      %add3A_269 = arith.addi %add3A_244, %add3A_268 : i32
      %dma_start3A_270 = arith.constant 0 : i32
      %dma_start3A_271 = tpu.memref_slice %arg13[%add3A_269, %dma_start3A_270] : memref<250x40xi32, #tpu.memory_space<vmem>> -> memref<1x40xi32, #tpu.memory_space<vmem>>
      %dma_start3A_272 = tpu.memref_squeeze %dma_start3A_271 : memref<1x40xi32, #tpu.memory_space<vmem>> -> memref<40xi32, #tpu.memory_space<vmem>>
      %dma_start3A_273 = arith.constant 0 : i32
      %dma_start3A_274 = arith.constant 0 : i32
      %dma_start3A_275 = tpu.memref_slice %arg2[%dma_start3A_273, %dma_start3A_274] : memref<10000x128xf32, #tpu.memory_space<hbm>> -> memref<10000x128xf32, #tpu.memory_space<hbm>>
      tpu.enqueue_indirect_dma source(%dma_start3A_275 : memref<10000x128xf32, #tpu.memory_space<hbm>>) target(%arg15 : memref<40x128xf32, #tpu.memory_space<vmem>>) offsets(%dma_start3A_272 : memref<40xi32, #tpu.memory_space<vmem>>) semaphore(%arg23 : memref<!tpu.dma_semaphore, #tpu.memory_space<semaphore_mem>>)
      %dma_start3A_276 = arith.constant 0 : i32
      %dma_start3A_277 = tpu.memref_slice %arg13[%add3A_269, %dma_start3A_276] : memref<250x40xi32, #tpu.memory_space<vmem>> -> memref<1x40xi32, #tpu.memory_space<vmem>>
      %dma_start3A_278 = tpu.memref_squeeze %dma_start3A_277 : memref<1x40xi32, #tpu.memory_space<vmem>> -> memref<40xi32, #tpu.memory_space<vmem>>
      %dma_start3A_279 = arith.constant 0 : i32
      %dma_start3A_280 = arith.constant 0 : i32
      %dma_start3A_281 = tpu.memref_slice %arg3[%dma_start3A_279, %dma_start3A_280] : memref<10000x16xf32, #tpu.memory_space<hbm>> -> memref<10000x16xf32, #tpu.memory_space<hbm>>
      tpu.enqueue_indirect_dma source(%dma_start3A_281 : memref<10000x16xf32, #tpu.memory_space<hbm>>) target(%arg17 : memref<40x16xf32, #tpu.memory_space<vmem>>) offsets(%dma_start3A_278 : memref<40xi32, #tpu.memory_space<vmem>>) semaphore(%arg23 : memref<!tpu.dma_semaphore, #tpu.memory_space<semaphore_mem>>)
      %dma_start3A_282 = arith.constant 0 : i32
      %dma_start3A_283 = tpu.memref_slice %arg14[%add3A_269, %dma_start3A_282] : memref<250x40xi32, #tpu.memory_space<vmem>> -> memref<1x40xi32, #tpu.memory_space<vmem>>
      %dma_start3A_284 = tpu.memref_squeeze %dma_start3A_283 : memref<1x40xi32, #tpu.memory_space<vmem>> -> memref<40xi32, #tpu.memory_space<vmem>>
      %dma_start3A_285 = arith.constant 0 : i32
      %dma_start3A_286 = arith.constant 0 : i32
      %dma_start3A_287 = tpu.memref_slice %arg4[%dma_start3A_285, %dma_start3A_286] : memref<10000x16xf32, #tpu.memory_space<hbm>> -> memref<10000x16xf32, #tpu.memory_space<hbm>>
      tpu.enqueue_indirect_dma source(%dma_start3A_287 : memref<10000x16xf32, #tpu.memory_space<hbm>>) target(%arg19 : memref<40x16xf32, #tpu.memory_space<vmem>>) offsets(%dma_start3A_284 : memref<40xi32, #tpu.memory_space<vmem>>) semaphore(%arg23 : memref<!tpu.dma_semaphore, #tpu.memory_space<semaphore_mem>>)
      %scan3A_288 = arith.constant 0 : i32
      %scan3A_289 = arith.constant 40 : i32
      %scan3A_290 = arith.addi %scan3A_288, %scan3A_289 : i32
      %scan3A_291 = arith.constant 1 : i32
      scf.for %scan3A_305 = %scan3A_288 to %scan3A_290 step %scan3A_291  : i32 {
        %mul3A_306 = arith.constant 1 : i32
        %mul3A_307 = arith.muli %scan3A_305, %mul3A_306 : i32
        %add3A_308 = arith.constant 0 : i32
        %add3A_309 = arith.addi %add3A_308, %mul3A_307 : i32
        %get3A = arith.index_cast %add3A_309 : i32 to index
        %get3A_310 = arith.constant 0 : index
        %get3A_311 = tpu.vector_load %arg18[%get3A, %get3A_310] {strides = array<i32>} : memref<40x16xf32, #tpu.memory_space<vmem>>, vector<1x16xf32>,
        %get3A_312 = vector.shape_cast %get3A_311 : vector<1x16xf32> to vector<16xf32>
        %get3A_313 = arith.index_cast %add3A_309 : i32 to index
        %get3A_314 = arith.constant 0 : index
        %get3A_315 = tpu.vector_load %arg20[%get3A_313, %get3A_314] {strides = array<i32>} : memref<40x16xf32, #tpu.memory_space<vmem>>, vector<1x16xf32>,
        %get3A_316 = vector.shape_cast %get3A_315 : vector<1x16xf32> to vector<16xf32>
        %add3A_317 = arith.addf %get3A_312, %get3A_316 : vector<16xf32>
        %ge3A_318 = arith.constant 0.000000e+00 : f32
        %ge3A_319 = vector.broadcast %ge3A_318 : f32 to vector<16xf32>
        %ge3A_320 = arith.cmpf oge, %add3A_317, %ge3A_319 : vector<16xf32>
        %mul3A_321 = arith.constant 2.000000e-01 : f32
        %mul3A_322 = vector.broadcast %mul3A_321 : f32 to vector<16xf32>
        %mul3A_323 = arith.mulf %mul3A_322, %add3A_317 : vector<16xf32>
        %select_n3A = arith.select %ge3A_320, %add3A_317, %mul3A_323 : vector<16xi1>, vector<16xf32>
        %exp3A = math.exp %select_n3A : vector<16xf32>
        %swap3A = arith.index_cast %add3A_309 : i32 to index
        %swap3A_324 = arith.constant 0 : index
        %swap3A_325 = tpu.vector_load %arg18[%swap3A, %swap3A_324] {strides = array<i32>} : memref<40x16xf32, #tpu.memory_space<vmem>>, vector<1x16xf32>,
        %swap3A_326 = vector.shape_cast %swap3A_325 : vector<1x16xf32> to vector<16xf32>
        %swap3A_327 = vector.shape_cast %exp3A : vector<16xf32> to vector<1x16xf32>
        tpu.vector_store %arg18[%swap3A, %swap3A_324], %swap3A_327 {strides = array<i32>} : memref<40x16xf32, #tpu.memory_space<vmem>>, vector<1x16xf32>,
        %broadcast_in_dim3A = arith.constant 0 : i32
        %broadcast_in_dim3A_328 = vector.broadcast %broadcast_in_dim3A : i32 to vector<16x1xi32>
        %gather3A = vector.shape_cast %broadcast_in_dim3A_328 : vector<16x1xi32> to vector<16xi32>
        %gather3A_329 = tpu.dynamic_gather %exp3A[%gather3A] in [0] : vector<16xf32>, vector<16xi32> -> vector<16xf32>
        %get3A_330 = arith.index_cast %add3A_309 : i32 to index
        %get3A_331 = arith.constant 0 : index
        %get3A_332 = tpu.vector_load %arg16[%get3A_330, %get3A_331] {strides = array<i32>} : memref<40x128xf32, #tpu.memory_space<vmem>>, vector<1x16xf32>,
        %get3A_333 = vector.shape_cast %get3A_332 : vector<1x16xf32> to vector<16xf32>
        %mul3A_334 = arith.mulf %get3A_333, %gather3A_329 : vector<16xf32>
        %swap3A_335 = arith.index_cast %add3A_309 : i32 to index
        %swap3A_336 = arith.constant 0 : index
        %swap3A_337 = tpu.vector_load %arg16[%swap3A_335, %swap3A_336] {strides = array<i32>} : memref<40x128xf32, #tpu.memory_space<vmem>>, vector<1x16xf32>,
        %swap3A_338 = vector.shape_cast %swap3A_337 : vector<1x16xf32> to vector<16xf32>
        %swap3A_339 = vector.shape_cast %mul3A_334 : vector<16xf32> to vector<1x16xf32>
        tpu.vector_store %arg16[%swap3A_335, %swap3A_336], %swap3A_339 {strides = array<i32>} : memref<40x128xf32, #tpu.memory_space<vmem>>, vector<1x16xf32>,
        %broadcast_in_dim3A_340 = arith.constant 1 : i32
        %broadcast_in_dim3A_341 = vector.broadcast %broadcast_in_dim3A_340 : i32 to vector<16x1xi32>
        %gather3A_342 = vector.shape_cast %broadcast_in_dim3A_341 : vector<16x1xi32> to vector<16xi32>
        %gather3A_343 = tpu.dynamic_gather %exp3A[%gather3A_342] in [0] : vector<16xf32>, vector<16xi32> -> vector<16xf32>
        %get3A_344 = arith.index_cast %add3A_309 : i32 to index
        %get3A_345 = arith.constant 16 : index
        %get3A_346 = tpu.vector_load %arg16[%get3A_344, %get3A_345] {strides = array<i32>} : memref<40x128xf32, #tpu.memory_space<vmem>>, vector<1x16xf32>,
        %get3A_347 = vector.shape_cast %get3A_346 : vector<1x16xf32> to vector<16xf32>
        %mul3A_348 = arith.mulf %get3A_347, %gather3A_343 : vector<16xf32>
        %swap3A_349 = arith.index_cast %add3A_309 : i32 to index
        %swap3A_350 = arith.constant 16 : index
        %swap3A_351 = tpu.vector_load %arg16[%swap3A_349, %swap3A_350] {strides = array<i32>} : memref<40x128xf32, #tpu.memory_space<vmem>>, vector<1x16xf32>,
        %swap3A_352 = vector.shape_cast %swap3A_351 : vector<1x16xf32> to vector<16xf32>
        %swap3A_353 = vector.shape_cast %mul3A_348 : vector<16xf32> to vector<1x16xf32>
        tpu.vector_store %arg16[%swap3A_349, %swap3A_350], %swap3A_353 {strides = array<i32>} : memref<40x128xf32, #tpu.memory_space<vmem>>, vector<1x16xf32>,
        %broadcast_in_dim3A_354 = arith.constant 2 : i32
        %broadcast_in_dim3A_355 = vector.broadcast %broadcast_in_dim3A_354 : i32 to vector<16x1xi32>
        %gather3A_356 = vector.shape_cast %broadcast_in_dim3A_355 : vector<16x1xi32> to vector<16xi32>
        %gather3A_357 = tpu.dynamic_gather %exp3A[%gather3A_356] in [0] : vector<16xf32>, vector<16xi32> -> vector<16xf32>
        %get3A_358 = arith.index_cast %add3A_309 : i32 to index
        %get3A_359 = arith.constant 32 : index
        %get3A_360 = tpu.vector_load %arg16[%get3A_358, %get3A_359] {strides = array<i32>} : memref<40x128xf32, #tpu.memory_space<vmem>>, vector<1x16xf32>,
        %get3A_361 = vector.shape_cast %get3A_360 : vector<1x16xf32> to vector<16xf32>
        %mul3A_362 = arith.mulf %get3A_361, %gather3A_357 : vector<16xf32>
        %swap3A_363 = arith.index_cast %add3A_309 : i32 to index
        %swap3A_364 = arith.constant 32 : index
        %swap3A_365 = tpu.vector_load %arg16[%swap3A_363, %swap3A_364] {strides = array<i32>} : memref<40x128xf32, #tpu.memory_space<vmem>>, vector<1x16xf32>,
        %swap3A_366 = vector.shape_cast %swap3A_365 : vector<1x16xf32> to vector<16xf32>
        %swap3A_367 = vector.shape_cast %mul3A_362 : vector<16xf32> to vector<1x16xf32>
        tpu.vector_store %arg16[%swap3A_363, %swap3A_364], %swap3A_367 {strides = array<i32>} : memref<40x128xf32, #tpu.memory_space<vmem>>, vector<1x16xf32>,
        %broadcast_in_dim3A_368 = arith.constant 3 : i32
        %broadcast_in_dim3A_369 = vector.broadcast %broadcast_in_dim3A_368 : i32 to vector<16x1xi32>
        %gather3A_370 = vector.shape_cast %broadcast_in_dim3A_369 : vector<16x1xi32> to vector<16xi32>
        %gather3A_371 = tpu.dynamic_gather %exp3A[%gather3A_370] in [0] : vector<16xf32>, vector<16xi32> -> vector<16xf32>
        %get3A_372 = arith.index_cast %add3A_309 : i32 to index
        %get3A_373 = arith.constant 48 : index
        %get3A_374 = tpu.vector_load %arg16[%get3A_372, %get3A_373] {strides = array<i32>} : memref<40x128xf32, #tpu.memory_space<vmem>>, vector<1x16xf32>,
        %get3A_375 = vector.shape_cast %get3A_374 : vector<1x16xf32> to vector<16xf32>
        %mul3A_376 = arith.mulf %get3A_375, %gather3A_371 : vector<16xf32>
        %swap3A_377 = arith.index_cast %add3A_309 : i32 to index
        %swap3A_378 = arith.constant 48 : index
        %swap3A_379 = tpu.vector_load %arg16[%swap3A_377, %swap3A_378] {strides = array<i32>} : memref<40x128xf32, #tpu.memory_space<vmem>>, vector<1x16xf32>,
        %swap3A_380 = vector.shape_cast %swap3A_379 : vector<1x16xf32> to vector<16xf32>
        %swap3A_381 = vector.shape_cast %mul3A_376 : vector<16xf32> to vector<1x16xf32>
        tpu.vector_store %arg16[%swap3A_377, %swap3A_378], %swap3A_381 {strides = array<i32>} : memref<40x128xf32, #tpu.memory_space<vmem>>, vector<1x16xf32>,
        %broadcast_in_dim3A_382 = arith.constant 4 : i32
        %broadcast_in_dim3A_383 = vector.broadcast %broadcast_in_dim3A_382 : i32 to vector<16x1xi32>
        %gather3A_384 = vector.shape_cast %broadcast_in_dim3A_383 : vector<16x1xi32> to vector<16xi32>
        %gather3A_385 = tpu.dynamic_gather %exp3A[%gather3A_384] in [0] : vector<16xf32>, vector<16xi32> -> vector<16xf32>
        %get3A_386 = arith.index_cast %add3A_309 : i32 to index
        %get3A_387 = arith.constant 64 : index
        %get3A_388 = tpu.vector_load %arg16[%get3A_386, %get3A_387] {strides = array<i32>} : memref<40x128xf32, #tpu.memory_space<vmem>>, vector<1x16xf32>,
        %get3A_389 = vector.shape_cast %get3A_388 : vector<1x16xf32> to vector<16xf32>
        %mul3A_390 = arith.mulf %get3A_389, %gather3A_385 : vector<16xf32>
        %swap3A_391 = arith.index_cast %add3A_309 : i32 to index
        %swap3A_392 = arith.constant 64 : index
        %swap3A_393 = tpu.vector_load %arg16[%swap3A_391, %swap3A_392] {strides = array<i32>} : memref<40x128xf32, #tpu.memory_space<vmem>>, vector<1x16xf32>,
        %swap3A_394 = vector.shape_cast %swap3A_393 : vector<1x16xf32> to vector<16xf32>
        %swap3A_395 = vector.shape_cast %mul3A_390 : vector<16xf32> to vector<1x16xf32>
        tpu.vector_store %arg16[%swap3A_391, %swap3A_392], %swap3A_395 {strides = array<i32>} : memref<40x128xf32, #tpu.memory_space<vmem>>, vector<1x16xf32>,
        %broadcast_in_dim3A_396 = arith.constant 5 : i32
        %broadcast_in_dim3A_397 = vector.broadcast %broadcast_in_dim3A_396 : i32 to vector<16x1xi32>
        %gather3A_398 = vector.shape_cast %broadcast_in_dim3A_397 : vector<16x1xi32> to vector<16xi32>
        %gather3A_399 = tpu.dynamic_gather %exp3A[%gather3A_398] in [0] : vector<16xf32>, vector<16xi32> -> vector<16xf32>
        %get3A_400 = arith.index_cast %add3A_309 : i32 to index
        %get3A_401 = arith.constant 80 : index
        %get3A_402 = tpu.vector_load %arg16[%get3A_400, %get3A_401] {strides = array<i32>} : memref<40x128xf32, #tpu.memory_space<vmem>>, vector<1x16xf32>,
        %get3A_403 = vector.shape_cast %get3A_402 : vector<1x16xf32> to vector<16xf32>
        %mul3A_404 = arith.mulf %get3A_403, %gather3A_399 : vector<16xf32>
        %swap3A_405 = arith.index_cast %add3A_309 : i32 to index
        %swap3A_406 = arith.constant 80 : index
        %swap3A_407 = tpu.vector_load %arg16[%swap3A_405, %swap3A_406] {strides = array<i32>} : memref<40x128xf32, #tpu.memory_space<vmem>>, vector<1x16xf32>,
        %swap3A_408 = vector.shape_cast %swap3A_407 : vector<1x16xf32> to vector<16xf32>
        %swap3A_409 = vector.shape_cast %mul3A_404 : vector<16xf32> to vector<1x16xf32>
        tpu.vector_store %arg16[%swap3A_405, %swap3A_406], %swap3A_409 {strides = array<i32>} : memref<40x128xf32, #tpu.memory_space<vmem>>, vector<1x16xf32>,
        %broadcast_in_dim3A_410 = arith.constant 6 : i32
        %broadcast_in_dim3A_411 = vector.broadcast %broadcast_in_dim3A_410 : i32 to vector<16x1xi32>
        %gather3A_412 = vector.shape_cast %broadcast_in_dim3A_411 : vector<16x1xi32> to vector<16xi32>
        %gather3A_413 = tpu.dynamic_gather %exp3A[%gather3A_412] in [0] : vector<16xf32>, vector<16xi32> -> vector<16xf32>
        %get3A_414 = arith.index_cast %add3A_309 : i32 to index
        %get3A_415 = arith.constant 96 : index
        %get3A_416 = tpu.vector_load %arg16[%get3A_414, %get3A_415] {strides = array<i32>} : memref<40x128xf32, #tpu.memory_space<vmem>>, vector<1x16xf32>,
        %get3A_417 = vector.shape_cast %get3A_416 : vector<1x16xf32> to vector<16xf32>
        %mul3A_418 = arith.mulf %get3A_417, %gather3A_413 : vector<16xf32>
        %swap3A_419 = arith.index_cast %add3A_309 : i32 to index
        %swap3A_420 = arith.constant 96 : index
        %swap3A_421 = tpu.vector_load %arg16[%swap3A_419, %swap3A_420] {strides = array<i32>} : memref<40x128xf32, #tpu.memory_space<vmem>>, vector<1x16xf32>,
        %swap3A_422 = vector.shape_cast %swap3A_421 : vector<1x16xf32> to vector<16xf32>
        %swap3A_423 = vector.shape_cast %mul3A_418 : vector<16xf32> to vector<1x16xf32>
        tpu.vector_store %arg16[%swap3A_419, %swap3A_420], %swap3A_423 {strides = array<i32>} : memref<40x128xf32, #tpu.memory_space<vmem>>, vector<1x16xf32>,
        %broadcast_in_dim3A_424 = arith.constant 7 : i32
        %broadcast_in_dim3A_425 = vector.broadcast %broadcast_in_dim3A_424 : i32 to vector<16x1xi32>
        %gather3A_426 = vector.shape_cast %broadcast_in_dim3A_425 : vector<16x1xi32> to vector<16xi32>
        %gather3A_427 = tpu.dynamic_gather %exp3A[%gather3A_426] in [0] : vector<16xf32>, vector<16xi32> -> vector<16xf32>
        %get3A_428 = arith.index_cast %add3A_309 : i32 to index
        %get3A_429 = arith.constant 112 : index
        %get3A_430 = tpu.vector_load %arg16[%get3A_428, %get3A_429] {strides = array<i32>} : memref<40x128xf32, #tpu.memory_space<vmem>>, vector<1x16xf32>,
        %get3A_431 = vector.shape_cast %get3A_430 : vector<1x16xf32> to vector<16xf32>
        %mul3A_432 = arith.mulf %get3A_431, %gather3A_427 : vector<16xf32>
        %swap3A_433 = arith.index_cast %add3A_309 : i32 to index
        %swap3A_434 = arith.constant 112 : index
        %swap3A_435 = tpu.vector_load %arg16[%swap3A_433, %swap3A_434] {strides = array<i32>} : memref<40x128xf32, #tpu.memory_space<vmem>>, vector<1x16xf32>,
        %swap3A_436 = vector.shape_cast %swap3A_435 : vector<1x16xf32> to vector<16xf32>
        %swap3A_437 = vector.shape_cast %mul3A_432 : vector<16xf32> to vector<1x16xf32>
        tpu.vector_store %arg16[%swap3A_433, %swap3A_434], %swap3A_437 {strides = array<i32>} : memref<40x128xf32, #tpu.memory_space<vmem>>, vector<1x16xf32>,
      }
      %scan3A_292 = arith.constant 40 : i32
      %dma_start3A_293 = arith.constant 0 : i32
      %dma_start3A_294 = tpu.memref_slice %arg14[%add3A_244, %dma_start3A_293] : memref<250x40xi32, #tpu.memory_space<vmem>> -> memref<1x40xi32, #tpu.memory_space<vmem>>
      %dma_start3A_295 = tpu.memref_squeeze %dma_start3A_294 : memref<1x40xi32, #tpu.memory_space<vmem>> -> memref<40xi32, #tpu.memory_space<vmem>>
      %dma_start3A_296 = arith.constant 0 : i32
      %dma_start3A_297 = arith.constant 0 : i32
      %dma_start3A_298 = tpu.memref_slice %arg21[%dma_start3A_296, %dma_start3A_297] : memref<10240x128xf32, #tpu.memory_space<vmem_shared>> -> memref<10240x128xf32, #tpu.memory_space<vmem_shared>>
      tpu.enqueue_indirect_dma source(%arg16 : memref<40x128xf32, #tpu.memory_space<vmem>>) target(%dma_start3A_298 : memref<10240x128xf32, #tpu.memory_space<vmem_shared>>) offsets(%dma_start3A_295 : memref<40xi32, #tpu.memory_space<vmem>>) semaphore(%arg26 : memref<!tpu.dma_semaphore, #tpu.memory_space<semaphore_mem>>) {add = true}
      %dma_start3A_299 = arith.constant 0 : i32
      %dma_start3A_300 = tpu.memref_slice %arg14[%add3A_244, %dma_start3A_299] : memref<250x40xi32, #tpu.memory_space<vmem>> -> memref<1x40xi32, #tpu.memory_space<vmem>>
      %dma_start3A_301 = tpu.memref_squeeze %dma_start3A_300 : memref<1x40xi32, #tpu.memory_space<vmem>> -> memref<40xi32, #tpu.memory_space<vmem>>
      %dma_start3A_302 = arith.constant 0 : i32
      %dma_start3A_303 = arith.constant 0 : i32
      %dma_start3A_304 = tpu.memref_slice %arg22[%dma_start3A_302, %dma_start3A_303] : memref<10240x16xf32, #tpu.memory_space<vmem_shared>> -> memref<10240x16xf32, #tpu.memory_space<vmem_shared>>
      tpu.enqueue_indirect_dma source(%arg18 : memref<40x16xf32, #tpu.memory_space<vmem>>) target(%dma_start3A_304 : memref<10240x16xf32, #tpu.memory_space<vmem_shared>>) offsets(%dma_start3A_301 : memref<40xi32, #tpu.memory_space<vmem>>) semaphore(%arg26 : memref<!tpu.dma_semaphore, #tpu.memory_space<semaphore_mem>>) {add = true}
    }
    %scan3A_26 = arith.constant 124 : i32
    %dma_wait3A = arith.constant 248 : i32
    %dma_wait3A_27 = arith.constant 0 : i32
    %dma_wait3A_28 = tpu.memref_slice %arg13[%dma_wait3A, %dma_wait3A_27] : memref<250x40xi32, #tpu.memory_space<vmem>> -> memref<1x40xi32, #tpu.memory_space<vmem>>
    %dma_wait3A_29 = tpu.memref_squeeze %dma_wait3A_28 : memref<1x40xi32, #tpu.memory_space<vmem>> -> memref<40xi32, #tpu.memory_space<vmem>>
    %dma_wait3A_30 = arith.constant 0 : i32
    %dma_wait3A_31 = arith.constant 0 : i32
    %dma_wait3A_32 = tpu.memref_slice %arg2[%dma_wait3A_30, %dma_wait3A_31] : memref<10000x128xf32, #tpu.memory_space<hbm>> -> memref<10000x128xf32, #tpu.memory_space<hbm>>
    tpu.wait_indirect_dma semaphore(%arg23 : memref<!tpu.dma_semaphore, #tpu.memory_space<semaphore_mem>>) src(%dma_wait3A_32 : memref<10000x128xf32, #tpu.memory_space<hbm>>) dst(%arg15 : memref<40x128xf32, #tpu.memory_space<vmem>>)
    %dma_wait3A_33 = arith.constant 248 : i32
    %dma_wait3A_34 = arith.constant 0 : i32
    %dma_wait3A_35 = tpu.memref_slice %arg13[%dma_wait3A_33, %dma_wait3A_34] : memref<250x40xi32, #tpu.memory_space<vmem>> -> memref<1x40xi32, #tpu.memory_space<vmem>>
    %dma_wait3A_36 = tpu.memref_squeeze %dma_wait3A_35 : memref<1x40xi32, #tpu.memory_space<vmem>> -> memref<40xi32, #tpu.memory_space<vmem>>
    %dma_wait3A_37 = arith.constant 0 : i32
    %dma_wait3A_38 = arith.constant 0 : i32
    %dma_wait3A_39 = tpu.memref_slice %arg3[%dma_wait3A_37, %dma_wait3A_38] : memref<10000x16xf32, #tpu.memory_space<hbm>> -> memref<10000x16xf32, #tpu.memory_space<hbm>>
    tpu.wait_indirect_dma semaphore(%arg23 : memref<!tpu.dma_semaphore, #tpu.memory_space<semaphore_mem>>) src(%dma_wait3A_39 : memref<10000x16xf32, #tpu.memory_space<hbm>>) dst(%arg17 : memref<40x16xf32, #tpu.memory_space<vmem>>)
    %dma_wait3A_40 = arith.constant 248 : i32
    %dma_wait3A_41 = arith.constant 0 : i32
    %dma_wait3A_42 = tpu.memref_slice %arg14[%dma_wait3A_40, %dma_wait3A_41] : memref<250x40xi32, #tpu.memory_space<vmem>> -> memref<1x40xi32, #tpu.memory_space<vmem>>
    %dma_wait3A_43 = tpu.memref_squeeze %dma_wait3A_42 : memref<1x40xi32, #tpu.memory_space<vmem>> -> memref<40xi32, #tpu.memory_space<vmem>>
    %dma_wait3A_44 = arith.constant 0 : i32
    %dma_wait3A_45 = arith.constant 0 : i32
    %dma_wait3A_46 = tpu.memref_slice %arg4[%dma_wait3A_44, %dma_wait3A_45] : memref<10000x16xf32, #tpu.memory_space<hbm>> -> memref<10000x16xf32, #tpu.memory_space<hbm>>
    tpu.wait_indirect_dma semaphore(%arg23 : memref<!tpu.dma_semaphore, #tpu.memory_space<semaphore_mem>>) src(%dma_wait3A_46 : memref<10000x16xf32, #tpu.memory_space<hbm>>) dst(%arg19 : memref<40x16xf32, #tpu.memory_space<vmem>>)
    %dma_wait3A_47 = arith.constant 247 : i32
    %dma_wait3A_48 = arith.constant 0 : i32
    %dma_wait3A_49 = tpu.memref_slice %arg14[%dma_wait3A_47, %dma_wait3A_48] : memref<250x40xi32, #tpu.memory_space<vmem>> -> memref<1x40xi32, #tpu.memory_space<vmem>>
    %dma_wait3A_50 = tpu.memref_squeeze %dma_wait3A_49 : memref<1x40xi32, #tpu.memory_space<vmem>> -> memref<40xi32, #tpu.memory_space<vmem>>
    %dma_wait3A_51 = arith.constant 0 : i32
    %dma_wait3A_52 = arith.constant 0 : i32
    %dma_wait3A_53 = tpu.memref_slice %arg21[%dma_wait3A_51, %dma_wait3A_52] : memref<10240x128xf32, #tpu.memory_space<vmem_shared>> -> memref<10240x128xf32, #tpu.memory_space<vmem_shared>>
    tpu.wait_indirect_dma semaphore(%arg26 : memref<!tpu.dma_semaphore, #tpu.memory_space<semaphore_mem>>) src(%arg16 : memref<40x128xf32, #tpu.memory_space<vmem>>) dst(%dma_wait3A_53 : memref<10240x128xf32, #tpu.memory_space<vmem_shared>>)
    %dma_wait3A_54 = arith.constant 247 : i32
    %dma_wait3A_55 = arith.constant 0 : i32
    %dma_wait3A_56 = tpu.memref_slice %arg14[%dma_wait3A_54, %dma_wait3A_55] : memref<250x40xi32, #tpu.memory_space<vmem>> -> memref<1x40xi32, #tpu.memory_space<vmem>>
    %dma_wait3A_57 = tpu.memref_squeeze %dma_wait3A_56 : memref<1x40xi32, #tpu.memory_space<vmem>> -> memref<40xi32, #tpu.memory_space<vmem>>
    %dma_wait3A_58 = arith.constant 0 : i32
    %dma_wait3A_59 = arith.constant 0 : i32
    %dma_wait3A_60 = tpu.memref_slice %arg22[%dma_wait3A_58, %dma_wait3A_59] : memref<10240x16xf32, #tpu.memory_space<vmem_shared>> -> memref<10240x16xf32, #tpu.memory_space<vmem_shared>>
    tpu.wait_indirect_dma semaphore(%arg26 : memref<!tpu.dma_semaphore, #tpu.memory_space<semaphore_mem>>) src(%arg18 : memref<40x16xf32, #tpu.memory_space<vmem>>) dst(%dma_wait3A_60 : memref<10240x16xf32, #tpu.memory_space<vmem_shared>>)
    %dma_start3A_61 = arith.constant 249 : i32
    %dma_start3A_62 = arith.constant 0 : i32
    %dma_start3A_63 = tpu.memref_slice %arg13[%dma_start3A_61, %dma_start3A_62] : memref<250x40xi32, #tpu.memory_space<vmem>> -> memref<1x40xi32, #tpu.memory_space<vmem>>
    %dma_start3A_64 = tpu.memref_squeeze %dma_start3A_63 : memref<1x40xi32, #tpu.memory_space<vmem>> -> memref<40xi32, #tpu.memory_space<vmem>>
    %dma_start3A_65 = arith.constant 0 : i32
    %dma_start3A_66 = arith.constant 0 : i32
    %dma_start3A_67 = tpu.memref_slice %arg2[%dma_start3A_65, %dma_start3A_66] : memref<10000x128xf32, #tpu.memory_space<hbm>> -> memref<10000x128xf32, #tpu.memory_space<hbm>>
    tpu.enqueue_indirect_dma source(%dma_start3A_67 : memref<10000x128xf32, #tpu.memory_space<hbm>>) target(%arg16 : memref<40x128xf32, #tpu.memory_space<vmem>>) offsets(%dma_start3A_64 : memref<40xi32, #tpu.memory_space<vmem>>) semaphore(%arg24 : memref<!tpu.dma_semaphore, #tpu.memory_space<semaphore_mem>>)
    %dma_start3A_68 = arith.constant 249 : i32
    %dma_start3A_69 = arith.constant 0 : i32
    %dma_start3A_70 = tpu.memref_slice %arg13[%dma_start3A_68, %dma_start3A_69] : memref<250x40xi32, #tpu.memory_space<vmem>> -> memref<1x40xi32, #tpu.memory_space<vmem>>
    %dma_start3A_71 = tpu.memref_squeeze %dma_start3A_70 : memref<1x40xi32, #tpu.memory_space<vmem>> -> memref<40xi32, #tpu.memory_space<vmem>>
    %dma_start3A_72 = arith.constant 0 : i32
    %dma_start3A_73 = arith.constant 0 : i32
    %dma_start3A_74 = tpu.memref_slice %arg3[%dma_start3A_72, %dma_start3A_73] : memref<10000x16xf32, #tpu.memory_space<hbm>> -> memref<10000x16xf32, #tpu.memory_space<hbm>>
    tpu.enqueue_indirect_dma source(%dma_start3A_74 : memref<10000x16xf32, #tpu.memory_space<hbm>>) target(%arg18 : memref<40x16xf32, #tpu.memory_space<vmem>>) offsets(%dma_start3A_71 : memref<40xi32, #tpu.memory_space<vmem>>) semaphore(%arg24 : memref<!tpu.dma_semaphore, #tpu.memory_space<semaphore_mem>>)
    %dma_start3A_75 = arith.constant 249 : i32
    %dma_start3A_76 = arith.constant 0 : i32
    %dma_start3A_77 = tpu.memref_slice %arg14[%dma_start3A_75, %dma_start3A_76] : memref<250x40xi32, #tpu.memory_space<vmem>> -> memref<1x40xi32, #tpu.memory_space<vmem>>
    %dma_start3A_78 = tpu.memref_squeeze %dma_start3A_77 : memref<1x40xi32, #tpu.memory_space<vmem>> -> memref<40xi32, #tpu.memory_space<vmem>>
    %dma_start3A_79 = arith.constant 0 : i32
    %dma_start3A_80 = arith.constant 0 : i32
    %dma_start3A_81 = tpu.memref_slice %arg4[%dma_start3A_79, %dma_start3A_80] : memref<10000x16xf32, #tpu.memory_space<hbm>> -> memref<10000x16xf32, #tpu.memory_space<hbm>>
    tpu.enqueue_indirect_dma source(%dma_start3A_81 : memref<10000x16xf32, #tpu.memory_space<hbm>>) target(%arg20 : memref<40x16xf32, #tpu.memory_space<vmem>>) offsets(%dma_start3A_78 : memref<40xi32, #tpu.memory_space<vmem>>) semaphore(%arg24 : memref<!tpu.dma_semaphore, #tpu.memory_space<semaphore_mem>>)
    %scan3A_82 = arith.constant 0 : i32
    %scan3A_83 = arith.constant 40 : i32
    %scan3A_84 = arith.addi %scan3A_82, %scan3A_83 : i32
    %scan3A_85 = arith.constant 1 : i32
    scf.for %scan3A_177 = %scan3A_82 to %scan3A_84 step %scan3A_85  : i32 {
      %mul3A_178 = arith.constant 1 : i32
      %mul3A_179 = arith.muli %scan3A_177, %mul3A_178 : i32
      %add3A_180 = arith.constant 0 : i32
      %add3A_181 = arith.addi %add3A_180, %mul3A_179 : i32
      %get3A = arith.index_cast %add3A_181 : i32 to index
      %get3A_182 = arith.constant 0 : index
      %get3A_183 = tpu.vector_load %arg17[%get3A, %get3A_182] {strides = array<i32>} : memref<40x16xf32, #tpu.memory_space<vmem>>, vector<1x16xf32>,
      %get3A_184 = vector.shape_cast %get3A_183 : vector<1x16xf32> to vector<16xf32>
      %get3A_185 = arith.index_cast %add3A_181 : i32 to index
      %get3A_186 = arith.constant 0 : index
      %get3A_187 = tpu.vector_load %arg19[%get3A_185, %get3A_186] {strides = array<i32>} : memref<40x16xf32, #tpu.memory_space<vmem>>, vector<1x16xf32>,
      %get3A_188 = vector.shape_cast %get3A_187 : vector<1x16xf32> to vector<16xf32>
      %add3A_189 = arith.addf %get3A_184, %get3A_188 : vector<16xf32>
      %ge3A = arith.constant 0.000000e+00 : f32
      %ge3A_190 = vector.broadcast %ge3A : f32 to vector<16xf32>
      %ge3A_191 = arith.cmpf oge, %add3A_189, %ge3A_190 : vector<16xf32>
      %mul3A_192 = arith.constant 2.000000e-01 : f32
      %mul3A_193 = vector.broadcast %mul3A_192 : f32 to vector<16xf32>
      %mul3A_194 = arith.mulf %mul3A_193, %add3A_189 : vector<16xf32>
      %select_n3A = arith.select %ge3A_191, %add3A_189, %mul3A_194 : vector<16xi1>, vector<16xf32>
      %exp3A = math.exp %select_n3A : vector<16xf32>
      %swap3A = arith.index_cast %add3A_181 : i32 to index
      %swap3A_195 = arith.constant 0 : index
      %swap3A_196 = tpu.vector_load %arg17[%swap3A, %swap3A_195] {strides = array<i32>} : memref<40x16xf32, #tpu.memory_space<vmem>>, vector<1x16xf32>,
      %swap3A_197 = vector.shape_cast %swap3A_196 : vector<1x16xf32> to vector<16xf32>
      %swap3A_198 = vector.shape_cast %exp3A : vector<16xf32> to vector<1x16xf32>
      tpu.vector_store %arg17[%swap3A, %swap3A_195], %swap3A_198 {strides = array<i32>} : memref<40x16xf32, #tpu.memory_space<vmem>>, vector<1x16xf32>,
      %broadcast_in_dim3A = arith.constant 0 : i32
      %broadcast_in_dim3A_199 = vector.broadcast %broadcast_in_dim3A : i32 to vector<16x1xi32>
      %gather3A = vector.shape_cast %broadcast_in_dim3A_199 : vector<16x1xi32> to vector<16xi32>
      %gather3A_200 = tpu.dynamic_gather %exp3A[%gather3A] in [0] : vector<16xf32>, vector<16xi32> -> vector<16xf32>
      %get3A_201 = arith.index_cast %add3A_181 : i32 to index
      %get3A_202 = arith.constant 0 : index
      %get3A_203 = tpu.vector_load %arg15[%get3A_201, %get3A_202] {strides = array<i32>} : memref<40x128xf32, #tpu.memory_space<vmem>>, vector<1x16xf32>,
      %get3A_204 = vector.shape_cast %get3A_203 : vector<1x16xf32> to vector<16xf32>
      %mul3A_205 = arith.mulf %get3A_204, %gather3A_200 : vector<16xf32>
      %swap3A_206 = arith.index_cast %add3A_181 : i32 to index
      %swap3A_207 = arith.constant 0 : index
      %swap3A_208 = tpu.vector_load %arg15[%swap3A_206, %swap3A_207] {strides = array<i32>} : memref<40x128xf32, #tpu.memory_space<vmem>>, vector<1x16xf32>,
      %swap3A_209 = vector.shape_cast %swap3A_208 : vector<1x16xf32> to vector<16xf32>
      %swap3A_210 = vector.shape_cast %mul3A_205 : vector<16xf32> to vector<1x16xf32>
      tpu.vector_store %arg15[%swap3A_206, %swap3A_207], %swap3A_210 {strides = array<i32>} : memref<40x128xf32, #tpu.memory_space<vmem>>, vector<1x16xf32>,
      %broadcast_in_dim3A_211 = arith.constant 1 : i32
      %broadcast_in_dim3A_212 = vector.broadcast %broadcast_in_dim3A_211 : i32 to vector<16x1xi32>
      %gather3A_213 = vector.shape_cast %broadcast_in_dim3A_212 : vector<16x1xi32> to vector<16xi32>
      %gather3A_214 = tpu.dynamic_gather %exp3A[%gather3A_213] in [0] : vector<16xf32>, vector<16xi32> -> vector<16xf32>
      %get3A_215 = arith.index_cast %add3A_181 : i32 to index
      %get3A_216 = arith.constant 16 : index
      %get3A_217 = tpu.vector_load %arg15[%get3A_215, %get3A_216] {strides = array<i32>} : memref<40x128xf32, #tpu.memory_space<vmem>>, vector<1x16xf32>,
      %get3A_218 = vector.shape_cast %get3A_217 : vector<1x16xf32> to vector<16xf32>
      %mul3A_219 = arith.mulf %get3A_218, %gather3A_214 : vector<16xf32>
      %swap3A_220 = arith.index_cast %add3A_181 : i32 to index
      %swap3A_221 = arith.constant 16 : index
      %swap3A_222 = tpu.vector_load %arg15[%swap3A_220, %swap3A_221] {strides = array<i32>} : memref<40x128xf32, #tpu.memory_space<vmem>>, vector<1x16xf32>,
      %swap3A_223 = vector.shape_cast %swap3A_222 : vector<1x16xf32> to vector<16xf32>
      %swap3A_224 = vector.shape_cast %mul3A_219 : vector<16xf32> to vector<1x16xf32>
      tpu.vector_store %arg15[%swap3A_220, %swap3A_221], %swap3A_224 {strides = array<i32>} : memref<40x128xf32, #tpu.memory_space<vmem>>, vector<1x16xf32>,
      %broadcast_in_dim3A_225 = arith.constant 2 : i32
      %broadcast_in_dim3A_226 = vector.broadcast %broadcast_in_dim3A_225 : i32 to vector<16x1xi32>
      %gather3A_227 = vector.shape_cast %broadcast_in_dim3A_226 : vector<16x1xi32> to vector<16xi32>
      %gather3A_228 = tpu.dynamic_gather %exp3A[%gather3A_227] in [0] : vector<16xf32>, vector<16xi32> -> vector<16xf32>
      %get3A_229 = arith.index_cast %add3A_181 : i32 to index
      %get3A_230 = arith.constant 32 : index
      %get3A_231 = tpu.vector_load %arg15[%get3A_229, %get3A_230] {strides = array<i32>} : memref<40x128xf32, #tpu.memory_space<vmem>>, vector<1x16xf32>,
      %get3A_232 = vector.shape_cast %get3A_231 : vector<1x16xf32> to vector<16xf32>
      %mul3A_233 = arith.mulf %get3A_232, %gather3A_228 : vector<16xf32>
      %swap3A_234 = arith.index_cast %add3A_181 : i32 to index
      %swap3A_235 = arith.constant 32 : index
      %swap3A_236 = tpu.vector_load %arg15[%swap3A_234, %swap3A_235] {strides = array<i32>} : memref<40x128xf32, #tpu.memory_space<vmem>>, vector<1x16xf32>,
      %swap3A_237 = vector.shape_cast %swap3A_236 : vector<1x16xf32> to vector<16xf32>
      %swap3A_238 = vector.shape_cast %mul3A_233 : vector<16xf32> to vector<1x16xf32>
      tpu.vector_store %arg15[%swap3A_234, %swap3A_235], %swap3A_238 {strides = array<i32>} : memref<40x128xf32, #tpu.memory_space<vmem>>, vector<1x16xf32>,
      %broadcast_in_dim3A_239 = arith.constant 3 : i32
      %broadcast_in_dim3A_240 = vector.broadcast %broadcast_in_dim3A_239 : i32 to vector<16x1xi32>
      %gather3A_241 = vector.shape_cast %broadcast_in_dim3A_240 : vector<16x1xi32> to vector<16xi32>
      %gather3A_242 = tpu.dynamic_gather %exp3A[%gather3A_241] in [0] : vector<16xf32>, vector<16xi32> -> vector<16xf32>
      %get3A_243 = arith.index_cast %add3A_181 : i32 to index
      %get3A_244 = arith.constant 48 : index
      %get3A_245 = tpu.vector_load %arg15[%get3A_243, %get3A_244] {strides = array<i32>} : memref<40x128xf32, #tpu.memory_space<vmem>>, vector<1x16xf32>,
      %get3A_246 = vector.shape_cast %get3A_245 : vector<1x16xf32> to vector<16xf32>
      %mul3A_247 = arith.mulf %get3A_246, %gather3A_242 : vector<16xf32>
      %swap3A_248 = arith.index_cast %add3A_181 : i32 to index
      %swap3A_249 = arith.constant 48 : index
      %swap3A_250 = tpu.vector_load %arg15[%swap3A_248, %swap3A_249] {strides = array<i32>} : memref<40x128xf32, #tpu.memory_space<vmem>>, vector<1x16xf32>,
      %swap3A_251 = vector.shape_cast %swap3A_250 : vector<1x16xf32> to vector<16xf32>
      %swap3A_252 = vector.shape_cast %mul3A_247 : vector<16xf32> to vector<1x16xf32>
      tpu.vector_store %arg15[%swap3A_248, %swap3A_249], %swap3A_252 {strides = array<i32>} : memref<40x128xf32, #tpu.memory_space<vmem>>, vector<1x16xf32>,
      %broadcast_in_dim3A_253 = arith.constant 4 : i32
      %broadcast_in_dim3A_254 = vector.broadcast %broadcast_in_dim3A_253 : i32 to vector<16x1xi32>
      %gather3A_255 = vector.shape_cast %broadcast_in_dim3A_254 : vector<16x1xi32> to vector<16xi32>
      %gather3A_256 = tpu.dynamic_gather %exp3A[%gather3A_255] in [0] : vector<16xf32>, vector<16xi32> -> vector<16xf32>
      %get3A_257 = arith.index_cast %add3A_181 : i32 to index
      %get3A_258 = arith.constant 64 : index
      %get3A_259 = tpu.vector_load %arg15[%get3A_257, %get3A_258] {strides = array<i32>} : memref<40x128xf32, #tpu.memory_space<vmem>>, vector<1x16xf32>,
      %get3A_260 = vector.shape_cast %get3A_259 : vector<1x16xf32> to vector<16xf32>
      %mul3A_261 = arith.mulf %get3A_260, %gather3A_256 : vector<16xf32>
      %swap3A_262 = arith.index_cast %add3A_181 : i32 to index
      %swap3A_263 = arith.constant 64 : index
      %swap3A_264 = tpu.vector_load %arg15[%swap3A_262, %swap3A_263] {strides = array<i32>} : memref<40x128xf32, #tpu.memory_space<vmem>>, vector<1x16xf32>,
      %swap3A_265 = vector.shape_cast %swap3A_264 : vector<1x16xf32> to vector<16xf32>
      %swap3A_266 = vector.shape_cast %mul3A_261 : vector<16xf32> to vector<1x16xf32>
      tpu.vector_store %arg15[%swap3A_262, %swap3A_263], %swap3A_266 {strides = array<i32>} : memref<40x128xf32, #tpu.memory_space<vmem>>, vector<1x16xf32>,
      %broadcast_in_dim3A_267 = arith.constant 5 : i32
      %broadcast_in_dim3A_268 = vector.broadcast %broadcast_in_dim3A_267 : i32 to vector<16x1xi32>
      %gather3A_269 = vector.shape_cast %broadcast_in_dim3A_268 : vector<16x1xi32> to vector<16xi32>
      %gather3A_270 = tpu.dynamic_gather %exp3A[%gather3A_269] in [0] : vector<16xf32>, vector<16xi32> -> vector<16xf32>
      %get3A_271 = arith.index_cast %add3A_181 : i32 to index
      %get3A_272 = arith.constant 80 : index
      %get3A_273 = tpu.vector_load %arg15[%get3A_271, %get3A_272] {strides = array<i32>} : memref<40x128xf32, #tpu.memory_space<vmem>>, vector<1x16xf32>,
      %get3A_274 = vector.shape_cast %get3A_273 : vector<1x16xf32> to vector<16xf32>
      %mul3A_275 = arith.mulf %get3A_274, %gather3A_270 : vector<16xf32>
      %swap3A_276 = arith.index_cast %add3A_181 : i32 to index
      %swap3A_277 = arith.constant 80 : index
      %swap3A_278 = tpu.vector_load %arg15[%swap3A_276, %swap3A_277] {strides = array<i32>} : memref<40x128xf32, #tpu.memory_space<vmem>>, vector<1x16xf32>,
      %swap3A_279 = vector.shape_cast %swap3A_278 : vector<1x16xf32> to vector<16xf32>
      %swap3A_280 = vector.shape_cast %mul3A_275 : vector<16xf32> to vector<1x16xf32>
      tpu.vector_store %arg15[%swap3A_276, %swap3A_277], %swap3A_280 {strides = array<i32>} : memref<40x128xf32, #tpu.memory_space<vmem>>, vector<1x16xf32>,
      %broadcast_in_dim3A_281 = arith.constant 6 : i32
      %broadcast_in_dim3A_282 = vector.broadcast %broadcast_in_dim3A_281 : i32 to vector<16x1xi32>
      %gather3A_283 = vector.shape_cast %broadcast_in_dim3A_282 : vector<16x1xi32> to vector<16xi32>
      %gather3A_284 = tpu.dynamic_gather %exp3A[%gather3A_283] in [0] : vector<16xf32>, vector<16xi32> -> vector<16xf32>
      %get3A_285 = arith.index_cast %add3A_181 : i32 to index
      %get3A_286 = arith.constant 96 : index
      %get3A_287 = tpu.vector_load %arg15[%get3A_285, %get3A_286] {strides = array<i32>} : memref<40x128xf32, #tpu.memory_space<vmem>>, vector<1x16xf32>,
      %get3A_288 = vector.shape_cast %get3A_287 : vector<1x16xf32> to vector<16xf32>
      %mul3A_289 = arith.mulf %get3A_288, %gather3A_284 : vector<16xf32>
      %swap3A_290 = arith.index_cast %add3A_181 : i32 to index
      %swap3A_291 = arith.constant 96 : index
      %swap3A_292 = tpu.vector_load %arg15[%swap3A_290, %swap3A_291] {strides = array<i32>} : memref<40x128xf32, #tpu.memory_space<vmem>>, vector<1x16xf32>,
      %swap3A_293 = vector.shape_cast %swap3A_292 : vector<1x16xf32> to vector<16xf32>
      %swap3A_294 = vector.shape_cast %mul3A_289 : vector<16xf32> to vector<1x16xf32>
      tpu.vector_store %arg15[%swap3A_290, %swap3A_291], %swap3A_294 {strides = array<i32>} : memref<40x128xf32, #tpu.memory_space<vmem>>, vector<1x16xf32>,
      %broadcast_in_dim3A_295 = arith.constant 7 : i32
      %broadcast_in_dim3A_296 = vector.broadcast %broadcast_in_dim3A_295 : i32 to vector<16x1xi32>
      %gather3A_297 = vector.shape_cast %broadcast_in_dim3A_296 : vector<16x1xi32> to vector<16xi32>
      %gather3A_298 = tpu.dynamic_gather %exp3A[%gather3A_297] in [0] : vector<16xf32>, vector<16xi32> -> vector<16xf32>
      %get3A_299 = arith.index_cast %add3A_181 : i32 to index
      %get3A_300 = arith.constant 112 : index
      %get3A_301 = tpu.vector_load %arg15[%get3A_299, %get3A_300] {strides = array<i32>} : memref<40x128xf32, #tpu.memory_space<vmem>>, vector<1x16xf32>,
      %get3A_302 = vector.shape_cast %get3A_301 : vector<1x16xf32> to vector<16xf32>
      %mul3A_303 = arith.mulf %get3A_302, %gather3A_298 : vector<16xf32>
      %swap3A_304 = arith.index_cast %add3A_181 : i32 to index
      %swap3A_305 = arith.constant 112 : index
      %swap3A_306 = tpu.vector_load %arg15[%swap3A_304, %swap3A_305] {strides = array<i32>} : memref<40x128xf32, #tpu.memory_space<vmem>>, vector<1x16xf32>,
      %swap3A_307 = vector.shape_cast %swap3A_306 : vector<1x16xf32> to vector<16xf32>
      %swap3A_308 = vector.shape_cast %mul3A_303 : vector<16xf32> to vector<1x16xf32>
      tpu.vector_store %arg15[%swap3A_304, %swap3A_305], %swap3A_308 {strides = array<i32>} : memref<40x128xf32, #tpu.memory_space<vmem>>, vector<1x16xf32>,
    }
    %scan3A_86 = arith.constant 40 : i32
    %dma_start3A_87 = arith.constant 248 : i32
    %dma_start3A_88 = arith.constant 0 : i32
    %dma_start3A_89 = tpu.memref_slice %arg14[%dma_start3A_87, %dma_start3A_88] : memref<250x40xi32, #tpu.memory_space<vmem>> -> memref<1x40xi32, #tpu.memory_space<vmem>>
    %dma_start3A_90 = tpu.memref_squeeze %dma_start3A_89 : memref<1x40xi32, #tpu.memory_space<vmem>> -> memref<40xi32, #tpu.memory_space<vmem>>
    %dma_start3A_91 = arith.constant 0 : i32
    %dma_start3A_92 = arith.constant 0 : i32
    %dma_start3A_93 = tpu.memref_slice %arg21[%dma_start3A_91, %dma_start3A_92] : memref<10240x128xf32, #tpu.memory_space<vmem_shared>> -> memref<10240x128xf32, #tpu.memory_space<vmem_shared>>
    tpu.enqueue_indirect_dma source(%arg15 : memref<40x128xf32, #tpu.memory_space<vmem>>) target(%dma_start3A_93 : memref<10240x128xf32, #tpu.memory_space<vmem_shared>>) offsets(%dma_start3A_90 : memref<40xi32, #tpu.memory_space<vmem>>) semaphore(%arg25 : memref<!tpu.dma_semaphore, #tpu.memory_space<semaphore_mem>>) {add = true}
    %dma_start3A_94 = arith.constant 248 : i32
    %dma_start3A_95 = arith.constant 0 : i32
    %dma_start3A_96 = tpu.memref_slice %arg14[%dma_start3A_94, %dma_start3A_95] : memref<250x40xi32, #tpu.memory_space<vmem>> -> memref<1x40xi32, #tpu.memory_space<vmem>>
    %dma_start3A_97 = tpu.memref_squeeze %dma_start3A_96 : memref<1x40xi32, #tpu.memory_space<vmem>> -> memref<40xi32, #tpu.memory_space<vmem>>
    %dma_start3A_98 = arith.constant 0 : i32
    %dma_start3A_99 = arith.constant 0 : i32
    %dma_start3A_100 = tpu.memref_slice %arg22[%dma_start3A_98, %dma_start3A_99] : memref<10240x16xf32, #tpu.memory_space<vmem_shared>> -> memref<10240x16xf32, #tpu.memory_space<vmem_shared>>
    tpu.enqueue_indirect_dma source(%arg17 : memref<40x16xf32, #tpu.memory_space<vmem>>) target(%dma_start3A_100 : memref<10240x16xf32, #tpu.memory_space<vmem_shared>>) offsets(%dma_start3A_97 : memref<40xi32, #tpu.memory_space<vmem>>) semaphore(%arg25 : memref<!tpu.dma_semaphore, #tpu.memory_space<semaphore_mem>>) {add = true}
    %dma_wait3A_101 = arith.constant 249 : i32
    %dma_wait3A_102 = arith.constant 0 : i32
    %dma_wait3A_103 = tpu.memref_slice %arg13[%dma_wait3A_101, %dma_wait3A_102] : memref<250x40xi32, #tpu.memory_space<vmem>> -> memref<1x40xi32, #tpu.memory_space<vmem>>
    %dma_wait3A_104 = tpu.memref_squeeze %dma_wait3A_103 : memref<1x40xi32, #tpu.memory_space<vmem>> -> memref<40xi32, #tpu.memory_space<vmem>>
    %dma_wait3A_105 = arith.constant 0 : i32
    %dma_wait3A_106 = arith.constant 0 : i32
    %dma_wait3A_107 = tpu.memref_slice %arg2[%dma_wait3A_105, %dma_wait3A_106] : memref<10000x128xf32, #tpu.memory_space<hbm>> -> memref<10000x128xf32, #tpu.memory_space<hbm>>
    tpu.wait_indirect_dma semaphore(%arg24 : memref<!tpu.dma_semaphore, #tpu.memory_space<semaphore_mem>>) src(%dma_wait3A_107 : memref<10000x128xf32, #tpu.memory_space<hbm>>) dst(%arg16 : memref<40x128xf32, #tpu.memory_space<vmem>>)
    %dma_wait3A_108 = arith.constant 249 : i32
    %dma_wait3A_109 = arith.constant 0 : i32
    %dma_wait3A_110 = tpu.memref_slice %arg13[%dma_wait3A_108, %dma_wait3A_109] : memref<250x40xi32, #tpu.memory_space<vmem>> -> memref<1x40xi32, #tpu.memory_space<vmem>>
    %dma_wait3A_111 = tpu.memref_squeeze %dma_wait3A_110 : memref<1x40xi32, #tpu.memory_space<vmem>> -> memref<40xi32, #tpu.memory_space<vmem>>
    %dma_wait3A_112 = arith.constant 0 : i32
    %dma_wait3A_113 = arith.constant 0 : i32
    %dma_wait3A_114 = tpu.memref_slice %arg3[%dma_wait3A_112, %dma_wait3A_113] : memref<10000x16xf32, #tpu.memory_space<hbm>> -> memref<10000x16xf32, #tpu.memory_space<hbm>>
    tpu.wait_indirect_dma semaphore(%arg24 : memref<!tpu.dma_semaphore, #tpu.memory_space<semaphore_mem>>) src(%dma_wait3A_114 : memref<10000x16xf32, #tpu.memory_space<hbm>>) dst(%arg18 : memref<40x16xf32, #tpu.memory_space<vmem>>)
    %dma_wait3A_115 = arith.constant 249 : i32
    %dma_wait3A_116 = arith.constant 0 : i32
    %dma_wait3A_117 = tpu.memref_slice %arg14[%dma_wait3A_115, %dma_wait3A_116] : memref<250x40xi32, #tpu.memory_space<vmem>> -> memref<1x40xi32, #tpu.memory_space<vmem>>
    %dma_wait3A_118 = tpu.memref_squeeze %dma_wait3A_117 : memref<1x40xi32, #tpu.memory_space<vmem>> -> memref<40xi32, #tpu.memory_space<vmem>>
    %dma_wait3A_119 = arith.constant 0 : i32
    %dma_wait3A_120 = arith.constant 0 : i32
    %dma_wait3A_121 = tpu.memref_slice %arg4[%dma_wait3A_119, %dma_wait3A_120] : memref<10000x16xf32, #tpu.memory_space<hbm>> -> memref<10000x16xf32, #tpu.memory_space<hbm>>
    tpu.wait_indirect_dma semaphore(%arg24 : memref<!tpu.dma_semaphore, #tpu.memory_space<semaphore_mem>>) src(%dma_wait3A_121 : memref<10000x16xf32, #tpu.memory_space<hbm>>) dst(%arg20 : memref<40x16xf32, #tpu.memory_space<vmem>>)
    %dma_wait3A_122 = arith.constant 248 : i32
    %dma_wait3A_123 = arith.constant 0 : i32
    %dma_wait3A_124 = tpu.memref_slice %arg14[%dma_wait3A_122, %dma_wait3A_123] : memref<250x40xi32, #tpu.memory_space<vmem>> -> memref<1x40xi32, #tpu.memory_space<vmem>>
    %dma_wait3A_125 = tpu.memref_squeeze %dma_wait3A_124 : memref<1x40xi32, #tpu.memory_space<vmem>> -> memref<40xi32, #tpu.memory_space<vmem>>
    %dma_wait3A_126 = arith.constant 0 : i32
    %dma_wait3A_127 = arith.constant 0 : i32
    %dma_wait3A_128 = tpu.memref_slice %arg21[%dma_wait3A_126, %dma_wait3A_127] : memref<10240x128xf32, #tpu.memory_space<vmem_shared>> -> memref<10240x128xf32, #tpu.memory_space<vmem_shared>>
    tpu.wait_indirect_dma semaphore(%arg25 : memref<!tpu.dma_semaphore, #tpu.memory_space<semaphore_mem>>) src(%arg15 : memref<40x128xf32, #tpu.memory_space<vmem>>) dst(%dma_wait3A_128 : memref<10240x128xf32, #tpu.memory_space<vmem_shared>>)
    %dma_wait3A_129 = arith.constant 248 : i32
    %dma_wait3A_130 = arith.constant 0 : i32
    %dma_wait3A_131 = tpu.memref_slice %arg14[%dma_wait3A_129, %dma_wait3A_130] : memref<250x40xi32, #tpu.memory_space<vmem>> -> memref<1x40xi32, #tpu.memory_space<vmem>>
    %dma_wait3A_132 = tpu.memref_squeeze %dma_wait3A_131 : memref<1x40xi32, #tpu.memory_space<vmem>> -> memref<40xi32, #tpu.memory_space<vmem>>
    %dma_wait3A_133 = arith.constant 0 : i32
    %dma_wait3A_134 = arith.constant 0 : i32
    %dma_wait3A_135 = tpu.memref_slice %arg22[%dma_wait3A_133, %dma_wait3A_134] : memref<10240x16xf32, #tpu.memory_space<vmem_shared>> -> memref<10240x16xf32, #tpu.memory_space<vmem_shared>>
    tpu.wait_indirect_dma semaphore(%arg25 : memref<!tpu.dma_semaphore, #tpu.memory_space<semaphore_mem>>) src(%arg17 : memref<40x16xf32, #tpu.memory_space<vmem>>) dst(%dma_wait3A_135 : memref<10240x16xf32, #tpu.memory_space<vmem_shared>>)
    %scan3A_136 = arith.constant 0 : i32
    %scan3A_137 = arith.constant 40 : i32
    %scan3A_138 = arith.addi %scan3A_136, %scan3A_137 : i32
    %scan3A_139 = arith.constant 1 : i32
    scf.for %scan3A_177 = %scan3A_136 to %scan3A_138 step %scan3A_139  : i32 {
      %mul3A_178 = arith.constant 1 : i32
      %mul3A_179 = arith.muli %scan3A_177, %mul3A_178 : i32
      %add3A_180 = arith.constant 0 : i32
      %add3A_181 = arith.addi %add3A_180, %mul3A_179 : i32
      %get3A = arith.index_cast %add3A_181 : i32 to index
      %get3A_182 = arith.constant 0 : index
      %get3A_183 = tpu.vector_load %arg18[%get3A, %get3A_182] {strides = array<i32>} : memref<40x16xf32, #tpu.memory_space<vmem>>, vector<1x16xf32>,
      %get3A_184 = vector.shape_cast %get3A_183 : vector<1x16xf32> to vector<16xf32>
      %get3A_185 = arith.index_cast %add3A_181 : i32 to index
      %get3A_186 = arith.constant 0 : index
      %get3A_187 = tpu.vector_load %arg20[%get3A_185, %get3A_186] {strides = array<i32>} : memref<40x16xf32, #tpu.memory_space<vmem>>, vector<1x16xf32>,
      %get3A_188 = vector.shape_cast %get3A_187 : vector<1x16xf32> to vector<16xf32>
      %add3A_189 = arith.addf %get3A_184, %get3A_188 : vector<16xf32>
      %ge3A = arith.constant 0.000000e+00 : f32
      %ge3A_190 = vector.broadcast %ge3A : f32 to vector<16xf32>
      %ge3A_191 = arith.cmpf oge, %add3A_189, %ge3A_190 : vector<16xf32>
      %mul3A_192 = arith.constant 2.000000e-01 : f32
      %mul3A_193 = vector.broadcast %mul3A_192 : f32 to vector<16xf32>
      %mul3A_194 = arith.mulf %mul3A_193, %add3A_189 : vector<16xf32>
      %select_n3A = arith.select %ge3A_191, %add3A_189, %mul3A_194 : vector<16xi1>, vector<16xf32>
      %exp3A = math.exp %select_n3A : vector<16xf32>
      %swap3A = arith.index_cast %add3A_181 : i32 to index
      %swap3A_195 = arith.constant 0 : index
      %swap3A_196 = tpu.vector_load %arg18[%swap3A, %swap3A_195] {strides = array<i32>} : memref<40x16xf32, #tpu.memory_space<vmem>>, vector<1x16xf32>,
      %swap3A_197 = vector.shape_cast %swap3A_196 : vector<1x16xf32> to vector<16xf32>
      %swap3A_198 = vector.shape_cast %exp3A : vector<16xf32> to vector<1x16xf32>
      tpu.vector_store %arg18[%swap3A, %swap3A_195], %swap3A_198 {strides = array<i32>} : memref<40x16xf32, #tpu.memory_space<vmem>>, vector<1x16xf32>,
      %broadcast_in_dim3A = arith.constant 0 : i32
      %broadcast_in_dim3A_199 = vector.broadcast %broadcast_in_dim3A : i32 to vector<16x1xi32>
      %gather3A = vector.shape_cast %broadcast_in_dim3A_199 : vector<16x1xi32> to vector<16xi32>
      %gather3A_200 = tpu.dynamic_gather %exp3A[%gather3A] in [0] : vector<16xf32>, vector<16xi32> -> vector<16xf32>
      %get3A_201 = arith.index_cast %add3A_181 : i32 to index
      %get3A_202 = arith.constant 0 : index
      %get3A_203 = tpu.vector_load %arg16[%get3A_201, %get3A_202] {strides = array<i32>} : memref<40x128xf32, #tpu.memory_space<vmem>>, vector<1x16xf32>,
      %get3A_204 = vector.shape_cast %get3A_203 : vector<1x16xf32> to vector<16xf32>
      %mul3A_205 = arith.mulf %get3A_204, %gather3A_200 : vector<16xf32>
      %swap3A_206 = arith.index_cast %add3A_181 : i32 to index
      %swap3A_207 = arith.constant 0 : index
      %swap3A_208 = tpu.vector_load %arg16[%swap3A_206, %swap3A_207] {strides = array<i32>} : memref<40x128xf32, #tpu.memory_space<vmem>>, vector<1x16xf32>,
      %swap3A_209 = vector.shape_cast %swap3A_208 : vector<1x16xf32> to vector<16xf32>
      %swap3A_210 = vector.shape_cast %mul3A_205 : vector<16xf32> to vector<1x16xf32>
      tpu.vector_store %arg16[%swap3A_206, %swap3A_207], %swap3A_210 {strides = array<i32>} : memref<40x128xf32, #tpu.memory_space<vmem>>, vector<1x16xf32>,
      %broadcast_in_dim3A_211 = arith.constant 1 : i32
      %broadcast_in_dim3A_212 = vector.broadcast %broadcast_in_dim3A_211 : i32 to vector<16x1xi32>
      %gather3A_213 = vector.shape_cast %broadcast_in_dim3A_212 : vector<16x1xi32> to vector<16xi32>
      %gather3A_214 = tpu.dynamic_gather %exp3A[%gather3A_213] in [0] : vector<16xf32>, vector<16xi32> -> vector<16xf32>
      %get3A_215 = arith.index_cast %add3A_181 : i32 to index
      %get3A_216 = arith.constant 16 : index
      %get3A_217 = tpu.vector_load %arg16[%get3A_215, %get3A_216] {strides = array<i32>} : memref<40x128xf32, #tpu.memory_space<vmem>>, vector<1x16xf32>,
      %get3A_218 = vector.shape_cast %get3A_217 : vector<1x16xf32> to vector<16xf32>
      %mul3A_219 = arith.mulf %get3A_218, %gather3A_214 : vector<16xf32>
      %swap3A_220 = arith.index_cast %add3A_181 : i32 to index
      %swap3A_221 = arith.constant 16 : index
      %swap3A_222 = tpu.vector_load %arg16[%swap3A_220, %swap3A_221] {strides = array<i32>} : memref<40x128xf32, #tpu.memory_space<vmem>>, vector<1x16xf32>,
      %swap3A_223 = vector.shape_cast %swap3A_222 : vector<1x16xf32> to vector<16xf32>
      %swap3A_224 = vector.shape_cast %mul3A_219 : vector<16xf32> to vector<1x16xf32>
      tpu.vector_store %arg16[%swap3A_220, %swap3A_221], %swap3A_224 {strides = array<i32>} : memref<40x128xf32, #tpu.memory_space<vmem>>, vector<1x16xf32>,
      %broadcast_in_dim3A_225 = arith.constant 2 : i32
      %broadcast_in_dim3A_226 = vector.broadcast %broadcast_in_dim3A_225 : i32 to vector<16x1xi32>
      %gather3A_227 = vector.shape_cast %broadcast_in_dim3A_226 : vector<16x1xi32> to vector<16xi32>
      %gather3A_228 = tpu.dynamic_gather %exp3A[%gather3A_227] in [0] : vector<16xf32>, vector<16xi32> -> vector<16xf32>
      %get3A_229 = arith.index_cast %add3A_181 : i32 to index
      %get3A_230 = arith.constant 32 : index
      %get3A_231 = tpu.vector_load %arg16[%get3A_229, %get3A_230] {strides = array<i32>} : memref<40x128xf32, #tpu.memory_space<vmem>>, vector<1x16xf32>,
      %get3A_232 = vector.shape_cast %get3A_231 : vector<1x16xf32> to vector<16xf32>
      %mul3A_233 = arith.mulf %get3A_232, %gather3A_228 : vector<16xf32>
      %swap3A_234 = arith.index_cast %add3A_181 : i32 to index
      %swap3A_235 = arith.constant 32 : index
      %swap3A_236 = tpu.vector_load %arg16[%swap3A_234, %swap3A_235] {strides = array<i32>} : memref<40x128xf32, #tpu.memory_space<vmem>>, vector<1x16xf32>,
      %swap3A_237 = vector.shape_cast %swap3A_236 : vector<1x16xf32> to vector<16xf32>
      %swap3A_238 = vector.shape_cast %mul3A_233 : vector<16xf32> to vector<1x16xf32>
      tpu.vector_store %arg16[%swap3A_234, %swap3A_235], %swap3A_238 {strides = array<i32>} : memref<40x128xf32, #tpu.memory_space<vmem>>, vector<1x16xf32>,
      %broadcast_in_dim3A_239 = arith.constant 3 : i32
      %broadcast_in_dim3A_240 = vector.broadcast %broadcast_in_dim3A_239 : i32 to vector<16x1xi32>
      %gather3A_241 = vector.shape_cast %broadcast_in_dim3A_240 : vector<16x1xi32> to vector<16xi32>
      %gather3A_242 = tpu.dynamic_gather %exp3A[%gather3A_241] in [0] : vector<16xf32>, vector<16xi32> -> vector<16xf32>
      %get3A_243 = arith.index_cast %add3A_181 : i32 to index
      %get3A_244 = arith.constant 48 : index
      %get3A_245 = tpu.vector_load %arg16[%get3A_243, %get3A_244] {strides = array<i32>} : memref<40x128xf32, #tpu.memory_space<vmem>>, vector<1x16xf32>,
      %get3A_246 = vector.shape_cast %get3A_245 : vector<1x16xf32> to vector<16xf32>
      %mul3A_247 = arith.mulf %get3A_246, %gather3A_242 : vector<16xf32>
      %swap3A_248 = arith.index_cast %add3A_181 : i32 to index
      %swap3A_249 = arith.constant 48 : index
      %swap3A_250 = tpu.vector_load %arg16[%swap3A_248, %swap3A_249] {strides = array<i32>} : memref<40x128xf32, #tpu.memory_space<vmem>>, vector<1x16xf32>,
      %swap3A_251 = vector.shape_cast %swap3A_250 : vector<1x16xf32> to vector<16xf32>
      %swap3A_252 = vector.shape_cast %mul3A_247 : vector<16xf32> to vector<1x16xf32>
      tpu.vector_store %arg16[%swap3A_248, %swap3A_249], %swap3A_252 {strides = array<i32>} : memref<40x128xf32, #tpu.memory_space<vmem>>, vector<1x16xf32>,
      %broadcast_in_dim3A_253 = arith.constant 4 : i32
      %broadcast_in_dim3A_254 = vector.broadcast %broadcast_in_dim3A_253 : i32 to vector<16x1xi32>
      %gather3A_255 = vector.shape_cast %broadcast_in_dim3A_254 : vector<16x1xi32> to vector<16xi32>
      %gather3A_256 = tpu.dynamic_gather %exp3A[%gather3A_255] in [0] : vector<16xf32>, vector<16xi32> -> vector<16xf32>
      %get3A_257 = arith.index_cast %add3A_181 : i32 to index
      %get3A_258 = arith.constant 64 : index
      %get3A_259 = tpu.vector_load %arg16[%get3A_257, %get3A_258] {strides = array<i32>} : memref<40x128xf32, #tpu.memory_space<vmem>>, vector<1x16xf32>,
      %get3A_260 = vector.shape_cast %get3A_259 : vector<1x16xf32> to vector<16xf32>
      %mul3A_261 = arith.mulf %get3A_260, %gather3A_256 : vector<16xf32>
      %swap3A_262 = arith.index_cast %add3A_181 : i32 to index
      %swap3A_263 = arith.constant 64 : index
      %swap3A_264 = tpu.vector_load %arg16[%swap3A_262, %swap3A_263] {strides = array<i32>} : memref<40x128xf32, #tpu.memory_space<vmem>>, vector<1x16xf32>,
      %swap3A_265 = vector.shape_cast %swap3A_264 : vector<1x16xf32> to vector<16xf32>
      %swap3A_266 = vector.shape_cast %mul3A_261 : vector<16xf32> to vector<1x16xf32>
      tpu.vector_store %arg16[%swap3A_262, %swap3A_263], %swap3A_266 {strides = array<i32>} : memref<40x128xf32, #tpu.memory_space<vmem>>, vector<1x16xf32>,
      %broadcast_in_dim3A_267 = arith.constant 5 : i32
      %broadcast_in_dim3A_268 = vector.broadcast %broadcast_in_dim3A_267 : i32 to vector<16x1xi32>
      %gather3A_269 = vector.shape_cast %broadcast_in_dim3A_268 : vector<16x1xi32> to vector<16xi32>
      %gather3A_270 = tpu.dynamic_gather %exp3A[%gather3A_269] in [0] : vector<16xf32>, vector<16xi32> -> vector<16xf32>
      %get3A_271 = arith.index_cast %add3A_181 : i32 to index
      %get3A_272 = arith.constant 80 : index
      %get3A_273 = tpu.vector_load %arg16[%get3A_271, %get3A_272] {strides = array<i32>} : memref<40x128xf32, #tpu.memory_space<vmem>>, vector<1x16xf32>,
      %get3A_274 = vector.shape_cast %get3A_273 : vector<1x16xf32> to vector<16xf32>
      %mul3A_275 = arith.mulf %get3A_274, %gather3A_270 : vector<16xf32>
      %swap3A_276 = arith.index_cast %add3A_181 : i32 to index
      %swap3A_277 = arith.constant 80 : index
      %swap3A_278 = tpu.vector_load %arg16[%swap3A_276, %swap3A_277] {strides = array<i32>} : memref<40x128xf32, #tpu.memory_space<vmem>>, vector<1x16xf32>,
      %swap3A_279 = vector.shape_cast %swap3A_278 : vector<1x16xf32> to vector<16xf32>
      %swap3A_280 = vector.shape_cast %mul3A_275 : vector<16xf32> to vector<1x16xf32>
      tpu.vector_store %arg16[%swap3A_276, %swap3A_277], %swap3A_280 {strides = array<i32>} : memref<40x128xf32, #tpu.memory_space<vmem>>, vector<1x16xf32>,
      %broadcast_in_dim3A_281 = arith.constant 6 : i32
      %broadcast_in_dim3A_282 = vector.broadcast %broadcast_in_dim3A_281 : i32 to vector<16x1xi32>
      %gather3A_283 = vector.shape_cast %broadcast_in_dim3A_282 : vector<16x1xi32> to vector<16xi32>
      %gather3A_284 = tpu.dynamic_gather %exp3A[%gather3A_283] in [0] : vector<16xf32>, vector<16xi32> -> vector<16xf32>
      %get3A_285 = arith.index_cast %add3A_181 : i32 to index
      %get3A_286 = arith.constant 96 : index
      %get3A_287 = tpu.vector_load %arg16[%get3A_285, %get3A_286] {strides = array<i32>} : memref<40x128xf32, #tpu.memory_space<vmem>>, vector<1x16xf32>,
      %get3A_288 = vector.shape_cast %get3A_287 : vector<1x16xf32> to vector<16xf32>
      %mul3A_289 = arith.mulf %get3A_288, %gather3A_284 : vector<16xf32>
      %swap3A_290 = arith.index_cast %add3A_181 : i32 to index
      %swap3A_291 = arith.constant 96 : index
      %swap3A_292 = tpu.vector_load %arg16[%swap3A_290, %swap3A_291] {strides = array<i32>} : memref<40x128xf32, #tpu.memory_space<vmem>>, vector<1x16xf32>,
      %swap3A_293 = vector.shape_cast %swap3A_292 : vector<1x16xf32> to vector<16xf32>
      %swap3A_294 = vector.shape_cast %mul3A_289 : vector<16xf32> to vector<1x16xf32>
      tpu.vector_store %arg16[%swap3A_290, %swap3A_291], %swap3A_294 {strides = array<i32>} : memref<40x128xf32, #tpu.memory_space<vmem>>, vector<1x16xf32>,
      %broadcast_in_dim3A_295 = arith.constant 7 : i32
      %broadcast_in_dim3A_296 = vector.broadcast %broadcast_in_dim3A_295 : i32 to vector<16x1xi32>
      %gather3A_297 = vector.shape_cast %broadcast_in_dim3A_296 : vector<16x1xi32> to vector<16xi32>
      %gather3A_298 = tpu.dynamic_gather %exp3A[%gather3A_297] in [0] : vector<16xf32>, vector<16xi32> -> vector<16xf32>
      %get3A_299 = arith.index_cast %add3A_181 : i32 to index
      %get3A_300 = arith.constant 112 : index
      %get3A_301 = tpu.vector_load %arg16[%get3A_299, %get3A_300] {strides = array<i32>} : memref<40x128xf32, #tpu.memory_space<vmem>>, vector<1x16xf32>,
      %get3A_302 = vector.shape_cast %get3A_301 : vector<1x16xf32> to vector<16xf32>
      %mul3A_303 = arith.mulf %get3A_302, %gather3A_298 : vector<16xf32>
      %swap3A_304 = arith.index_cast %add3A_181 : i32 to index
      %swap3A_305 = arith.constant 112 : index
      %swap3A_306 = tpu.vector_load %arg16[%swap3A_304, %swap3A_305] {strides = array<i32>} : memref<40x128xf32, #tpu.memory_space<vmem>>, vector<1x16xf32>,
      %swap3A_307 = vector.shape_cast %swap3A_306 : vector<1x16xf32> to vector<16xf32>
      %swap3A_308 = vector.shape_cast %mul3A_303 : vector<16xf32> to vector<1x16xf32>
      tpu.vector_store %arg16[%swap3A_304, %swap3A_305], %swap3A_308 {strides = array<i32>} : memref<40x128xf32, #tpu.memory_space<vmem>>, vector<1x16xf32>,
    }
    %scan3A_140 = arith.constant 40 : i32
    %dma_start3A_141 = arith.constant 249 : i32
    %dma_start3A_142 = arith.constant 0 : i32
    %dma_start3A_143 = tpu.memref_slice %arg14[%dma_start3A_141, %dma_start3A_142] : memref<250x40xi32, #tpu.memory_space<vmem>> -> memref<1x40xi32, #tpu.memory_space<vmem>>
    %dma_start3A_144 = tpu.memref_squeeze %dma_start3A_143 : memref<1x40xi32, #tpu.memory_space<vmem>> -> memref<40xi32, #tpu.memory_space<vmem>>
    %dma_start3A_145 = arith.constant 0 : i32
    %dma_start3A_146 = arith.constant 0 : i32
    %dma_start3A_147 = tpu.memref_slice %arg21[%dma_start3A_145, %dma_start3A_146] : memref<10240x128xf32, #tpu.memory_space<vmem_shared>> -> memref<10240x128xf32, #tpu.memory_space<vmem_shared>>
    tpu.enqueue_indirect_dma source(%arg16 : memref<40x128xf32, #tpu.memory_space<vmem>>) target(%dma_start3A_147 : memref<10240x128xf32, #tpu.memory_space<vmem_shared>>) offsets(%dma_start3A_144 : memref<40xi32, #tpu.memory_space<vmem>>) semaphore(%arg26 : memref<!tpu.dma_semaphore, #tpu.memory_space<semaphore_mem>>) {add = true}
    %dma_start3A_148 = arith.constant 249 : i32
    %dma_start3A_149 = arith.constant 0 : i32
    %dma_start3A_150 = tpu.memref_slice %arg14[%dma_start3A_148, %dma_start3A_149] : memref<250x40xi32, #tpu.memory_space<vmem>> -> memref<1x40xi32, #tpu.memory_space<vmem>>
    %dma_start3A_151 = tpu.memref_squeeze %dma_start3A_150 : memref<1x40xi32, #tpu.memory_space<vmem>> -> memref<40xi32, #tpu.memory_space<vmem>>
    %dma_start3A_152 = arith.constant 0 : i32
    %dma_start3A_153 = arith.constant 0 : i32
    %dma_start3A_154 = tpu.memref_slice %arg22[%dma_start3A_152, %dma_start3A_153] : memref<10240x16xf32, #tpu.memory_space<vmem_shared>> -> memref<10240x16xf32, #tpu.memory_space<vmem_shared>>
    tpu.enqueue_indirect_dma source(%arg18 : memref<40x16xf32, #tpu.memory_space<vmem>>) target(%dma_start3A_154 : memref<10240x16xf32, #tpu.memory_space<vmem_shared>>) offsets(%dma_start3A_151 : memref<40xi32, #tpu.memory_space<vmem>>) semaphore(%arg26 : memref<!tpu.dma_semaphore, #tpu.memory_space<semaphore_mem>>) {add = true}
    %dma_wait3A_155 = arith.constant 249 : i32
    %dma_wait3A_156 = arith.constant 0 : i32
    %dma_wait3A_157 = tpu.memref_slice %arg14[%dma_wait3A_155, %dma_wait3A_156] : memref<250x40xi32, #tpu.memory_space<vmem>> -> memref<1x40xi32, #tpu.memory_space<vmem>>
    %dma_wait3A_158 = tpu.memref_squeeze %dma_wait3A_157 : memref<1x40xi32, #tpu.memory_space<vmem>> -> memref<40xi32, #tpu.memory_space<vmem>>
    %dma_wait3A_159 = arith.constant 0 : i32
    %dma_wait3A_160 = arith.constant 0 : i32
    %dma_wait3A_161 = tpu.memref_slice %arg21[%dma_wait3A_159, %dma_wait3A_160] : memref<10240x128xf32, #tpu.memory_space<vmem_shared>> -> memref<10240x128xf32, #tpu.memory_space<vmem_shared>>
    tpu.wait_indirect_dma semaphore(%arg26 : memref<!tpu.dma_semaphore, #tpu.memory_space<semaphore_mem>>) src(%arg16 : memref<40x128xf32, #tpu.memory_space<vmem>>) dst(%dma_wait3A_161 : memref<10240x128xf32, #tpu.memory_space<vmem_shared>>)
    %dma_wait3A_162 = arith.constant 249 : i32
    %dma_wait3A_163 = arith.constant 0 : i32
    %dma_wait3A_164 = tpu.memref_slice %arg14[%dma_wait3A_162, %dma_wait3A_163] : memref<250x40xi32, #tpu.memory_space<vmem>> -> memref<1x40xi32, #tpu.memory_space<vmem>>
    %dma_wait3A_165 = tpu.memref_squeeze %dma_wait3A_164 : memref<1x40xi32, #tpu.memory_space<vmem>> -> memref<40xi32, #tpu.memory_space<vmem>>
    %dma_wait3A_166 = arith.constant 0 : i32
    %dma_wait3A_167 = arith.constant 0 : i32
    %dma_wait3A_168 = tpu.memref_slice %arg22[%dma_wait3A_166, %dma_wait3A_167] : memref<10240x16xf32, #tpu.memory_space<vmem_shared>> -> memref<10240x16xf32, #tpu.memory_space<vmem_shared>>
    tpu.wait_indirect_dma semaphore(%arg26 : memref<!tpu.dma_semaphore, #tpu.memory_space<semaphore_mem>>) src(%arg18 : memref<40x16xf32, #tpu.memory_space<vmem>>) dst(%dma_wait3A_168 : memref<10240x16xf32, #tpu.memory_space<vmem_shared>>)
    %barrier3A_169 = arith.constant 0 : index
    tpu.barrier barrier_id(%barrier3A_169)
    %eq3A = arith.constant 0 : i32
    %eq3A_170 = arith.cmpi eq, %arg0, %eq3A : i32
    %convert_element_type3A = arith.extui %eq3A_170 : i1 to i32
    %cond3A = arith.constant 0 : i32
    %cond3A_171 = arith.cmpi ne, %convert_element_type3A, %cond3A : i32
    scf.if %cond3A_171 {
      "tpu.region"() ({
        %run_scoped3A = tpu.sem_alloc : memref<!tpu.dma_semaphore, #tpu.memory_space<semaphore_mem>>
        %dma_start3A_177 = arith.constant 0 : i32
        %dma_start3A_178 = tpu.memref_slice %arg9[%mul3A_2, %dma_start3A_177] : memref<10240x128xf32, #tpu.memory_space<hbm>> -> memref<640x128xf32, #tpu.memory_space<hbm>>
        %dma_start3A_179 = arith.constant 0 : i32
        %dma_start3A_180 = tpu.memref_slice %arg21[%mul3A_2, %dma_start3A_179] : memref<10240x128xf32, #tpu.memory_space<vmem_shared>> -> memref<640x128xf32, #tpu.memory_space<vmem_shared>>
        tpu.enqueue_dma source(%dma_start3A_180 : memref<640x128xf32, #tpu.memory_space<vmem_shared>>) target(%dma_start3A_178 : memref<640x128xf32, #tpu.memory_space<hbm>>) target_semaphore(%run_scoped3A : memref<!tpu.dma_semaphore, #tpu.memory_space<semaphore_mem>>)
        %dma_wait3A_181 = arith.constant 0 : i32
        %dma_wait3A_182 = tpu.memref_slice %arg9[%mul3A_2, %dma_wait3A_181] : memref<10240x128xf32, #tpu.memory_space<hbm>> -> memref<640x128xf32, #tpu.memory_space<hbm>>
        %dma_wait3A_183 = arith.constant 0 : i32
        %dma_wait3A_184 = tpu.memref_slice %arg21[%mul3A_2, %dma_wait3A_183] : memref<10240x128xf32, #tpu.memory_space<vmem_shared>> -> memref<640x128xf32, #tpu.memory_space<vmem_shared>>
        tpu.wait_dma2 semaphore(%run_scoped3A : memref<!tpu.dma_semaphore, #tpu.memory_space<semaphore_mem>>) src(%dma_wait3A_184 : memref<640x128xf32, #tpu.memory_space<vmem_shared>>) dst(%dma_wait3A_182 : memref<640x128xf32, #tpu.memory_space<hbm>>)
        tpu.yield
      }) : () -> ()
      "tpu.region"() ({
        %run_scoped3A = tpu.sem_alloc : memref<!tpu.dma_semaphore, #tpu.memory_space<semaphore_mem>>
        %dma_start3A_177 = arith.constant 0 : i32
        %dma_start3A_178 = tpu.memref_slice %arg11[%mul3A_2, %dma_start3A_177] : memref<10240x16xf32, #tpu.memory_space<hbm>> -> memref<640x16xf32, #tpu.memory_space<hbm>>
        %dma_start3A_179 = arith.constant 0 : i32
        %dma_start3A_180 = tpu.memref_slice %arg22[%mul3A_2, %dma_start3A_179] : memref<10240x16xf32, #tpu.memory_space<vmem_shared>> -> memref<640x16xf32, #tpu.memory_space<vmem_shared>>
        tpu.enqueue_dma source(%dma_start3A_180 : memref<640x16xf32, #tpu.memory_space<vmem_shared>>) target(%dma_start3A_178 : memref<640x16xf32, #tpu.memory_space<hbm>>) target_semaphore(%run_scoped3A : memref<!tpu.dma_semaphore, #tpu.memory_space<semaphore_mem>>)
        %dma_wait3A_181 = arith.constant 0 : i32
        %dma_wait3A_182 = tpu.memref_slice %arg11[%mul3A_2, %dma_wait3A_181] : memref<10240x16xf32, #tpu.memory_space<hbm>> -> memref<640x16xf32, #tpu.memory_space<hbm>>
        %dma_wait3A_183 = arith.constant 0 : i32
        %dma_wait3A_184 = tpu.memref_slice %arg22[%mul3A_2, %dma_wait3A_183] : memref<10240x16xf32, #tpu.memory_space<vmem_shared>> -> memref<640x16xf32, #tpu.memory_space<vmem_shared>>
        tpu.wait_dma2 semaphore(%run_scoped3A : memref<!tpu.dma_semaphore, #tpu.memory_space<semaphore_mem>>) src(%dma_wait3A_184 : memref<640x16xf32, #tpu.memory_space<vmem_shared>>) dst(%dma_wait3A_182 : memref<640x16xf32, #tpu.memory_space<hbm>>)
        tpu.yield
      }) : () -> ()
    } else {
    }
    %eq3A_172 = arith.constant 1 : i32
    %eq3A_173 = arith.cmpi eq, %arg0, %eq3A_172 : i32
    %convert_element_type3A_174 = arith.extui %eq3A_173 : i1 to i32
    %cond3A_175 = arith.constant 0 : i32
    %cond3A_176 = arith.cmpi ne, %convert_element_type3A_174, %cond3A_175 : i32
    scf.if %cond3A_176 {
      "tpu.region"() ({
        %run_scoped3A = tpu.sem_alloc : memref<!tpu.dma_semaphore, #tpu.memory_space<semaphore_mem>>
        %dma_start3A_177 = arith.constant 0 : i32
        %dma_start3A_178 = tpu.memref_slice %arg10[%mul3A_2, %dma_start3A_177] : memref<10240x128xf32, #tpu.memory_space<hbm>> -> memref<640x128xf32, #tpu.memory_space<hbm>>
        %dma_start3A_179 = arith.constant 0 : i32
        %dma_start3A_180 = tpu.memref_slice %arg21[%mul3A_2, %dma_start3A_179] : memref<10240x128xf32, #tpu.memory_space<vmem_shared>> -> memref<640x128xf32, #tpu.memory_space<vmem_shared>>
        tpu.enqueue_dma source(%dma_start3A_180 : memref<640x128xf32, #tpu.memory_space<vmem_shared>>) target(%dma_start3A_178 : memref<640x128xf32, #tpu.memory_space<hbm>>) target_semaphore(%run_scoped3A : memref<!tpu.dma_semaphore, #tpu.memory_space<semaphore_mem>>)
        %dma_wait3A_181 = arith.constant 0 : i32
        %dma_wait3A_182 = tpu.memref_slice %arg10[%mul3A_2, %dma_wait3A_181] : memref<10240x128xf32, #tpu.memory_space<hbm>> -> memref<640x128xf32, #tpu.memory_space<hbm>>
        %dma_wait3A_183 = arith.constant 0 : i32
        %dma_wait3A_184 = tpu.memref_slice %arg21[%mul3A_2, %dma_wait3A_183] : memref<10240x128xf32, #tpu.memory_space<vmem_shared>> -> memref<640x128xf32, #tpu.memory_space<vmem_shared>>
        tpu.wait_dma2 semaphore(%run_scoped3A : memref<!tpu.dma_semaphore, #tpu.memory_space<semaphore_mem>>) src(%dma_wait3A_184 : memref<640x128xf32, #tpu.memory_space<vmem_shared>>) dst(%dma_wait3A_182 : memref<640x128xf32, #tpu.memory_space<hbm>>)
        tpu.yield
      }) : () -> ()
      "tpu.region"() ({
        %run_scoped3A = tpu.sem_alloc : memref<!tpu.dma_semaphore, #tpu.memory_space<semaphore_mem>>
        %dma_start3A_177 = arith.constant 0 : i32
        %dma_start3A_178 = tpu.memref_slice %arg12[%mul3A_2, %dma_start3A_177] : memref<10240x16xf32, #tpu.memory_space<hbm>> -> memref<640x16xf32, #tpu.memory_space<hbm>>
        %dma_start3A_179 = arith.constant 0 : i32
        %dma_start3A_180 = tpu.memref_slice %arg22[%mul3A_2, %dma_start3A_179] : memref<10240x16xf32, #tpu.memory_space<vmem_shared>> -> memref<640x16xf32, #tpu.memory_space<vmem_shared>>
        tpu.enqueue_dma source(%dma_start3A_180 : memref<640x16xf32, #tpu.memory_space<vmem_shared>>) target(%dma_start3A_178 : memref<640x16xf32, #tpu.memory_space<hbm>>) target_semaphore(%run_scoped3A : memref<!tpu.dma_semaphore, #tpu.memory_space<semaphore_mem>>)
        %dma_wait3A_181 = arith.constant 0 : i32
        %dma_wait3A_182 = tpu.memref_slice %arg12[%mul3A_2, %dma_wait3A_181] : memref<10240x16xf32, #tpu.memory_space<hbm>> -> memref<640x16xf32, #tpu.memory_space<hbm>>
        %dma_wait3A_183 = arith.constant 0 : i32
        %dma_wait3A_184 = tpu.memref_slice %arg22[%mul3A_2, %dma_wait3A_183] : memref<10240x16xf32, #tpu.memory_space<vmem_shared>> -> memref<640x16xf32, #tpu.memory_space<vmem_shared>>
        tpu.wait_dma2 semaphore(%run_scoped3A : memref<!tpu.dma_semaphore, #tpu.memory_space<semaphore_mem>>) src(%dma_wait3A_184 : memref<640x16xf32, #tpu.memory_space<vmem_shared>>) dst(%dma_wait3A_182 : memref<640x16xf32, #tpu.memory_space<hbm>>)
        tpu.yield
      }) : () -> ()
    } else {
    }
    return
  }
}

#map = affine_map<(d0, d1) -> (0, 0)>
#map1 = affine_map<(d0, d1) -> (0, 0, 0)>
module attributes {stable_mosaic.version = 14 : i64} {
  func.func @_edge_body(%arg0: i32, %arg1: i32, %arg2: memref<10000x128xf32, #tpu.memory_space<hbm>>, %arg3: memref<10000x16xf32, #tpu.memory_space<hbm>>, %arg4: memref<10000x16xf32, #tpu.memory_space<hbm>>, %arg5: memref<32x250x40xi32, #tpu.memory_space<hbm>>, %arg6: memref<32x250x40xi32, #tpu.memory_space<hbm>>, %arg7: memref<640x128xf32, #tpu.memory_space<hbm>>, %arg8: memref<640x16xf32, #tpu.memory_space<hbm>>, %arg9: memref<10240x128xf32, #tpu.memory_space<hbm>>, %arg10: memref<10240x128xf32, #tpu.memory_space<hbm>>, %arg11: memref<10240x16xf32, #tpu.memory_space<hbm>>, %arg12: memref<10240x16xf32, #tpu.memory_space<hbm>>, %arg13: memref<250x40xi32, #tpu.memory_space<vmem>>, %arg14: memref<250x40xi32, #tpu.memory_space<vmem>>, %arg15: memref<40x128xf32, #tpu.memory_space<vmem>>, %arg16: memref<40x128xf32, #tpu.memory_space<vmem>>, %arg17: memref<40x16xf32, #tpu.memory_space<vmem>>, %arg18: memref<40x16xf32, #tpu.memory_space<vmem>>, %arg19: memref<40x16xf32, #tpu.memory_space<vmem>>, %arg20: memref<40x16xf32, #tpu.memory_space<vmem>>, %arg21: memref<10240x128xf32, #tpu.memory_space<vmem_shared>>, %arg22: memref<10240x16xf32, #tpu.memory_space<vmem_shared>>, %arg23: memref<!tpu.dma_semaphore, #tpu.memory_space<semaphore_mem>>, %arg24: memref<!tpu.dma_semaphore, #tpu.memory_space<semaphore_mem>>, %arg25: memref<!tpu.dma_semaphore, #tpu.memory_space<semaphore_mem>>, %arg26: memref<!tpu.dma_semaphore, #tpu.memory_space<semaphore_mem>>) attributes {dimension_semantics = [#tpu.dimension_semantics<core_parallel>, #tpu.dimension_semantics<subcore_parallel>], iteration_bounds = array<i64: 2, 16>, scalar_prefetch = 0 : i64, scratch_operands = 14 : i64, tpu.core_type = #tpu.core_type<sc_vector_subcore>, window_params = [{transform_indices = #map}, {transform_indices = #map}, {transform_indices = #map}, {transform_indices = #map1}, {transform_indices = #map1}, {transform_indices = #map}, {transform_indices = #map}, {transform_indices = #map}, {transform_indices = #map}, {transform_indices = #map}, {transform_indices = #map}]} {
    %mul3A = arith.constant 2 : i32
    %mul3A_0 = arith.muli %arg1, %mul3A : i32
    %add3A = arith.addi %mul3A_0, %arg0 : i32
    "tpu.region"() ({
      %run_scoped3A = tpu.sem_alloc : memref<!tpu.dma_semaphore, #tpu.memory_space<semaphore_mem>>
      %dma_start3A_177 = arith.constant 0 : i32
      %dma_start3A_178 = arith.constant 0 : i32
      %dma_start3A_179 = tpu.memref_slice %arg5[%add3A, %dma_start3A_177, %dma_start3A_178] : memref<32x250x40xi32, #tpu.memory_space<hbm>> -> memref<1x250x40xi32, #tpu.memory_space<hbm>>
      %dma_start3A_180 = tpu.memref_squeeze %dma_start3A_179 : memref<1x250x40xi32, #tpu.memory_space<hbm>> -> memref<250x40xi32, #tpu.memory_space<hbm>>
      %dma_start3A_181 = arith.constant 0 : i32
      %dma_start3A_182 = arith.constant 0 : i32
      %dma_start3A_183 = tpu.memref_slice %arg5[%add3A, %dma_start3A_181, %dma_start3A_182] : memref<32x250x40xi32, #tpu.memory_space<hbm>> -> memref<1x250x40xi32, #tpu.memory_space<hbm>>
      %dma_start3A_184 = tpu.memref_squeeze %dma_start3A_183 : memref<1x250x40xi32, #tpu.memory_space<hbm>> -> memref<250x40xi32, #tpu.memory_space<hbm>>
      tpu.enqueue_dma source(%dma_start3A_184 : memref<250x40xi32, #tpu.memory_space<hbm>>) target(%arg13 : memref<250x40xi32, #tpu.memory_space<vmem>>) target_semaphore(%run_scoped3A : memref<!tpu.dma_semaphore, #tpu.memory_space<semaphore_mem>>)
      %dma_wait3A_185 = arith.constant 0 : i32
      %dma_wait3A_186 = arith.constant 0 : i32
      %dma_wait3A_187 = tpu.memref_slice %arg5[%add3A, %dma_wait3A_185, %dma_wait3A_186] : memref<32x250x40xi32, #tpu.memory_space<hbm>> -> memref<1x250x40xi32, #tpu.memory_space<hbm>>
      %dma_wait3A_188 = tpu.memref_squeeze %dma_wait3A_187 : memref<1x250x40xi32, #tpu.memory_space<hbm>> -> memref<250x40xi32, #tpu.memory_space<hbm>>
      %dma_wait3A_189 = arith.constant 0 : i32
      %dma_wait3A_190 = arith.constant 0 : i32
      %dma_wait3A_191 = tpu.memref_slice %arg5[%add3A, %dma_wait3A_189, %dma_wait3A_190] : memref<32x250x40xi32, #tpu.memory_space<hbm>> -> memref<1x250x40xi32, #tpu.memory_space<hbm>>
      %dma_wait3A_192 = tpu.memref_squeeze %dma_wait3A_191 : memref<1x250x40xi32, #tpu.memory_space<hbm>> -> memref<250x40xi32, #tpu.memory_space<hbm>>
      tpu.wait_dma2 semaphore(%run_scoped3A : memref<!tpu.dma_semaphore, #tpu.memory_space<semaphore_mem>>) src(%dma_wait3A_192 : memref<250x40xi32, #tpu.memory_space<hbm>>) dst(%arg13 : memref<250x40xi32, #tpu.memory_space<vmem>>)
      tpu.yield
    }) : () -> ()
    "tpu.region"() ({
      %run_scoped3A = tpu.sem_alloc : memref<!tpu.dma_semaphore, #tpu.memory_space<semaphore_mem>>
      %dma_start3A_177 = arith.constant 0 : i32
      %dma_start3A_178 = arith.constant 0 : i32
      %dma_start3A_179 = tpu.memref_slice %arg6[%add3A, %dma_start3A_177, %dma_start3A_178] : memref<32x250x40xi32, #tpu.memory_space<hbm>> -> memref<1x250x40xi32, #tpu.memory_space<hbm>>
      %dma_start3A_180 = tpu.memref_squeeze %dma_start3A_179 : memref<1x250x40xi32, #tpu.memory_space<hbm>> -> memref<250x40xi32, #tpu.memory_space<hbm>>
      %dma_start3A_181 = arith.constant 0 : i32
      %dma_start3A_182 = arith.constant 0 : i32
      %dma_start3A_183 = tpu.memref_slice %arg6[%add3A, %dma_start3A_181, %dma_start3A_182] : memref<32x250x40xi32, #tpu.memory_space<hbm>> -> memref<1x250x40xi32, #tpu.memory_space<hbm>>
      %dma_start3A_184 = tpu.memref_squeeze %dma_start3A_183 : memref<1x250x40xi32, #tpu.memory_space<hbm>> -> memref<250x40xi32, #tpu.memory_space<hbm>>
      tpu.enqueue_dma source(%dma_start3A_184 : memref<250x40xi32, #tpu.memory_space<hbm>>) target(%arg14 : memref<250x40xi32, #tpu.memory_space<vmem>>) target_semaphore(%run_scoped3A : memref<!tpu.dma_semaphore, #tpu.memory_space<semaphore_mem>>)
      %dma_wait3A_185 = arith.constant 0 : i32
      %dma_wait3A_186 = arith.constant 0 : i32
      %dma_wait3A_187 = tpu.memref_slice %arg6[%add3A, %dma_wait3A_185, %dma_wait3A_186] : memref<32x250x40xi32, #tpu.memory_space<hbm>> -> memref<1x250x40xi32, #tpu.memory_space<hbm>>
      %dma_wait3A_188 = tpu.memref_squeeze %dma_wait3A_187 : memref<1x250x40xi32, #tpu.memory_space<hbm>> -> memref<250x40xi32, #tpu.memory_space<hbm>>
      %dma_wait3A_189 = arith.constant 0 : i32
      %dma_wait3A_190 = arith.constant 0 : i32
      %dma_wait3A_191 = tpu.memref_slice %arg6[%add3A, %dma_wait3A_189, %dma_wait3A_190] : memref<32x250x40xi32, #tpu.memory_space<hbm>> -> memref<1x250x40xi32, #tpu.memory_space<hbm>>
      %dma_wait3A_192 = tpu.memref_squeeze %dma_wait3A_191 : memref<1x250x40xi32, #tpu.memory_space<hbm>> -> memref<250x40xi32, #tpu.memory_space<hbm>>
      tpu.wait_dma2 semaphore(%run_scoped3A : memref<!tpu.dma_semaphore, #tpu.memory_space<semaphore_mem>>) src(%dma_wait3A_192 : memref<250x40xi32, #tpu.memory_space<hbm>>) dst(%arg14 : memref<250x40xi32, #tpu.memory_space<vmem>>)
      tpu.yield
    }) : () -> ()
    %mul3A_1 = arith.constant 640 : i32
    %mul3A_2 = arith.muli %arg1, %mul3A_1 : i32
    "tpu.region"() ({
      %run_scoped3A = tpu.sem_alloc : memref<!tpu.dma_semaphore, #tpu.memory_space<semaphore_mem>>
      %dma_start3A_177 = arith.constant 0 : i32
      %dma_start3A_178 = tpu.memref_slice %arg21[%mul3A_2, %dma_start3A_177] : memref<10240x128xf32, #tpu.memory_space<vmem_shared>> -> memref<640x128xf32, #tpu.memory_space<vmem_shared>>
      tpu.enqueue_dma source(%arg7 : memref<640x128xf32, #tpu.memory_space<hbm>>) target(%dma_start3A_178 : memref<640x128xf32, #tpu.memory_space<vmem_shared>>) target_semaphore(%run_scoped3A : memref<!tpu.dma_semaphore, #tpu.memory_space<semaphore_mem>>)
      %dma_wait3A_179 = arith.constant 0 : i32
      %dma_wait3A_180 = tpu.memref_slice %arg21[%mul3A_2, %dma_wait3A_179] : memref<10240x128xf32, #tpu.memory_space<vmem_shared>> -> memref<640x128xf32, #tpu.memory_space<vmem_shared>>
      tpu.wait_dma2 semaphore(%run_scoped3A : memref<!tpu.dma_semaphore, #tpu.memory_space<semaphore_mem>>) src(%arg7 : memref<640x128xf32, #tpu.memory_space<hbm>>) dst(%dma_wait3A_180 : memref<640x128xf32, #tpu.memory_space<vmem_shared>>)
      tpu.yield
    }) : () -> ()
    "tpu.region"() ({
      %run_scoped3A = tpu.sem_alloc : memref<!tpu.dma_semaphore, #tpu.memory_space<semaphore_mem>>
      %dma_start3A_177 = arith.constant 0 : i32
      %dma_start3A_178 = tpu.memref_slice %arg22[%mul3A_2, %dma_start3A_177] : memref<10240x16xf32, #tpu.memory_space<vmem_shared>> -> memref<640x16xf32, #tpu.memory_space<vmem_shared>>
      tpu.enqueue_dma source(%arg8 : memref<640x16xf32, #tpu.memory_space<hbm>>) target(%dma_start3A_178 : memref<640x16xf32, #tpu.memory_space<vmem_shared>>) target_semaphore(%run_scoped3A : memref<!tpu.dma_semaphore, #tpu.memory_space<semaphore_mem>>)
      %dma_wait3A_179 = arith.constant 0 : i32
      %dma_wait3A_180 = tpu.memref_slice %arg22[%mul3A_2, %dma_wait3A_179] : memref<10240x16xf32, #tpu.memory_space<vmem_shared>> -> memref<640x16xf32, #tpu.memory_space<vmem_shared>>
      tpu.wait_dma2 semaphore(%run_scoped3A : memref<!tpu.dma_semaphore, #tpu.memory_space<semaphore_mem>>) src(%arg8 : memref<640x16xf32, #tpu.memory_space<hbm>>) dst(%dma_wait3A_180 : memref<640x16xf32, #tpu.memory_space<vmem_shared>>)
      tpu.yield
    }) : () -> ()
    %barrier3A = arith.constant 0 : index
    tpu.barrier barrier_id(%barrier3A)
    %dma_start3A = arith.constant 0 : i32
    %dma_start3A_3 = arith.constant 0 : i32
    %dma_start3A_4 = tpu.memref_slice %arg13[%dma_start3A, %dma_start3A_3] : memref<250x40xi32, #tpu.memory_space<vmem>> -> memref<1x40xi32, #tpu.memory_space<vmem>>
    %dma_start3A_5 = tpu.memref_squeeze %dma_start3A_4 : memref<1x40xi32, #tpu.memory_space<vmem>> -> memref<40xi32, #tpu.memory_space<vmem>>
    %dma_start3A_6 = arith.constant 0 : i32
    %dma_start3A_7 = arith.constant 0 : i32
    %dma_start3A_8 = tpu.memref_slice %arg2[%dma_start3A_6, %dma_start3A_7] : memref<10000x128xf32, #tpu.memory_space<hbm>> -> memref<10000x128xf32, #tpu.memory_space<hbm>>
    tpu.enqueue_indirect_dma source(%dma_start3A_8 : memref<10000x128xf32, #tpu.memory_space<hbm>>) target(%arg15 : memref<40x128xf32, #tpu.memory_space<vmem>>) offsets(%dma_start3A_5 : memref<40xi32, #tpu.memory_space<vmem>>) semaphore(%arg23 : memref<!tpu.dma_semaphore, #tpu.memory_space<semaphore_mem>>)
    %dma_start3A_9 = arith.constant 0 : i32
    %dma_start3A_10 = arith.constant 0 : i32
    %dma_start3A_11 = tpu.memref_slice %arg13[%dma_start3A_9, %dma_start3A_10] : memref<250x40xi32, #tpu.memory_space<vmem>> -> memref<1x40xi32, #tpu.memory_space<vmem>>
    %dma_start3A_12 = tpu.memref_squeeze %dma_start3A_11 : memref<1x40xi32, #tpu.memory_space<vmem>> -> memref<40xi32, #tpu.memory_space<vmem>>
    %dma_start3A_13 = arith.constant 0 : i32
    %dma_start3A_14 = arith.constant 0 : i32
    %dma_start3A_15 = tpu.memref_slice %arg3[%dma_start3A_13, %dma_start3A_14] : memref<10000x16xf32, #tpu.memory_space<hbm>> -> memref<10000x16xf32, #tpu.memory_space<hbm>>
    tpu.enqueue_indirect_dma source(%dma_start3A_15 : memref<10000x16xf32, #tpu.memory_space<hbm>>) target(%arg17 : memref<40x16xf32, #tpu.memory_space<vmem>>) offsets(%dma_start3A_12 : memref<40xi32, #tpu.memory_space<vmem>>) semaphore(%arg23 : memref<!tpu.dma_semaphore, #tpu.memory_space<semaphore_mem>>)
    %dma_start3A_16 = arith.constant 0 : i32
    %dma_start3A_17 = arith.constant 0 : i32
    %dma_start3A_18 = tpu.memref_slice %arg14[%dma_start3A_16, %dma_start3A_17] : memref<250x40xi32, #tpu.memory_space<vmem>> -> memref<1x40xi32, #tpu.memory_space<vmem>>
    %dma_start3A_19 = tpu.memref_squeeze %dma_start3A_18 : memref<1x40xi32, #tpu.memory_space<vmem>> -> memref<40xi32, #tpu.memory_space<vmem>>
    %dma_start3A_20 = arith.constant 0 : i32
    %dma_start3A_21 = arith.constant 0 : i32
    %dma_start3A_22 = tpu.memref_slice %arg4[%dma_start3A_20, %dma_start3A_21] : memref<10000x16xf32, #tpu.memory_space<hbm>> -> memref<10000x16xf32, #tpu.memory_space<hbm>>
    tpu.enqueue_indirect_dma source(%dma_start3A_22 : memref<10000x16xf32, #tpu.memory_space<hbm>>) target(%arg19 : memref<40x16xf32, #tpu.memory_space<vmem>>) offsets(%dma_start3A_19 : memref<40xi32, #tpu.memory_space<vmem>>) semaphore(%arg23 : memref<!tpu.dma_semaphore, #tpu.memory_space<semaphore_mem>>)
    %scan3A = arith.constant 0 : i32
    %scan3A_23 = arith.constant 124 : i32
    %scan3A_24 = arith.addi %scan3A, %scan3A_23 : i32
    %scan3A_25 = arith.constant 1 : i32
    scf.for %scan3A_177 = %scan3A to %scan3A_24 step %scan3A_25  : i32 {
      %mul3A_178 = arith.constant 2 : i32
      %mul3A_179 = arith.muli %scan3A_177, %mul3A_178 : i32
      %add3A_180 = arith.constant 0 : i32
      %add3A_181 = arith.addi %add3A_180, %mul3A_179 : i32
      %add3A_182 = arith.constant 0 : i32
      %add3A_183 = arith.addi %add3A_181, %add3A_182 : i32
      %dma_wait3A_184 = arith.constant 0 : i32
      %dma_wait3A_185 = tpu.memref_slice %arg13[%add3A_183, %dma_wait3A_184] : memref<250x40xi32, #tpu.memory_space<vmem>> -> memref<1x40xi32, #tpu.memory_space<vmem>>
      %dma_wait3A_186 = tpu.memref_squeeze %dma_wait3A_185 : memref<1x40xi32, #tpu.memory_space<vmem>> -> memref<40xi32, #tpu.memory_space<vmem>>
      %dma_wait3A_187 = arith.constant 0 : i32
      %dma_wait3A_188 = arith.constant 0 : i32
      %dma_wait3A_189 = tpu.memref_slice %arg2[%dma_wait3A_187, %dma_wait3A_188] : memref<10000x128xf32, #tpu.memory_space<hbm>> -> memref<10000x128xf32, #tpu.memory_space<hbm>>
      tpu.wait_indirect_dma semaphore(%arg23 : memref<!tpu.dma_semaphore, #tpu.memory_space<semaphore_mem>>) src(%dma_wait3A_189 : memref<10000x128xf32, #tpu.memory_space<hbm>>) dst(%arg15 : memref<40x128xf32, #tpu.memory_space<vmem>>)
      %dma_wait3A_190 = arith.constant 0 : i32
      %dma_wait3A_191 = tpu.memref_slice %arg13[%add3A_183, %dma_wait3A_190] : memref<250x40xi32, #tpu.memory_space<vmem>> -> memref<1x40xi32, #tpu.memory_space<vmem>>
      %dma_wait3A_192 = tpu.memref_squeeze %dma_wait3A_191 : memref<1x40xi32, #tpu.memory_space<vmem>> -> memref<40xi32, #tpu.memory_space<vmem>>
      %dma_wait3A_193 = arith.constant 0 : i32
      %dma_wait3A_194 = arith.constant 0 : i32
      %dma_wait3A_195 = tpu.memref_slice %arg3[%dma_wait3A_193, %dma_wait3A_194] : memref<10000x16xf32, #tpu.memory_space<hbm>> -> memref<10000x16xf32, #tpu.memory_space<hbm>>
      tpu.wait_indirect_dma semaphore(%arg23 : memref<!tpu.dma_semaphore, #tpu.memory_space<semaphore_mem>>) src(%dma_wait3A_195 : memref<10000x16xf32, #tpu.memory_space<hbm>>) dst(%arg17 : memref<40x16xf32, #tpu.memory_space<vmem>>)
      %dma_wait3A_196 = arith.constant 0 : i32
      %dma_wait3A_197 = tpu.memref_slice %arg14[%add3A_183, %dma_wait3A_196] : memref<250x40xi32, #tpu.memory_space<vmem>> -> memref<1x40xi32, #tpu.memory_space<vmem>>
      %dma_wait3A_198 = tpu.memref_squeeze %dma_wait3A_197 : memref<1x40xi32, #tpu.memory_space<vmem>> -> memref<40xi32, #tpu.memory_space<vmem>>
      %dma_wait3A_199 = arith.constant 0 : i32
      %dma_wait3A_200 = arith.constant 0 : i32
      %dma_wait3A_201 = tpu.memref_slice %arg4[%dma_wait3A_199, %dma_wait3A_200] : memref<10000x16xf32, #tpu.memory_space<hbm>> -> memref<10000x16xf32, #tpu.memory_space<hbm>>
      tpu.wait_indirect_dma semaphore(%arg23 : memref<!tpu.dma_semaphore, #tpu.memory_space<semaphore_mem>>) src(%dma_wait3A_201 : memref<10000x16xf32, #tpu.memory_space<hbm>>) dst(%arg19 : memref<40x16xf32, #tpu.memory_space<vmem>>)
      %ge3A = arith.constant 1 : i32
      %ge3A_202 = arith.cmpi sge, %add3A_183, %ge3A : i32
      %convert_element_type3A_203 = arith.extui %ge3A_202 : i1 to i32
      %cond3A_204 = arith.constant 0 : i32
      %cond3A_205 = arith.cmpi ne, %convert_element_type3A_203, %cond3A_204 : i32
      scf.if %cond3A_205 {
        %sub3A = arith.constant 1 : i32
        %sub3A_305 = arith.subi %add3A_183, %sub3A : i32
        %dma_wait3A_306 = arith.constant 0 : i32
        %dma_wait3A_307 = tpu.memref_slice %arg14[%sub3A_305, %dma_wait3A_306] : memref<250x40xi32, #tpu.memory_space<vmem>> -> memref<1x40xi32, #tpu.memory_space<vmem>>
        %dma_wait3A_308 = tpu.memref_squeeze %dma_wait3A_307 : memref<1x40xi32, #tpu.memory_space<vmem>> -> memref<40xi32, #tpu.memory_space<vmem>>
        %dma_wait3A_309 = arith.constant 0 : i32
        %dma_wait3A_310 = arith.constant 0 : i32
        %dma_wait3A_311 = tpu.memref_slice %arg21[%dma_wait3A_309, %dma_wait3A_310] : memref<10240x128xf32, #tpu.memory_space<vmem_shared>> -> memref<10240x128xf32, #tpu.memory_space<vmem_shared>>
        tpu.wait_indirect_dma semaphore(%arg26 : memref<!tpu.dma_semaphore, #tpu.memory_space<semaphore_mem>>) src(%arg16 : memref<40x128xf32, #tpu.memory_space<vmem>>) dst(%dma_wait3A_311 : memref<10240x128xf32, #tpu.memory_space<vmem_shared>>)
        %dma_wait3A_312 = arith.constant 0 : i32
        %dma_wait3A_313 = tpu.memref_slice %arg14[%sub3A_305, %dma_wait3A_312] : memref<250x40xi32, #tpu.memory_space<vmem>> -> memref<1x40xi32, #tpu.memory_space<vmem>>
        %dma_wait3A_314 = tpu.memref_squeeze %dma_wait3A_313 : memref<1x40xi32, #tpu.memory_space<vmem>> -> memref<40xi32, #tpu.memory_space<vmem>>
        %dma_wait3A_315 = arith.constant 0 : i32
        %dma_wait3A_316 = arith.constant 0 : i32
        %dma_wait3A_317 = tpu.memref_slice %arg22[%dma_wait3A_315, %dma_wait3A_316] : memref<10240x16xf32, #tpu.memory_space<vmem_shared>> -> memref<10240x16xf32, #tpu.memory_space<vmem_shared>>
        tpu.wait_indirect_dma semaphore(%arg26 : memref<!tpu.dma_semaphore, #tpu.memory_space<semaphore_mem>>) src(%arg18 : memref<40x16xf32, #tpu.memory_space<vmem>>) dst(%dma_wait3A_317 : memref<10240x16xf32, #tpu.memory_space<vmem_shared>>)
      } else {
      }
      %add3A_206 = arith.constant 1 : i32
      %add3A_207 = arith.addi %add3A_183, %add3A_206 : i32
      %dma_start3A_208 = arith.constant 0 : i32
      %dma_start3A_209 = tpu.memref_slice %arg13[%add3A_207, %dma_start3A_208] : memref<250x40xi32, #tpu.memory_space<vmem>> -> memref<1x40xi32, #tpu.memory_space<vmem>>
      %dma_start3A_210 = tpu.memref_squeeze %dma_start3A_209 : memref<1x40xi32, #tpu.memory_space<vmem>> -> memref<40xi32, #tpu.memory_space<vmem>>
      %dma_start3A_211 = arith.constant 0 : i32
      %dma_start3A_212 = arith.constant 0 : i32
      %dma_start3A_213 = tpu.memref_slice %arg2[%dma_start3A_211, %dma_start3A_212] : memref<10000x128xf32, #tpu.memory_space<hbm>> -> memref<10000x128xf32, #tpu.memory_space<hbm>>
      tpu.enqueue_indirect_dma source(%dma_start3A_213 : memref<10000x128xf32, #tpu.memory_space<hbm>>) target(%arg16 : memref<40x128xf32, #tpu.memory_space<vmem>>) offsets(%dma_start3A_210 : memref<40xi32, #tpu.memory_space<vmem>>) semaphore(%arg24 : memref<!tpu.dma_semaphore, #tpu.memory_space<semaphore_mem>>)
      %dma_start3A_214 = arith.constant 0 : i32
      %dma_start3A_215 = tpu.memref_slice %arg13[%add3A_207, %dma_start3A_214] : memref<250x40xi32, #tpu.memory_space<vmem>> -> memref<1x40xi32, #tpu.memory_space<vmem>>
      %dma_start3A_216 = tpu.memref_squeeze %dma_start3A_215 : memref<1x40xi32, #tpu.memory_space<vmem>> -> memref<40xi32, #tpu.memory_space<vmem>>
      %dma_start3A_217 = arith.constant 0 : i32
      %dma_start3A_218 = arith.constant 0 : i32
      %dma_start3A_219 = tpu.memref_slice %arg3[%dma_start3A_217, %dma_start3A_218] : memref<10000x16xf32, #tpu.memory_space<hbm>> -> memref<10000x16xf32, #tpu.memory_space<hbm>>
      tpu.enqueue_indirect_dma source(%dma_start3A_219 : memref<10000x16xf32, #tpu.memory_space<hbm>>) target(%arg18 : memref<40x16xf32, #tpu.memory_space<vmem>>) offsets(%dma_start3A_216 : memref<40xi32, #tpu.memory_space<vmem>>) semaphore(%arg24 : memref<!tpu.dma_semaphore, #tpu.memory_space<semaphore_mem>>)
      %dma_start3A_220 = arith.constant 0 : i32
      %dma_start3A_221 = tpu.memref_slice %arg14[%add3A_207, %dma_start3A_220] : memref<250x40xi32, #tpu.memory_space<vmem>> -> memref<1x40xi32, #tpu.memory_space<vmem>>
      %dma_start3A_222 = tpu.memref_squeeze %dma_start3A_221 : memref<1x40xi32, #tpu.memory_space<vmem>> -> memref<40xi32, #tpu.memory_space<vmem>>
      %dma_start3A_223 = arith.constant 0 : i32
      %dma_start3A_224 = arith.constant 0 : i32
      %dma_start3A_225 = tpu.memref_slice %arg4[%dma_start3A_223, %dma_start3A_224] : memref<10000x16xf32, #tpu.memory_space<hbm>> -> memref<10000x16xf32, #tpu.memory_space<hbm>>
      tpu.enqueue_indirect_dma source(%dma_start3A_225 : memref<10000x16xf32, #tpu.memory_space<hbm>>) target(%arg20 : memref<40x16xf32, #tpu.memory_space<vmem>>) offsets(%dma_start3A_222 : memref<40xi32, #tpu.memory_space<vmem>>) semaphore(%arg24 : memref<!tpu.dma_semaphore, #tpu.memory_space<semaphore_mem>>)
      %scan3A_226 = arith.constant 0 : i32
      %scan3A_227 = arith.constant 40 : i32
      %scan3A_228 = arith.addi %scan3A_226, %scan3A_227 : i32
      %scan3A_229 = arith.constant 1 : i32
      scf.for %scan3A_305 = %scan3A_226 to %scan3A_228 step %scan3A_229  : i32 {
        %mul3A_306 = arith.constant 1 : i32
        %mul3A_307 = arith.muli %scan3A_305, %mul3A_306 : i32
        %add3A_308 = arith.constant 0 : i32
        %add3A_309 = arith.addi %add3A_308, %mul3A_307 : i32
        %get3A = arith.index_cast %add3A_309 : i32 to index
        %get3A_310 = arith.constant 0 : index
        %get3A_311 = tpu.vector_load %arg17[%get3A, %get3A_310] {strides = array<i32>} : memref<40x16xf32, #tpu.memory_space<vmem>>, vector<1x16xf32>,
        %get3A_312 = vector.shape_cast %get3A_311 : vector<1x16xf32> to vector<16xf32>
        %get3A_313 = arith.index_cast %add3A_309 : i32 to index
        %get3A_314 = arith.constant 0 : index
        %get3A_315 = tpu.vector_load %arg19[%get3A_313, %get3A_314] {strides = array<i32>} : memref<40x16xf32, #tpu.memory_space<vmem>>, vector<1x16xf32>,
        %get3A_316 = vector.shape_cast %get3A_315 : vector<1x16xf32> to vector<16xf32>
        %add3A_317 = arith.addf %get3A_312, %get3A_316 : vector<16xf32>
        %ge3A_318 = arith.constant 0.000000e+00 : f32
        %ge3A_319 = vector.broadcast %ge3A_318 : f32 to vector<16xf32>
        %ge3A_320 = arith.cmpf oge, %add3A_317, %ge3A_319 : vector<16xf32>
        %mul3A_321 = arith.constant 2.000000e-01 : f32
        %mul3A_322 = vector.broadcast %mul3A_321 : f32 to vector<16xf32>
        %mul3A_323 = arith.mulf %mul3A_322, %add3A_317 : vector<16xf32>
        %select_n3A = arith.select %ge3A_320, %add3A_317, %mul3A_323 : vector<16xi1>, vector<16xf32>
        %exp3A = math.exp %select_n3A : vector<16xf32>
        %swap3A = arith.index_cast %add3A_309 : i32 to index
        %swap3A_324 = arith.constant 0 : index
        %swap3A_325 = tpu.vector_load %arg17[%swap3A, %swap3A_324] {strides = array<i32>} : memref<40x16xf32, #tpu.memory_space<vmem>>, vector<1x16xf32>,
        %swap3A_326 = vector.shape_cast %swap3A_325 : vector<1x16xf32> to vector<16xf32>
        %swap3A_327 = vector.shape_cast %exp3A : vector<16xf32> to vector<1x16xf32>
        tpu.vector_store %arg17[%swap3A, %swap3A_324], %swap3A_327 {strides = array<i32>} : memref<40x16xf32, #tpu.memory_space<vmem>>, vector<1x16xf32>,
        %broadcast_in_dim3A = arith.constant 0 : i32
        %broadcast_in_dim3A_328 = vector.broadcast %broadcast_in_dim3A : i32 to vector<16x1xi32>
        %gather3A = vector.shape_cast %broadcast_in_dim3A_328 : vector<16x1xi32> to vector<16xi32>
        %gather3A_329 = tpu.dynamic_gather %exp3A[%gather3A] in [0] : vector<16xf32>, vector<16xi32> -> vector<16xf32>
        %get3A_330 = arith.index_cast %add3A_309 : i32 to index
        %get3A_331 = arith.constant 0 : index
        %get3A_332 = tpu.vector_load %arg15[%get3A_330, %get3A_331] {strides = array<i32>} : memref<40x128xf32, #tpu.memory_space<vmem>>, vector<1x16xf32>,
        %get3A_333 = vector.shape_cast %get3A_332 : vector<1x16xf32> to vector<16xf32>
        %mul3A_334 = arith.mulf %get3A_333, %gather3A_329 : vector<16xf32>
        %swap3A_335 = arith.index_cast %add3A_309 : i32 to index
        %swap3A_336 = arith.constant 0 : index
        %swap3A_337 = tpu.vector_load %arg15[%swap3A_335, %swap3A_336] {strides = array<i32>} : memref<40x128xf32, #tpu.memory_space<vmem>>, vector<1x16xf32>,
        %swap3A_338 = vector.shape_cast %swap3A_337 : vector<1x16xf32> to vector<16xf32>
        %swap3A_339 = vector.shape_cast %mul3A_334 : vector<16xf32> to vector<1x16xf32>
        tpu.vector_store %arg15[%swap3A_335, %swap3A_336], %swap3A_339 {strides = array<i32>} : memref<40x128xf32, #tpu.memory_space<vmem>>, vector<1x16xf32>,
        %broadcast_in_dim3A_340 = arith.constant 1 : i32
        %broadcast_in_dim3A_341 = vector.broadcast %broadcast_in_dim3A_340 : i32 to vector<16x1xi32>
        %gather3A_342 = vector.shape_cast %broadcast_in_dim3A_341 : vector<16x1xi32> to vector<16xi32>
        %gather3A_343 = tpu.dynamic_gather %exp3A[%gather3A_342] in [0] : vector<16xf32>, vector<16xi32> -> vector<16xf32>
        %get3A_344 = arith.index_cast %add3A_309 : i32 to index
        %get3A_345 = arith.constant 16 : index
        %get3A_346 = tpu.vector_load %arg15[%get3A_344, %get3A_345] {strides = array<i32>} : memref<40x128xf32, #tpu.memory_space<vmem>>, vector<1x16xf32>,
        %get3A_347 = vector.shape_cast %get3A_346 : vector<1x16xf32> to vector<16xf32>
        %mul3A_348 = arith.mulf %get3A_347, %gather3A_343 : vector<16xf32>
        %swap3A_349 = arith.index_cast %add3A_309 : i32 to index
        %swap3A_350 = arith.constant 16 : index
        %swap3A_351 = tpu.vector_load %arg15[%swap3A_349, %swap3A_350] {strides = array<i32>} : memref<40x128xf32, #tpu.memory_space<vmem>>, vector<1x16xf32>,
        %swap3A_352 = vector.shape_cast %swap3A_351 : vector<1x16xf32> to vector<16xf32>
        %swap3A_353 = vector.shape_cast %mul3A_348 : vector<16xf32> to vector<1x16xf32>
        tpu.vector_store %arg15[%swap3A_349, %swap3A_350], %swap3A_353 {strides = array<i32>} : memref<40x128xf32, #tpu.memory_space<vmem>>, vector<1x16xf32>,
        %broadcast_in_dim3A_354 = arith.constant 2 : i32
        %broadcast_in_dim3A_355 = vector.broadcast %broadcast_in_dim3A_354 : i32 to vector<16x1xi32>
        %gather3A_356 = vector.shape_cast %broadcast_in_dim3A_355 : vector<16x1xi32> to vector<16xi32>
        %gather3A_357 = tpu.dynamic_gather %exp3A[%gather3A_356] in [0] : vector<16xf32>, vector<16xi32> -> vector<16xf32>
        %get3A_358 = arith.index_cast %add3A_309 : i32 to index
        %get3A_359 = arith.constant 32 : index
        %get3A_360 = tpu.vector_load %arg15[%get3A_358, %get3A_359] {strides = array<i32>} : memref<40x128xf32, #tpu.memory_space<vmem>>, vector<1x16xf32>,
        %get3A_361 = vector.shape_cast %get3A_360 : vector<1x16xf32> to vector<16xf32>
        %mul3A_362 = arith.mulf %get3A_361, %gather3A_357 : vector<16xf32>
        %swap3A_363 = arith.index_cast %add3A_309 : i32 to index
        %swap3A_364 = arith.constant 32 : index
        %swap3A_365 = tpu.vector_load %arg15[%swap3A_363, %swap3A_364] {strides = array<i32>} : memref<40x128xf32, #tpu.memory_space<vmem>>, vector<1x16xf32>,
        %swap3A_366 = vector.shape_cast %swap3A_365 : vector<1x16xf32> to vector<16xf32>
        %swap3A_367 = vector.shape_cast %mul3A_362 : vector<16xf32> to vector<1x16xf32>
        tpu.vector_store %arg15[%swap3A_363, %swap3A_364], %swap3A_367 {strides = array<i32>} : memref<40x128xf32, #tpu.memory_space<vmem>>, vector<1x16xf32>,
        %broadcast_in_dim3A_368 = arith.constant 3 : i32
        %broadcast_in_dim3A_369 = vector.broadcast %broadcast_in_dim3A_368 : i32 to vector<16x1xi32>
        %gather3A_370 = vector.shape_cast %broadcast_in_dim3A_369 : vector<16x1xi32> to vector<16xi32>
        %gather3A_371 = tpu.dynamic_gather %exp3A[%gather3A_370] in [0] : vector<16xf32>, vector<16xi32> -> vector<16xf32>
        %get3A_372 = arith.index_cast %add3A_309 : i32 to index
        %get3A_373 = arith.constant 48 : index
        %get3A_374 = tpu.vector_load %arg15[%get3A_372, %get3A_373] {strides = array<i32>} : memref<40x128xf32, #tpu.memory_space<vmem>>, vector<1x16xf32>,
        %get3A_375 = vector.shape_cast %get3A_374 : vector<1x16xf32> to vector<16xf32>
        %mul3A_376 = arith.mulf %get3A_375, %gather3A_371 : vector<16xf32>
        %swap3A_377 = arith.index_cast %add3A_309 : i32 to index
        %swap3A_378 = arith.constant 48 : index
        %swap3A_379 = tpu.vector_load %arg15[%swap3A_377, %swap3A_378] {strides = array<i32>} : memref<40x128xf32, #tpu.memory_space<vmem>>, vector<1x16xf32>,
        %swap3A_380 = vector.shape_cast %swap3A_379 : vector<1x16xf32> to vector<16xf32>
        %swap3A_381 = vector.shape_cast %mul3A_376 : vector<16xf32> to vector<1x16xf32>
        tpu.vector_store %arg15[%swap3A_377, %swap3A_378], %swap3A_381 {strides = array<i32>} : memref<40x128xf32, #tpu.memory_space<vmem>>, vector<1x16xf32>,
        %broadcast_in_dim3A_382 = arith.constant 4 : i32
        %broadcast_in_dim3A_383 = vector.broadcast %broadcast_in_dim3A_382 : i32 to vector<16x1xi32>
        %gather3A_384 = vector.shape_cast %broadcast_in_dim3A_383 : vector<16x1xi32> to vector<16xi32>
        %gather3A_385 = tpu.dynamic_gather %exp3A[%gather3A_384] in [0] : vector<16xf32>, vector<16xi32> -> vector<16xf32>
        %get3A_386 = arith.index_cast %add3A_309 : i32 to index
        %get3A_387 = arith.constant 64 : index
        %get3A_388 = tpu.vector_load %arg15[%get3A_386, %get3A_387] {strides = array<i32>} : memref<40x128xf32, #tpu.memory_space<vmem>>, vector<1x16xf32>,
        %get3A_389 = vector.shape_cast %get3A_388 : vector<1x16xf32> to vector<16xf32>
        %mul3A_390 = arith.mulf %get3A_389, %gather3A_385 : vector<16xf32>
        %swap3A_391 = arith.index_cast %add3A_309 : i32 to index
        %swap3A_392 = arith.constant 64 : index
        %swap3A_393 = tpu.vector_load %arg15[%swap3A_391, %swap3A_392] {strides = array<i32>} : memref<40x128xf32, #tpu.memory_space<vmem>>, vector<1x16xf32>,
        %swap3A_394 = vector.shape_cast %swap3A_393 : vector<1x16xf32> to vector<16xf32>
        %swap3A_395 = vector.shape_cast %mul3A_390 : vector<16xf32> to vector<1x16xf32>
        tpu.vector_store %arg15[%swap3A_391, %swap3A_392], %swap3A_395 {strides = array<i32>} : memref<40x128xf32, #tpu.memory_space<vmem>>, vector<1x16xf32>,
        %broadcast_in_dim3A_396 = arith.constant 5 : i32
        %broadcast_in_dim3A_397 = vector.broadcast %broadcast_in_dim3A_396 : i32 to vector<16x1xi32>
        %gather3A_398 = vector.shape_cast %broadcast_in_dim3A_397 : vector<16x1xi32> to vector<16xi32>
        %gather3A_399 = tpu.dynamic_gather %exp3A[%gather3A_398] in [0] : vector<16xf32>, vector<16xi32> -> vector<16xf32>
        %get3A_400 = arith.index_cast %add3A_309 : i32 to index
        %get3A_401 = arith.constant 80 : index
        %get3A_402 = tpu.vector_load %arg15[%get3A_400, %get3A_401] {strides = array<i32>} : memref<40x128xf32, #tpu.memory_space<vmem>>, vector<1x16xf32>,
        %get3A_403 = vector.shape_cast %get3A_402 : vector<1x16xf32> to vector<16xf32>
        %mul3A_404 = arith.mulf %get3A_403, %gather3A_399 : vector<16xf32>
        %swap3A_405 = arith.index_cast %add3A_309 : i32 to index
        %swap3A_406 = arith.constant 80 : index
        %swap3A_407 = tpu.vector_load %arg15[%swap3A_405, %swap3A_406] {strides = array<i32>} : memref<40x128xf32, #tpu.memory_space<vmem>>, vector<1x16xf32>,
        %swap3A_408 = vector.shape_cast %swap3A_407 : vector<1x16xf32> to vector<16xf32>
        %swap3A_409 = vector.shape_cast %mul3A_404 : vector<16xf32> to vector<1x16xf32>
        tpu.vector_store %arg15[%swap3A_405, %swap3A_406], %swap3A_409 {strides = array<i32>} : memref<40x128xf32, #tpu.memory_space<vmem>>, vector<1x16xf32>,
        %broadcast_in_dim3A_410 = arith.constant 6 : i32
        %broadcast_in_dim3A_411 = vector.broadcast %broadcast_in_dim3A_410 : i32 to vector<16x1xi32>
        %gather3A_412 = vector.shape_cast %broadcast_in_dim3A_411 : vector<16x1xi32> to vector<16xi32>
        %gather3A_413 = tpu.dynamic_gather %exp3A[%gather3A_412] in [0] : vector<16xf32>, vector<16xi32> -> vector<16xf32>
        %get3A_414 = arith.index_cast %add3A_309 : i32 to index
        %get3A_415 = arith.constant 96 : index
        %get3A_416 = tpu.vector_load %arg15[%get3A_414, %get3A_415] {strides = array<i32>} : memref<40x128xf32, #tpu.memory_space<vmem>>, vector<1x16xf32>,
        %get3A_417 = vector.shape_cast %get3A_416 : vector<1x16xf32> to vector<16xf32>
        %mul3A_418 = arith.mulf %get3A_417, %gather3A_413 : vector<16xf32>
        %swap3A_419 = arith.index_cast %add3A_309 : i32 to index
        %swap3A_420 = arith.constant 96 : index
        %swap3A_421 = tpu.vector_load %arg15[%swap3A_419, %swap3A_420] {strides = array<i32>} : memref<40x128xf32, #tpu.memory_space<vmem>>, vector<1x16xf32>,
        %swap3A_422 = vector.shape_cast %swap3A_421 : vector<1x16xf32> to vector<16xf32>
        %swap3A_423 = vector.shape_cast %mul3A_418 : vector<16xf32> to vector<1x16xf32>
        tpu.vector_store %arg15[%swap3A_419, %swap3A_420], %swap3A_423 {strides = array<i32>} : memref<40x128xf32, #tpu.memory_space<vmem>>, vector<1x16xf32>,
        %broadcast_in_dim3A_424 = arith.constant 7 : i32
        %broadcast_in_dim3A_425 = vector.broadcast %broadcast_in_dim3A_424 : i32 to vector<16x1xi32>
        %gather3A_426 = vector.shape_cast %broadcast_in_dim3A_425 : vector<16x1xi32> to vector<16xi32>
        %gather3A_427 = tpu.dynamic_gather %exp3A[%gather3A_426] in [0] : vector<16xf32>, vector<16xi32> -> vector<16xf32>
        %get3A_428 = arith.index_cast %add3A_309 : i32 to index
        %get3A_429 = arith.constant 112 : index
        %get3A_430 = tpu.vector_load %arg15[%get3A_428, %get3A_429] {strides = array<i32>} : memref<40x128xf32, #tpu.memory_space<vmem>>, vector<1x16xf32>,
        %get3A_431 = vector.shape_cast %get3A_430 : vector<1x16xf32> to vector<16xf32>
        %mul3A_432 = arith.mulf %get3A_431, %gather3A_427 : vector<16xf32>
        %swap3A_433 = arith.index_cast %add3A_309 : i32 to index
        %swap3A_434 = arith.constant 112 : index
        %swap3A_435 = tpu.vector_load %arg15[%swap3A_433, %swap3A_434] {strides = array<i32>} : memref<40x128xf32, #tpu.memory_space<vmem>>, vector<1x16xf32>,
        %swap3A_436 = vector.shape_cast %swap3A_435 : vector<1x16xf32> to vector<16xf32>
        %swap3A_437 = vector.shape_cast %mul3A_432 : vector<16xf32> to vector<1x16xf32>
        tpu.vector_store %arg15[%swap3A_433, %swap3A_434], %swap3A_437 {strides = array<i32>} : memref<40x128xf32, #tpu.memory_space<vmem>>, vector<1x16xf32>,
      }
      %scan3A_230 = arith.constant 40 : i32
      %dma_start3A_231 = arith.constant 0 : i32
      %dma_start3A_232 = tpu.memref_slice %arg14[%add3A_183, %dma_start3A_231] : memref<250x40xi32, #tpu.memory_space<vmem>> -> memref<1x40xi32, #tpu.memory_space<vmem>>
      %dma_start3A_233 = tpu.memref_squeeze %dma_start3A_232 : memref<1x40xi32, #tpu.memory_space<vmem>> -> memref<40xi32, #tpu.memory_space<vmem>>
      %dma_start3A_234 = arith.constant 0 : i32
      %dma_start3A_235 = arith.constant 0 : i32
      %dma_start3A_236 = tpu.memref_slice %arg21[%dma_start3A_234, %dma_start3A_235] : memref<10240x128xf32, #tpu.memory_space<vmem_shared>> -> memref<10240x128xf32, #tpu.memory_space<vmem_shared>>
      tpu.enqueue_indirect_dma source(%arg15 : memref<40x128xf32, #tpu.memory_space<vmem>>) target(%dma_start3A_236 : memref<10240x128xf32, #tpu.memory_space<vmem_shared>>) offsets(%dma_start3A_233 : memref<40xi32, #tpu.memory_space<vmem>>) semaphore(%arg25 : memref<!tpu.dma_semaphore, #tpu.memory_space<semaphore_mem>>) {add = true}
      %dma_start3A_237 = arith.constant 0 : i32
      %dma_start3A_238 = tpu.memref_slice %arg14[%add3A_183, %dma_start3A_237] : memref<250x40xi32, #tpu.memory_space<vmem>> -> memref<1x40xi32, #tpu.memory_space<vmem>>
      %dma_start3A_239 = tpu.memref_squeeze %dma_start3A_238 : memref<1x40xi32, #tpu.memory_space<vmem>> -> memref<40xi32, #tpu.memory_space<vmem>>
      %dma_start3A_240 = arith.constant 0 : i32
      %dma_start3A_241 = arith.constant 0 : i32
      %dma_start3A_242 = tpu.memref_slice %arg22[%dma_start3A_240, %dma_start3A_241] : memref<10240x16xf32, #tpu.memory_space<vmem_shared>> -> memref<10240x16xf32, #tpu.memory_space<vmem_shared>>
      tpu.enqueue_indirect_dma source(%arg17 : memref<40x16xf32, #tpu.memory_space<vmem>>) target(%dma_start3A_242 : memref<10240x16xf32, #tpu.memory_space<vmem_shared>>) offsets(%dma_start3A_239 : memref<40xi32, #tpu.memory_space<vmem>>) semaphore(%arg25 : memref<!tpu.dma_semaphore, #tpu.memory_space<semaphore_mem>>) {add = true}
      %add3A_243 = arith.constant 1 : i32
      %add3A_244 = arith.addi %add3A_181, %add3A_243 : i32
      %dma_wait3A_245 = arith.constant 0 : i32
      %dma_wait3A_246 = tpu.memref_slice %arg13[%add3A_244, %dma_wait3A_245] : memref<250x40xi32, #tpu.memory_space<vmem>> -> memref<1x40xi32, #tpu.memory_space<vmem>>
      %dma_wait3A_247 = tpu.memref_squeeze %dma_wait3A_246 : memref<1x40xi32, #tpu.memory_space<vmem>> -> memref<40xi32, #tpu.memory_space<vmem>>
      %dma_wait3A_248 = arith.constant 0 : i32
      %dma_wait3A_249 = arith.constant 0 : i32
      %dma_wait3A_250 = tpu.memref_slice %arg2[%dma_wait3A_248, %dma_wait3A_249] : memref<10000x128xf32, #tpu.memory_space<hbm>> -> memref<10000x128xf32, #tpu.memory_space<hbm>>
      tpu.wait_indirect_dma semaphore(%arg24 : memref<!tpu.dma_semaphore, #tpu.memory_space<semaphore_mem>>) src(%dma_wait3A_250 : memref<10000x128xf32, #tpu.memory_space<hbm>>) dst(%arg16 : memref<40x128xf32, #tpu.memory_space<vmem>>)
      %dma_wait3A_251 = arith.constant 0 : i32
      %dma_wait3A_252 = tpu.memref_slice %arg13[%add3A_244, %dma_wait3A_251] : memref<250x40xi32, #tpu.memory_space<vmem>> -> memref<1x40xi32, #tpu.memory_space<vmem>>
      %dma_wait3A_253 = tpu.memref_squeeze %dma_wait3A_252 : memref<1x40xi32, #tpu.memory_space<vmem>> -> memref<40xi32, #tpu.memory_space<vmem>>
      %dma_wait3A_254 = arith.constant 0 : i32
      %dma_wait3A_255 = arith.constant 0 : i32
      %dma_wait3A_256 = tpu.memref_slice %arg3[%dma_wait3A_254, %dma_wait3A_255] : memref<10000x16xf32, #tpu.memory_space<hbm>> -> memref<10000x16xf32, #tpu.memory_space<hbm>>
      tpu.wait_indirect_dma semaphore(%arg24 : memref<!tpu.dma_semaphore, #tpu.memory_space<semaphore_mem>>) src(%dma_wait3A_256 : memref<10000x16xf32, #tpu.memory_space<hbm>>) dst(%arg18 : memref<40x16xf32, #tpu.memory_space<vmem>>)
      %dma_wait3A_257 = arith.constant 0 : i32
      %dma_wait3A_258 = tpu.memref_slice %arg14[%add3A_244, %dma_wait3A_257] : memref<250x40xi32, #tpu.memory_space<vmem>> -> memref<1x40xi32, #tpu.memory_space<vmem>>
      %dma_wait3A_259 = tpu.memref_squeeze %dma_wait3A_258 : memref<1x40xi32, #tpu.memory_space<vmem>> -> memref<40xi32, #tpu.memory_space<vmem>>
      %dma_wait3A_260 = arith.constant 0 : i32
      %dma_wait3A_261 = arith.constant 0 : i32
      %dma_wait3A_262 = tpu.memref_slice %arg4[%dma_wait3A_260, %dma_wait3A_261] : memref<10000x16xf32, #tpu.memory_space<hbm>> -> memref<10000x16xf32, #tpu.memory_space<hbm>>
      tpu.wait_indirect_dma semaphore(%arg24 : memref<!tpu.dma_semaphore, #tpu.memory_space<semaphore_mem>>) src(%dma_wait3A_262 : memref<10000x16xf32, #tpu.memory_space<hbm>>) dst(%arg20 : memref<40x16xf32, #tpu.memory_space<vmem>>)
      %ge3A_263 = arith.constant 1 : i32
      %ge3A_264 = arith.cmpi sge, %add3A_244, %ge3A_263 : i32
      %convert_element_type3A_265 = arith.extui %ge3A_264 : i1 to i32
      %cond3A_266 = arith.constant 0 : i32
      %cond3A_267 = arith.cmpi ne, %convert_element_type3A_265, %cond3A_266 : i32
      scf.if %cond3A_267 {
        %sub3A = arith.constant 1 : i32
        %sub3A_305 = arith.subi %add3A_244, %sub3A : i32
        %dma_wait3A_306 = arith.constant 0 : i32
        %dma_wait3A_307 = tpu.memref_slice %arg14[%sub3A_305, %dma_wait3A_306] : memref<250x40xi32, #tpu.memory_space<vmem>> -> memref<1x40xi32, #tpu.memory_space<vmem>>
        %dma_wait3A_308 = tpu.memref_squeeze %dma_wait3A_307 : memref<1x40xi32, #tpu.memory_space<vmem>> -> memref<40xi32, #tpu.memory_space<vmem>>
        %dma_wait3A_309 = arith.constant 0 : i32
        %dma_wait3A_310 = arith.constant 0 : i32
        %dma_wait3A_311 = tpu.memref_slice %arg21[%dma_wait3A_309, %dma_wait3A_310] : memref<10240x128xf32, #tpu.memory_space<vmem_shared>> -> memref<10240x128xf32, #tpu.memory_space<vmem_shared>>
        tpu.wait_indirect_dma semaphore(%arg25 : memref<!tpu.dma_semaphore, #tpu.memory_space<semaphore_mem>>) src(%arg15 : memref<40x128xf32, #tpu.memory_space<vmem>>) dst(%dma_wait3A_311 : memref<10240x128xf32, #tpu.memory_space<vmem_shared>>)
        %dma_wait3A_312 = arith.constant 0 : i32
        %dma_wait3A_313 = tpu.memref_slice %arg14[%sub3A_305, %dma_wait3A_312] : memref<250x40xi32, #tpu.memory_space<vmem>> -> memref<1x40xi32, #tpu.memory_space<vmem>>
        %dma_wait3A_314 = tpu.memref_squeeze %dma_wait3A_313 : memref<1x40xi32, #tpu.memory_space<vmem>> -> memref<40xi32, #tpu.memory_space<vmem>>
        %dma_wait3A_315 = arith.constant 0 : i32
        %dma_wait3A_316 = arith.constant 0 : i32
        %dma_wait3A_317 = tpu.memref_slice %arg22[%dma_wait3A_315, %dma_wait3A_316] : memref<10240x16xf32, #tpu.memory_space<vmem_shared>> -> memref<10240x16xf32, #tpu.memory_space<vmem_shared>>
        tpu.wait_indirect_dma semaphore(%arg25 : memref<!tpu.dma_semaphore, #tpu.memory_space<semaphore_mem>>) src(%arg17 : memref<40x16xf32, #tpu.memory_space<vmem>>) dst(%dma_wait3A_317 : memref<10240x16xf32, #tpu.memory_space<vmem_shared>>)
      } else {
      }
      %add3A_268 = arith.constant 1 : i32
      %add3A_269 = arith.addi %add3A_244, %add3A_268 : i32
      %dma_start3A_270 = arith.constant 0 : i32
      %dma_start3A_271 = tpu.memref_slice %arg13[%add3A_269, %dma_start3A_270] : memref<250x40xi32, #tpu.memory_space<vmem>> -> memref<1x40xi32, #tpu.memory_space<vmem>>
      %dma_start3A_272 = tpu.memref_squeeze %dma_start3A_271 : memref<1x40xi32, #tpu.memory_space<vmem>> -> memref<40xi32, #tpu.memory_space<vmem>>
      %dma_start3A_273 = arith.constant 0 : i32
      %dma_start3A_274 = arith.constant 0 : i32
      %dma_start3A_275 = tpu.memref_slice %arg2[%dma_start3A_273, %dma_start3A_274] : memref<10000x128xf32, #tpu.memory_space<hbm>> -> memref<10000x128xf32, #tpu.memory_space<hbm>>
      tpu.enqueue_indirect_dma source(%dma_start3A_275 : memref<10000x128xf32, #tpu.memory_space<hbm>>) target(%arg15 : memref<40x128xf32, #tpu.memory_space<vmem>>) offsets(%dma_start3A_272 : memref<40xi32, #tpu.memory_space<vmem>>) semaphore(%arg23 : memref<!tpu.dma_semaphore, #tpu.memory_space<semaphore_mem>>)
      %dma_start3A_276 = arith.constant 0 : i32
      %dma_start3A_277 = tpu.memref_slice %arg13[%add3A_269, %dma_start3A_276] : memref<250x40xi32, #tpu.memory_space<vmem>> -> memref<1x40xi32, #tpu.memory_space<vmem>>
      %dma_start3A_278 = tpu.memref_squeeze %dma_start3A_277 : memref<1x40xi32, #tpu.memory_space<vmem>> -> memref<40xi32, #tpu.memory_space<vmem>>
      %dma_start3A_279 = arith.constant 0 : i32
      %dma_start3A_280 = arith.constant 0 : i32
      %dma_start3A_281 = tpu.memref_slice %arg3[%dma_start3A_279, %dma_start3A_280] : memref<10000x16xf32, #tpu.memory_space<hbm>> -> memref<10000x16xf32, #tpu.memory_space<hbm>>
      tpu.enqueue_indirect_dma source(%dma_start3A_281 : memref<10000x16xf32, #tpu.memory_space<hbm>>) target(%arg17 : memref<40x16xf32, #tpu.memory_space<vmem>>) offsets(%dma_start3A_278 : memref<40xi32, #tpu.memory_space<vmem>>) semaphore(%arg23 : memref<!tpu.dma_semaphore, #tpu.memory_space<semaphore_mem>>)
      %dma_start3A_282 = arith.constant 0 : i32
      %dma_start3A_283 = tpu.memref_slice %arg14[%add3A_269, %dma_start3A_282] : memref<250x40xi32, #tpu.memory_space<vmem>> -> memref<1x40xi32, #tpu.memory_space<vmem>>
      %dma_start3A_284 = tpu.memref_squeeze %dma_start3A_283 : memref<1x40xi32, #tpu.memory_space<vmem>> -> memref<40xi32, #tpu.memory_space<vmem>>
      %dma_start3A_285 = arith.constant 0 : i32
      %dma_start3A_286 = arith.constant 0 : i32
      %dma_start3A_287 = tpu.memref_slice %arg4[%dma_start3A_285, %dma_start3A_286] : memref<10000x16xf32, #tpu.memory_space<hbm>> -> memref<10000x16xf32, #tpu.memory_space<hbm>>
      tpu.enqueue_indirect_dma source(%dma_start3A_287 : memref<10000x16xf32, #tpu.memory_space<hbm>>) target(%arg19 : memref<40x16xf32, #tpu.memory_space<vmem>>) offsets(%dma_start3A_284 : memref<40xi32, #tpu.memory_space<vmem>>) semaphore(%arg23 : memref<!tpu.dma_semaphore, #tpu.memory_space<semaphore_mem>>)
      %scan3A_288 = arith.constant 0 : i32
      %scan3A_289 = arith.constant 40 : i32
      %scan3A_290 = arith.addi %scan3A_288, %scan3A_289 : i32
      %scan3A_291 = arith.constant 1 : i32
      scf.for %scan3A_305 = %scan3A_288 to %scan3A_290 step %scan3A_291  : i32 {
        %mul3A_306 = arith.constant 1 : i32
        %mul3A_307 = arith.muli %scan3A_305, %mul3A_306 : i32
        %add3A_308 = arith.constant 0 : i32
        %add3A_309 = arith.addi %add3A_308, %mul3A_307 : i32
        %get3A = arith.index_cast %add3A_309 : i32 to index
        %get3A_310 = arith.constant 0 : index
        %get3A_311 = tpu.vector_load %arg18[%get3A, %get3A_310] {strides = array<i32>} : memref<40x16xf32, #tpu.memory_space<vmem>>, vector<1x16xf32>,
        %get3A_312 = vector.shape_cast %get3A_311 : vector<1x16xf32> to vector<16xf32>
        %get3A_313 = arith.index_cast %add3A_309 : i32 to index
        %get3A_314 = arith.constant 0 : index
        %get3A_315 = tpu.vector_load %arg20[%get3A_313, %get3A_314] {strides = array<i32>} : memref<40x16xf32, #tpu.memory_space<vmem>>, vector<1x16xf32>,
        %get3A_316 = vector.shape_cast %get3A_315 : vector<1x16xf32> to vector<16xf32>
        %add3A_317 = arith.addf %get3A_312, %get3A_316 : vector<16xf32>
        %ge3A_318 = arith.constant 0.000000e+00 : f32
        %ge3A_319 = vector.broadcast %ge3A_318 : f32 to vector<16xf32>
        %ge3A_320 = arith.cmpf oge, %add3A_317, %ge3A_319 : vector<16xf32>
        %mul3A_321 = arith.constant 2.000000e-01 : f32
        %mul3A_322 = vector.broadcast %mul3A_321 : f32 to vector<16xf32>
        %mul3A_323 = arith.mulf %mul3A_322, %add3A_317 : vector<16xf32>
        %select_n3A = arith.select %ge3A_320, %add3A_317, %mul3A_323 : vector<16xi1>, vector<16xf32>
        %exp3A = math.exp %select_n3A : vector<16xf32>
        %swap3A = arith.index_cast %add3A_309 : i32 to index
        %swap3A_324 = arith.constant 0 : index
        %swap3A_325 = tpu.vector_load %arg18[%swap3A, %swap3A_324] {strides = array<i32>} : memref<40x16xf32, #tpu.memory_space<vmem>>, vector<1x16xf32>,
        %swap3A_326 = vector.shape_cast %swap3A_325 : vector<1x16xf32> to vector<16xf32>
        %swap3A_327 = vector.shape_cast %exp3A : vector<16xf32> to vector<1x16xf32>
        tpu.vector_store %arg18[%swap3A, %swap3A_324], %swap3A_327 {strides = array<i32>} : memref<40x16xf32, #tpu.memory_space<vmem>>, vector<1x16xf32>,
        %broadcast_in_dim3A = arith.constant 0 : i32
        %broadcast_in_dim3A_328 = vector.broadcast %broadcast_in_dim3A : i32 to vector<16x1xi32>
        %gather3A = vector.shape_cast %broadcast_in_dim3A_328 : vector<16x1xi32> to vector<16xi32>
        %gather3A_329 = tpu.dynamic_gather %exp3A[%gather3A] in [0] : vector<16xf32>, vector<16xi32> -> vector<16xf32>
        %get3A_330 = arith.index_cast %add3A_309 : i32 to index
        %get3A_331 = arith.constant 0 : index
        %get3A_332 = tpu.vector_load %arg16[%get3A_330, %get3A_331] {strides = array<i32>} : memref<40x128xf32, #tpu.memory_space<vmem>>, vector<1x16xf32>,
        %get3A_333 = vector.shape_cast %get3A_332 : vector<1x16xf32> to vector<16xf32>
        %mul3A_334 = arith.mulf %get3A_333, %gather3A_329 : vector<16xf32>
        %swap3A_335 = arith.index_cast %add3A_309 : i32 to index
        %swap3A_336 = arith.constant 0 : index
        %swap3A_337 = tpu.vector_load %arg16[%swap3A_335, %swap3A_336] {strides = array<i32>} : memref<40x128xf32, #tpu.memory_space<vmem>>, vector<1x16xf32>,
        %swap3A_338 = vector.shape_cast %swap3A_337 : vector<1x16xf32> to vector<16xf32>
        %swap3A_339 = vector.shape_cast %mul3A_334 : vector<16xf32> to vector<1x16xf32>
        tpu.vector_store %arg16[%swap3A_335, %swap3A_336], %swap3A_339 {strides = array<i32>} : memref<40x128xf32, #tpu.memory_space<vmem>>, vector<1x16xf32>,
        %broadcast_in_dim3A_340 = arith.constant 1 : i32
        %broadcast_in_dim3A_341 = vector.broadcast %broadcast_in_dim3A_340 : i32 to vector<16x1xi32>
        %gather3A_342 = vector.shape_cast %broadcast_in_dim3A_341 : vector<16x1xi32> to vector<16xi32>
        %gather3A_343 = tpu.dynamic_gather %exp3A[%gather3A_342] in [0] : vector<16xf32>, vector<16xi32> -> vector<16xf32>
        %get3A_344 = arith.index_cast %add3A_309 : i32 to index
        %get3A_345 = arith.constant 16 : index
        %get3A_346 = tpu.vector_load %arg16[%get3A_344, %get3A_345] {strides = array<i32>} : memref<40x128xf32, #tpu.memory_space<vmem>>, vector<1x16xf32>,
        %get3A_347 = vector.shape_cast %get3A_346 : vector<1x16xf32> to vector<16xf32>
        %mul3A_348 = arith.mulf %get3A_347, %gather3A_343 : vector<16xf32>
        %swap3A_349 = arith.index_cast %add3A_309 : i32 to index
        %swap3A_350 = arith.constant 16 : index
        %swap3A_351 = tpu.vector_load %arg16[%swap3A_349, %swap3A_350] {strides = array<i32>} : memref<40x128xf32, #tpu.memory_space<vmem>>, vector<1x16xf32>,
        %swap3A_352 = vector.shape_cast %swap3A_351 : vector<1x16xf32> to vector<16xf32>
        %swap3A_353 = vector.shape_cast %mul3A_348 : vector<16xf32> to vector<1x16xf32>
        tpu.vector_store %arg16[%swap3A_349, %swap3A_350], %swap3A_353 {strides = array<i32>} : memref<40x128xf32, #tpu.memory_space<vmem>>, vector<1x16xf32>,
        %broadcast_in_dim3A_354 = arith.constant 2 : i32
        %broadcast_in_dim3A_355 = vector.broadcast %broadcast_in_dim3A_354 : i32 to vector<16x1xi32>
        %gather3A_356 = vector.shape_cast %broadcast_in_dim3A_355 : vector<16x1xi32> to vector<16xi32>
        %gather3A_357 = tpu.dynamic_gather %exp3A[%gather3A_356] in [0] : vector<16xf32>, vector<16xi32> -> vector<16xf32>
        %get3A_358 = arith.index_cast %add3A_309 : i32 to index
        %get3A_359 = arith.constant 32 : index
        %get3A_360 = tpu.vector_load %arg16[%get3A_358, %get3A_359] {strides = array<i32>} : memref<40x128xf32, #tpu.memory_space<vmem>>, vector<1x16xf32>,
        %get3A_361 = vector.shape_cast %get3A_360 : vector<1x16xf32> to vector<16xf32>
        %mul3A_362 = arith.mulf %get3A_361, %gather3A_357 : vector<16xf32>
        %swap3A_363 = arith.index_cast %add3A_309 : i32 to index
        %swap3A_364 = arith.constant 32 : index
        %swap3A_365 = tpu.vector_load %arg16[%swap3A_363, %swap3A_364] {strides = array<i32>} : memref<40x128xf32, #tpu.memory_space<vmem>>, vector<1x16xf32>,
        %swap3A_366 = vector.shape_cast %swap3A_365 : vector<1x16xf32> to vector<16xf32>
        %swap3A_367 = vector.shape_cast %mul3A_362 : vector<16xf32> to vector<1x16xf32>
        tpu.vector_store %arg16[%swap3A_363, %swap3A_364], %swap3A_367 {strides = array<i32>} : memref<40x128xf32, #tpu.memory_space<vmem>>, vector<1x16xf32>,
        %broadcast_in_dim3A_368 = arith.constant 3 : i32
        %broadcast_in_dim3A_369 = vector.broadcast %broadcast_in_dim3A_368 : i32 to vector<16x1xi32>
        %gather3A_370 = vector.shape_cast %broadcast_in_dim3A_369 : vector<16x1xi32> to vector<16xi32>
        %gather3A_371 = tpu.dynamic_gather %exp3A[%gather3A_370] in [0] : vector<16xf32>, vector<16xi32> -> vector<16xf32>
        %get3A_372 = arith.index_cast %add3A_309 : i32 to index
        %get3A_373 = arith.constant 48 : index
        %get3A_374 = tpu.vector_load %arg16[%get3A_372, %get3A_373] {strides = array<i32>} : memref<40x128xf32, #tpu.memory_space<vmem>>, vector<1x16xf32>,
        %get3A_375 = vector.shape_cast %get3A_374 : vector<1x16xf32> to vector<16xf32>
        %mul3A_376 = arith.mulf %get3A_375, %gather3A_371 : vector<16xf32>
        %swap3A_377 = arith.index_cast %add3A_309 : i32 to index
        %swap3A_378 = arith.constant 48 : index
        %swap3A_379 = tpu.vector_load %arg16[%swap3A_377, %swap3A_378] {strides = array<i32>} : memref<40x128xf32, #tpu.memory_space<vmem>>, vector<1x16xf32>,
        %swap3A_380 = vector.shape_cast %swap3A_379 : vector<1x16xf32> to vector<16xf32>
        %swap3A_381 = vector.shape_cast %mul3A_376 : vector<16xf32> to vector<1x16xf32>
        tpu.vector_store %arg16[%swap3A_377, %swap3A_378], %swap3A_381 {strides = array<i32>} : memref<40x128xf32, #tpu.memory_space<vmem>>, vector<1x16xf32>,
        %broadcast_in_dim3A_382 = arith.constant 4 : i32
        %broadcast_in_dim3A_383 = vector.broadcast %broadcast_in_dim3A_382 : i32 to vector<16x1xi32>
        %gather3A_384 = vector.shape_cast %broadcast_in_dim3A_383 : vector<16x1xi32> to vector<16xi32>
        %gather3A_385 = tpu.dynamic_gather %exp3A[%gather3A_384] in [0] : vector<16xf32>, vector<16xi32> -> vector<16xf32>
        %get3A_386 = arith.index_cast %add3A_309 : i32 to index
        %get3A_387 = arith.constant 64 : index
        %get3A_388 = tpu.vector_load %arg16[%get3A_386, %get3A_387] {strides = array<i32>} : memref<40x128xf32, #tpu.memory_space<vmem>>, vector<1x16xf32>,
        %get3A_389 = vector.shape_cast %get3A_388 : vector<1x16xf32> to vector<16xf32>
        %mul3A_390 = arith.mulf %get3A_389, %gather3A_385 : vector<16xf32>
        %swap3A_391 = arith.index_cast %add3A_309 : i32 to index
        %swap3A_392 = arith.constant 64 : index
        %swap3A_393 = tpu.vector_load %arg16[%swap3A_391, %swap3A_392] {strides = array<i32>} : memref<40x128xf32, #tpu.memory_space<vmem>>, vector<1x16xf32>,
        %swap3A_394 = vector.shape_cast %swap3A_393 : vector<1x16xf32> to vector<16xf32>
        %swap3A_395 = vector.shape_cast %mul3A_390 : vector<16xf32> to vector<1x16xf32>
        tpu.vector_store %arg16[%swap3A_391, %swap3A_392], %swap3A_395 {strides = array<i32>} : memref<40x128xf32, #tpu.memory_space<vmem>>, vector<1x16xf32>,
        %broadcast_in_dim3A_396 = arith.constant 5 : i32
        %broadcast_in_dim3A_397 = vector.broadcast %broadcast_in_dim3A_396 : i32 to vector<16x1xi32>
        %gather3A_398 = vector.shape_cast %broadcast_in_dim3A_397 : vector<16x1xi32> to vector<16xi32>
        %gather3A_399 = tpu.dynamic_gather %exp3A[%gather3A_398] in [0] : vector<16xf32>, vector<16xi32> -> vector<16xf32>
        %get3A_400 = arith.index_cast %add3A_309 : i32 to index
        %get3A_401 = arith.constant 80 : index
        %get3A_402 = tpu.vector_load %arg16[%get3A_400, %get3A_401] {strides = array<i32>} : memref<40x128xf32, #tpu.memory_space<vmem>>, vector<1x16xf32>,
        %get3A_403 = vector.shape_cast %get3A_402 : vector<1x16xf32> to vector<16xf32>
        %mul3A_404 = arith.mulf %get3A_403, %gather3A_399 : vector<16xf32>
        %swap3A_405 = arith.index_cast %add3A_309 : i32 to index
        %swap3A_406 = arith.constant 80 : index
        %swap3A_407 = tpu.vector_load %arg16[%swap3A_405, %swap3A_406] {strides = array<i32>} : memref<40x128xf32, #tpu.memory_space<vmem>>, vector<1x16xf32>,
        %swap3A_408 = vector.shape_cast %swap3A_407 : vector<1x16xf32> to vector<16xf32>
        %swap3A_409 = vector.shape_cast %mul3A_404 : vector<16xf32> to vector<1x16xf32>
        tpu.vector_store %arg16[%swap3A_405, %swap3A_406], %swap3A_409 {strides = array<i32>} : memref<40x128xf32, #tpu.memory_space<vmem>>, vector<1x16xf32>,
        %broadcast_in_dim3A_410 = arith.constant 6 : i32
        %broadcast_in_dim3A_411 = vector.broadcast %broadcast_in_dim3A_410 : i32 to vector<16x1xi32>
        %gather3A_412 = vector.shape_cast %broadcast_in_dim3A_411 : vector<16x1xi32> to vector<16xi32>
        %gather3A_413 = tpu.dynamic_gather %exp3A[%gather3A_412] in [0] : vector<16xf32>, vector<16xi32> -> vector<16xf32>
        %get3A_414 = arith.index_cast %add3A_309 : i32 to index
        %get3A_415 = arith.constant 96 : index
        %get3A_416 = tpu.vector_load %arg16[%get3A_414, %get3A_415] {strides = array<i32>} : memref<40x128xf32, #tpu.memory_space<vmem>>, vector<1x16xf32>,
        %get3A_417 = vector.shape_cast %get3A_416 : vector<1x16xf32> to vector<16xf32>
        %mul3A_418 = arith.mulf %get3A_417, %gather3A_413 : vector<16xf32>
        %swap3A_419 = arith.index_cast %add3A_309 : i32 to index
        %swap3A_420 = arith.constant 96 : index
        %swap3A_421 = tpu.vector_load %arg16[%swap3A_419, %swap3A_420] {strides = array<i32>} : memref<40x128xf32, #tpu.memory_space<vmem>>, vector<1x16xf32>,
        %swap3A_422 = vector.shape_cast %swap3A_421 : vector<1x16xf32> to vector<16xf32>
        %swap3A_423 = vector.shape_cast %mul3A_418 : vector<16xf32> to vector<1x16xf32>
        tpu.vector_store %arg16[%swap3A_419, %swap3A_420], %swap3A_423 {strides = array<i32>} : memref<40x128xf32, #tpu.memory_space<vmem>>, vector<1x16xf32>,
        %broadcast_in_dim3A_424 = arith.constant 7 : i32
        %broadcast_in_dim3A_425 = vector.broadcast %broadcast_in_dim3A_424 : i32 to vector<16x1xi32>
        %gather3A_426 = vector.shape_cast %broadcast_in_dim3A_425 : vector<16x1xi32> to vector<16xi32>
        %gather3A_427 = tpu.dynamic_gather %exp3A[%gather3A_426] in [0] : vector<16xf32>, vector<16xi32> -> vector<16xf32>
        %get3A_428 = arith.index_cast %add3A_309 : i32 to index
        %get3A_429 = arith.constant 112 : index
        %get3A_430 = tpu.vector_load %arg16[%get3A_428, %get3A_429] {strides = array<i32>} : memref<40x128xf32, #tpu.memory_space<vmem>>, vector<1x16xf32>,
        %get3A_431 = vector.shape_cast %get3A_430 : vector<1x16xf32> to vector<16xf32>
        %mul3A_432 = arith.mulf %get3A_431, %gather3A_427 : vector<16xf32>
        %swap3A_433 = arith.index_cast %add3A_309 : i32 to index
        %swap3A_434 = arith.constant 112 : index
        %swap3A_435 = tpu.vector_load %arg16[%swap3A_433, %swap3A_434] {strides = array<i32>} : memref<40x128xf32, #tpu.memory_space<vmem>>, vector<1x16xf32>,
        %swap3A_436 = vector.shape_cast %swap3A_435 : vector<1x16xf32> to vector<16xf32>
        %swap3A_437 = vector.shape_cast %mul3A_432 : vector<16xf32> to vector<1x16xf32>
        tpu.vector_store %arg16[%swap3A_433, %swap3A_434], %swap3A_437 {strides = array<i32>} : memref<40x128xf32, #tpu.memory_space<vmem>>, vector<1x16xf32>,
      }
      %scan3A_292 = arith.constant 40 : i32
      %dma_start3A_293 = arith.constant 0 : i32
      %dma_start3A_294 = tpu.memref_slice %arg14[%add3A_244, %dma_start3A_293] : memref<250x40xi32, #tpu.memory_space<vmem>> -> memref<1x40xi32, #tpu.memory_space<vmem>>
      %dma_start3A_295 = tpu.memref_squeeze %dma_start3A_294 : memref<1x40xi32, #tpu.memory_space<vmem>> -> memref<40xi32, #tpu.memory_space<vmem>>
      %dma_start3A_296 = arith.constant 0 : i32
      %dma_start3A_297 = arith.constant 0 : i32
      %dma_start3A_298 = tpu.memref_slice %arg21[%dma_start3A_296, %dma_start3A_297] : memref<10240x128xf32, #tpu.memory_space<vmem_shared>> -> memref<10240x128xf32, #tpu.memory_space<vmem_shared>>
      tpu.enqueue_indirect_dma source(%arg16 : memref<40x128xf32, #tpu.memory_space<vmem>>) target(%dma_start3A_298 : memref<10240x128xf32, #tpu.memory_space<vmem_shared>>) offsets(%dma_start3A_295 : memref<40xi32, #tpu.memory_space<vmem>>) semaphore(%arg26 : memref<!tpu.dma_semaphore, #tpu.memory_space<semaphore_mem>>) {add = true}
      %dma_start3A_299 = arith.constant 0 : i32
      %dma_start3A_300 = tpu.memref_slice %arg14[%add3A_244, %dma_start3A_299] : memref<250x40xi32, #tpu.memory_space<vmem>> -> memref<1x40xi32, #tpu.memory_space<vmem>>
      %dma_start3A_301 = tpu.memref_squeeze %dma_start3A_300 : memref<1x40xi32, #tpu.memory_space<vmem>> -> memref<40xi32, #tpu.memory_space<vmem>>
      %dma_start3A_302 = arith.constant 0 : i32
      %dma_start3A_303 = arith.constant 0 : i32
      %dma_start3A_304 = tpu.memref_slice %arg22[%dma_start3A_302, %dma_start3A_303] : memref<10240x16xf32, #tpu.memory_space<vmem_shared>> -> memref<10240x16xf32, #tpu.memory_space<vmem_shared>>
      tpu.enqueue_indirect_dma source(%arg18 : memref<40x16xf32, #tpu.memory_space<vmem>>) target(%dma_start3A_304 : memref<10240x16xf32, #tpu.memory_space<vmem_shared>>) offsets(%dma_start3A_301 : memref<40xi32, #tpu.memory_space<vmem>>) semaphore(%arg26 : memref<!tpu.dma_semaphore, #tpu.memory_space<semaphore_mem>>) {add = true}
    }
    %scan3A_26 = arith.constant 124 : i32
    %dma_wait3A = arith.constant 248 : i32
    %dma_wait3A_27 = arith.constant 0 : i32
    %dma_wait3A_28 = tpu.memref_slice %arg13[%dma_wait3A, %dma_wait3A_27] : memref<250x40xi32, #tpu.memory_space<vmem>> -> memref<1x40xi32, #tpu.memory_space<vmem>>
    %dma_wait3A_29 = tpu.memref_squeeze %dma_wait3A_28 : memref<1x40xi32, #tpu.memory_space<vmem>> -> memref<40xi32, #tpu.memory_space<vmem>>
    %dma_wait3A_30 = arith.constant 0 : i32
    %dma_wait3A_31 = arith.constant 0 : i32
    %dma_wait3A_32 = tpu.memref_slice %arg2[%dma_wait3A_30, %dma_wait3A_31] : memref<10000x128xf32, #tpu.memory_space<hbm>> -> memref<10000x128xf32, #tpu.memory_space<hbm>>
    tpu.wait_indirect_dma semaphore(%arg23 : memref<!tpu.dma_semaphore, #tpu.memory_space<semaphore_mem>>) src(%dma_wait3A_32 : memref<10000x128xf32, #tpu.memory_space<hbm>>) dst(%arg15 : memref<40x128xf32, #tpu.memory_space<vmem>>)
    %dma_wait3A_33 = arith.constant 248 : i32
    %dma_wait3A_34 = arith.constant 0 : i32
    %dma_wait3A_35 = tpu.memref_slice %arg13[%dma_wait3A_33, %dma_wait3A_34] : memref<250x40xi32, #tpu.memory_space<vmem>> -> memref<1x40xi32, #tpu.memory_space<vmem>>
    %dma_wait3A_36 = tpu.memref_squeeze %dma_wait3A_35 : memref<1x40xi32, #tpu.memory_space<vmem>> -> memref<40xi32, #tpu.memory_space<vmem>>
    %dma_wait3A_37 = arith.constant 0 : i32
    %dma_wait3A_38 = arith.constant 0 : i32
    %dma_wait3A_39 = tpu.memref_slice %arg3[%dma_wait3A_37, %dma_wait3A_38] : memref<10000x16xf32, #tpu.memory_space<hbm>> -> memref<10000x16xf32, #tpu.memory_space<hbm>>
    tpu.wait_indirect_dma semaphore(%arg23 : memref<!tpu.dma_semaphore, #tpu.memory_space<semaphore_mem>>) src(%dma_wait3A_39 : memref<10000x16xf32, #tpu.memory_space<hbm>>) dst(%arg17 : memref<40x16xf32, #tpu.memory_space<vmem>>)
    %dma_wait3A_40 = arith.constant 248 : i32
    %dma_wait3A_41 = arith.constant 0 : i32
    %dma_wait3A_42 = tpu.memref_slice %arg14[%dma_wait3A_40, %dma_wait3A_41] : memref<250x40xi32, #tpu.memory_space<vmem>> -> memref<1x40xi32, #tpu.memory_space<vmem>>
    %dma_wait3A_43 = tpu.memref_squeeze %dma_wait3A_42 : memref<1x40xi32, #tpu.memory_space<vmem>> -> memref<40xi32, #tpu.memory_space<vmem>>
    %dma_wait3A_44 = arith.constant 0 : i32
    %dma_wait3A_45 = arith.constant 0 : i32
    %dma_wait3A_46 = tpu.memref_slice %arg4[%dma_wait3A_44, %dma_wait3A_45] : memref<10000x16xf32, #tpu.memory_space<hbm>> -> memref<10000x16xf32, #tpu.memory_space<hbm>>
    tpu.wait_indirect_dma semaphore(%arg23 : memref<!tpu.dma_semaphore, #tpu.memory_space<semaphore_mem>>) src(%dma_wait3A_46 : memref<10000x16xf32, #tpu.memory_space<hbm>>) dst(%arg19 : memref<40x16xf32, #tpu.memory_space<vmem>>)
    %dma_wait3A_47 = arith.constant 247 : i32
    %dma_wait3A_48 = arith.constant 0 : i32
    %dma_wait3A_49 = tpu.memref_slice %arg14[%dma_wait3A_47, %dma_wait3A_48] : memref<250x40xi32, #tpu.memory_space<vmem>> -> memref<1x40xi32, #tpu.memory_space<vmem>>
    %dma_wait3A_50 = tpu.memref_squeeze %dma_wait3A_49 : memref<1x40xi32, #tpu.memory_space<vmem>> -> memref<40xi32, #tpu.memory_space<vmem>>
    %dma_wait3A_51 = arith.constant 0 : i32
    %dma_wait3A_52 = arith.constant 0 : i32
    %dma_wait3A_53 = tpu.memref_slice %arg21[%dma_wait3A_51, %dma_wait3A_52] : memref<10240x128xf32, #tpu.memory_space<vmem_shared>> -> memref<10240x128xf32, #tpu.memory_space<vmem_shared>>
    tpu.wait_indirect_dma semaphore(%arg26 : memref<!tpu.dma_semaphore, #tpu.memory_space<semaphore_mem>>) src(%arg16 : memref<40x128xf32, #tpu.memory_space<vmem>>) dst(%dma_wait3A_53 : memref<10240x128xf32, #tpu.memory_space<vmem_shared>>)
    %dma_wait3A_54 = arith.constant 247 : i32
    %dma_wait3A_55 = arith.constant 0 : i32
    %dma_wait3A_56 = tpu.memref_slice %arg14[%dma_wait3A_54, %dma_wait3A_55] : memref<250x40xi32, #tpu.memory_space<vmem>> -> memref<1x40xi32, #tpu.memory_space<vmem>>
    %dma_wait3A_57 = tpu.memref_squeeze %dma_wait3A_56 : memref<1x40xi32, #tpu.memory_space<vmem>> -> memref<40xi32, #tpu.memory_space<vmem>>
    %dma_wait3A_58 = arith.constant 0 : i32
    %dma_wait3A_59 = arith.constant 0 : i32
    %dma_wait3A_60 = tpu.memref_slice %arg22[%dma_wait3A_58, %dma_wait3A_59] : memref<10240x16xf32, #tpu.memory_space<vmem_shared>> -> memref<10240x16xf32, #tpu.memory_space<vmem_shared>>
    tpu.wait_indirect_dma semaphore(%arg26 : memref<!tpu.dma_semaphore, #tpu.memory_space<semaphore_mem>>) src(%arg18 : memref<40x16xf32, #tpu.memory_space<vmem>>) dst(%dma_wait3A_60 : memref<10240x16xf32, #tpu.memory_space<vmem_shared>>)
    %dma_start3A_61 = arith.constant 249 : i32
    %dma_start3A_62 = arith.constant 0 : i32
    %dma_start3A_63 = tpu.memref_slice %arg13[%dma_start3A_61, %dma_start3A_62] : memref<250x40xi32, #tpu.memory_space<vmem>> -> memref<1x40xi32, #tpu.memory_space<vmem>>
    %dma_start3A_64 = tpu.memref_squeeze %dma_start3A_63 : memref<1x40xi32, #tpu.memory_space<vmem>> -> memref<40xi32, #tpu.memory_space<vmem>>
    %dma_start3A_65 = arith.constant 0 : i32
    %dma_start3A_66 = arith.constant 0 : i32
    %dma_start3A_67 = tpu.memref_slice %arg2[%dma_start3A_65, %dma_start3A_66] : memref<10000x128xf32, #tpu.memory_space<hbm>> -> memref<10000x128xf32, #tpu.memory_space<hbm>>
    tpu.enqueue_indirect_dma source(%dma_start3A_67 : memref<10000x128xf32, #tpu.memory_space<hbm>>) target(%arg16 : memref<40x128xf32, #tpu.memory_space<vmem>>) offsets(%dma_start3A_64 : memref<40xi32, #tpu.memory_space<vmem>>) semaphore(%arg24 : memref<!tpu.dma_semaphore, #tpu.memory_space<semaphore_mem>>)
    %dma_start3A_68 = arith.constant 249 : i32
    %dma_start3A_69 = arith.constant 0 : i32
    %dma_start3A_70 = tpu.memref_slice %arg13[%dma_start3A_68, %dma_start3A_69] : memref<250x40xi32, #tpu.memory_space<vmem>> -> memref<1x40xi32, #tpu.memory_space<vmem>>
    %dma_start3A_71 = tpu.memref_squeeze %dma_start3A_70 : memref<1x40xi32, #tpu.memory_space<vmem>> -> memref<40xi32, #tpu.memory_space<vmem>>
    %dma_start3A_72 = arith.constant 0 : i32
    %dma_start3A_73 = arith.constant 0 : i32
    %dma_start3A_74 = tpu.memref_slice %arg3[%dma_start3A_72, %dma_start3A_73] : memref<10000x16xf32, #tpu.memory_space<hbm>> -> memref<10000x16xf32, #tpu.memory_space<hbm>>
    tpu.enqueue_indirect_dma source(%dma_start3A_74 : memref<10000x16xf32, #tpu.memory_space<hbm>>) target(%arg18 : memref<40x16xf32, #tpu.memory_space<vmem>>) offsets(%dma_start3A_71 : memref<40xi32, #tpu.memory_space<vmem>>) semaphore(%arg24 : memref<!tpu.dma_semaphore, #tpu.memory_space<semaphore_mem>>)
    %dma_start3A_75 = arith.constant 249 : i32
    %dma_start3A_76 = arith.constant 0 : i32
    %dma_start3A_77 = tpu.memref_slice %arg14[%dma_start3A_75, %dma_start3A_76] : memref<250x40xi32, #tpu.memory_space<vmem>> -> memref<1x40xi32, #tpu.memory_space<vmem>>
    %dma_start3A_78 = tpu.memref_squeeze %dma_start3A_77 : memref<1x40xi32, #tpu.memory_space<vmem>> -> memref<40xi32, #tpu.memory_space<vmem>>
    %dma_start3A_79 = arith.constant 0 : i32
    %dma_start3A_80 = arith.constant 0 : i32
    %dma_start3A_81 = tpu.memref_slice %arg4[%dma_start3A_79, %dma_start3A_80] : memref<10000x16xf32, #tpu.memory_space<hbm>> -> memref<10000x16xf32, #tpu.memory_space<hbm>>
    tpu.enqueue_indirect_dma source(%dma_start3A_81 : memref<10000x16xf32, #tpu.memory_space<hbm>>) target(%arg20 : memref<40x16xf32, #tpu.memory_space<vmem>>) offsets(%dma_start3A_78 : memref<40xi32, #tpu.memory_space<vmem>>) semaphore(%arg24 : memref<!tpu.dma_semaphore, #tpu.memory_space<semaphore_mem>>)
    %scan3A_82 = arith.constant 0 : i32
    %scan3A_83 = arith.constant 40 : i32
    %scan3A_84 = arith.addi %scan3A_82, %scan3A_83 : i32
    %scan3A_85 = arith.constant 1 : i32
    scf.for %scan3A_177 = %scan3A_82 to %scan3A_84 step %scan3A_85  : i32 {
      %mul3A_178 = arith.constant 1 : i32
      %mul3A_179 = arith.muli %scan3A_177, %mul3A_178 : i32
      %add3A_180 = arith.constant 0 : i32
      %add3A_181 = arith.addi %add3A_180, %mul3A_179 : i32
      %get3A = arith.index_cast %add3A_181 : i32 to index
      %get3A_182 = arith.constant 0 : index
      %get3A_183 = tpu.vector_load %arg17[%get3A, %get3A_182] {strides = array<i32>} : memref<40x16xf32, #tpu.memory_space<vmem>>, vector<1x16xf32>,
      %get3A_184 = vector.shape_cast %get3A_183 : vector<1x16xf32> to vector<16xf32>
      %get3A_185 = arith.index_cast %add3A_181 : i32 to index
      %get3A_186 = arith.constant 0 : index
      %get3A_187 = tpu.vector_load %arg19[%get3A_185, %get3A_186] {strides = array<i32>} : memref<40x16xf32, #tpu.memory_space<vmem>>, vector<1x16xf32>,
      %get3A_188 = vector.shape_cast %get3A_187 : vector<1x16xf32> to vector<16xf32>
      %add3A_189 = arith.addf %get3A_184, %get3A_188 : vector<16xf32>
      %ge3A = arith.constant 0.000000e+00 : f32
      %ge3A_190 = vector.broadcast %ge3A : f32 to vector<16xf32>
      %ge3A_191 = arith.cmpf oge, %add3A_189, %ge3A_190 : vector<16xf32>
      %mul3A_192 = arith.constant 2.000000e-01 : f32
      %mul3A_193 = vector.broadcast %mul3A_192 : f32 to vector<16xf32>
      %mul3A_194 = arith.mulf %mul3A_193, %add3A_189 : vector<16xf32>
      %select_n3A = arith.select %ge3A_191, %add3A_189, %mul3A_194 : vector<16xi1>, vector<16xf32>
      %exp3A = math.exp %select_n3A : vector<16xf32>
      %swap3A = arith.index_cast %add3A_181 : i32 to index
      %swap3A_195 = arith.constant 0 : index
      %swap3A_196 = tpu.vector_load %arg17[%swap3A, %swap3A_195] {strides = array<i32>} : memref<40x16xf32, #tpu.memory_space<vmem>>, vector<1x16xf32>,
      %swap3A_197 = vector.shape_cast %swap3A_196 : vector<1x16xf32> to vector<16xf32>
      %swap3A_198 = vector.shape_cast %exp3A : vector<16xf32> to vector<1x16xf32>
      tpu.vector_store %arg17[%swap3A, %swap3A_195], %swap3A_198 {strides = array<i32>} : memref<40x16xf32, #tpu.memory_space<vmem>>, vector<1x16xf32>,
      %broadcast_in_dim3A = arith.constant 0 : i32
      %broadcast_in_dim3A_199 = vector.broadcast %broadcast_in_dim3A : i32 to vector<16x1xi32>
      %gather3A = vector.shape_cast %broadcast_in_dim3A_199 : vector<16x1xi32> to vector<16xi32>
      %gather3A_200 = tpu.dynamic_gather %exp3A[%gather3A] in [0] : vector<16xf32>, vector<16xi32> -> vector<16xf32>
      %get3A_201 = arith.index_cast %add3A_181 : i32 to index
      %get3A_202 = arith.constant 0 : index
      %get3A_203 = tpu.vector_load %arg15[%get3A_201, %get3A_202] {strides = array<i32>} : memref<40x128xf32, #tpu.memory_space<vmem>>, vector<1x16xf32>,
      %get3A_204 = vector.shape_cast %get3A_203 : vector<1x16xf32> to vector<16xf32>
      %mul3A_205 = arith.mulf %get3A_204, %gather3A_200 : vector<16xf32>
      %swap3A_206 = arith.index_cast %add3A_181 : i32 to index
      %swap3A_207 = arith.constant 0 : index
      %swap3A_208 = tpu.vector_load %arg15[%swap3A_206, %swap3A_207] {strides = array<i32>} : memref<40x128xf32, #tpu.memory_space<vmem>>, vector<1x16xf32>,
      %swap3A_209 = vector.shape_cast %swap3A_208 : vector<1x16xf32> to vector<16xf32>
      %swap3A_210 = vector.shape_cast %mul3A_205 : vector<16xf32> to vector<1x16xf32>
      tpu.vector_store %arg15[%swap3A_206, %swap3A_207], %swap3A_210 {strides = array<i32>} : memref<40x128xf32, #tpu.memory_space<vmem>>, vector<1x16xf32>,
      %broadcast_in_dim3A_211 = arith.constant 1 : i32
      %broadcast_in_dim3A_212 = vector.broadcast %broadcast_in_dim3A_211 : i32 to vector<16x1xi32>
      %gather3A_213 = vector.shape_cast %broadcast_in_dim3A_212 : vector<16x1xi32> to vector<16xi32>
      %gather3A_214 = tpu.dynamic_gather %exp3A[%gather3A_213] in [0] : vector<16xf32>, vector<16xi32> -> vector<16xf32>
      %get3A_215 = arith.index_cast %add3A_181 : i32 to index
      %get3A_216 = arith.constant 16 : index
      %get3A_217 = tpu.vector_load %arg15[%get3A_215, %get3A_216] {strides = array<i32>} : memref<40x128xf32, #tpu.memory_space<vmem>>, vector<1x16xf32>,
      %get3A_218 = vector.shape_cast %get3A_217 : vector<1x16xf32> to vector<16xf32>
      %mul3A_219 = arith.mulf %get3A_218, %gather3A_214 : vector<16xf32>
      %swap3A_220 = arith.index_cast %add3A_181 : i32 to index
      %swap3A_221 = arith.constant 16 : index
      %swap3A_222 = tpu.vector_load %arg15[%swap3A_220, %swap3A_221] {strides = array<i32>} : memref<40x128xf32, #tpu.memory_space<vmem>>, vector<1x16xf32>,
      %swap3A_223 = vector.shape_cast %swap3A_222 : vector<1x16xf32> to vector<16xf32>
      %swap3A_224 = vector.shape_cast %mul3A_219 : vector<16xf32> to vector<1x16xf32>
      tpu.vector_store %arg15[%swap3A_220, %swap3A_221], %swap3A_224 {strides = array<i32>} : memref<40x128xf32, #tpu.memory_space<vmem>>, vector<1x16xf32>,
      %broadcast_in_dim3A_225 = arith.constant 2 : i32
      %broadcast_in_dim3A_226 = vector.broadcast %broadcast_in_dim3A_225 : i32 to vector<16x1xi32>
      %gather3A_227 = vector.shape_cast %broadcast_in_dim3A_226 : vector<16x1xi32> to vector<16xi32>
      %gather3A_228 = tpu.dynamic_gather %exp3A[%gather3A_227] in [0] : vector<16xf32>, vector<16xi32> -> vector<16xf32>
      %get3A_229 = arith.index_cast %add3A_181 : i32 to index
      %get3A_230 = arith.constant 32 : index
      %get3A_231 = tpu.vector_load %arg15[%get3A_229, %get3A_230] {strides = array<i32>} : memref<40x128xf32, #tpu.memory_space<vmem>>, vector<1x16xf32>,
      %get3A_232 = vector.shape_cast %get3A_231 : vector<1x16xf32> to vector<16xf32>
      %mul3A_233 = arith.mulf %get3A_232, %gather3A_228 : vector<16xf32>
      %swap3A_234 = arith.index_cast %add3A_181 : i32 to index
      %swap3A_235 = arith.constant 32 : index
      %swap3A_236 = tpu.vector_load %arg15[%swap3A_234, %swap3A_235] {strides = array<i32>} : memref<40x128xf32, #tpu.memory_space<vmem>>, vector<1x16xf32>,
      %swap3A_237 = vector.shape_cast %swap3A_236 : vector<1x16xf32> to vector<16xf32>
      %swap3A_238 = vector.shape_cast %mul3A_233 : vector<16xf32> to vector<1x16xf32>
      tpu.vector_store %arg15[%swap3A_234, %swap3A_235], %swap3A_238 {strides = array<i32>} : memref<40x128xf32, #tpu.memory_space<vmem>>, vector<1x16xf32>,
      %broadcast_in_dim3A_239 = arith.constant 3 : i32
      %broadcast_in_dim3A_240 = vector.broadcast %broadcast_in_dim3A_239 : i32 to vector<16x1xi32>
      %gather3A_241 = vector.shape_cast %broadcast_in_dim3A_240 : vector<16x1xi32> to vector<16xi32>
      %gather3A_242 = tpu.dynamic_gather %exp3A[%gather3A_241] in [0] : vector<16xf32>, vector<16xi32> -> vector<16xf32>
      %get3A_243 = arith.index_cast %add3A_181 : i32 to index
      %get3A_244 = arith.constant 48 : index
      %get3A_245 = tpu.vector_load %arg15[%get3A_243, %get3A_244] {strides = array<i32>} : memref<40x128xf32, #tpu.memory_space<vmem>>, vector<1x16xf32>,
      %get3A_246 = vector.shape_cast %get3A_245 : vector<1x16xf32> to vector<16xf32>
      %mul3A_247 = arith.mulf %get3A_246, %gather3A_242 : vector<16xf32>
      %swap3A_248 = arith.index_cast %add3A_181 : i32 to index
      %swap3A_249 = arith.constant 48 : index
      %swap3A_250 = tpu.vector_load %arg15[%swap3A_248, %swap3A_249] {strides = array<i32>} : memref<40x128xf32, #tpu.memory_space<vmem>>, vector<1x16xf32>,
      %swap3A_251 = vector.shape_cast %swap3A_250 : vector<1x16xf32> to vector<16xf32>
      %swap3A_252 = vector.shape_cast %mul3A_247 : vector<16xf32> to vector<1x16xf32>
      tpu.vector_store %arg15[%swap3A_248, %swap3A_249], %swap3A_252 {strides = array<i32>} : memref<40x128xf32, #tpu.memory_space<vmem>>, vector<1x16xf32>,
      %broadcast_in_dim3A_253 = arith.constant 4 : i32
      %broadcast_in_dim3A_254 = vector.broadcast %broadcast_in_dim3A_253 : i32 to vector<16x1xi32>
      %gather3A_255 = vector.shape_cast %broadcast_in_dim3A_254 : vector<16x1xi32> to vector<16xi32>
      %gather3A_256 = tpu.dynamic_gather %exp3A[%gather3A_255] in [0] : vector<16xf32>, vector<16xi32> -> vector<16xf32>
      %get3A_257 = arith.index_cast %add3A_181 : i32 to index
      %get3A_258 = arith.constant 64 : index
      %get3A_259 = tpu.vector_load %arg15[%get3A_257, %get3A_258] {strides = array<i32>} : memref<40x128xf32, #tpu.memory_space<vmem>>, vector<1x16xf32>,
      %get3A_260 = vector.shape_cast %get3A_259 : vector<1x16xf32> to vector<16xf32>
      %mul3A_261 = arith.mulf %get3A_260, %gather3A_256 : vector<16xf32>
      %swap3A_262 = arith.index_cast %add3A_181 : i32 to index
      %swap3A_263 = arith.constant 64 : index
      %swap3A_264 = tpu.vector_load %arg15[%swap3A_262, %swap3A_263] {strides = array<i32>} : memref<40x128xf32, #tpu.memory_space<vmem>>, vector<1x16xf32>,
      %swap3A_265 = vector.shape_cast %swap3A_264 : vector<1x16xf32> to vector<16xf32>
      %swap3A_266 = vector.shape_cast %mul3A_261 : vector<16xf32> to vector<1x16xf32>
      tpu.vector_store %arg15[%swap3A_262, %swap3A_263], %swap3A_266 {strides = array<i32>} : memref<40x128xf32, #tpu.memory_space<vmem>>, vector<1x16xf32>,
      %broadcast_in_dim3A_267 = arith.constant 5 : i32
      %broadcast_in_dim3A_268 = vector.broadcast %broadcast_in_dim3A_267 : i32 to vector<16x1xi32>
      %gather3A_269 = vector.shape_cast %broadcast_in_dim3A_268 : vector<16x1xi32> to vector<16xi32>
      %gather3A_270 = tpu.dynamic_gather %exp3A[%gather3A_269] in [0] : vector<16xf32>, vector<16xi32> -> vector<16xf32>
      %get3A_271 = arith.index_cast %add3A_181 : i32 to index
      %get3A_272 = arith.constant 80 : index
      %get3A_273 = tpu.vector_load %arg15[%get3A_271, %get3A_272] {strides = array<i32>} : memref<40x128xf32, #tpu.memory_space<vmem>>, vector<1x16xf32>,
      %get3A_274 = vector.shape_cast %get3A_273 : vector<1x16xf32> to vector<16xf32>
      %mul3A_275 = arith.mulf %get3A_274, %gather3A_270 : vector<16xf32>
      %swap3A_276 = arith.index_cast %add3A_181 : i32 to index
      %swap3A_277 = arith.constant 80 : index
      %swap3A_278 = tpu.vector_load %arg15[%swap3A_276, %swap3A_277] {strides = array<i32>} : memref<40x128xf32, #tpu.memory_space<vmem>>, vector<1x16xf32>,
      %swap3A_279 = vector.shape_cast %swap3A_278 : vector<1x16xf32> to vector<16xf32>
      %swap3A_280 = vector.shape_cast %mul3A_275 : vector<16xf32> to vector<1x16xf32>
      tpu.vector_store %arg15[%swap3A_276, %swap3A_277], %swap3A_280 {strides = array<i32>} : memref<40x128xf32, #tpu.memory_space<vmem>>, vector<1x16xf32>,
      %broadcast_in_dim3A_281 = arith.constant 6 : i32
      %broadcast_in_dim3A_282 = vector.broadcast %broadcast_in_dim3A_281 : i32 to vector<16x1xi32>
      %gather3A_283 = vector.shape_cast %broadcast_in_dim3A_282 : vector<16x1xi32> to vector<16xi32>
      %gather3A_284 = tpu.dynamic_gather %exp3A[%gather3A_283] in [0] : vector<16xf32>, vector<16xi32> -> vector<16xf32>
      %get3A_285 = arith.index_cast %add3A_181 : i32 to index
      %get3A_286 = arith.constant 96 : index
      %get3A_287 = tpu.vector_load %arg15[%get3A_285, %get3A_286] {strides = array<i32>} : memref<40x128xf32, #tpu.memory_space<vmem>>, vector<1x16xf32>,
      %get3A_288 = vector.shape_cast %get3A_287 : vector<1x16xf32> to vector<16xf32>
      %mul3A_289 = arith.mulf %get3A_288, %gather3A_284 : vector<16xf32>
      %swap3A_290 = arith.index_cast %add3A_181 : i32 to index
      %swap3A_291 = arith.constant 96 : index
      %swap3A_292 = tpu.vector_load %arg15[%swap3A_290, %swap3A_291] {strides = array<i32>} : memref<40x128xf32, #tpu.memory_space<vmem>>, vector<1x16xf32>,
      %swap3A_293 = vector.shape_cast %swap3A_292 : vector<1x16xf32> to vector<16xf32>
      %swap3A_294 = vector.shape_cast %mul3A_289 : vector<16xf32> to vector<1x16xf32>
      tpu.vector_store %arg15[%swap3A_290, %swap3A_291], %swap3A_294 {strides = array<i32>} : memref<40x128xf32, #tpu.memory_space<vmem>>, vector<1x16xf32>,
      %broadcast_in_dim3A_295 = arith.constant 7 : i32
      %broadcast_in_dim3A_296 = vector.broadcast %broadcast_in_dim3A_295 : i32 to vector<16x1xi32>
      %gather3A_297 = vector.shape_cast %broadcast_in_dim3A_296 : vector<16x1xi32> to vector<16xi32>
      %gather3A_298 = tpu.dynamic_gather %exp3A[%gather3A_297] in [0] : vector<16xf32>, vector<16xi32> -> vector<16xf32>
      %get3A_299 = arith.index_cast %add3A_181 : i32 to index
      %get3A_300 = arith.constant 112 : index
      %get3A_301 = tpu.vector_load %arg15[%get3A_299, %get3A_300] {strides = array<i32>} : memref<40x128xf32, #tpu.memory_space<vmem>>, vector<1x16xf32>,
      %get3A_302 = vector.shape_cast %get3A_301 : vector<1x16xf32> to vector<16xf32>
      %mul3A_303 = arith.mulf %get3A_302, %gather3A_298 : vector<16xf32>
      %swap3A_304 = arith.index_cast %add3A_181 : i32 to index
      %swap3A_305 = arith.constant 112 : index
      %swap3A_306 = tpu.vector_load %arg15[%swap3A_304, %swap3A_305] {strides = array<i32>} : memref<40x128xf32, #tpu.memory_space<vmem>>, vector<1x16xf32>,
      %swap3A_307 = vector.shape_cast %swap3A_306 : vector<1x16xf32> to vector<16xf32>
      %swap3A_308 = vector.shape_cast %mul3A_303 : vector<16xf32> to vector<1x16xf32>
      tpu.vector_store %arg15[%swap3A_304, %swap3A_305], %swap3A_308 {strides = array<i32>} : memref<40x128xf32, #tpu.memory_space<vmem>>, vector<1x16xf32>,
    }
    %scan3A_86 = arith.constant 40 : i32
    %dma_start3A_87 = arith.constant 248 : i32
    %dma_start3A_88 = arith.constant 0 : i32
    %dma_start3A_89 = tpu.memref_slice %arg14[%dma_start3A_87, %dma_start3A_88] : memref<250x40xi32, #tpu.memory_space<vmem>> -> memref<1x40xi32, #tpu.memory_space<vmem>>
    %dma_start3A_90 = tpu.memref_squeeze %dma_start3A_89 : memref<1x40xi32, #tpu.memory_space<vmem>> -> memref<40xi32, #tpu.memory_space<vmem>>
    %dma_start3A_91 = arith.constant 0 : i32
    %dma_start3A_92 = arith.constant 0 : i32
    %dma_start3A_93 = tpu.memref_slice %arg21[%dma_start3A_91, %dma_start3A_92] : memref<10240x128xf32, #tpu.memory_space<vmem_shared>> -> memref<10240x128xf32, #tpu.memory_space<vmem_shared>>
    tpu.enqueue_indirect_dma source(%arg15 : memref<40x128xf32, #tpu.memory_space<vmem>>) target(%dma_start3A_93 : memref<10240x128xf32, #tpu.memory_space<vmem_shared>>) offsets(%dma_start3A_90 : memref<40xi32, #tpu.memory_space<vmem>>) semaphore(%arg25 : memref<!tpu.dma_semaphore, #tpu.memory_space<semaphore_mem>>) {add = true}
    %dma_start3A_94 = arith.constant 248 : i32
    %dma_start3A_95 = arith.constant 0 : i32
    %dma_start3A_96 = tpu.memref_slice %arg14[%dma_start3A_94, %dma_start3A_95] : memref<250x40xi32, #tpu.memory_space<vmem>> -> memref<1x40xi32, #tpu.memory_space<vmem>>
    %dma_start3A_97 = tpu.memref_squeeze %dma_start3A_96 : memref<1x40xi32, #tpu.memory_space<vmem>> -> memref<40xi32, #tpu.memory_space<vmem>>
    %dma_start3A_98 = arith.constant 0 : i32
    %dma_start3A_99 = arith.constant 0 : i32
    %dma_start3A_100 = tpu.memref_slice %arg22[%dma_start3A_98, %dma_start3A_99] : memref<10240x16xf32, #tpu.memory_space<vmem_shared>> -> memref<10240x16xf32, #tpu.memory_space<vmem_shared>>
    tpu.enqueue_indirect_dma source(%arg17 : memref<40x16xf32, #tpu.memory_space<vmem>>) target(%dma_start3A_100 : memref<10240x16xf32, #tpu.memory_space<vmem_shared>>) offsets(%dma_start3A_97 : memref<40xi32, #tpu.memory_space<vmem>>) semaphore(%arg25 : memref<!tpu.dma_semaphore, #tpu.memory_space<semaphore_mem>>) {add = true}
    %dma_wait3A_101 = arith.constant 249 : i32
    %dma_wait3A_102 = arith.constant 0 : i32
    %dma_wait3A_103 = tpu.memref_slice %arg13[%dma_wait3A_101, %dma_wait3A_102] : memref<250x40xi32, #tpu.memory_space<vmem>> -> memref<1x40xi32, #tpu.memory_space<vmem>>
    %dma_wait3A_104 = tpu.memref_squeeze %dma_wait3A_103 : memref<1x40xi32, #tpu.memory_space<vmem>> -> memref<40xi32, #tpu.memory_space<vmem>>
    %dma_wait3A_105 = arith.constant 0 : i32
    %dma_wait3A_106 = arith.constant 0 : i32
    %dma_wait3A_107 = tpu.memref_slice %arg2[%dma_wait3A_105, %dma_wait3A_106] : memref<10000x128xf32, #tpu.memory_space<hbm>> -> memref<10000x128xf32, #tpu.memory_space<hbm>>
    tpu.wait_indirect_dma semaphore(%arg24 : memref<!tpu.dma_semaphore, #tpu.memory_space<semaphore_mem>>) src(%dma_wait3A_107 : memref<10000x128xf32, #tpu.memory_space<hbm>>) dst(%arg16 : memref<40x128xf32, #tpu.memory_space<vmem>>)
    %dma_wait3A_108 = arith.constant 249 : i32
    %dma_wait3A_109 = arith.constant 0 : i32
    %dma_wait3A_110 = tpu.memref_slice %arg13[%dma_wait3A_108, %dma_wait3A_109] : memref<250x40xi32, #tpu.memory_space<vmem>> -> memref<1x40xi32, #tpu.memory_space<vmem>>
    %dma_wait3A_111 = tpu.memref_squeeze %dma_wait3A_110 : memref<1x40xi32, #tpu.memory_space<vmem>> -> memref<40xi32, #tpu.memory_space<vmem>>
    %dma_wait3A_112 = arith.constant 0 : i32
    %dma_wait3A_113 = arith.constant 0 : i32
    %dma_wait3A_114 = tpu.memref_slice %arg3[%dma_wait3A_112, %dma_wait3A_113] : memref<10000x16xf32, #tpu.memory_space<hbm>> -> memref<10000x16xf32, #tpu.memory_space<hbm>>
    tpu.wait_indirect_dma semaphore(%arg24 : memref<!tpu.dma_semaphore, #tpu.memory_space<semaphore_mem>>) src(%dma_wait3A_114 : memref<10000x16xf32, #tpu.memory_space<hbm>>) dst(%arg18 : memref<40x16xf32, #tpu.memory_space<vmem>>)
    %dma_wait3A_115 = arith.constant 249 : i32
    %dma_wait3A_116 = arith.constant 0 : i32
    %dma_wait3A_117 = tpu.memref_slice %arg14[%dma_wait3A_115, %dma_wait3A_116] : memref<250x40xi32, #tpu.memory_space<vmem>> -> memref<1x40xi32, #tpu.memory_space<vmem>>
    %dma_wait3A_118 = tpu.memref_squeeze %dma_wait3A_117 : memref<1x40xi32, #tpu.memory_space<vmem>> -> memref<40xi32, #tpu.memory_space<vmem>>
    %dma_wait3A_119 = arith.constant 0 : i32
    %dma_wait3A_120 = arith.constant 0 : i32
    %dma_wait3A_121 = tpu.memref_slice %arg4[%dma_wait3A_119, %dma_wait3A_120] : memref<10000x16xf32, #tpu.memory_space<hbm>> -> memref<10000x16xf32, #tpu.memory_space<hbm>>
    tpu.wait_indirect_dma semaphore(%arg24 : memref<!tpu.dma_semaphore, #tpu.memory_space<semaphore_mem>>) src(%dma_wait3A_121 : memref<10000x16xf32, #tpu.memory_space<hbm>>) dst(%arg20 : memref<40x16xf32, #tpu.memory_space<vmem>>)
    %dma_wait3A_122 = arith.constant 248 : i32
    %dma_wait3A_123 = arith.constant 0 : i32
    %dma_wait3A_124 = tpu.memref_slice %arg14[%dma_wait3A_122, %dma_wait3A_123] : memref<250x40xi32, #tpu.memory_space<vmem>> -> memref<1x40xi32, #tpu.memory_space<vmem>>
    %dma_wait3A_125 = tpu.memref_squeeze %dma_wait3A_124 : memref<1x40xi32, #tpu.memory_space<vmem>> -> memref<40xi32, #tpu.memory_space<vmem>>
    %dma_wait3A_126 = arith.constant 0 : i32
    %dma_wait3A_127 = arith.constant 0 : i32
    %dma_wait3A_128 = tpu.memref_slice %arg21[%dma_wait3A_126, %dma_wait3A_127] : memref<10240x128xf32, #tpu.memory_space<vmem_shared>> -> memref<10240x128xf32, #tpu.memory_space<vmem_shared>>
    tpu.wait_indirect_dma semaphore(%arg25 : memref<!tpu.dma_semaphore, #tpu.memory_space<semaphore_mem>>) src(%arg15 : memref<40x128xf32, #tpu.memory_space<vmem>>) dst(%dma_wait3A_128 : memref<10240x128xf32, #tpu.memory_space<vmem_shared>>)
    %dma_wait3A_129 = arith.constant 248 : i32
    %dma_wait3A_130 = arith.constant 0 : i32
    %dma_wait3A_131 = tpu.memref_slice %arg14[%dma_wait3A_129, %dma_wait3A_130] : memref<250x40xi32, #tpu.memory_space<vmem>> -> memref<1x40xi32, #tpu.memory_space<vmem>>
    %dma_wait3A_132 = tpu.memref_squeeze %dma_wait3A_131 : memref<1x40xi32, #tpu.memory_space<vmem>> -> memref<40xi32, #tpu.memory_space<vmem>>
    %dma_wait3A_133 = arith.constant 0 : i32
    %dma_wait3A_134 = arith.constant 0 : i32
    %dma_wait3A_135 = tpu.memref_slice %arg22[%dma_wait3A_133, %dma_wait3A_134] : memref<10240x16xf32, #tpu.memory_space<vmem_shared>> -> memref<10240x16xf32, #tpu.memory_space<vmem_shared>>
    tpu.wait_indirect_dma semaphore(%arg25 : memref<!tpu.dma_semaphore, #tpu.memory_space<semaphore_mem>>) src(%arg17 : memref<40x16xf32, #tpu.memory_space<vmem>>) dst(%dma_wait3A_135 : memref<10240x16xf32, #tpu.memory_space<vmem_shared>>)
    %scan3A_136 = arith.constant 0 : i32
    %scan3A_137 = arith.constant 40 : i32
    %scan3A_138 = arith.addi %scan3A_136, %scan3A_137 : i32
    %scan3A_139 = arith.constant 1 : i32
    scf.for %scan3A_177 = %scan3A_136 to %scan3A_138 step %scan3A_139  : i32 {
      %mul3A_178 = arith.constant 1 : i32
      %mul3A_179 = arith.muli %scan3A_177, %mul3A_178 : i32
      %add3A_180 = arith.constant 0 : i32
      %add3A_181 = arith.addi %add3A_180, %mul3A_179 : i32
      %get3A = arith.index_cast %add3A_181 : i32 to index
      %get3A_182 = arith.constant 0 : index
      %get3A_183 = tpu.vector_load %arg18[%get3A, %get3A_182] {strides = array<i32>} : memref<40x16xf32, #tpu.memory_space<vmem>>, vector<1x16xf32>,
      %get3A_184 = vector.shape_cast %get3A_183 : vector<1x16xf32> to vector<16xf32>
      %get3A_185 = arith.index_cast %add3A_181 : i32 to index
      %get3A_186 = arith.constant 0 : index
      %get3A_187 = tpu.vector_load %arg20[%get3A_185, %get3A_186] {strides = array<i32>} : memref<40x16xf32, #tpu.memory_space<vmem>>, vector<1x16xf32>,
      %get3A_188 = vector.shape_cast %get3A_187 : vector<1x16xf32> to vector<16xf32>
      %add3A_189 = arith.addf %get3A_184, %get3A_188 : vector<16xf32>
      %ge3A = arith.constant 0.000000e+00 : f32
      %ge3A_190 = vector.broadcast %ge3A : f32 to vector<16xf32>
      %ge3A_191 = arith.cmpf oge, %add3A_189, %ge3A_190 : vector<16xf32>
      %mul3A_192 = arith.constant 2.000000e-01 : f32
      %mul3A_193 = vector.broadcast %mul3A_192 : f32 to vector<16xf32>
      %mul3A_194 = arith.mulf %mul3A_193, %add3A_189 : vector<16xf32>
      %select_n3A = arith.select %ge3A_191, %add3A_189, %mul3A_194 : vector<16xi1>, vector<16xf32>
      %exp3A = math.exp %select_n3A : vector<16xf32>
      %swap3A = arith.index_cast %add3A_181 : i32 to index
      %swap3A_195 = arith.constant 0 : index
      %swap3A_196 = tpu.vector_load %arg18[%swap3A, %swap3A_195] {strides = array<i32>} : memref<40x16xf32, #tpu.memory_space<vmem>>, vector<1x16xf32>,
      %swap3A_197 = vector.shape_cast %swap3A_196 : vector<1x16xf32> to vector<16xf32>
      %swap3A_198 = vector.shape_cast %exp3A : vector<16xf32> to vector<1x16xf32>
      tpu.vector_store %arg18[%swap3A, %swap3A_195], %swap3A_198 {strides = array<i32>} : memref<40x16xf32, #tpu.memory_space<vmem>>, vector<1x16xf32>,
      %broadcast_in_dim3A = arith.constant 0 : i32
      %broadcast_in_dim3A_199 = vector.broadcast %broadcast_in_dim3A : i32 to vector<16x1xi32>
      %gather3A = vector.shape_cast %broadcast_in_dim3A_199 : vector<16x1xi32> to vector<16xi32>
      %gather3A_200 = tpu.dynamic_gather %exp3A[%gather3A] in [0] : vector<16xf32>, vector<16xi32> -> vector<16xf32>
      %get3A_201 = arith.index_cast %add3A_181 : i32 to index
      %get3A_202 = arith.constant 0 : index
      %get3A_203 = tpu.vector_load %arg16[%get3A_201, %get3A_202] {strides = array<i32>} : memref<40x128xf32, #tpu.memory_space<vmem>>, vector<1x16xf32>,
      %get3A_204 = vector.shape_cast %get3A_203 : vector<1x16xf32> to vector<16xf32>
      %mul3A_205 = arith.mulf %get3A_204, %gather3A_200 : vector<16xf32>
      %swap3A_206 = arith.index_cast %add3A_181 : i32 to index
      %swap3A_207 = arith.constant 0 : index
      %swap3A_208 = tpu.vector_load %arg16[%swap3A_206, %swap3A_207] {strides = array<i32>} : memref<40x128xf32, #tpu.memory_space<vmem>>, vector<1x16xf32>,
      %swap3A_209 = vector.shape_cast %swap3A_208 : vector<1x16xf32> to vector<16xf32>
      %swap3A_210 = vector.shape_cast %mul3A_205 : vector<16xf32> to vector<1x16xf32>
      tpu.vector_store %arg16[%swap3A_206, %swap3A_207], %swap3A_210 {strides = array<i32>} : memref<40x128xf32, #tpu.memory_space<vmem>>, vector<1x16xf32>,
      %broadcast_in_dim3A_211 = arith.constant 1 : i32
      %broadcast_in_dim3A_212 = vector.broadcast %broadcast_in_dim3A_211 : i32 to vector<16x1xi32>
      %gather3A_213 = vector.shape_cast %broadcast_in_dim3A_212 : vector<16x1xi32> to vector<16xi32>
      %gather3A_214 = tpu.dynamic_gather %exp3A[%gather3A_213] in [0] : vector<16xf32>, vector<16xi32> -> vector<16xf32>
      %get3A_215 = arith.index_cast %add3A_181 : i32 to index
      %get3A_216 = arith.constant 16 : index
      %get3A_217 = tpu.vector_load %arg16[%get3A_215, %get3A_216] {strides = array<i32>} : memref<40x128xf32, #tpu.memory_space<vmem>>, vector<1x16xf32>,
      %get3A_218 = vector.shape_cast %get3A_217 : vector<1x16xf32> to vector<16xf32>
      %mul3A_219 = arith.mulf %get3A_218, %gather3A_214 : vector<16xf32>
      %swap3A_220 = arith.index_cast %add3A_181 : i32 to index
      %swap3A_221 = arith.constant 16 : index
      %swap3A_222 = tpu.vector_load %arg16[%swap3A_220, %swap3A_221] {strides = array<i32>} : memref<40x128xf32, #tpu.memory_space<vmem>>, vector<1x16xf32>,
      %swap3A_223 = vector.shape_cast %swap3A_222 : vector<1x16xf32> to vector<16xf32>
      %swap3A_224 = vector.shape_cast %mul3A_219 : vector<16xf32> to vector<1x16xf32>
      tpu.vector_store %arg16[%swap3A_220, %swap3A_221], %swap3A_224 {strides = array<i32>} : memref<40x128xf32, #tpu.memory_space<vmem>>, vector<1x16xf32>,
      %broadcast_in_dim3A_225 = arith.constant 2 : i32
      %broadcast_in_dim3A_226 = vector.broadcast %broadcast_in_dim3A_225 : i32 to vector<16x1xi32>
      %gather3A_227 = vector.shape_cast %broadcast_in_dim3A_226 : vector<16x1xi32> to vector<16xi32>
      %gather3A_228 = tpu.dynamic_gather %exp3A[%gather3A_227] in [0] : vector<16xf32>, vector<16xi32> -> vector<16xf32>
      %get3A_229 = arith.index_cast %add3A_181 : i32 to index
      %get3A_230 = arith.constant 32 : index
      %get3A_231 = tpu.vector_load %arg16[%get3A_229, %get3A_230] {strides = array<i32>} : memref<40x128xf32, #tpu.memory_space<vmem>>, vector<1x16xf32>,
      %get3A_232 = vector.shape_cast %get3A_231 : vector<1x16xf32> to vector<16xf32>
      %mul3A_233 = arith.mulf %get3A_232, %gather3A_228 : vector<16xf32>
      %swap3A_234 = arith.index_cast %add3A_181 : i32 to index
      %swap3A_235 = arith.constant 32 : index
      %swap3A_236 = tpu.vector_load %arg16[%swap3A_234, %swap3A_235] {strides = array<i32>} : memref<40x128xf32, #tpu.memory_space<vmem>>, vector<1x16xf32>,
      %swap3A_237 = vector.shape_cast %swap3A_236 : vector<1x16xf32> to vector<16xf32>
      %swap3A_238 = vector.shape_cast %mul3A_233 : vector<16xf32> to vector<1x16xf32>
      tpu.vector_store %arg16[%swap3A_234, %swap3A_235], %swap3A_238 {strides = array<i32>} : memref<40x128xf32, #tpu.memory_space<vmem>>, vector<1x16xf32>,
      %broadcast_in_dim3A_239 = arith.constant 3 : i32
      %broadcast_in_dim3A_240 = vector.broadcast %broadcast_in_dim3A_239 : i32 to vector<16x1xi32>
      %gather3A_241 = vector.shape_cast %broadcast_in_dim3A_240 : vector<16x1xi32> to vector<16xi32>
      %gather3A_242 = tpu.dynamic_gather %exp3A[%gather3A_241] in [0] : vector<16xf32>, vector<16xi32> -> vector<16xf32>
      %get3A_243 = arith.index_cast %add3A_181 : i32 to index
      %get3A_244 = arith.constant 48 : index
      %get3A_245 = tpu.vector_load %arg16[%get3A_243, %get3A_244] {strides = array<i32>} : memref<40x128xf32, #tpu.memory_space<vmem>>, vector<1x16xf32>,
      %get3A_246 = vector.shape_cast %get3A_245 : vector<1x16xf32> to vector<16xf32>
      %mul3A_247 = arith.mulf %get3A_246, %gather3A_242 : vector<16xf32>
      %swap3A_248 = arith.index_cast %add3A_181 : i32 to index
      %swap3A_249 = arith.constant 48 : index
      %swap3A_250 = tpu.vector_load %arg16[%swap3A_248, %swap3A_249] {strides = array<i32>} : memref<40x128xf32, #tpu.memory_space<vmem>>, vector<1x16xf32>,
      %swap3A_251 = vector.shape_cast %swap3A_250 : vector<1x16xf32> to vector<16xf32>
      %swap3A_252 = vector.shape_cast %mul3A_247 : vector<16xf32> to vector<1x16xf32>
      tpu.vector_store %arg16[%swap3A_248, %swap3A_249], %swap3A_252 {strides = array<i32>} : memref<40x128xf32, #tpu.memory_space<vmem>>, vector<1x16xf32>,
      %broadcast_in_dim3A_253 = arith.constant 4 : i32
      %broadcast_in_dim3A_254 = vector.broadcast %broadcast_in_dim3A_253 : i32 to vector<16x1xi32>
      %gather3A_255 = vector.shape_cast %broadcast_in_dim3A_254 : vector<16x1xi32> to vector<16xi32>
      %gather3A_256 = tpu.dynamic_gather %exp3A[%gather3A_255] in [0] : vector<16xf32>, vector<16xi32> -> vector<16xf32>
      %get3A_257 = arith.index_cast %add3A_181 : i32 to index
      %get3A_258 = arith.constant 64 : index
      %get3A_259 = tpu.vector_load %arg16[%get3A_257, %get3A_258] {strides = array<i32>} : memref<40x128xf32, #tpu.memory_space<vmem>>, vector<1x16xf32>,
      %get3A_260 = vector.shape_cast %get3A_259 : vector<1x16xf32> to vector<16xf32>
      %mul3A_261 = arith.mulf %get3A_260, %gather3A_256 : vector<16xf32>
      %swap3A_262 = arith.index_cast %add3A_181 : i32 to index
      %swap3A_263 = arith.constant 64 : index
      %swap3A_264 = tpu.vector_load %arg16[%swap3A_262, %swap3A_263] {strides = array<i32>} : memref<40x128xf32, #tpu.memory_space<vmem>>, vector<1x16xf32>,
      %swap3A_265 = vector.shape_cast %swap3A_264 : vector<1x16xf32> to vector<16xf32>
      %swap3A_266 = vector.shape_cast %mul3A_261 : vector<16xf32> to vector<1x16xf32>
      tpu.vector_store %arg16[%swap3A_262, %swap3A_263], %swap3A_266 {strides = array<i32>} : memref<40x128xf32, #tpu.memory_space<vmem>>, vector<1x16xf32>,
      %broadcast_in_dim3A_267 = arith.constant 5 : i32
      %broadcast_in_dim3A_268 = vector.broadcast %broadcast_in_dim3A_267 : i32 to vector<16x1xi32>
      %gather3A_269 = vector.shape_cast %broadcast_in_dim3A_268 : vector<16x1xi32> to vector<16xi32>
      %gather3A_270 = tpu.dynamic_gather %exp3A[%gather3A_269] in [0] : vector<16xf32>, vector<16xi32> -> vector<16xf32>
      %get3A_271 = arith.index_cast %add3A_181 : i32 to index
      %get3A_272 = arith.constant 80 : index
      %get3A_273 = tpu.vector_load %arg16[%get3A_271, %get3A_272] {strides = array<i32>} : memref<40x128xf32, #tpu.memory_space<vmem>>, vector<1x16xf32>,
      %get3A_274 = vector.shape_cast %get3A_273 : vector<1x16xf32> to vector<16xf32>
      %mul3A_275 = arith.mulf %get3A_274, %gather3A_270 : vector<16xf32>
      %swap3A_276 = arith.index_cast %add3A_181 : i32 to index
      %swap3A_277 = arith.constant 80 : index
      %swap3A_278 = tpu.vector_load %arg16[%swap3A_276, %swap3A_277] {strides = array<i32>} : memref<40x128xf32, #tpu.memory_space<vmem>>, vector<1x16xf32>,
      %swap3A_279 = vector.shape_cast %swap3A_278 : vector<1x16xf32> to vector<16xf32>
      %swap3A_280 = vector.shape_cast %mul3A_275 : vector<16xf32> to vector<1x16xf32>
      tpu.vector_store %arg16[%swap3A_276, %swap3A_277], %swap3A_280 {strides = array<i32>} : memref<40x128xf32, #tpu.memory_space<vmem>>, vector<1x16xf32>,
      %broadcast_in_dim3A_281 = arith.constant 6 : i32
      %broadcast_in_dim3A_282 = vector.broadcast %broadcast_in_dim3A_281 : i32 to vector<16x1xi32>
      %gather3A_283 = vector.shape_cast %broadcast_in_dim3A_282 : vector<16x1xi32> to vector<16xi32>
      %gather3A_284 = tpu.dynamic_gather %exp3A[%gather3A_283] in [0] : vector<16xf32>, vector<16xi32> -> vector<16xf32>
      %get3A_285 = arith.index_cast %add3A_181 : i32 to index
      %get3A_286 = arith.constant 96 : index
      %get3A_287 = tpu.vector_load %arg16[%get3A_285, %get3A_286] {strides = array<i32>} : memref<40x128xf32, #tpu.memory_space<vmem>>, vector<1x16xf32>,
      %get3A_288 = vector.shape_cast %get3A_287 : vector<1x16xf32> to vector<16xf32>
      %mul3A_289 = arith.mulf %get3A_288, %gather3A_284 : vector<16xf32>
      %swap3A_290 = arith.index_cast %add3A_181 : i32 to index
      %swap3A_291 = arith.constant 96 : index
      %swap3A_292 = tpu.vector_load %arg16[%swap3A_290, %swap3A_291] {strides = array<i32>} : memref<40x128xf32, #tpu.memory_space<vmem>>, vector<1x16xf32>,
      %swap3A_293 = vector.shape_cast %swap3A_292 : vector<1x16xf32> to vector<16xf32>
      %swap3A_294 = vector.shape_cast %mul3A_289 : vector<16xf32> to vector<1x16xf32>
      tpu.vector_store %arg16[%swap3A_290, %swap3A_291], %swap3A_294 {strides = array<i32>} : memref<40x128xf32, #tpu.memory_space<vmem>>, vector<1x16xf32>,
      %broadcast_in_dim3A_295 = arith.constant 7 : i32
      %broadcast_in_dim3A_296 = vector.broadcast %broadcast_in_dim3A_295 : i32 to vector<16x1xi32>
      %gather3A_297 = vector.shape_cast %broadcast_in_dim3A_296 : vector<16x1xi32> to vector<16xi32>
      %gather3A_298 = tpu.dynamic_gather %exp3A[%gather3A_297] in [0] : vector<16xf32>, vector<16xi32> -> vector<16xf32>
      %get3A_299 = arith.index_cast %add3A_181 : i32 to index
      %get3A_300 = arith.constant 112 : index
      %get3A_301 = tpu.vector_load %arg16[%get3A_299, %get3A_300] {strides = array<i32>} : memref<40x128xf32, #tpu.memory_space<vmem>>, vector<1x16xf32>,
      %get3A_302 = vector.shape_cast %get3A_301 : vector<1x16xf32> to vector<16xf32>
      %mul3A_303 = arith.mulf %get3A_302, %gather3A_298 : vector<16xf32>
      %swap3A_304 = arith.index_cast %add3A_181 : i32 to index
      %swap3A_305 = arith.constant 112 : index
      %swap3A_306 = tpu.vector_load %arg16[%swap3A_304, %swap3A_305] {strides = array<i32>} : memref<40x128xf32, #tpu.memory_space<vmem>>, vector<1x16xf32>,
      %swap3A_307 = vector.shape_cast %swap3A_306 : vector<1x16xf32> to vector<16xf32>
      %swap3A_308 = vector.shape_cast %mul3A_303 : vector<16xf32> to vector<1x16xf32>
      tpu.vector_store %arg16[%swap3A_304, %swap3A_305], %swap3A_308 {strides = array<i32>} : memref<40x128xf32, #tpu.memory_space<vmem>>, vector<1x16xf32>,
    }
    %scan3A_140 = arith.constant 40 : i32
    %dma_start3A_141 = arith.constant 249 : i32
    %dma_start3A_142 = arith.constant 0 : i32
    %dma_start3A_143 = tpu.memref_slice %arg14[%dma_start3A_141, %dma_start3A_142] : memref<250x40xi32, #tpu.memory_space<vmem>> -> memref<1x40xi32, #tpu.memory_space<vmem>>
    %dma_start3A_144 = tpu.memref_squeeze %dma_start3A_143 : memref<1x40xi32, #tpu.memory_space<vmem>> -> memref<40xi32, #tpu.memory_space<vmem>>
    %dma_start3A_145 = arith.constant 0 : i32
    %dma_start3A_146 = arith.constant 0 : i32
    %dma_start3A_147 = tpu.memref_slice %arg21[%dma_start3A_145, %dma_start3A_146] : memref<10240x128xf32, #tpu.memory_space<vmem_shared>> -> memref<10240x128xf32, #tpu.memory_space<vmem_shared>>
    tpu.enqueue_indirect_dma source(%arg16 : memref<40x128xf32, #tpu.memory_space<vmem>>) target(%dma_start3A_147 : memref<10240x128xf32, #tpu.memory_space<vmem_shared>>) offsets(%dma_start3A_144 : memref<40xi32, #tpu.memory_space<vmem>>) semaphore(%arg26 : memref<!tpu.dma_semaphore, #tpu.memory_space<semaphore_mem>>) {add = true}
    %dma_start3A_148 = arith.constant 249 : i32
    %dma_start3A_149 = arith.constant 0 : i32
    %dma_start3A_150 = tpu.memref_slice %arg14[%dma_start3A_148, %dma_start3A_149] : memref<250x40xi32, #tpu.memory_space<vmem>> -> memref<1x40xi32, #tpu.memory_space<vmem>>
    %dma_start3A_151 = tpu.memref_squeeze %dma_start3A_150 : memref<1x40xi32, #tpu.memory_space<vmem>> -> memref<40xi32, #tpu.memory_space<vmem>>
    %dma_start3A_152 = arith.constant 0 : i32
    %dma_start3A_153 = arith.constant 0 : i32
    %dma_start3A_154 = tpu.memref_slice %arg22[%dma_start3A_152, %dma_start3A_153] : memref<10240x16xf32, #tpu.memory_space<vmem_shared>> -> memref<10240x16xf32, #tpu.memory_space<vmem_shared>>
    tpu.enqueue_indirect_dma source(%arg18 : memref<40x16xf32, #tpu.memory_space<vmem>>) target(%dma_start3A_154 : memref<10240x16xf32, #tpu.memory_space<vmem_shared>>) offsets(%dma_start3A_151 : memref<40xi32, #tpu.memory_space<vmem>>) semaphore(%arg26 : memref<!tpu.dma_semaphore, #tpu.memory_space<semaphore_mem>>) {add = true}
    %dma_wait3A_155 = arith.constant 249 : i32
    %dma_wait3A_156 = arith.constant 0 : i32
    %dma_wait3A_157 = tpu.memref_slice %arg14[%dma_wait3A_155, %dma_wait3A_156] : memref<250x40xi32, #tpu.memory_space<vmem>> -> memref<1x40xi32, #tpu.memory_space<vmem>>
    %dma_wait3A_158 = tpu.memref_squeeze %dma_wait3A_157 : memref<1x40xi32, #tpu.memory_space<vmem>> -> memref<40xi32, #tpu.memory_space<vmem>>
    %dma_wait3A_159 = arith.constant 0 : i32
    %dma_wait3A_160 = arith.constant 0 : i32
    %dma_wait3A_161 = tpu.memref_slice %arg21[%dma_wait3A_159, %dma_wait3A_160] : memref<10240x128xf32, #tpu.memory_space<vmem_shared>> -> memref<10240x128xf32, #tpu.memory_space<vmem_shared>>
    tpu.wait_indirect_dma semaphore(%arg26 : memref<!tpu.dma_semaphore, #tpu.memory_space<semaphore_mem>>) src(%arg16 : memref<40x128xf32, #tpu.memory_space<vmem>>) dst(%dma_wait3A_161 : memref<10240x128xf32, #tpu.memory_space<vmem_shared>>)
    %dma_wait3A_162 = arith.constant 249 : i32
    %dma_wait3A_163 = arith.constant 0 : i32
    %dma_wait3A_164 = tpu.memref_slice %arg14[%dma_wait3A_162, %dma_wait3A_163] : memref<250x40xi32, #tpu.memory_space<vmem>> -> memref<1x40xi32, #tpu.memory_space<vmem>>
    %dma_wait3A_165 = tpu.memref_squeeze %dma_wait3A_164 : memref<1x40xi32, #tpu.memory_space<vmem>> -> memref<40xi32, #tpu.memory_space<vmem>>
    %dma_wait3A_166 = arith.constant 0 : i32
    %dma_wait3A_167 = arith.constant 0 : i32
    %dma_wait3A_168 = tpu.memref_slice %arg22[%dma_wait3A_166, %dma_wait3A_167] : memref<10240x16xf32, #tpu.memory_space<vmem_shared>> -> memref<10240x16xf32, #tpu.memory_space<vmem_shared>>
    tpu.wait_indirect_dma semaphore(%arg26 : memref<!tpu.dma_semaphore, #tpu.memory_space<semaphore_mem>>) src(%arg18 : memref<40x16xf32, #tpu.memory_space<vmem>>) dst(%dma_wait3A_168 : memref<10240x16xf32, #tpu.memory_space<vmem_shared>>)
    %barrier3A_169 = arith.constant 0 : index
    tpu.barrier barrier_id(%barrier3A_169)
    %eq3A = arith.constant 0 : i32
    %eq3A_170 = arith.cmpi eq, %arg0, %eq3A : i32
    %convert_element_type3A = arith.extui %eq3A_170 : i1 to i32
    %cond3A = arith.constant 0 : i32
    %cond3A_171 = arith.cmpi ne, %convert_element_type3A, %cond3A : i32
    scf.if %cond3A_171 {
      "tpu.region"() ({
        %run_scoped3A = tpu.sem_alloc : memref<!tpu.dma_semaphore, #tpu.memory_space<semaphore_mem>>
        %dma_start3A_177 = arith.constant 0 : i32
        %dma_start3A_178 = tpu.memref_slice %arg9[%mul3A_2, %dma_start3A_177] : memref<10240x128xf32, #tpu.memory_space<hbm>> -> memref<640x128xf32, #tpu.memory_space<hbm>>
        %dma_start3A_179 = arith.constant 0 : i32
        %dma_start3A_180 = tpu.memref_slice %arg21[%mul3A_2, %dma_start3A_179] : memref<10240x128xf32, #tpu.memory_space<vmem_shared>> -> memref<640x128xf32, #tpu.memory_space<vmem_shared>>
        tpu.enqueue_dma source(%dma_start3A_180 : memref<640x128xf32, #tpu.memory_space<vmem_shared>>) target(%dma_start3A_178 : memref<640x128xf32, #tpu.memory_space<hbm>>) target_semaphore(%run_scoped3A : memref<!tpu.dma_semaphore, #tpu.memory_space<semaphore_mem>>)
        %dma_wait3A_181 = arith.constant 0 : i32
        %dma_wait3A_182 = tpu.memref_slice %arg9[%mul3A_2, %dma_wait3A_181] : memref<10240x128xf32, #tpu.memory_space<hbm>> -> memref<640x128xf32, #tpu.memory_space<hbm>>
        %dma_wait3A_183 = arith.constant 0 : i32
        %dma_wait3A_184 = tpu.memref_slice %arg21[%mul3A_2, %dma_wait3A_183] : memref<10240x128xf32, #tpu.memory_space<vmem_shared>> -> memref<640x128xf32, #tpu.memory_space<vmem_shared>>
        tpu.wait_dma2 semaphore(%run_scoped3A : memref<!tpu.dma_semaphore, #tpu.memory_space<semaphore_mem>>) src(%dma_wait3A_184 : memref<640x128xf32, #tpu.memory_space<vmem_shared>>) dst(%dma_wait3A_182 : memref<640x128xf32, #tpu.memory_space<hbm>>)
        tpu.yield
      }) : () -> ()
      "tpu.region"() ({
        %run_scoped3A = tpu.sem_alloc : memref<!tpu.dma_semaphore, #tpu.memory_space<semaphore_mem>>
        %dma_start3A_177 = arith.constant 0 : i32
        %dma_start3A_178 = tpu.memref_slice %arg11[%mul3A_2, %dma_start3A_177] : memref<10240x16xf32, #tpu.memory_space<hbm>> -> memref<640x16xf32, #tpu.memory_space<hbm>>
        %dma_start3A_179 = arith.constant 0 : i32
        %dma_start3A_180 = tpu.memref_slice %arg22[%mul3A_2, %dma_start3A_179] : memref<10240x16xf32, #tpu.memory_space<vmem_shared>> -> memref<640x16xf32, #tpu.memory_space<vmem_shared>>
        tpu.enqueue_dma source(%dma_start3A_180 : memref<640x16xf32, #tpu.memory_space<vmem_shared>>) target(%dma_start3A_178 : memref<640x16xf32, #tpu.memory_space<hbm>>) target_semaphore(%run_scoped3A : memref<!tpu.dma_semaphore, #tpu.memory_space<semaphore_mem>>)
        %dma_wait3A_181 = arith.constant 0 : i32
        %dma_wait3A_182 = tpu.memref_slice %arg11[%mul3A_2, %dma_wait3A_181] : memref<10240x16xf32, #tpu.memory_space<hbm>> -> memref<640x16xf32, #tpu.memory_space<hbm>>
        %dma_wait3A_183 = arith.constant 0 : i32
        %dma_wait3A_184 = tpu.memref_slice %arg22[%mul3A_2, %dma_wait3A_183] : memref<10240x16xf32, #tpu.memory_space<vmem_shared>> -> memref<640x16xf32, #tpu.memory_space<vmem_shared>>
        tpu.wait_dma2 semaphore(%run_scoped3A : memref<!tpu.dma_semaphore, #tpu.memory_space<semaphore_mem>>) src(%dma_wait3A_184 : memref<640x16xf32, #tpu.memory_space<vmem_shared>>) dst(%dma_wait3A_182 : memref<640x16xf32, #tpu.memory_space<hbm>>)
        tpu.yield
      }) : () -> ()
    } else {
    }
    %eq3A_172 = arith.constant 1 : i32
    %eq3A_173 = arith.cmpi eq, %arg0, %eq3A_172 : i32
    %convert_element_type3A_174 = arith.extui %eq3A_173 : i1 to i32
    %cond3A_175 = arith.constant 0 : i32
    %cond3A_176 = arith.cmpi ne, %convert_element_type3A_174, %cond3A_175 : i32
    scf.if %cond3A_176 {
      "tpu.region"() ({
        %run_scoped3A = tpu.sem_alloc : memref<!tpu.dma_semaphore, #tpu.memory_space<semaphore_mem>>
        %dma_start3A_177 = arith.constant 0 : i32
        %dma_start3A_178 = tpu.memref_slice %arg10[%mul3A_2, %dma_start3A_177] : memref<10240x128xf32, #tpu.memory_space<hbm>> -> memref<640x128xf32, #tpu.memory_space<hbm>>
        %dma_start3A_179 = arith.constant 0 : i32
        %dma_start3A_180 = tpu.memref_slice %arg21[%mul3A_2, %dma_start3A_179] : memref<10240x128xf32, #tpu.memory_space<vmem_shared>> -> memref<640x128xf32, #tpu.memory_space<vmem_shared>>
        tpu.enqueue_dma source(%dma_start3A_180 : memref<640x128xf32, #tpu.memory_space<vmem_shared>>) target(%dma_start3A_178 : memref<640x128xf32, #tpu.memory_space<hbm>>) target_semaphore(%run_scoped3A : memref<!tpu.dma_semaphore, #tpu.memory_space<semaphore_mem>>)
        %dma_wait3A_181 = arith.constant 0 : i32
        %dma_wait3A_182 = tpu.memref_slice %arg10[%mul3A_2, %dma_wait3A_181] : memref<10240x128xf32, #tpu.memory_space<hbm>> -> memref<640x128xf32, #tpu.memory_space<hbm>>
        %dma_wait3A_183 = arith.constant 0 : i32
        %dma_wait3A_184 = tpu.memref_slice %arg21[%mul3A_2, %dma_wait3A_183] : memref<10240x128xf32, #tpu.memory_space<vmem_shared>> -> memref<640x128xf32, #tpu.memory_space<vmem_shared>>
        tpu.wait_dma2 semaphore(%run_scoped3A : memref<!tpu.dma_semaphore, #tpu.memory_space<semaphore_mem>>) src(%dma_wait3A_184 : memref<640x128xf32, #tpu.memory_space<vmem_shared>>) dst(%dma_wait3A_182 : memref<640x128xf32, #tpu.memory_space<hbm>>)
        tpu.yield
      }) : () -> ()
      "tpu.region"() ({
        %run_scoped3A = tpu.sem_alloc : memref<!tpu.dma_semaphore, #tpu.memory_space<semaphore_mem>>
        %dma_start3A_177 = arith.constant 0 : i32
        %dma_start3A_178 = tpu.memref_slice %arg12[%mul3A_2, %dma_start3A_177] : memref<10240x16xf32, #tpu.memory_space<hbm>> -> memref<640x16xf32, #tpu.memory_space<hbm>>
        %dma_start3A_179 = arith.constant 0 : i32
        %dma_start3A_180 = tpu.memref_slice %arg22[%mul3A_2, %dma_start3A_179] : memref<10240x16xf32, #tpu.memory_space<vmem_shared>> -> memref<640x16xf32, #tpu.memory_space<vmem_shared>>
        tpu.enqueue_dma source(%dma_start3A_180 : memref<640x16xf32, #tpu.memory_space<vmem_shared>>) target(%dma_start3A_178 : memref<640x16xf32, #tpu.memory_space<hbm>>) target_semaphore(%run_scoped3A : memref<!tpu.dma_semaphore, #tpu.memory_space<semaphore_mem>>)
        %dma_wait3A_181 = arith.constant 0 : i32
        %dma_wait3A_182 = tpu.memref_slice %arg12[%mul3A_2, %dma_wait3A_181] : memref<10240x16xf32, #tpu.memory_space<hbm>> -> memref<640x16xf32, #tpu.memory_space<hbm>>
        %dma_wait3A_183 = arith.constant 0 : i32
        %dma_wait3A_184 = tpu.memref_slice %arg22[%mul3A_2, %dma_wait3A_183] : memref<10240x16xf32, #tpu.memory_space<vmem_shared>> -> memref<640x16xf32, #tpu.memory_space<vmem_shared>>
        tpu.wait_dma2 semaphore(%run_scoped3A : memref<!tpu.dma_semaphore, #tpu.memory_space<semaphore_mem>>) src(%dma_wait3A_184 : memref<640x16xf32, #tpu.memory_space<vmem_shared>>) dst(%dma_wait3A_182 : memref<640x16xf32, #tpu.memory_space<hbm>>)
        tpu.yield
      }) : () -> ()
    } else {
    }
    return
  }
}

module attributes {stable_mosaic.version = 14 : i64} {
  func.func @_lin_body(%arg0: i32, %arg1: memref<400x128xf32, #tpu.memory_space<vmem>>, %arg2: memref<128x128xf32, #tpu.memory_space<vmem>>, %arg3: memref<128x8xf32, #tpu.memory_space<vmem>>, %arg4: memref<128x8xf32, #tpu.memory_space<vmem>>, %arg5: memref<400x128xf32, #tpu.memory_space<vmem>>, %arg6: memref<400x16xf32, #tpu.memory_space<vmem>>, %arg7: memref<400x16xf32, #tpu.memory_space<vmem>>) attributes {dimension_semantics = [#tpu.dimension_semantics<arbitrary>], iteration_bounds = array<i64: 25>, scalar_prefetch = 0 : i64, scratch_operands = 0 : i64, tpu.core_type = #tpu.core_type<tc>, window_params = [{transform_indices = @transform_0, window_bounds = array<i64: 400, 128>}, {pipeline_mode = #tpu.pipeline_mode<synchronous>, transform_indices = @transform_1, window_bounds = array<i64: 128, 128>}, {pipeline_mode = #tpu.pipeline_mode<synchronous>, transform_indices = @transform_2, window_bounds = array<i64: 128, 8>}, {pipeline_mode = #tpu.pipeline_mode<synchronous>, transform_indices = @transform_3, window_bounds = array<i64: 128, 8>}, {transform_indices = @transform_4, window_bounds = array<i64: 400, 128>}, {transform_indices = @transform_5, window_bounds = array<i64: 400, 16>}, {transform_indices = @transform_6, window_bounds = array<i64: 400, 16>}]} {
    %get3A = arith.constant 0 : index
    %get3A_0 = arith.constant 0 : index
    %get3A_1 = vector.load %arg1[%get3A, %get3A_0] : memref<400x128xf32, #tpu.memory_space<vmem>>, vector<400x128xf32>
    %get3A_2 = arith.constant 0 : index
    %get3A_3 = arith.constant 0 : index
    %get3A_4 = vector.load %arg2[%get3A_2, %get3A_3] : memref<128x128xf32, #tpu.memory_space<vmem>>, vector<128x128xf32>
    %dot_general3A = arith.constant dense<0.000000e+00> : vector<400x128xf32>
    %dot_general3A_5 = tpu.matmul %get3A_1, %get3A_4, %dot_general3A {dimension_numbers = #tpu.dot_dimension_numbers<[1], [0], [0], [1], [0, 0, 1, 1], [], []>, transpose_lhs_hint = false} : vector<400x128xf32>, vector<128x128xf32>, vector<400x128xf32> -> vector<400x128xf32>
    %get3A_6 = arith.constant 0 : index
    %get3A_7 = arith.constant 0 : index
    %get3A_8 = vector.load %arg3[%get3A_6, %get3A_7] : memref<128x8xf32, #tpu.memory_space<vmem>>, vector<128x8xf32>
    %dot_general3A_9 = arith.constant dense<0.000000e+00> : vector<400x8xf32>
    %dot_general3A_10 = tpu.matmul %dot_general3A_5, %get3A_8, %dot_general3A_9 {dimension_numbers = #tpu.dot_dimension_numbers<[1], [0], [0], [1], [0, 0, 1, 1], [], []>, transpose_lhs_hint = false} : vector<400x128xf32>, vector<128x8xf32>, vector<400x8xf32> -> vector<400x8xf32>
    %get3A_11 = arith.constant 0 : index
    %get3A_12 = arith.constant 0 : index
    %get3A_13 = vector.load %arg4[%get3A_11, %get3A_12] : memref<128x8xf32, #tpu.memory_space<vmem>>, vector<128x8xf32>
    %dot_general3A_14 = arith.constant dense<0.000000e+00> : vector<400x8xf32>
    %dot_general3A_15 = tpu.matmul %dot_general3A_5, %get3A_13, %dot_general3A_14 {dimension_numbers = #tpu.dot_dimension_numbers<[1], [0], [0], [1], [0, 0, 1, 1], [], []>, transpose_lhs_hint = false} : vector<400x128xf32>, vector<128x8xf32>, vector<400x8xf32> -> vector<400x8xf32>
    %broadcast_in_dim3A = arith.constant 0.000000e+00 : f32
    %broadcast_in_dim3A_16 = vector.broadcast %broadcast_in_dim3A : f32 to vector<400x8xf32>
    %swap3A = arith.constant 0 : index
    %swap3A_17 = arith.constant 0 : index
    %swap3A_18 = vector.load %arg5[%swap3A, %swap3A_17] : memref<400x128xf32, #tpu.memory_space<vmem>>, vector<400x128xf32>
    tpu.vector_store %arg5[%swap3A, %swap3A_17], %dot_general3A_5 {strides = array<i32>} : memref<400x128xf32, #tpu.memory_space<vmem>>, vector<400x128xf32>,
    %concatenate3A = tpu.concatenate %dot_general3A_10, %broadcast_in_dim3A_16 in 1 : vector<400x8xf32>, vector<400x8xf32> -> vector<400x16xf32>
    %swap3A_19 = arith.constant 0 : index
    %swap3A_20 = arith.constant 0 : index
    %swap3A_21 = vector.load %arg6[%swap3A_19, %swap3A_20] : memref<400x16xf32, #tpu.memory_space<vmem>>, vector<400x16xf32>
    tpu.vector_store %arg6[%swap3A_19, %swap3A_20], %concatenate3A {strides = array<i32>} : memref<400x16xf32, #tpu.memory_space<vmem>>, vector<400x16xf32>,
    %concatenate3A_22 = tpu.concatenate %dot_general3A_15, %broadcast_in_dim3A_16 in 1 : vector<400x8xf32>, vector<400x8xf32> -> vector<400x16xf32>
    %swap3A_23 = arith.constant 0 : index
    %swap3A_24 = arith.constant 0 : index
    %swap3A_25 = vector.load %arg7[%swap3A_23, %swap3A_24] : memref<400x16xf32, #tpu.memory_space<vmem>>, vector<400x16xf32>
    tpu.vector_store %arg7[%swap3A_23, %swap3A_24], %concatenate3A_22 {strides = array<i32>} : memref<400x16xf32, #tpu.memory_space<vmem>>, vector<400x16xf32>,
    return
  }
  func.func @transform_0(%arg0: i32) -> (i32, i32) {
    %c0_i32 = arith.constant 0 : i32
    %c0_i32_0 = arith.constant 0 : i32
    return %arg0, %c0_i32 : i32, i32
  }
  func.func @transform_1(%arg0: i32) -> (i32, i32) {
    %c0_i32 = arith.constant 0 : i32
    %c0_i32_0 = arith.constant 0 : i32
    %c0_i32_1 = arith.constant 0 : i32
    return %c0_i32, %c0_i32_0 : i32, i32
  }
  func.func @transform_2(%arg0: i32) -> (i32, i32) {
    %c0_i32 = arith.constant 0 : i32
    %c0_i32_0 = arith.constant 0 : i32
    %c0_i32_1 = arith.constant 0 : i32
    return %c0_i32, %c0_i32_0 : i32, i32
  }
  func.func @transform_3(%arg0: i32) -> (i32, i32) {
    %c0_i32 = arith.constant 0 : i32
    %c0_i32_0 = arith.constant 0 : i32
    %c0_i32_1 = arith.constant 0 : i32
    return %c0_i32, %c0_i32_0 : i32, i32
  }
  func.func @transform_4(%arg0: i32) -> (i32, i32) {
    %c0_i32 = arith.constant 0 : i32
    %c0_i32_0 = arith.constant 0 : i32
    return %arg0, %c0_i32 : i32, i32
  }
  func.func @transform_5(%arg0: i32) -> (i32, i32) {
    %c0_i32 = arith.constant 0 : i32
    %c0_i32_0 = arith.constant 0 : i32
    return %arg0, %c0_i32 : i32, i32
  }
  func.func @transform_6(%arg0: i32) -> (i32, i32) {
    %c0_i32 = arith.constant 0 : i32
    %c0_i32_0 = arith.constant 0 : i32
    return %arg0, %c0_i32 : i32, i32
  }
}

module attributes {stable_mosaic.version = 14 : i64} {
  func.func @_mid_body(%arg0: i32, %arg1: memref<400x128xf32, #tpu.memory_space<vmem>>, %arg2: memref<400x128xf32, #tpu.memory_space<vmem>>, %arg3: memref<400x16xf32, #tpu.memory_space<vmem>>, %arg4: memref<400x16xf32, #tpu.memory_space<vmem>>, %arg5: memref<400x128xf32, #tpu.memory_space<vmem>>, %arg6: memref<400x16xf32, #tpu.memory_space<vmem>>, %arg7: memref<400x16xf32, #tpu.memory_space<vmem>>, %arg8: memref<1x128xf32, #tpu.memory_space<vmem>>, %arg9: memref<8x128xf32, #tpu.memory_space<vmem>>, %arg10: memref<128x128xf32, #tpu.memory_space<vmem>>, %arg11: memref<128x8xf32, #tpu.memory_space<vmem>>, %arg12: memref<128x8xf32, #tpu.memory_space<vmem>>, %arg13: memref<400x128xf32, #tpu.memory_space<vmem>>, %arg14: memref<400x16xf32, #tpu.memory_space<vmem>>, %arg15: memref<400x16xf32, #tpu.memory_space<vmem>>) attributes {dimension_semantics = [#tpu.dimension_semantics<arbitrary>], iteration_bounds = array<i64: 25>, scalar_prefetch = 0 : i64, scratch_operands = 0 : i64, tpu.core_type = #tpu.core_type<tc>, window_params = [{transform_indices = @transform_0, window_bounds = array<i64: 400, 128>}, {transform_indices = @transform_1, window_bounds = array<i64: 400, 128>}, {transform_indices = @transform_2, window_bounds = array<i64: 400, 16>}, {transform_indices = @transform_3, window_bounds = array<i64: 400, 16>}, {transform_indices = @transform_4, window_bounds = array<i64: 400, 128>}, {transform_indices = @transform_5, window_bounds = array<i64: 400, 16>}, {transform_indices = @transform_6, window_bounds = array<i64: 400, 16>}, {pipeline_mode = #tpu.pipeline_mode<synchronous>, transform_indices = @transform_7, window_bounds = array<i64: 1, 128>}, {pipeline_mode = #tpu.pipeline_mode<synchronous>, transform_indices = @transform_8, window_bounds = array<i64: 8, 128>}, {pipeline_mode = #tpu.pipeline_mode<synchronous>, transform_indices = @transform_9, window_bounds = array<i64: 128, 128>}, {pipeline_mode = #tpu.pipeline_mode<synchronous>, transform_indices = @transform_10, window_bounds = array<i64: 128, 8>}, {pipeline_mode = #tpu.pipeline_mode<synchronous>, transform_indices = @transform_11, window_bounds = array<i64: 128, 8>}, {transform_indices = @transform_12, window_bounds = array<i64: 400, 128>}, {transform_indices = @transform_13, window_bounds = array<i64: 400, 16>}, {transform_indices = @transform_14, window_bounds = array<i64: 400, 16>}]} {
    %get3A = arith.constant 0 : index
    %get3A_0 = arith.constant 0 : index
    %get3A_1 = vector.load %arg1[%get3A, %get3A_0] : memref<400x128xf32, #tpu.memory_space<vmem>>, vector<400x128xf32>
    %get3A_2 = arith.constant 0 : index
    %get3A_3 = arith.constant 0 : index
    %get3A_4 = vector.load %arg2[%get3A_2, %get3A_3] : memref<400x128xf32, #tpu.memory_space<vmem>>, vector<400x128xf32>
    %add3A = arith.addf %get3A_1, %get3A_4 : vector<400x128xf32>
    %get3A_5 = arith.constant 0 : index
    %get3A_6 = arith.constant 0 : index
    %get3A_7 = vector.load %arg3[%get3A_5, %get3A_6] : memref<400x16xf32, #tpu.memory_space<vmem>>, vector<400x16xf32>
    %get3A_8 = arith.constant 0 : index
    %get3A_9 = arith.constant 0 : index
    %get3A_10 = vector.load %arg4[%get3A_8, %get3A_9] : memref<400x16xf32, #tpu.memory_space<vmem>>, vector<400x16xf32>
    %add3A_11 = arith.addf %get3A_7, %get3A_10 : vector<400x16xf32>
    %get3A_12 = arith.constant 0 : index
    %get3A_13 = arith.constant 0 : index
    %get3A_14 = vector.load %arg6[%get3A_12, %get3A_13] : memref<400x16xf32, #tpu.memory_space<vmem>>, vector<400x8xf32>
    %get3A_15 = arith.constant 0 : index
    %get3A_16 = arith.constant 0 : index
    %get3A_17 = vector.load %arg7[%get3A_15, %get3A_16] : memref<400x16xf32, #tpu.memory_space<vmem>>, vector<400x8xf32>
    %add3A_18 = arith.addf %get3A_14, %get3A_17 : vector<400x8xf32>
    %ge3A = arith.constant 0.000000e+00 : f32
    %ge3A_19 = vector.broadcast %ge3A : f32 to vector<400x8xf32>
    %ge3A_20 = arith.cmpf oge, %add3A_18, %ge3A_19 : vector<400x8xf32>
    %mul3A = arith.constant 2.000000e-01 : f32
    %mul3A_21 = vector.broadcast %mul3A : f32 to vector<400x8xf32>
    %mul3A_22 = arith.mulf %mul3A_21, %add3A_18 : vector<400x8xf32>
    %select_n3A = arith.select %ge3A_20, %add3A_18, %mul3A_22 : vector<400x8xi1>, vector<400x8xf32>
    %exp3A = math.exp %select_n3A : vector<400x8xf32>
    %slice3A = vector.extract_strided_slice %add3A_11 {offsets = [0, 0], sizes = [400, 8], strides = [1, 1]} : vector<400x16xf32> to vector<400x8xf32>
    %add3A_23 = arith.addf %slice3A, %exp3A : vector<400x8xf32>
    %get3A_24 = arith.constant 0 : index
    %get3A_25 = arith.constant 0 : index
    %get3A_26 = vector.load %arg9[%get3A_24, %get3A_25] : memref<8x128xf32, #tpu.memory_space<vmem>>, vector<8x128xf32>
    %dot_general3A = arith.constant dense<0.000000e+00> : vector<400x128xf32>
    %dot_general3A_27 = tpu.matmul %exp3A, %get3A_26, %dot_general3A {dimension_numbers = #tpu.dot_dimension_numbers<[1], [0], [0], [1], [0, 0, 1, 1], [], []>, transpose_lhs_hint = false} : vector<400x8xf32>, vector<8x128xf32>, vector<400x128xf32> -> vector<400x128xf32>
    %div3A = arith.constant 1.000000e+00 : f32
    %div3A_28 = vector.broadcast %div3A : f32 to vector<400x8xf32>
    %div3A_29 = arith.divf %div3A_28, %add3A_23 : vector<400x8xf32>
    %get3A_30 = arith.constant 0 : index
    %get3A_31 = arith.constant 0 : index
    %get3A_32 = vector.load %arg9[%get3A_30, %get3A_31] : memref<8x128xf32, #tpu.memory_space<vmem>>, vector<8x128xf32>
    %dot_general3A_33 = arith.constant dense<0.000000e+00> : vector<400x128xf32>
    %dot_general3A_34 = tpu.matmul %div3A_29, %get3A_32, %dot_general3A_33 {dimension_numbers = #tpu.dot_dimension_numbers<[1], [0], [0], [1], [0, 0, 1, 1], [], []>, transpose_lhs_hint = false} : vector<400x8xf32>, vector<8x128xf32>, vector<400x128xf32> -> vector<400x128xf32>
    %get3A_35 = arith.constant 0 : index
    %get3A_36 = arith.constant 0 : index
    %get3A_37 = vector.load %arg5[%get3A_35, %get3A_36] : memref<400x128xf32, #tpu.memory_space<vmem>>, vector<400x128xf32>
    %mul3A_38 = arith.mulf %dot_general3A_27, %get3A_37 : vector<400x128xf32>
    %add3A_39 = arith.addf %add3A, %mul3A_38 : vector<400x128xf32>
    %mul3A_40 = arith.mulf %add3A_39, %dot_general3A_34 : vector<400x128xf32>
    %get3A_41 = arith.constant 0 : index
    %get3A_42 = arith.constant 0 : index
    %get3A_43 = vector.load %arg8[%get3A_41, %get3A_42] : memref<1x128xf32, #tpu.memory_space<vmem>>, vector<1x128xf32>
    %add3A_44 = vector.broadcast %get3A_43 : vector<1x128xf32> to vector<400x128xf32>
    %add3A_45 = arith.addf %mul3A_40, %add3A_44 : vector<400x128xf32>
    %gt3A = arith.constant 0.000000e+00 : f32
    %gt3A_46 = vector.broadcast %gt3A : f32 to vector<400x128xf32>
    %gt3A_47 = arith.cmpf ogt, %add3A_45, %gt3A_46 : vector<400x128xf32>
    %exp3A_48 = math.exp %add3A_45 : vector<400x128xf32>
    %sub3A = arith.constant 1.000000e+00 : f32
    %sub3A_49 = vector.broadcast %sub3A : f32 to vector<400x128xf32>
    %sub3A_50 = arith.subf %exp3A_48, %sub3A_49 : vector<400x128xf32>
    %select_n3A_51 = arith.select %gt3A_47, %add3A_45, %sub3A_50 : vector<400x128xi1>, vector<400x128xf32>
    %get3A_52 = arith.constant 0 : index
    %get3A_53 = arith.constant 0 : index
    %get3A_54 = vector.load %arg10[%get3A_52, %get3A_53] : memref<128x128xf32, #tpu.memory_space<vmem>>, vector<128x128xf32>
    %dot_general3A_55 = arith.constant dense<0.000000e+00> : vector<400x128xf32>
    %dot_general3A_56 = tpu.matmul %select_n3A_51, %get3A_54, %dot_general3A_55 {dimension_numbers = #tpu.dot_dimension_numbers<[1], [0], [0], [1], [0, 0, 1, 1], [], []>, transpose_lhs_hint = false} : vector<400x128xf32>, vector<128x128xf32>, vector<400x128xf32> -> vector<400x128xf32>
    %get3A_57 = arith.constant 0 : index
    %get3A_58 = arith.constant 0 : index
    %get3A_59 = vector.load %arg11[%get3A_57, %get3A_58] : memref<128x8xf32, #tpu.memory_space<vmem>>, vector<128x8xf32>
    %dot_general3A_60 = arith.constant dense<0.000000e+00> : vector<400x8xf32>
    %dot_general3A_61 = tpu.matmul %dot_general3A_56, %get3A_59, %dot_general3A_60 {dimension_numbers = #tpu.dot_dimension_numbers<[1], [0], [0], [1], [0, 0, 1, 1], [], []>, transpose_lhs_hint = false} : vector<400x128xf32>, vector<128x8xf32>, vector<400x8xf32> -> vector<400x8xf32>
    %get3A_62 = arith.constant 0 : index
    %get3A_63 = arith.constant 0 : index
    %get3A_64 = vector.load %arg12[%get3A_62, %get3A_63] : memref<128x8xf32, #tpu.memory_space<vmem>>, vector<128x8xf32>
    %dot_general3A_65 = arith.constant dense<0.000000e+00> : vector<400x8xf32>
    %dot_general3A_66 = tpu.matmul %dot_general3A_56, %get3A_64, %dot_general3A_65 {dimension_numbers = #tpu.dot_dimension_numbers<[1], [0], [0], [1], [0, 0, 1, 1], [], []>, transpose_lhs_hint = false} : vector<400x128xf32>, vector<128x8xf32>, vector<400x8xf32> -> vector<400x8xf32>
    %broadcast_in_dim3A = arith.constant 0.000000e+00 : f32
    %broadcast_in_dim3A_67 = vector.broadcast %broadcast_in_dim3A : f32 to vector<400x8xf32>
    %swap3A = arith.constant 0 : index
    %swap3A_68 = arith.constant 0 : index
    %swap3A_69 = vector.load %arg13[%swap3A, %swap3A_68] : memref<400x128xf32, #tpu.memory_space<vmem>>, vector<400x128xf32>
    tpu.vector_store %arg13[%swap3A, %swap3A_68], %dot_general3A_56 {strides = array<i32>} : memref<400x128xf32, #tpu.memory_space<vmem>>, vector<400x128xf32>,
    %concatenate3A = tpu.concatenate %dot_general3A_61, %broadcast_in_dim3A_67 in 1 : vector<400x8xf32>, vector<400x8xf32> -> vector<400x16xf32>
    %swap3A_70 = arith.constant 0 : index
    %swap3A_71 = arith.constant 0 : index
    %swap3A_72 = vector.load %arg14[%swap3A_70, %swap3A_71] : memref<400x16xf32, #tpu.memory_space<vmem>>, vector<400x16xf32>
    tpu.vector_store %arg14[%swap3A_70, %swap3A_71], %concatenate3A {strides = array<i32>} : memref<400x16xf32, #tpu.memory_space<vmem>>, vector<400x16xf32>,
    %concatenate3A_73 = tpu.concatenate %dot_general3A_66, %broadcast_in_dim3A_67 in 1 : vector<400x8xf32>, vector<400x8xf32> -> vector<400x16xf32>
    %swap3A_74 = arith.constant 0 : index
    %swap3A_75 = arith.constant 0 : index
    %swap3A_76 = vector.load %arg15[%swap3A_74, %swap3A_75] : memref<400x16xf32, #tpu.memory_space<vmem>>, vector<400x16xf32>
    tpu.vector_store %arg15[%swap3A_74, %swap3A_75], %concatenate3A_73 {strides = array<i32>} : memref<400x16xf32, #tpu.memory_space<vmem>>, vector<400x16xf32>,
    return
  }
  func.func @transform_0(%arg0: i32) -> (i32, i32) {
    %c0_i32 = arith.constant 0 : i32
    %c0_i32_0 = arith.constant 0 : i32
    return %arg0, %c0_i32 : i32, i32
  }
  func.func @transform_1(%arg0: i32) -> (i32, i32) {
    %c0_i32 = arith.constant 0 : i32
    %c0_i32_0 = arith.constant 0 : i32
    return %arg0, %c0_i32 : i32, i32
  }
  func.func @transform_2(%arg0: i32) -> (i32, i32) {
    %c0_i32 = arith.constant 0 : i32
    %c0_i32_0 = arith.constant 0 : i32
    return %arg0, %c0_i32 : i32, i32
  }
  func.func @transform_3(%arg0: i32) -> (i32, i32) {
    %c0_i32 = arith.constant 0 : i32
    %c0_i32_0 = arith.constant 0 : i32
    return %arg0, %c0_i32 : i32, i32
  }
  func.func @transform_4(%arg0: i32) -> (i32, i32) {
    %c0_i32 = arith.constant 0 : i32
    %c0_i32_0 = arith.constant 0 : i32
    return %arg0, %c0_i32 : i32, i32
  }
  func.func @transform_5(%arg0: i32) -> (i32, i32) {
    %c0_i32 = arith.constant 0 : i32
    %c0_i32_0 = arith.constant 0 : i32
    return %arg0, %c0_i32 : i32, i32
  }
  func.func @transform_6(%arg0: i32) -> (i32, i32) {
    %c0_i32 = arith.constant 0 : i32
    %c0_i32_0 = arith.constant 0 : i32
    return %arg0, %c0_i32 : i32, i32
  }
  func.func @transform_7(%arg0: i32) -> (i32, i32) {
    %c0_i32 = arith.constant 0 : i32
    %c0_i32_0 = arith.constant 0 : i32
    %c0_i32_1 = arith.constant 0 : i32
    return %c0_i32, %c0_i32_0 : i32, i32
  }
  func.func @transform_8(%arg0: i32) -> (i32, i32) {
    %c0_i32 = arith.constant 0 : i32
    %c0_i32_0 = arith.constant 0 : i32
    %c0_i32_1 = arith.constant 0 : i32
    return %c0_i32, %c0_i32_0 : i32, i32
  }
  func.func @transform_9(%arg0: i32) -> (i32, i32) {
    %c0_i32 = arith.constant 0 : i32
    %c0_i32_0 = arith.constant 0 : i32
    %c0_i32_1 = arith.constant 0 : i32
    return %c0_i32, %c0_i32_0 : i32, i32
  }
  func.func @transform_10(%arg0: i32) -> (i32, i32) {
    %c0_i32 = arith.constant 0 : i32
    %c0_i32_0 = arith.constant 0 : i32
    %c0_i32_1 = arith.constant 0 : i32
    return %c0_i32, %c0_i32_0 : i32, i32
  }
  func.func @transform_11(%arg0: i32) -> (i32, i32) {
    %c0_i32 = arith.constant 0 : i32
    %c0_i32_0 = arith.constant 0 : i32
    %c0_i32_1 = arith.constant 0 : i32
    return %c0_i32, %c0_i32_0 : i32, i32
  }
  func.func @transform_12(%arg0: i32) -> (i32, i32) {
    %c0_i32 = arith.constant 0 : i32
    %c0_i32_0 = arith.constant 0 : i32
    return %arg0, %c0_i32 : i32, i32
  }
  func.func @transform_13(%arg0: i32) -> (i32, i32) {
    %c0_i32 = arith.constant 0 : i32
    %c0_i32_0 = arith.constant 0 : i32
    return %arg0, %c0_i32 : i32, i32
  }
  func.func @transform_14(%arg0: i32) -> (i32, i32) {
    %c0_i32 = arith.constant 0 : i32
    %c0_i32_0 = arith.constant 0 : i32
    return %arg0, %c0_i32 : i32, i32
  }
}

module attributes {stable_mosaic.version = 14 : i64} {
  func.func @_final_body(%arg0: i32, %arg1: memref<400x128xf32, #tpu.memory_space<vmem>>, %arg2: memref<400x128xf32, #tpu.memory_space<vmem>>, %arg3: memref<400x16xf32, #tpu.memory_space<vmem>>, %arg4: memref<400x16xf32, #tpu.memory_space<vmem>>, %arg5: memref<400x128xf32, #tpu.memory_space<vmem>>, %arg6: memref<400x16xf32, #tpu.memory_space<vmem>>, %arg7: memref<400x16xf32, #tpu.memory_space<vmem>>, %arg8: memref<1x128xf32, #tpu.memory_space<vmem>>, %arg9: memref<8x128xf32, #tpu.memory_space<vmem>>, %arg10: memref<400x128xf32, #tpu.memory_space<vmem>>) attributes {dimension_semantics = [#tpu.dimension_semantics<arbitrary>], iteration_bounds = array<i64: 25>, scalar_prefetch = 0 : i64, scratch_operands = 0 : i64, tpu.core_type = #tpu.core_type<tc>, window_params = [{transform_indices = @transform_0, window_bounds = array<i64: 400, 128>}, {transform_indices = @transform_1, window_bounds = array<i64: 400, 128>}, {transform_indices = @transform_2, window_bounds = array<i64: 400, 16>}, {transform_indices = @transform_3, window_bounds = array<i64: 400, 16>}, {transform_indices = @transform_4, window_bounds = array<i64: 400, 128>}, {transform_indices = @transform_5, window_bounds = array<i64: 400, 16>}, {transform_indices = @transform_6, window_bounds = array<i64: 400, 16>}, {pipeline_mode = #tpu.pipeline_mode<synchronous>, transform_indices = @transform_7, window_bounds = array<i64: 1, 128>}, {pipeline_mode = #tpu.pipeline_mode<synchronous>, transform_indices = @transform_8, window_bounds = array<i64: 8, 128>}, {transform_indices = @transform_9, window_bounds = array<i64: 400, 128>}]} {
    %get3A = arith.constant 0 : index
    %get3A_0 = arith.constant 0 : index
    %get3A_1 = vector.load %arg1[%get3A, %get3A_0] : memref<400x128xf32, #tpu.memory_space<vmem>>, vector<400x128xf32>
    %get3A_2 = arith.constant 0 : index
    %get3A_3 = arith.constant 0 : index
    %get3A_4 = vector.load %arg2[%get3A_2, %get3A_3] : memref<400x128xf32, #tpu.memory_space<vmem>>, vector<400x128xf32>
    %add3A = arith.addf %get3A_1, %get3A_4 : vector<400x128xf32>
    %get3A_5 = arith.constant 0 : index
    %get3A_6 = arith.constant 0 : index
    %get3A_7 = vector.load %arg3[%get3A_5, %get3A_6] : memref<400x16xf32, #tpu.memory_space<vmem>>, vector<400x16xf32>
    %get3A_8 = arith.constant 0 : index
    %get3A_9 = arith.constant 0 : index
    %get3A_10 = vector.load %arg4[%get3A_8, %get3A_9] : memref<400x16xf32, #tpu.memory_space<vmem>>, vector<400x16xf32>
    %add3A_11 = arith.addf %get3A_7, %get3A_10 : vector<400x16xf32>
    %get3A_12 = arith.constant 0 : index
    %get3A_13 = arith.constant 0 : index
    %get3A_14 = vector.load %arg6[%get3A_12, %get3A_13] : memref<400x16xf32, #tpu.memory_space<vmem>>, vector<400x8xf32>
    %get3A_15 = arith.constant 0 : index
    %get3A_16 = arith.constant 0 : index
    %get3A_17 = vector.load %arg7[%get3A_15, %get3A_16] : memref<400x16xf32, #tpu.memory_space<vmem>>, vector<400x8xf32>
    %add3A_18 = arith.addf %get3A_14, %get3A_17 : vector<400x8xf32>
    %ge3A = arith.constant 0.000000e+00 : f32
    %ge3A_19 = vector.broadcast %ge3A : f32 to vector<400x8xf32>
    %ge3A_20 = arith.cmpf oge, %add3A_18, %ge3A_19 : vector<400x8xf32>
    %mul3A = arith.constant 2.000000e-01 : f32
    %mul3A_21 = vector.broadcast %mul3A : f32 to vector<400x8xf32>
    %mul3A_22 = arith.mulf %mul3A_21, %add3A_18 : vector<400x8xf32>
    %select_n3A = arith.select %ge3A_20, %add3A_18, %mul3A_22 : vector<400x8xi1>, vector<400x8xf32>
    %exp3A = math.exp %select_n3A : vector<400x8xf32>
    %slice3A = vector.extract_strided_slice %add3A_11 {offsets = [0, 0], sizes = [400, 8], strides = [1, 1]} : vector<400x16xf32> to vector<400x8xf32>
    %add3A_23 = arith.addf %slice3A, %exp3A : vector<400x8xf32>
    %get3A_24 = arith.constant 0 : index
    %get3A_25 = arith.constant 0 : index
    %get3A_26 = vector.load %arg9[%get3A_24, %get3A_25] : memref<8x128xf32, #tpu.memory_space<vmem>>, vector<8x128xf32>
    %dot_general3A = arith.constant dense<0.000000e+00> : vector<400x128xf32>
    %dot_general3A_27 = tpu.matmul %exp3A, %get3A_26, %dot_general3A {dimension_numbers = #tpu.dot_dimension_numbers<[1], [0], [0], [1], [0, 0, 1, 1], [], []>, transpose_lhs_hint = false} : vector<400x8xf32>, vector<8x128xf32>, vector<400x128xf32> -> vector<400x128xf32>
    %div3A = arith.constant 1.000000e+00 : f32
    %div3A_28 = vector.broadcast %div3A : f32 to vector<400x8xf32>
    %div3A_29 = arith.divf %div3A_28, %add3A_23 : vector<400x8xf32>
    %get3A_30 = arith.constant 0 : index
    %get3A_31 = arith.constant 0 : index
    %get3A_32 = vector.load %arg9[%get3A_30, %get3A_31] : memref<8x128xf32, #tpu.memory_space<vmem>>, vector<8x128xf32>
    %dot_general3A_33 = arith.constant dense<0.000000e+00> : vector<400x128xf32>
    %dot_general3A_34 = tpu.matmul %div3A_29, %get3A_32, %dot_general3A_33 {dimension_numbers = #tpu.dot_dimension_numbers<[1], [0], [0], [1], [0, 0, 1, 1], [], []>, transpose_lhs_hint = false} : vector<400x8xf32>, vector<8x128xf32>, vector<400x128xf32> -> vector<400x128xf32>
    %get3A_35 = arith.constant 0 : index
    %get3A_36 = arith.constant 0 : index
    %get3A_37 = vector.load %arg5[%get3A_35, %get3A_36] : memref<400x128xf32, #tpu.memory_space<vmem>>, vector<400x128xf32>
    %mul3A_38 = arith.mulf %dot_general3A_27, %get3A_37 : vector<400x128xf32>
    %add3A_39 = arith.addf %add3A, %mul3A_38 : vector<400x128xf32>
    %mul3A_40 = arith.mulf %add3A_39, %dot_general3A_34 : vector<400x128xf32>
    %get3A_41 = arith.constant 0 : index
    %get3A_42 = arith.constant 0 : index
    %get3A_43 = vector.load %arg8[%get3A_41, %get3A_42] : memref<1x128xf32, #tpu.memory_space<vmem>>, vector<1x128xf32>
    %add3A_44 = vector.broadcast %get3A_43 : vector<1x128xf32> to vector<400x128xf32>
    %add3A_45 = arith.addf %mul3A_40, %add3A_44 : vector<400x128xf32>
    %reduce_max3A = arith.constant dense<0xFF800000> : vector<400xf32>
    %reduce_max3A_46 = vector.multi_reduction <maximumf>, %add3A_45, %reduce_max3A [1] : vector<400x128xf32> to vector<400xf32>
    %broadcast_in_dim3A = vector.shape_cast %reduce_max3A_46 : vector<400xf32> to vector<400x1xf32>
    %sub3A = vector.broadcast %broadcast_in_dim3A : vector<400x1xf32> to vector<400x128xf32>
    %sub3A_47 = arith.subf %add3A_45, %sub3A : vector<400x128xf32>
    %exp3A_48 = math.exp %sub3A_47 : vector<400x128xf32>
    %reduce_sum3A = arith.constant dense<0.000000e+00> : vector<400xf32>
    %reduce_sum3A_49 = vector.multi_reduction <add>, %exp3A_48, %reduce_sum3A [1] : vector<400x128xf32> to vector<400xf32>
    %broadcast_in_dim3A_50 = vector.shape_cast %reduce_sum3A_49 : vector<400xf32> to vector<400x1xf32>
    %log3A = math.log %broadcast_in_dim3A_50 : vector<400x1xf32>
    %sub3A_51 = vector.broadcast %log3A : vector<400x1xf32> to vector<400x128xf32>
    %sub3A_52 = arith.subf %sub3A_47, %sub3A_51 : vector<400x128xf32>
    %swap3A = arith.constant 0 : index
    %swap3A_53 = arith.constant 0 : index
    %swap3A_54 = vector.load %arg10[%swap3A, %swap3A_53] : memref<400x128xf32, #tpu.memory_space<vmem>>, vector<400x128xf32>
    tpu.vector_store %arg10[%swap3A, %swap3A_53], %sub3A_52 {strides = array<i32>} : memref<400x128xf32, #tpu.memory_space<vmem>>, vector<400x128xf32>,
    return
  }
  func.func @transform_0(%arg0: i32) -> (i32, i32) {
    %c0_i32 = arith.constant 0 : i32
    %c0_i32_0 = arith.constant 0 : i32
    return %arg0, %c0_i32 : i32, i32
  }
  func.func @transform_1(%arg0: i32) -> (i32, i32) {
    %c0_i32 = arith.constant 0 : i32
    %c0_i32_0 = arith.constant 0 : i32
    return %arg0, %c0_i32 : i32, i32
  }
  func.func @transform_2(%arg0: i32) -> (i32, i32) {
    %c0_i32 = arith.constant 0 : i32
    %c0_i32_0 = arith.constant 0 : i32
    return %arg0, %c0_i32 : i32, i32
  }
  func.func @transform_3(%arg0: i32) -> (i32, i32) {
    %c0_i32 = arith.constant 0 : i32
    %c0_i32_0 = arith.constant 0 : i32
    return %arg0, %c0_i32 : i32, i32
  }
  func.func @transform_4(%arg0: i32) -> (i32, i32) {
    %c0_i32 = arith.constant 0 : i32
    %c0_i32_0 = arith.constant 0 : i32
    return %arg0, %c0_i32 : i32, i32
  }
  func.func @transform_5(%arg0: i32) -> (i32, i32) {
    %c0_i32 = arith.constant 0 : i32
    %c0_i32_0 = arith.constant 0 : i32
    return %arg0, %c0_i32 : i32, i32
  }
  func.func @transform_6(%arg0: i32) -> (i32, i32) {
    %c0_i32 = arith.constant 0 : i32
    %c0_i32_0 = arith.constant 0 : i32
    return %arg0, %c0_i32 : i32, i32
  }
  func.func @transform_7(%arg0: i32) -> (i32, i32) {
    %c0_i32 = arith.constant 0 : i32
    %c0_i32_0 = arith.constant 0 : i32
    %c0_i32_1 = arith.constant 0 : i32
    return %c0_i32, %c0_i32_0 : i32, i32
  }
  func.func @transform_8(%arg0: i32) -> (i32, i32) {
    %c0_i32 = arith.constant 0 : i32
    %c0_i32_0 = arith.constant 0 : i32
    %c0_i32_1 = arith.constant 0 : i32
    return %c0_i32, %c0_i32_0 : i32, i32
  }
  func.func @transform_9(%arg0: i32) -> (i32, i32) {
    %c0_i32 = arith.constant 0 : i32
    %c0_i32_0 = arith.constant 0 : i32
    return %arg0, %c0_i32 : i32, i32
  }
}

</mosaic_0001>

<sc_bundles>
// kernel: kernel.10.cloned.1.call-start
scs
__scs_entry_jumppad:
0x0: {  	(pc) =	sbr.rel $0x88, $3  }
0x1: {  	(tag) =	ssettag $0x0;
	lr =	simm.s32 $0x1  }
0x2: {  	[smem:$0x3F97] =	sst lr;
	_ =	strace $0xD0000000  }
0x3: {  	_ = 	snop  }
0x4: {  	_ = 	snop  }
0x5: {  	_ = 	snop  }
0x6: {  	_ = 	snop  }
0x7: {  	_ = 	snop  }
__scs_overlays_trampoline_lowered:
0x8: {  	[smem:$0x3FA6] =	sst s0  }
0x9: {  	[smem:$0x3FA7] =	sst s1  }
0xa: {  	[smem:$0x3FA8] =	sst s2  }
0xb: {  	[smem:$0x3FA9] =	sst s3  }
0xc: {  	[smem:$0x3FAA] =	sst s4  }
0xd: {  	[smem:$0x3FAB] =	sst s5  }
0xe: {  	[smem:$0x3FAC] =	sst s6  }
0xf: {  	[smem:$0x3FAD] =	sst s7  }
0x10: {  	[smem:$0x3FAE] =	sst s8  }
0x11: {  	[smem:$0x3FAF] =	sst s9;
	s0 =	simm.s32 @!p0 $0x0  }
0x12: {  	s1 =	sld [smem:$0x3F95];
	s0 =	simm.s32 @p0 $0x1  }
0x13: {  	[smem:$0x3FB0] =	sst s0;
	s0 =	simm.s32 @!p1 $0x0  }
0x14: {  	s2 =	sld [smem:$0x3F94];
	s0 =	simm.s32 @p1 $0x1  }
0x15: {  	[smem:$0x3FB1] =	sst s0;
	s0 =	simm.s32 @!p2 $0x0  }
0x16: {  	s3 =	sld [smem:$0x3FDB];
	s0 =	simm.s32 @p2 $0x1  }
0x17: {  	s4 =	simm.s32 $0x1BF5;
	[smem:$0x3FB3] =	sst s0  }
0x18: {  	s0 =	sld [smem:$0x3F96];
	_ =	swait.ge [sflag:s4], $0x0  }
0x19: {  	s7 =	sld [smem:$0x3F97]  }
0x1a: {  	s8 =	sadd.s32 $0xFFFFE003, lr  }
0x1b: {  	s9 =	sadd.s32 $0xFFFFFEF7, lr;
	s5 =	simm.s32 $0xFFFFFFFF;
	p2 =	slt.u32 s8, $0xFFFFF086  }
0x1c: {  	p1 =	slt.u32 s9, $0xF7A;
	s5 =	simm.s32 @!p2 $0x0  }
0x1d: {  	s5 =	simm.s32 @p1 $0x1;
	p0 =	seq.s32 s7, s2  }
0x1e: {  	s7 =	smul.u32 @!p0 $0xF7A, s2;
	p2 =	seq.s32 @!p0 s5, $0x0  }
0x1f: {  	s9 =	smul.u32 $0xF7A, s1;
	s8 =	simm.s32 @!p0 $0x1BF5;
	p2 =	por !p2, p0  }
0x20: {  	[sflag:s8] =	ssyncset.s32 @!p0 $0xFFFFF086;
	s6 =	sadd.s32 @!p0 s3, s7;
	s7 =	simm.s32 @!p0 $0x108  }
0x21: {  	s3 =	sadd.s32 s3, s9;
	s6 =	sadd.s32 @!p0 $0x88, s6;
	s7 =	simm.s32 @p2 $0x1082  }
0x22: {  	[simem:s7], [sflag:s8] =	dma.local @!p0 [hbm:s6], $0xF7A  }
0x23: {  	s9 =	sor.u32 $0xD0000000, s2;
	s6 =	simm.s32 $0x108;
	_ =	swait.ge @!p0 [sflag:s8], $0x0  }
0x24: {  	s3 =	sadd.s32 $0x88, s3;
	s6 =	simm.s32 @!p1 $0x1082;
	[sflag:s4] =	ssyncset.s32 $0xFFFFF086  }
0x25: {  	[simem:s6], [sflag:s4] =	dma.local [hbm:s3], $0xF7A  }
0x26: {  	[smem:$0x3F97] =	sst s1;
	(tag) =	ssettag s2;
	_ =	strace s9  }
0x27: {  	s1 =	sld [smem:$0x3FA7]  }
0x28: {  	s2 =	sld [smem:$0x3FA8]  }
0x29: {  	s4 =	sld [smem:$0x3FAA]  }
0x2a: {  	p0 =	seq.s32 s5, $0x0;
	s5 =	sld [smem:$0x3FAB]  }
0x2b: {  	s6 =	sld [smem:$0x3FAC]  }
0x2c: {  	s7 =	sld [smem:$0x3FAD]  }
0x2d: {  	s3 =	simm.s32 $0x108;
	s8 =	sld [smem:$0x3FAE]  }
0x2e: {  	s3 =	simm.s32 @!p0 $0x1082;
	s9 =	sld [smem:$0x3FAF]  }
0x2f: {  	lr =	sadd.s32 s0, s3;
	s0 =	sld [smem:$0x3FA6]  }
0x30: {  	s3 =	sld [smem:$0x3FA9]  }
0x31: {  	[smem:$0x3FB2] =	sst s10  }
0x32: {  	s10 =	sld [smem:$0x3FB0];
	_ =	sdelay $0x3  }
0x33: {  	p0 =	seq.s32 s10, $0x1;
	s10 =	sld [smem:$0x3FB2];
	_ =	sdelay $0x3  }
0x34: {  	[smem:$0x3FB2] =	sst s10  }
0x35: {  	s10 =	sld [smem:$0x3FB1];
	_ =	sdelay $0x3  }
0x36: {  	p1 =	seq.s32 s10, $0x1;
	s10 =	sld [smem:$0x3FB2];
	_ =	sdelay $0x3  }
0x37: {  	[smem:$0x3FB2] =	sst s10  }
0x38: {  	s10 =	sld [smem:$0x3FB3]  }
0x39: {  	_ = 	snop;
	(pc) =	sbr.ind lr, $3  }
0x3a: {  	_ = 	snop  }
0x3b: {  	_ = 	snop  }
0x3c: {  	p2 =	seq.s32 s10, $0x1;
	s10 =	sld [smem:$0x3FB2]  }
0x3d: {  	_ =	shalt  }
0x3e: {  	_ =	shalt  }
0x3f: {  	_ =	shalt  }
0x40: {  	_ =	shalt  }
0x41: {  	_ =	shalt  }
0x42: {  	_ =	shalt  }
0x43: {  	_ =	shalt  }
0x44: {  	_ =	shalt  }
0x45: {  	_ =	shalt  }
0x46: {  	_ =	shalt  }
0x47: {  	_ =	shalt  }
0x48: {  	_ =	shalt  }
0x49: {  	_ =	shalt  }
0x4a: {  	_ =	shalt  }
0x4b: {  	_ =	shalt  }
0x4c: {  	_ =	shalt  }
0x4d: {  	_ =	shalt  }
0x4e: {  	_ =	shalt  }
0x4f: {  	_ =	shalt  }
0x50: {  	_ =	shalt  }
0x51: {  	_ =	shalt  }
0x52: {  	_ =	shalt  }
0x53: {  	_ =	shalt  }
0x54: {  	_ =	shalt  }
0x55: {  	_ =	shalt  }
0x56: {  	_ =	shalt  }
0x57: {  	_ =	shalt  }
0x58: {  	_ =	shalt  }
0x59: {  	_ =	shalt  }
0x5a: {  	_ =	shalt  }
0x5b: {  	_ =	shalt  }
0x5c: {  	_ =	shalt  }
0x5d: {  	_ =	shalt  }
0x5e: {  	_ =	shalt  }
0x5f: {  	_ =	shalt  }
0x60: {  	_ =	shalt  }
0x61: {  	_ =	shalt  }
0x62: {  	_ =	shalt  }
0x63: {  	_ =	shalt  }
0x64: {  	_ =	shalt  }
0x65: {  	_ =	shalt  }
0x66: {  	_ =	shalt  }
0x67: {  	_ =	shalt  }
0x68: {  	_ =	shalt  }
0x69: {  	_ =	shalt  }
0x6a: {  	_ =	shalt  }
0x6b: {  	_ =	shalt  }
0x6c: {  	_ =	shalt  }
0x6d: {  	_ =	shalt  }
0x6e: {  	_ =	shalt  }
0x6f: {  	_ =	shalt  }
0x70: {  	_ =	shalt  }
0x71: {  	_ =	shalt  }
0x72: {  	_ =	shalt  }
0x73: {  	_ =	shalt  }
0x74: {  	_ =	shalt  }
0x75: {  	_ =	shalt  }
0x76: {  	_ =	shalt  }
0x77: {  	_ =	shalt  }
0x78: {  	_ =	shalt  }
0x79: {  	_ =	shalt  }
0x7a: {  	_ =	shalt  }
0x7b: {  	_ =	shalt  }
0x7c: {  	_ =	shalt  }
0x7d: {  	_ =	shalt  }
0x7e: {  	_ =	shalt  }
0x7f: {  	_ =	shalt  }
0x80: {  	_ =	shalt  }
0x81: {  	_ =	shalt  }
0x82: {  	_ =	shalt  }
0x83: {  	_ =	shalt  }
0x84: {  	_ =	shalt  }
0x85: {  	_ =	shalt  }
0x86: {  	_ =	shalt  }
0x87: {  	_ =	shalt  }
.Lfunc_end0:
.L_simem_size_0:
called_computation.1_lowered:
.L_overlay_start_0:
0x88: {  	s2 =	sld [smem:$0x3FD9]  }
0x89: {  	s3 =	sld [smem:$0x3FFE];
	_ =	sdelay $0x1  }
0x8a: {  	s1 =	srdreg.scid  }
0x8b: {  	s0 =	sand.u32 $0x1, s1  }
0x8c: {  	s17 =	sshll.u32 s0, $0xA;
	s2 =	sadd.s32 s3, s2  }
0x8d: {  	s2 =	sadd.s32 s2, s17  }
0x8e: {  	[smem:$0x3FBE] =	sst s2  }
0x8f: {  	_ = 	snop  }
0x90: {  	s2 =	sld [smem:$0x3FD0];
	(tm) =	ssettm $0x1  }
0x91: {  	s18 =	sld [smem:$0x3FFB];
	_ =	sdelay $0x3  }
0x92: {  	_ =	strace s18  }
0x93: {  	s3 =	sld [smem:$0x3FFC];
	_ =	sdelay $0x3  }
0x94: {  	_ =	strace s3  }
0x95: {  	s3 =	sld [smem:$0x3FFD];
	_ =	sdelay $0x3  }
0x96: {  	_ =	strace s3  }
0x97: {  	_ =	strace $0x8FFFFFFF  }
0x98: {  	s19 =	sld [smem:$0x3FDB];
	_ =	sdelay $0x1  }
0x99: {  	s4 =	simm.s32 $_scs_section_size  }
0x9a: {  	s5 =	simm.s32 $_size__tile_overlayer_lowered;
	s6 =	simm.s32 $_tile_overlayer_lowered  }
0x9b: {  	s22 =	simm.s32 $0x1BFF;
	s21 =	sshll.u32 s6, $0x1;
	s3 =	sadd.s32 s4, s19  }
0x9c: {  	s7 =	simm.s32 $0x0;
	s20 =	sshll.u32 s5, $0x1;
	s5 =	sadd.s32 s21, s3  }
0x9d: {  	[timem:s7], [sflag:s22] =	dma.local [hbm:s5], s20  }
0x9e: {  	_ =	swait.ge [sflag:s22], s20  }
0x9f: {  	s4 =	ssub.s32 $0x0, s20;
	[sflag:s22] =	ssyncset.done $0x0  }
0xa0: {  	[sflag:s22] =	ssyncadd.s32 s4;
	_ =	sdelay $0x1  }
0xa1: {  	s23 =	simm.s32 $0x1B8B  }
0xa2: {  	_ =	swait.ge [sflag:s23], $0x1  }
0xa3: {  	[sflag:s23] =	ssyncset.done $0x0  }
0xa4: {  	s25 =	simm.s32 $0x1B8E;
	s24 =	sld [smem:$0x3FFE];
	[sflag:s23] =	ssyncadd.s32 $0xFFFFFFFF  }
0xa5: {  	s26 =	simm.s32 $execute0_lowered;
	[smem:$0x3FD2] =	sst s25  }
0xa6: {  	s5 =	sshll.u32 s26, $0x1;
	_ =	strace $0x80000049;
	[dreg:$0x1] =	wrdreg $0xFFFFFFFF  }
0xa7: {  	s28 =	simm.s32 $_size_execute0_lowered;
	s3 =	sadd.s32 s3, s5;
	[dreg:$0x0] =	wrdreg $0x0  }
0xa8: {  	s5 =	sshll.u32 s28, $0x1;
	[dreg:$0x2] =	wrdreg s3  }
0xa9: {  	[dreg:$0x3] =	wrdreg s5  }
0xaa: {  	[dreg:$0x4] =	wrdreg $0xC0  }
0xab: {  	_ =	task [dreg:s7], $0x5FFFF  }
0xac: {  	[dreg:$0x1] =	wrdreg $0xFFFFFFFF  }
0xad: {  	[dreg:$0x0] =	wrdreg $0x60  }
0xae: {  	[dreg:$0x2] =	wrdreg s2  }
0xaf: {  	[dreg:$0x3] =	wrdreg s24  }
0xb0: {  	[dreg:$0x4] =	wrdreg $0x80200  }
0xb1: {  	[dreg:$0x5] =	wrdreg $0x1C0200  }
0xb2: {  	[dreg:$0x6] =	wrdreg $0x9  }
0xb3: {  	_ =	task.clear_ibuf [dreg:s7], $0x7FFFF;
	_ =	strace $0x90000049  }
0xb4: {  	s29 =	simm.s32 $0x9;
	_ =	strace $0x8000004B  }
0xb5: {  	_ =	swait.ge [sflag:s29], $0x1  }
0xb6: {  	[sflag:s29] =	ssyncadd.s32 $0xFFFFFFFF  }
0xb7: {  	_ =	strace $0x9000004B  }
0xb8: {  	_ =	sfence  }
0xb9: {  	s30 =	sld [smem:$0x0];
	_ =	sdelay $0x2  }
0xba: {  	s31 =	sshll.u32 s1, $0xD;
	s1 =	sshrl.u32 s1, $0x2  }
0xbb: {  	s3 =	sand.u32 $0x4000, s31;
	s1 =	sadd.s32 s1, s30  }
0xbc: {  	s0 =	sor.u32 s3, s0;
	s1 =	sshll.u32 s1, $0x11  }
0xbd: {  	s0 =	sor.u32 s1, s0  }
0xbe: {  	s0 =	sadd.s32 $0x8F2B, s0  }
0xbf: {  	[sflag:s0] =	ssyncadd.remote.s32 $0x1  }
0xc0: {  	_ =	sfence.sel $0xFFFF  }
0xc1: {  	[dreg:$0x0] =	wrdreg $0xFFFFFFFF;
	(pc) =	sbr.abs _section_cstart, $3  }
0xc2: {  	[dreg:$0x1] =	wrdreg $0xFFFFFFFF  }
0xc3: {  	_ =	task.clear_ibuf [dreg:s7], $0x2FFFF;
	_ =	strace $0x9FFFFFFF  }
0xc4: {  	(tm) =	ssettm $0x7FFFFFFF  }
0xc5: {  	_ =	shalt  }
tec
execute0_lowered:
.L_overlay_start_1:
0x0: {  	(tag) =	ssettag $0x1  }
0x1: {  	s1 =	rddreg [dreg:$0x0]  }
0x2: {  	s0 =	rddreg [dreg:$0x1]  }
0x3: {  	s3 =	rddreg [dreg:$0x2]  }
0x4: {  	s2 =	srdreg.scid;
	s17 =	stileid.u32  }
0x5: {  	s4 =	rddreg [dreg:$0x3];
	s5 =	simm.s32 $0x0;
	s28 =	simm.s32 $0x7DA0  }
0x6: {  	s29 =	simm.s32 $0x2;
	s30 =	simm.s32 $0x3;
	s31 =	simm.s32 $0x4  }
0x7: {  	s2 =	sand.u32 $0x1, s2;
	s6 =	sshll.u32 s17, $0x1;
	[smem:$0x7FF] =	sst s5  }
0x8: {  	s7 =	sadd.s32 $0x1B600, s0;
	s9 =	sadd.s32 $0x6F000, s0;
	s19 =	sadd.s32 $0x6EA00, s0  }
0x9: {  	s10 =	sadd.s32 $0x71800, s0;
	s12 =	sadd.s32 $0x20600, s0;
	s14 =	smul.u32 $0x14000, s17  }
0xa: {  	s20 =	smul.u32 $0x2800, s17;
	_ =	strace $0x8000004A;
	[dreg:$0x5] =	wrdreg s9  }
0xb: {  	s26 =	sshll.u32 s17, $0x6;
	s6 =	sor.u32 s2, s6;
	[dreg:$0x6] =	wrdreg s19  }
0xc: {  	s9 =	sadd.s32 $0x2A600, s0;
	s11 =	ssub.s32 $0x2, s2;
	p0 =	seq.s32 s2, $0x1  }
0xd: {  	s17 =	sor.u32 $0x1C05, s26;
	s26 =	simm.s32 $0x78A0;
	s8 =	smul.u32 $0x4E2, s6  }
0xe: {  	s6 =	sadd.s32 $0x16600, s0;
	s13 =	sshrl.u32 s11, $0x1;
	s21 =	sadd.s32 s14, s3  }
0xf: {  	s16 =	sadd.s32 s20, s4;
	s22 =	sshrl.u32 s14, $0x3;
	s9 =	smov.u32 @p0 s10  }
0x10: {  	s11 =	ssub.s32 s11, s13;
	s13 =	sshrl.u32 s20, $0x3;
	s24 =	sadd.s32 s9, s22  }
0x11: {  	s18 =	sshrl.u32 s21, $0x3;
	s19 =	sshrl.u32 s16, $0x3;
	s20 =	simm.s32 $0x28  }
0x12: {  	s21 =	simm.s32 $0x4E20;
	s22 =	simm.s32 $0x7620;
	s9 =	simm.s32 $0x0  }
0x13: {  	s8 =	sadd.s32 s8, s0;
	s0 =	sadd.s32 $0x25600, s0;
	s23 =	smax.u32 s11, $0x1  }
0x14: {  	[dreg:$0xa] =	wrdreg s24;
	s24 =	simm.s32 $0x1;
	s15 =	sadd.s32 $0xC800, s8  }
0x15: {  	s8 =	sadd.s32 $0x2A00, s8;
	s12 =	smov.u32 @p0 s0;
	[dreg:$0x9] =	wrdreg s23  }
0x16: {  	v0 =	vimm.s32 $0x0;
	v1 =	vimm.s32 $0x1;
	s23 =	simm.s32 $0x7B20;
	s0 =	simm.s32 $0x4DF8;
	[dreg:$0x7] =	wrdreg s15  }
0x17: {  	v2 =	vimm.s32 $0x2;
	v3 =	vimm.s32 $0x3;
	v4 =	vimm.s32 $0x4;
	[dreg:$0x8] =	wrdreg s8;
	s25 =	sadd.s32 s12, s13;
	s15 =	simm.s32 $0x5  }
0x18: {  	v5 =	vimm.s32 $0x5;
	v6 =	vimm.s32 $0x6;
	v7 =	vimm.s32 $0x7;
	s8 =	simm.s32 $0x4DD0;
	[dreg:$0xb] =	wrdreg s25;
	s25 =	simm.s32 $0x6220  }
.LBB2_1:
0x19: {  	s2 =	rddreg [dreg:$0x7]  }
0x1a: {  	[tilespmem:s5], [sflag:$0x5] =	stream.linear.gather [hbm4b:s2+s5], $0x2710, $0x38;
	[tilespmem:$0x1E820] =	vst v63  }
0x1b: {  	_ =	swait.ge [sflag:s15], $0x2710  }
0x1c: {  	[sflag:s15] =	ssyncset.done $0x0  }
0x1d: {  	s10 =	simm.s32 $0x2710;
	s13 =	rddreg [dreg:$0x8];
	[sflag:s15] =	ssyncadd.s32 $0xFFFFD8F0  }
0x1e: {  	[tilespmem:s10], [sflag:$0x5] =	stream.linear.gather [hbm4b:s13+s5], $0x2710, $0x38;
	[tilespmem:$0x1E820] =	vst v63  }
0x1f: {  	_ =	swait.ge [sflag:s15], $0x2710  }
0x20: {  	[sflag:s15] =	ssyncset.done $0x0  }
0x21: {  	s14 =	rddreg [dreg:$0x5];
	[sflag:s15] =	ssyncadd.s32 $0xFFFFD8F0  }
0x22: {  	[spmem:s18], [sflag:s17] =	dma.local [hbm:s14], $0x2800  }
0x23: {  	_ =	swait.ge [sflag:s15], $0x2800  }
0x24: {  	[sflag:s15] =	ssyncset.done $0x0  }
0x25: {  	s16 =	rddreg [dreg:$0x6];
	[sflag:s15] =	ssyncadd.s32 $0xFFFFD800  }
0x26: {  	[spmem:s19], [sflag:s17] =	dma.local [hbm:s16], $0x500  }
0x27: {  	_ =	swait.ge [sflag:s15], $0x500  }
0x28: {  	[sflag:s15] =	ssyncset.done $0x0  }
0x29: {  	[sflag:s15] =	ssyncadd.s32 $0xFFFFFB00  }
0x2a: {  	[bflag:$0x0] =	sbarrier.arrive $0xFFFF  }
0x2b: {  	[tilespmem:s21], [sflag:$0x1] =	stream.indirect.gather [hbm4b:s1+s20], $0x80, s5, s20, $0xb8;
	[tilespmem:$0x1E820] =	vst v63  }
0x2c: {  	_ = 	snop  }
0x2d: {  	[tilespmem:s22], [sflag:$0x1] =	stream.indirect.gather [hbm4b:s6+s20], $0x10, s5, s20, $0xb8;
	[tilespmem:$0x1E820] =	vst v63  }
0x2e: {  	_ = 	snop  }
0x2f: {  	[tilespmem:s23], [sflag:$0x1] =	stream.indirect.gather [hbm4b:s7+s20], $0x10, s10, s20, $0xb8;
	[tilespmem:$0x1E820] =	vst v63  }
0x30: {  	s10 =	simm.s32 $0x0  }
.LBB2_2:
0x31: {  	_ =	swait.ge [sflag:s24], $0x1400  }
0x32: {  	[sflag:s24] =	ssyncset.done $0x0  }
0x33: {  	[sflag:s24] =	ssyncadd.s32 $0xFFFFEC00  }
0x34: {  	_ =	swait.ge [sflag:s24], $0x280  }
0x35: {  	[sflag:s24] =	ssyncset.done $0x0  }
0x36: {  	[sflag:s24] =	ssyncadd.s32 $0xFFFFFD80  }
0x37: {  	_ =	swait.ge [sflag:s24], $0x280  }
0x38: {  	p0 =	seq.s32 s10, $0x0;
	[sflag:s24] =	ssyncset.done $0x0  }
0x39: {  	s11 =	simm.s32 @!p0 $0x4;
	[sflag:s24] =	ssyncadd.s32 $0xFFFFFD80  }
0x3a: {  	_ =	swait.ge @!p0 [sflag:s11], $0x1400  }
0x3b: {  	[sflag:s11] =	ssyncset.done @!p0 $0x0  }
0x3c: {  	[sflag:s11] =	ssyncadd.s32 @!p0 $0xFFFFEC00  }
0x3d: {  	s16 =	smul.u32 $0x50, s10;
	_ =	swait.ge @!p0 [sflag:s11], $0x280  }
0x3e: {  	[sflag:s11] =	ssyncset.done @!p0 $0x0  }
0x3f: {  	s14 =	sadd.s32 $0x28, s16;
	[sflag:s11] =	ssyncadd.s32 @!p0 $0xFFFFFD80  }
0x40: {  	[tilespmem:s25], [sflag:$0x2] =	stream.indirect.gather [hbm4b:s1+s20], $0x80, s14, s20, $0xb8;
	[tilespmem:$0x1E820] =	vst v63  }
0x41: {  	_ = 	snop  }
0x42: {  	[tilespmem:s26], [sflag:$0x2] =	stream.indirect.gather [hbm4b:s6+s20], $0x10, s14, s20, $0xb8;
	[tilespmem:$0x1E820] =	vst v63  }
0x43: {  	s13 =	simm.s32 $0x0;
	s11 =	sadd.s32 $0x2738, s16  }
0x44: {  	[tilespmem:s28], [sflag:$0x2] =	stream.indirect.gather [hbm4b:s7+s20], $0x10, s11, s20, $0xb8;
	[tilespmem:$0x1E820] =	vst v63  }
0x45: {  	v8 =	vld [tilespmem:s13+$0x7620]  }
0x46: {  	v9 =	vld [tilespmem:s13+$0x7B20];
	_ =	sdelay $0x4  }
0x47: {  	v8 =	vadd.f32 v9, v8;
	_ =	sdelay $0x1  }
0x48: {  	v9 =	vmul.f32 $2.000000030e-01, v8  }
0x49: {  	vm0 =	vge.f32 v8, $0.0e+00  }
0x4a: {  	v8 =	vsel vm0, v8, v9  }
0x4b: {  	v8 =	vmul.f32 $1.442695020e+00, v8;
	_ =	sdelay $0x1  }
0x4c: {  	(erf) = vpow2.f32 v8;
	_ =	sdelay $0x8  }
0x4d: {  	v8 =	vpop (erf)  }
0x4e: {  	s12 =	simm.s32 $0x4E60;
	[tilespmem:s13+$0x7620] =	vst v8  }
0x4f: {  	v16 =	vld [tilespmem:s12+$0x30]  }
0x50: {  	v14 =	vld [tilespmem:s12+$0x10]  }
0x51: {  	v13 =	vld [tilespmem:s12+$0xFFFFFFE0]  }
0x52: {  	v18 =	vperm.xlane v8, v7;
	v10 =	vld [tilespmem:s12+$0x20]  }
0x53: {  	v9 =	vperm.xlane v8, v6;
	v17 =	vperm.xlane v8, v5;
	v12 =	vld [tilespmem:s12+$0xFFFFFFD0]  }
0x54: {  	s14 =	simm.s32 $0x4E60;
	s13 =	simm.s32 $0x40;
	v15 =	vperm.xlane v8, v2;
	v11 =	vld [tilespmem:s12+$0x0];
	v16 =	vmul.f32 v16, v18  }
.LBB2_3:
0x55: {  	p0 =	sne.s32 s13, $0x9C0  }
0x56: {  	v18 =	vld [tilespmem:s12+$0xFFFFFFF0];
	v14 =	vmul.f32 v14, v17;
	s14 =	sadd.s32 $0x80, s14;
	s2 =	smov.u32 s13;
	s13 =	sadd.s32 $0x40, s13  }
0x57: {  	v19 =	vperm.xlane v8, v1;
	v17 =	vld [tilespmem:s12+$0xFFFFFFC0];
	v13 =	vmul.f32 v13, v15;
	[tilespmem:s12+$0x30] =	vst v16  }
0x58: {  	v15 =	vperm.xlane v8, v4;
	[tilespmem:s12+$0x10] =	vst v14;
	v9 =	vmul.f32 v10, v9  }
0x59: {  	v10 =	vmul.f32 v12, v19;
	[tilespmem:s12+$0xFFFFFFE0] =	vst v13;
	v12 =	vperm.xlane v8, v3  }
0x5a: {  	v8 =	vperm.xlane v8, v0;
	v11 =	vmul.f32 v11, v15;
	[tilespmem:s12+$0x20] =	vst v9  }
0x5b: {  	[tilespmem:s12+$0xFFFFFFD0] =	vst v10;
	v9 =	vmul.f32 v18, v12  }
0x5c: {  	v8 =	vmul.f32 v17, v8;
	[tilespmem:s12+$0x0] =	vst v11  }
0x5d: {  	[tilespmem:s12+$0xFFFFFFF0] =	vst v9  }
0x5e: {  	s2 =	sshra.s32 s2, $0x2;
	[tilespmem:s12+$0xFFFFFFC0] =	vst v8;
	s12 =	smov.u32 s14  }
0x5f: {  	v8 =	vld [tilespmem:s2+$0x7620]  }
0x60: {  	v9 =	vld [tilespmem:s2+$0x7B20];
	_ =	sdelay $0x4  }
0x61: {  	v8 =	vadd.f32 v9, v8;
	_ =	sdelay $0x1  }
0x62: {  	vm0 =	vge.f32 v8, $0.0e+00;
	v9 =	vmul.f32 $2.000000030e-01, v8;
	_ =	sdelay $0x1  }
0x63: {  	v8 =	vsel vm0, v8, v9  }
0x64: {  	v8 =	vmul.f32 $1.442695020e+00, v8;
	_ =	sdelay $0x1  }
0x65: {  	(erf) = vpow2.f32 v8;
	_ =	sdelay $0x8  }
0x66: {  	v8 =	vpop (erf)  }
0x67: {  	[tilespmem:s2+$0x7620] =	vst v8;
	v9 =	vperm.xlane v8, v6  }
0x68: {  	v16 =	vld [tilespmem:s14+$0x30]  }
.Ltmp0:
0x69: {  	v14 =	vld [tilespmem:s14+$0x10];
	(pc) =	sbr.rel @p0 .LBB2_3-.Ltmp0, $4  }
0x6a: {  	v18 =	vperm.xlane v8, v7;
	v13 =	vld [tilespmem:s14+$0xFFFFFFE0]  }
0x6b: {  	v10 =	vld [tilespmem:s14+$0x20]  }
0x6c: {  	v17 =	vperm.xlane v8, v5;
	v12 =	vld [tilespmem:s14+$0xFFFFFFD0]  }
0x6d: {  	v15 =	vperm.xlane v8, v2;
	v11 =	vld [tilespmem:s14+$0x0];
	v16 =	vmul.f32 v16, v18  }
0x6e: {  	v18 =	vld [tilespmem:s12+$0xFFFFFFF0];
	v14 =	vmul.f32 v14, v17  }
0x6f: {  	v17 =	vld [tilespmem:s12+$0xFFFFFFC0];
	v19 =	vperm.xlane v8, v1;
	v13 =	vmul.f32 v13, v15;
	[tilespmem:s12+$0x30] =	vst v16  }
0x70: {  	v15 =	vperm.xlane v8, v4;
	[tilespmem:s12+$0x10] =	vst v14;
	v9 =	vmul.f32 v10, v9  }
0x71: {  	v10 =	vmul.f32 v12, v19;
	[tilespmem:s12+$0xFFFFFFE0] =	vst v13;
	v12 =	vperm.xlane v8, v3  }
0x72: {  	v8 =	vperm.xlane v8, v0;
	v11 =	vmul.f32 v11, v15;
	[tilespmem:s12+$0x20] =	vst v9  }
0x73: {  	s2 =	smul.u32 $0x140, s10;
	[tilespmem:s12+$0xFFFFFFD0] =	vst v10;
	v9 =	vmul.f32 v18, v12  }
0x74: {  	v8 =	vmul.f32 v17, v8;
	[tilespmem:s12+$0x0] =	vst v11  }
0x75: {  	s2 =	sshra.s32 s2, $0x2;
	[tilespmem:s12+$0xFFFFFFF0] =	vst v9  }
0x76: {  	s2 =	sadd.s32 $0x2710, s2;
	[tilespmem:s12+$0xFFFFFFC0] =	vst v8  }
0x77: {  	[spmem:s3] =	stream.indirect.scatter.add.f32 [tilespmem:s21], [sflag:$0x3], $0x80, s2, s20, $0xb8;
	[tilespmem:$0x1E820] =	vst v63  }
0x78: {  	_ = 	snop  }
0x79: {  	[spmem:s4] =	stream.indirect.scatter.add.f32 [tilespmem:s22], [sflag:$0x3], $0x10, s2, s20, $0xb8;
	[tilespmem:$0x1E820] =	vst v63  }
0x7a: {  	_ =	swait.ge [sflag:s29], $0x1400  }
0x7b: {  	[sflag:s29] =	ssyncset.done $0x0  }
0x7c: {  	[sflag:s29] =	ssyncadd.s32 $0xFFFFEC00  }
0x7d: {  	_ =	swait.ge [sflag:s29], $0x280  }
0x7e: {  	[sflag:s29] =	ssyncset.done $0x0  }
0x7f: {  	[sflag:s29] =	ssyncadd.s32 $0xFFFFFD80  }
0x80: {  	_ =	swait.ge [sflag:s29], $0x280  }
0x81: {  	[sflag:s29] =	ssyncset.done $0x0  }
0x82: {  	[sflag:s29] =	ssyncadd.s32 $0xFFFFFD80  }
0x83: {  	_ =	swait.ge [sflag:s30], $0x1400  }
0x84: {  	[sflag:s30] =	ssyncset.done $0x0  }
0x85: {  	[sflag:s30] =	ssyncadd.s32 $0xFFFFEC00  }
0x86: {  	_ =	swait.ge [sflag:s30], $0x280  }
0x87: {  	[sflag:s30] =	ssyncset.done $0x0  }
0x88: {  	s13 =	sadd.s32 $0x50, s16;
	[sflag:s30] =	ssyncadd.s32 $0xFFFFFD80  }
0x89: {  	[tilespmem:s21], [sflag:$0x1] =	stream.indirect.gather [hbm4b:s1+s20], $0x80, s13, s20, $0xb8;
	[tilespmem:$0x1E820] =	vst v63  }
0x8a: {  	_ = 	snop  }
0x8b: {  	[tilespmem:s22], [sflag:$0x1] =	stream.indirect.gather [hbm4b:s6+s20], $0x10, s13, s20, $0xb8;
	[tilespmem:$0x1E820] =	vst v63  }
0x8c: {  	s14 =	sadd.s32 $0x2760, s16;
	s16 =	simm.s32 $0x0  }
0x8d: {  	[tilespmem:s23], [sflag:$0x1] =	stream.indirect.gather [hbm4b:s7+s20], $0x10, s14, s20, $0xb8;
	[tilespmem:$0x1E820] =	vst v63  }
0x8e: {  	v8 =	vld [tilespmem:s16+$0x78A0]  }
0x8f: {  	v9 =	vld [tilespmem:s16+$0x7DA0];
	_ =	sdelay $0x4  }
0x90: {  	v8 =	vadd.f32 v9, v8;
	_ =	sdelay $0x1  }
0x91: {  	v9 =	vmul.f32 $2.000000030e-01, v8  }
0x92: {  	vm0 =	vge.f32 v8, $0.0e+00  }
0x93: {  	v8 =	vsel vm0, v8, v9  }
0x94: {  	v8 =	vmul.f32 $1.442695020e+00, v8;
	_ =	sdelay $0x1  }
0x95: {  	(erf) = vpow2.f32 v8;
	_ =	sdelay $0x8  }
0x96: {  	v8 =	vpop (erf)  }
0x97: {  	s12 =	simm.s32 $0x6260;
	[tilespmem:s16+$0x78A0] =	vst v8  }
0x98: {  	v16 =	vld [tilespmem:s12+$0x30]  }
0x99: {  	v14 =	vld [tilespmem:s12+$0x10]  }
0x9a: {  	v13 =	vld [tilespmem:s12+$0xFFFFFFE0]  }
0x9b: {  	v18 =	vperm.xlane v8, v7;
	v10 =	vld [tilespmem:s12+$0x20]  }
0x9c: {  	v9 =	vperm.xlane v8, v6;
	v17 =	vperm.xlane v8, v5;
	v12 =	vld [tilespmem:s12+$0xFFFFFFD0]  }
0x9d: {  	s13 =	simm.s32 $0x40;
	s14 =	simm.s32 $0x6260;
	v15 =	vperm.xlane v8, v2;
	v11 =	vld [tilespmem:s12+$0x0];
	v16 =	vmul.f32 v16, v18  }
.LBB2_5:
0x9e: {  	p0 =	sne.s32 s13, $0x9C0  }
0x9f: {  	v18 =	vld [tilespmem:s12+$0xFFFFFFF0];
	v14 =	vmul.f32 v14, v17;
	s14 =	sadd.s32 $0x80, s14;
	s2 =	smov.u32 s13;
	s13 =	sadd.s32 $0x40, s13  }
0xa0: {  	v19 =	vperm.xlane v8, v1;
	v17 =	vld [tilespmem:s12+$0xFFFFFFC0];
	v13 =	vmul.f32 v13, v15;
	[tilespmem:s12+$0x30] =	vst v16  }
0xa1: {  	v15 =	vperm.xlane v8, v4;
	[tilespmem:s12+$0x10] =	vst v14;
	v9 =	vmul.f32 v10, v9  }
0xa2: {  	v10 =	vmul.f32 v12, v19;
	[tilespmem:s12+$0xFFFFFFE0] =	vst v13;
	v12 =	vperm.xlane v8, v3  }
0xa3: {  	v8 =	vperm.xlane v8, v0;
	v11 =	vmul.f32 v11, v15;
	[tilespmem:s12+$0x20] =	vst v9  }
0xa4: {  	[tilespmem:s12+$0xFFFFFFD0] =	vst v10;
	v9 =	vmul.f32 v18, v12  }
0xa5: {  	v8 =	vmul.f32 v17, v8;
	[tilespmem:s12+$0x0] =	vst v11  }
0xa6: {  	[tilespmem:s12+$0xFFFFFFF0] =	vst v9  }
0xa7: {  	s2 =	sshra.s32 s2, $0x2;
	[tilespmem:s12+$0xFFFFFFC0] =	vst v8;
	s12 =	smov.u32 s14  }
0xa8: {  	v8 =	vld [tilespmem:s2+$0x78A0]  }
0xa9: {  	v9 =	vld [tilespmem:s2+$0x7DA0];
	_ =	sdelay $0x4  }
0xaa: {  	v8 =	vadd.f32 v9, v8;
	_ =	sdelay $0x1  }
0xab: {  	vm0 =	vge.f32 v8, $0.0e+00;
	v9 =	vmul.f32 $2.000000030e-01, v8;
	_ =	sdelay $0x1  }
0xac: {  	v8 =	vsel vm0, v8, v9  }
0xad: {  	v8 =	vmul.f32 $1.442695020e+00, v8;
	_ =	sdelay $0x1  }
0xae: {  	(erf) = vpow2.f32 v8;
	_ =	sdelay $0x8  }
0xaf: {  	v8 =	vpop (erf)  }
0xb0: {  	[tilespmem:s2+$0x78A0] =	vst v8;
	v9 =	vperm.xlane v8, v6  }
0xb1: {  	v16 =	vld [tilespmem:s14+$0x30]  }
.Ltmp1:
0xb2: {  	v14 =	vld [tilespmem:s14+$0x10];
	(pc) =	sbr.rel @p0 .LBB2_5-.Ltmp1, $4  }
0xb3: {  	v18 =	vperm.xlane v8, v7;
	v13 =	vld [tilespmem:s14+$0xFFFFFFE0]  }
0xb4: {  	v10 =	vld [tilespmem:s14+$0x20]  }
0xb5: {  	v17 =	vperm.xlane v8, v5;
	v12 =	vld [tilespmem:s14+$0xFFFFFFD0]  }
0xb6: {  	v15 =	vperm.xlane v8, v2;
	v11 =	vld [tilespmem:s14+$0x0];
	v16 =	vmul.f32 v16, v18  }
0xb7: {  	v18 =	vld [tilespmem:s12+$0xFFFFFFF0];
	v14 =	vmul.f32 v14, v17  }
0xb8: {  	v59 =	vld [tilespmem:s12+$0xFFFFFFC0];
	v19 =	vperm.xlane v8, v1;
	v13 =	vmul.f32 v13, v15;
	[tilespmem:s12+$0x30] =	vst v16  }
0xb9: {  	v60 =	vperm.xlane v8, v4;
	[tilespmem:s12+$0x10] =	vst v14;
	v9 =	vmul.f32 v10, v9  }
0xba: {  	v62 =	vperm.xlane v8, v3;
	v61 =	vmul.f32 v12, v19;
	[tilespmem:s12+$0xFFFFFFE0] =	vst v13  }
0xbb: {  	v8 =	vperm.xlane v8, v0;
	v11 =	vmul.f32 v11, v60;
	[tilespmem:s12+$0x20] =	vst v9  }
0xbc: {  	s10 =	sadd.s32 $0x1, s10;
	[tilespmem:s12+$0xFFFFFFD0] =	vst v61;
	v63 =	vmul.f32 v18, v62  }
0xbd: {  	p0 =	sne.s32 s10, $0x7C;
	v8 =	vmul.f32 v59, v8;
	[tilespmem:s12+$0x0] =	vst v11  }
.Ltmp2:
0xbe: {  	[tilespmem:s12+$0xFFFFFFF0] =	vst v63;
	(pc) =	sbr.rel @p0 .LBB2_2-.Ltmp2, $4  }
0xbf: {  	[tilespmem:s12+$0xFFFFFFC0] =	vst v8  }
0xc0: {  	[spmem:s3] =	stream.indirect.scatter.add.f32 [tilespmem:s25], [sflag:$0x4], $0x80, s11, s20, $0xb8;
	[tilespmem:$0x1E820] =	vst v63  }
0xc1: {  	_ = 	snop  }
0xc2: {  	[spmem:s4] =	stream.indirect.scatter.add.f32 [tilespmem:s26], [sflag:$0x4], $0x10, s11, s20, $0xb8;
	[tilespmem:$0x1E820] =	vst v63  }
0xc3: {  	_ =	swait.ge [sflag:s24], $0x1400  }
0xc4: {  	[sflag:s24] =	ssyncset.done $0x0  }
0xc5: {  	[sflag:s24] =	ssyncadd.s32 $0xFFFFEC00  }
0xc6: {  	_ =	swait.ge [sflag:s24], $0x280  }
0xc7: {  	[sflag:s24] =	ssyncset.done $0x0  }
0xc8: {  	[sflag:s24] =	ssyncadd.s32 $0xFFFFFD80  }
0xc9: {  	_ =	swait.ge [sflag:s24], $0x280  }
0xca: {  	[sflag:s24] =	ssyncset.done $0x0  }
0xcb: {  	[sflag:s24] =	ssyncadd.s32 $0xFFFFFD80  }
0xcc: {  	_ =	swait.ge [sflag:s31], $0x1400  }
0xcd: {  	[sflag:s31] =	ssyncset.done $0x0  }
0xce: {  	[sflag:s31] =	ssyncadd.s32 $0xFFFFEC00  }
0xcf: {  	_ =	swait.ge [sflag:s31], $0x280  }
0xd0: {  	[sflag:s31] =	ssyncset.done $0x0  }
0xd1: {  	s2 =	simm.s32 $0x26E8;
	[sflag:s31] =	ssyncadd.s32 $0xFFFFFD80  }
0xd2: {  	[tilespmem:s25], [sflag:$0x2] =	stream.indirect.gather [hbm4b:s1+s20], $0x80, s2, s20, $0xb8;
	[tilespmem:$0x1E820] =	vst v63  }
0xd3: {  	_ = 	snop  }
0xd4: {  	[tilespmem:s26], [sflag:$0x2] =	stream.indirect.gather [hbm4b:s6+s20], $0x10, s2, s20, $0xb8;
	[tilespmem:$0x1E820] =	vst v63  }
0xd5: {  	s16 =	simm.s32 $0x0  }
0xd6: {  	[tilespmem:s28], [sflag:$0x2] =	stream.indirect.gather [hbm4b:s7+s20], $0x10, s0, s20, $0xb8;
	[tilespmem:$0x1E820] =	vst v63  }
0xd7: {  	v8 =	vld [tilespmem:s16+$0x7620]  }
0xd8: {  	v9 =	vld [tilespmem:s16+$0x7B20];
	_ =	sdelay $0x4  }
0xd9: {  	v8 =	vadd.f32 v9, v8;
	_ =	sdelay $0x1  }
0xda: {  	v9 =	vmul.f32 $2.000000030e-01, v8  }
0xdb: {  	vm0 =	vge.f32 v8, $0.0e+00  }
0xdc: {  	v8 =	vsel vm0, v8, v9  }
0xdd: {  	v8 =	vmul.f32 $1.442695020e+00, v8;
	_ =	sdelay $0x1  }
0xde: {  	(erf) = vpow2.f32 v8;
	_ =	sdelay $0x8  }
0xdf: {  	v8 =	vpop (erf)  }
0xe0: {  	s10 =	simm.s32 $0x4E60;
	[tilespmem:s16+$0x7620] =	vst v8  }
0xe1: {  	v16 =	vld [tilespmem:s10+$0x30]  }
0xe2: {  	v14 =	vld [tilespmem:s10+$0x10]  }
0xe3: {  	v13 =	vld [tilespmem:s10+$0xFFFFFFE0]  }
0xe4: {  	v18 =	vperm.xlane v8, v7;
	v10 =	vld [tilespmem:s10+$0x20]  }
0xe5: {  	v9 =	vperm.xlane v8, v6;
	v17 =	vperm.xlane v8, v5;
	v12 =	vld [tilespmem:s10+$0xFFFFFFD0]  }
0xe6: {  	s11 =	simm.s32 $0x40;
	s12 =	simm.s32 $0x4E60;
	v15 =	vperm.xlane v8, v2;
	v11 =	vld [tilespmem:s10+$0x0];
	v16 =	vmul.f32 v16, v18  }
.LBB2_8:
0xe7: {  	p0 =	sne.s32 s11, $0x9C0  }
0xe8: {  	v18 =	vld [tilespmem:s10+$0xFFFFFFF0];
	v14 =	vmul.f32 v14, v17;
	s12 =	sadd.s32 $0x80, s12;
	s2 =	smov.u32 s11;
	s11 =	sadd.s32 $0x40, s11  }
0xe9: {  	v19 =	vperm.xlane v8, v1;
	v17 =	vld [tilespmem:s10+$0xFFFFFFC0];
	v13 =	vmul.f32 v13, v15;
	[tilespmem:s10+$0x30] =	vst v16  }
0xea: {  	v15 =	vperm.xlane v8, v4;
	[tilespmem:s10+$0x10] =	vst v14;
	v9 =	vmul.f32 v10, v9  }
0xeb: {  	v10 =	vmul.f32 v12, v19;
	[tilespmem:s10+$0xFFFFFFE0] =	vst v13;
	v12 =	vperm.xlane v8, v3  }
0xec: {  	v8 =	vperm.xlane v8, v0;
	v11 =	vmul.f32 v11, v15;
	[tilespmem:s10+$0x20] =	vst v9  }
0xed: {  	[tilespmem:s10+$0xFFFFFFD0] =	vst v10;
	v9 =	vmul.f32 v18, v12  }
0xee: {  	v8 =	vmul.f32 v17, v8;
	[tilespmem:s10+$0x0] =	vst v11  }
0xef: {  	[tilespmem:s10+$0xFFFFFFF0] =	vst v9  }
0xf0: {  	s2 =	sshra.s32 s2, $0x2;
	[tilespmem:s10+$0xFFFFFFC0] =	vst v8;
	s10 =	smov.u32 s12  }
0xf1: {  	v8 =	vld [tilespmem:s2+$0x7620]  }
0xf2: {  	v9 =	vld [tilespmem:s2+$0x7B20];
	_ =	sdelay $0x4  }
0xf3: {  	v8 =	vadd.f32 v9, v8;
	_ =	sdelay $0x1  }
0xf4: {  	vm0 =	vge.f32 v8, $0.0e+00;
	v9 =	vmul.f32 $2.000000030e-01, v8;
	_ =	sdelay $0x1  }
0xf5: {  	v8 =	vsel vm0, v8, v9  }
0xf6: {  	v8 =	vmul.f32 $1.442695020e+00, v8;
	_ =	sdelay $0x1  }
0xf7: {  	(erf) = vpow2.f32 v8;
	_ =	sdelay $0x8  }
0xf8: {  	v8 =	vpop (erf)  }
0xf9: {  	[tilespmem:s2+$0x7620] =	vst v8;
	v9 =	vperm.xlane v8, v6  }
0xfa: {  	v16 =	vld [tilespmem:s12+$0x30]  }
.Ltmp3:
0xfb: {  	v14 =	vld [tilespmem:s12+$0x10];
	(pc) =	sbr.rel @p0 .LBB2_8-.Ltmp3, $4  }
0xfc: {  	v18 =	vperm.xlane v8, v7;
	v13 =	vld [tilespmem:s12+$0xFFFFFFE0]  }
0xfd: {  	v10 =	vld [tilespmem:s12+$0x20]  }
0xfe: {  	v17 =	vperm.xlane v8, v5;
	v12 =	vld [tilespmem:s12+$0xFFFFFFD0]  }
0xff: {  	v15 =	vperm.xlane v8, v2;
	v11 =	vld [tilespmem:s12+$0x0];
	v16 =	vmul.f32 v16, v18  }
0x100: {  	v18 =	vld [tilespmem:s10+$0xFFFFFFF0];
	v14 =	vmul.f32 v14, v17  }
0x101: {  	v17 =	vld [tilespmem:s10+$0xFFFFFFC0];
	v19 =	vperm.xlane v8, v1;
	v13 =	vmul.f32 v13, v15;
	[tilespmem:s10+$0x30] =	vst v16  }
0x102: {  	v15 =	vperm.xlane v8, v4;
	[tilespmem:s10+$0x10] =	vst v14;
	v9 =	vmul.f32 v10, v9  }
0x103: {  	v10 =	vmul.f32 v12, v19;
	[tilespmem:s10+$0xFFFFFFE0] =	vst v13;
	v12 =	vperm.xlane v8, v3  }
0x104: {  	v8 =	vperm.xlane v8, v0;
	v11 =	vmul.f32 v11, v15;
	[tilespmem:s10+$0x20] =	vst v9  }
0x105: {  	[tilespmem:s10+$0xFFFFFFD0] =	vst v10;
	v9 =	vmul.f32 v18, v12  }
0x106: {  	v8 =	vmul.f32 v17, v8;
	[tilespmem:s10+$0x0] =	vst v11  }
0x107: {  	[tilespmem:s10+$0xFFFFFFF0] =	vst v9  }
0x108: {  	[tilespmem:s10+$0xFFFFFFC0] =	vst v8  }
0x109: {  	[spmem:s3] =	stream.indirect.scatter.add.f32 [tilespmem:s21], [sflag:$0x3], $0x80, s8, s20, $0xb8;
	[tilespmem:$0x1E820] =	vst v63  }
0x10a: {  	_ = 	snop  }
0x10b: {  	[spmem:s4] =	stream.indirect.scatter.add.f32 [tilespmem:s22], [sflag:$0x3], $0x10, s8, s20, $0xb8;
	[tilespmem:$0x1E820] =	vst v63  }
0x10c: {  	_ =	swait.ge [sflag:s29], $0x1400  }
0x10d: {  	[sflag:s29] =	ssyncset.done $0x0  }
0x10e: {  	[sflag:s29] =	ssyncadd.s32 $0xFFFFEC00  }
0x10f: {  	_ =	swait.ge [sflag:s29], $0x280  }
0x110: {  	[sflag:s29] =	ssyncset.done $0x0  }
0x111: {  	[sflag:s29] =	ssyncadd.s32 $0xFFFFFD80  }
0x112: {  	_ =	swait.ge [sflag:s29], $0x280  }
0x113: {  	[sflag:s29] =	ssyncset.done $0x0  }
0x114: {  	[sflag:s29] =	ssyncadd.s32 $0xFFFFFD80  }
0x115: {  	_ =	swait.ge [sflag:s30], $0x1400  }
0x116: {  	[sflag:s30] =	ssyncset.done $0x0  }
0x117: {  	[sflag:s30] =	ssyncadd.s32 $0xFFFFEC00  }
0x118: {  	_ =	swait.ge [sflag:s30], $0x280  }
0x119: {  	[sflag:s30] =	ssyncset.done $0x0  }
0x11a: {  	s2 =	simm.s32 $0x0;
	[sflag:s30] =	ssyncadd.s32 $0xFFFFFD80  }
0x11b: {  	v8 =	vld [tilespmem:s2+$0x78A0]  }
0x11c: {  	v9 =	vld [tilespmem:s2+$0x7DA0];
	_ =	sdelay $0x4  }
0x11d: {  	v8 =	vadd.f32 v9, v8;
	_ =	sdelay $0x1  }
0x11e: {  	v9 =	vmul.f32 $2.000000030e-01, v8  }
0x11f: {  	vm0 =	vge.f32 v8, $0.0e+00  }
0x120: {  	v8 =	vsel vm0, v8, v9  }
0x121: {  	v8 =	vmul.f32 $1.442695020e+00, v8;
	_ =	sdelay $0x1  }
0x122: {  	(erf) = vpow2.f32 v8;
	_ =	sdelay $0x8  }
0x123: {  	v8 =	vpop (erf)  }
0x124: {  	s10 =	simm.s32 $0x6260;
	[tilespmem:s2+$0x78A0] =	vst v8  }
0x125: {  	v16 =	vld [tilespmem:s10+$0x30]  }
0x126: {  	v14 =	vld [tilespmem:s10+$0x10]  }
0x127: {  	v13 =	vld [tilespmem:s10+$0xFFFFFFE0]  }
0x128: {  	v18 =	vperm.xlane v8, v7;
	v10 =	vld [tilespmem:s10+$0x20]  }
0x129: {  	v9 =	vperm.xlane v8, v6;
	v17 =	vperm.xlane v8, v5;
	v12 =	vld [tilespmem:s10+$0xFFFFFFD0]  }
0x12a: {  	s11 =	simm.s32 $0x40;
	s12 =	simm.s32 $0x6260;
	v15 =	vperm.xlane v8, v2;
	v11 =	vld [tilespmem:s10+$0x0];
	v16 =	vmul.f32 v16, v18  }
.LBB2_10:
0x12b: {  	p0 =	sne.s32 s11, $0x9C0  }
0x12c: {  	v18 =	vld [tilespmem:s10+$0xFFFFFFF0];
	v14 =	vmul.f32 v14, v17;
	s12 =	sadd.s32 $0x80, s12;
	s2 =	smov.u32 s11;
	s11 =	sadd.s32 $0x40, s11  }
0x12d: {  	v19 =	vperm.xlane v8, v1;
	v17 =	vld [tilespmem:s10+$0xFFFFFFC0];
	v13 =	vmul.f32 v13, v15;
	[tilespmem:s10+$0x30] =	vst v16  }
0x12e: {  	v15 =	vperm.xlane v8, v4;
	[tilespmem:s10+$0x10] =	vst v14;
	v9 =	vmul.f32 v10, v9  }
0x12f: {  	v10 =	vmul.f32 v12, v19;
	[tilespmem:s10+$0xFFFFFFE0] =	vst v13;
	v12 =	vperm.xlane v8, v3  }
0x130: {  	v8 =	vperm.xlane v8, v0;
	v11 =	vmul.f32 v11, v15;
	[tilespmem:s10+$0x20] =	vst v9  }
0x131: {  	[tilespmem:s10+$0xFFFFFFD0] =	vst v10;
	v9 =	vmul.f32 v18, v12  }
0x132: {  	v8 =	vmul.f32 v17, v8;
	[tilespmem:s10+$0x0] =	vst v11  }
0x133: {  	[tilespmem:s10+$0xFFFFFFF0] =	vst v9  }
0x134: {  	s2 =	sshra.s32 s2, $0x2;
	[tilespmem:s10+$0xFFFFFFC0] =	vst v8;
	s10 =	smov.u32 s12  }
0x135: {  	v8 =	vld [tilespmem:s2+$0x78A0]  }
0x136: {  	v9 =	vld [tilespmem:s2+$0x7DA0];
	_ =	sdelay $0x4  }
0x137: {  	v8 =	vadd.f32 v9, v8;
	_ =	sdelay $0x1  }
0x138: {  	vm0 =	vge.f32 v8, $0.0e+00;
	v9 =	vmul.f32 $2.000000030e-01, v8;
	_ =	sdelay $0x1  }
0x139: {  	v8 =	vsel vm0, v8, v9  }
0x13a: {  	v8 =	vmul.f32 $1.442695020e+00, v8;
	_ =	sdelay $0x1  }
0x13b: {  	(erf) = vpow2.f32 v8;
	_ =	sdelay $0x8  }
0x13c: {  	v8 =	vpop (erf)  }
0x13d: {  	[tilespmem:s2+$0x78A0] =	vst v8;
	v9 =	vperm.xlane v8, v6  }
0x13e: {  	v16 =	vld [tilespmem:s12+$0x30]  }
.Ltmp4:
0x13f: {  	v14 =	vld [tilespmem:s12+$0x10];
	(pc) =	sbr.rel @p0 .LBB2_10-.Ltmp4, $4  }
0x140: {  	v18 =	vperm.xlane v8, v7;
	v13 =	vld [tilespmem:s12+$0xFFFFFFE0]  }
0x141: {  	v10 =	vld [tilespmem:s12+$0x20]  }
0x142: {  	v17 =	vperm.xlane v8, v5;
	v12 =	vld [tilespmem:s12+$0xFFFFFFD0]  }
0x143: {  	v15 =	vperm.xlane v8, v2;
	v11 =	vld [tilespmem:s12+$0x0];
	v16 =	vmul.f32 v16, v18  }
0x144: {  	v18 =	vld [tilespmem:s10+$0xFFFFFFF0];
	v14 =	vmul.f32 v14, v17  }
0x145: {  	v59 =	vld [tilespmem:s10+$0xFFFFFFC0];
	v19 =	vperm.xlane v8, v1;
	v13 =	vmul.f32 v13, v15;
	[tilespmem:s10+$0x30] =	vst v16  }
0x146: {  	v60 =	vperm.xlane v8, v4;
	[tilespmem:s10+$0x10] =	vst v14;
	v9 =	vmul.f32 v10, v9  }
0x147: {  	v62 =	vperm.xlane v8, v3;
	v61 =	vmul.f32 v12, v19;
	[tilespmem:s10+$0xFFFFFFE0] =	vst v13  }
0x148: {  	v8 =	vperm.xlane v8, v0;
	v11 =	vmul.f32 v11, v60;
	[tilespmem:s10+$0x20] =	vst v9  }
0x149: {  	[tilespmem:s10+$0xFFFFFFD0] =	vst v61;
	v63 =	vmul.f32 v18, v62  }
0x14a: {  	v8 =	vmul.f32 v59, v8;
	[tilespmem:s10+$0x0] =	vst v11  }
0x14b: {  	[tilespmem:s10+$0xFFFFFFF0] =	vst v63  }
0x14c: {  	[tilespmem:s10+$0xFFFFFFC0] =	vst v8  }
0x14d: {  	[spmem:s3] =	stream.indirect.scatter.add.f32 [tilespmem:s25], [sflag:$0x4], $0x80, s0, s20, $0xb8;
	[tilespmem:$0x1E820] =	vst v63  }
0x14e: {  	_ = 	snop  }
0x14f: {  	[spmem:s4] =	stream.indirect.scatter.add.f32 [tilespmem:s26], [sflag:$0x4], $0x10, s0, s20, $0xb8;
	[tilespmem:$0x1E820] =	vst v63  }
0x150: {  	_ =	swait.ge [sflag:s31], $0x1400  }
0x151: {  	[sflag:s31] =	ssyncset.done $0x0  }
0x152: {  	[sflag:s31] =	ssyncadd.s32 $0xFFFFEC00  }
0x153: {  	_ =	swait.ge [sflag:s31], $0x280  }
0x154: {  	[sflag:s31] =	ssyncset.done $0x0  }
0x155: {  	[sflag:s31] =	ssyncadd.s32 $0xFFFFFD80  }
0x156: {  	[bflag:$0x0] =	sbarrier.arrive $0xFFFF  }
0x157: {  	s2 =	rddreg [dreg:$0xa]  }
0x158: {  	[hbm:s2], [sflag:s17] =	dma.local [spmem:s18], $0x2800  }
0x159: {  	_ =	swait.ge [sflag:s15], $0x2800  }
0x15a: {  	[sflag:s15] =	ssyncset.done $0x0  }
0x15b: {  	s14 =	rddreg [dreg:$0xb];
	[sflag:s15] =	ssyncadd.s32 $0xFFFFD800  }
0x15c: {  	[hbm:s14], [sflag:s17] =	dma.local [spmem:s19], $0x500  }
0x15d: {  	_ =	swait.ge [sflag:s15], $0x500  }
0x15e: {  	s9 =	sadd.s32 $0x1, s9;
	s16 =	rddreg [dreg:$0x9]  }
0x15f: {  	p0 =	sne.s32 s9, s16  }
.Ltmp5:
0x160: {  	_ = 	snop;
	(pc) =	sbr.rel @p0 .LBB2_1-.Ltmp5, $3  }
0x161: {  	_ =	sdelay $0x1  }
0x162: {  	[sflag:s15] =	ssyncset.done $0x0  }
0x163: {  	[sflag:s15] =	ssyncadd.s32 $0xFFFFFB00  }
0x164: {  	_ =	sfence.sel $0x180000  }
0x165: {  	[bflag:$0x0] =	sbarrier.arrive $0xFFFF  }
0x166: {  	_ =	strace $0x9000004A  }
0x167: {  	s0 =	stileid.u32;
	[bflag:$0x2] =	sbarrier.arrive $0xFFFF  }
0x168: {  	p0 =	sne.s32 s0, $0x0;
	s0 =	rddreg [dreg:$0x4]  }
0x169: {  	s0 =	sadd.s32 @!p0 $0x100000, s0  }
0x16a: {  	[sflag:s0] =	ssyncadd.tile.s32 @!p0 $0x1;
	_ =	shalt  }
.Lfunc_end2:
_tile_overlayer_lowered:
.L_overlay_start_2:
0x16b: {  	(tag) =	ssettag $0x2  }
0x16c: {  	s0 =	rddreg [dreg:$0x0];
	s2 =	stileid.u32  }
0x16d: {  	s1 =	rddreg [dreg:$0x1];
	p0 =	sne.s32 s2, $0x0  }
0x16e: {  	s3 =	rddreg [dreg:$0x2];
	[bflag:$0x3] =	sbarrier.arrive $0xFFFF;
	s2 =	simm.s32 @!p0 $0x1C05  }
0x16f: {  	[timem:s3], [sflag:s2] =	dma.local @!p0 [hbm:s0], s1  }
0x170: {  	s0 =	simm.s32 @!p0 $0x5  }
0x171: {  	_ =	swait.ge @!p0 [sflag:s0], s1  }
0x172: {  	s1 =	ssub.s32 @!p0 $0x0, s1;
	[sflag:s0] =	ssyncset.done @!p0 $0x0  }
0x173: {  	[sflag:s0] =	ssyncadd.s32 @!p0 s1  }
0x174: {  	[bflag:$0x3] =	sbarrier.arrive $0xFFFF  }
0x175: {  	_ =	shalt  }

// kernel: kernel.7.cloned.1.call-start
scs
__scs_entry_jumppad:
0x0: {  	(pc) =	sbr.rel $0x88, $3  }
0x1: {  	(tag) =	ssettag $0x0;
	lr =	simm.s32 $0x1  }
0x2: {  	[smem:$0x3F97] =	sst lr;
	_ =	strace $0xD0000000  }
0x3: {  	_ = 	snop  }
0x4: {  	_ = 	snop  }
0x5: {  	_ = 	snop  }
0x6: {  	_ = 	snop  }
0x7: {  	_ = 	snop  }
__scs_overlays_trampoline_lowered:
0x8: {  	[smem:$0x3FA6] =	sst s0  }
0x9: {  	[smem:$0x3FA7] =	sst s1  }
0xa: {  	[smem:$0x3FA8] =	sst s2  }
0xb: {  	[smem:$0x3FA9] =	sst s3  }
0xc: {  	[smem:$0x3FAA] =	sst s4  }
0xd: {  	[smem:$0x3FAB] =	sst s5  }
0xe: {  	[smem:$0x3FAC] =	sst s6  }
0xf: {  	[smem:$0x3FAD] =	sst s7  }
0x10: {  	[smem:$0x3FAE] =	sst s8  }
0x11: {  	[smem:$0x3FAF] =	sst s9;
	s0 =	simm.s32 @!p0 $0x0  }
0x12: {  	s1 =	sld [smem:$0x3F95];
	s0 =	simm.s32 @p0 $0x1  }
0x13: {  	[smem:$0x3FB0] =	sst s0;
	s0 =	simm.s32 @!p1 $0x0  }
0x14: {  	s2 =	sld [smem:$0x3F94];
	s0 =	simm.s32 @p1 $0x1  }
0x15: {  	[smem:$0x3FB1] =	sst s0;
	s0 =	simm.s32 @!p2 $0x0  }
0x16: {  	s3 =	sld [smem:$0x3FDB];
	s0 =	simm.s32 @p2 $0x1  }
0x17: {  	s4 =	simm.s32 $0x1BF5;
	[smem:$0x3FB3] =	sst s0  }
0x18: {  	s0 =	sld [smem:$0x3F96];
	_ =	swait.ge [sflag:s4], $0x0  }
0x19: {  	s7 =	sld [smem:$0x3F97]  }
0x1a: {  	s8 =	sadd.s32 $0xFFFFE003, lr  }
0x1b: {  	s9 =	sadd.s32 $0xFFFFFEF7, lr;
	s5 =	simm.s32 $0xFFFFFFFF;
	p2 =	slt.u32 s8, $0xFFFFF086  }
0x1c: {  	p1 =	slt.u32 s9, $0xF7A;
	s5 =	simm.s32 @!p2 $0x0  }
0x1d: {  	s5 =	simm.s32 @p1 $0x1;
	p0 =	seq.s32 s7, s2  }
0x1e: {  	s7 =	smul.u32 @!p0 $0xF7A, s2;
	p2 =	seq.s32 @!p0 s5, $0x0  }
0x1f: {  	s9 =	smul.u32 $0xF7A, s1;
	s8 =	simm.s32 @!p0 $0x1BF5;
	p2 =	por !p2, p0  }
0x20: {  	[sflag:s8] =	ssyncset.s32 @!p0 $0xFFFFF086;
	s6 =	sadd.s32 @!p0 s3, s7;
	s7 =	simm.s32 @!p0 $0x108  }
0x21: {  	s3 =	sadd.s32 s3, s9;
	s6 =	sadd.s32 @!p0 $0x88, s6;
	s7 =	simm.s32 @p2 $0x1082  }
0x22: {  	[simem:s7], [sflag:s8] =	dma.local @!p0 [hbm:s6], $0xF7A  }
0x23: {  	s9 =	sor.u32 $0xD0000000, s2;
	s6 =	simm.s32 $0x108;
	_ =	swait.ge @!p0 [sflag:s8], $0x0  }
0x24: {  	s3 =	sadd.s32 $0x88, s3;
	s6 =	simm.s32 @!p1 $0x1082;
	[sflag:s4] =	ssyncset.s32 $0xFFFFF086  }
0x25: {  	[simem:s6], [sflag:s4] =	dma.local [hbm:s3], $0xF7A  }
0x26: {  	[smem:$0x3F97] =	sst s1;
	(tag) =	ssettag s2;
	_ =	strace s9  }
0x27: {  	s1 =	sld [smem:$0x3FA7]  }
0x28: {  	s2 =	sld [smem:$0x3FA8]  }
0x29: {  	s4 =	sld [smem:$0x3FAA]  }
0x2a: {  	p0 =	seq.s32 s5, $0x0;
	s5 =	sld [smem:$0x3FAB]  }
0x2b: {  	s6 =	sld [smem:$0x3FAC]  }
0x2c: {  	s7 =	sld [smem:$0x3FAD]  }
0x2d: {  	s3 =	simm.s32 $0x108;
	s8 =	sld [smem:$0x3FAE]  }
0x2e: {  	s3 =	simm.s32 @!p0 $0x1082;
	s9 =	sld [smem:$0x3FAF]  }
0x2f: {  	lr =	sadd.s32 s0, s3;
	s0 =	sld [smem:$0x3FA6]  }
0x30: {  	s3 =	sld [smem:$0x3FA9]  }
0x31: {  	[smem:$0x3FB2] =	sst s10  }
0x32: {  	s10 =	sld [smem:$0x3FB0];
	_ =	sdelay $0x3  }
0x33: {  	p0 =	seq.s32 s10, $0x1;
	s10 =	sld [smem:$0x3FB2];
	_ =	sdelay $0x3  }
0x34: {  	[smem:$0x3FB2] =	sst s10  }
0x35: {  	s10 =	sld [smem:$0x3FB1];
	_ =	sdelay $0x3  }
0x36: {  	p1 =	seq.s32 s10, $0x1;
	s10 =	sld [smem:$0x3FB2];
	_ =	sdelay $0x3  }
0x37: {  	[smem:$0x3FB2] =	sst s10  }
0x38: {  	s10 =	sld [smem:$0x3FB3]  }
0x39: {  	_ = 	snop;
	(pc) =	sbr.ind lr, $3  }
0x3a: {  	_ = 	snop  }
0x3b: {  	_ = 	snop  }
0x3c: {  	p2 =	seq.s32 s10, $0x1;
	s10 =	sld [smem:$0x3FB2]  }
0x3d: {  	_ =	shalt  }
0x3e: {  	_ =	shalt  }
0x3f: {  	_ =	shalt  }
0x40: {  	_ =	shalt  }
0x41: {  	_ =	shalt  }
0x42: {  	_ =	shalt  }
0x43: {  	_ =	shalt  }
0x44: {  	_ =	shalt  }
0x45: {  	_ =	shalt  }
0x46: {  	_ =	shalt  }
0x47: {  	_ =	shalt  }
0x48: {  	_ =	shalt  }
0x49: {  	_ =	shalt  }
0x4a: {  	_ =	shalt  }
0x4b: {  	_ =	shalt  }
0x4c: {  	_ =	shalt  }
0x4d: {  	_ =	shalt  }
0x4e: {  	_ =	shalt  }
0x4f: {  	_ =	shalt  }
0x50: {  	_ =	shalt  }
0x51: {  	_ =	shalt  }
0x52: {  	_ =	shalt  }
0x53: {  	_ =	shalt  }
0x54: {  	_ =	shalt  }
0x55: {  	_ =	shalt  }
0x56: {  	_ =	shalt  }
0x57: {  	_ =	shalt  }
0x58: {  	_ =	shalt  }
0x59: {  	_ =	shalt  }
0x5a: {  	_ =	shalt  }
0x5b: {  	_ =	shalt  }
0x5c: {  	_ =	shalt  }
0x5d: {  	_ =	shalt  }
0x5e: {  	_ =	shalt  }
0x5f: {  	_ =	shalt  }
0x60: {  	_ =	shalt  }
0x61: {  	_ =	shalt  }
0x62: {  	_ =	shalt  }
0x63: {  	_ =	shalt  }
0x64: {  	_ =	shalt  }
0x65: {  	_ =	shalt  }
0x66: {  	_ =	shalt  }
0x67: {  	_ =	shalt  }
0x68: {  	_ =	shalt  }
0x69: {  	_ =	shalt  }
0x6a: {  	_ =	shalt  }
0x6b: {  	_ =	shalt  }
0x6c: {  	_ =	shalt  }
0x6d: {  	_ =	shalt  }
0x6e: {  	_ =	shalt  }
0x6f: {  	_ =	shalt  }
0x70: {  	_ =	shalt  }
0x71: {  	_ =	shalt  }
0x72: {  	_ =	shalt  }
0x73: {  	_ =	shalt  }
0x74: {  	_ =	shalt  }
0x75: {  	_ =	shalt  }
0x76: {  	_ =	shalt  }
0x77: {  	_ =	shalt  }
0x78: {  	_ =	shalt  }
0x79: {  	_ =	shalt  }
0x7a: {  	_ =	shalt  }
0x7b: {  	_ =	shalt  }
0x7c: {  	_ =	shalt  }
0x7d: {  	_ =	shalt  }
0x7e: {  	_ =	shalt  }
0x7f: {  	_ =	shalt  }
0x80: {  	_ =	shalt  }
0x81: {  	_ =	shalt  }
0x82: {  	_ =	shalt  }
0x83: {  	_ =	shalt  }
0x84: {  	_ =	shalt  }
0x85: {  	_ =	shalt  }
0x86: {  	_ =	shalt  }
0x87: {  	_ =	shalt  }
.Lfunc_end0:
.L_simem_size_0:
called_computation_lowered:
.L_overlay_start_0:
0x88: {  	s2 =	sld [smem:$0x3FD9]  }
0x89: {  	s3 =	sld [smem:$0x3FFE];
	_ =	sdelay $0x1  }
0x8a: {  	s1 =	srdreg.scid  }
0x8b: {  	s0 =	sand.u32 $0x1, s1  }
0x8c: {  	s17 =	sshll.u32 s0, $0xA;
	s2 =	sadd.s32 s3, s2  }
0x8d: {  	s2 =	sadd.s32 s2, s17  }
0x8e: {  	[smem:$0x3FBE] =	sst s2  }
0x8f: {  	_ = 	snop  }
0x90: {  	s2 =	sld [smem:$0x3FD0];
	(tm) =	ssettm $0x1  }
0x91: {  	s18 =	sld [smem:$0x3FFB];
	_ =	sdelay $0x3  }
0x92: {  	_ =	strace s18  }
0x93: {  	s3 =	sld [smem:$0x3FFC];
	_ =	sdelay $0x3  }
0x94: {  	_ =	strace s3  }
0x95: {  	s3 =	sld [smem:$0x3FFD];
	_ =	sdelay $0x3  }
0x96: {  	_ =	strace s3  }
0x97: {  	_ =	strace $0x8FFFFFFF  }
0x98: {  	s19 =	sld [smem:$0x3FDB];
	_ =	sdelay $0x1  }
0x99: {  	s4 =	simm.s32 $_scs_section_size  }
0x9a: {  	s5 =	simm.s32 $_size__tile_overlayer_lowered;
	s6 =	simm.s32 $_tile_overlayer_lowered  }
0x9b: {  	s22 =	simm.s32 $0x1BFF;
	s21 =	sshll.u32 s6, $0x1;
	s3 =	sadd.s32 s4, s19  }
0x9c: {  	s7 =	simm.s32 $0x0;
	s20 =	sshll.u32 s5, $0x1;
	s5 =	sadd.s32 s21, s3  }
0x9d: {  	[timem:s7], [sflag:s22] =	dma.local [hbm:s5], s20  }
0x9e: {  	_ =	swait.ge [sflag:s22], s20  }
0x9f: {  	s4 =	ssub.s32 $0x0, s20;
	[sflag:s22] =	ssyncset.done $0x0  }
0xa0: {  	[sflag:s22] =	ssyncadd.s32 s4;
	_ =	sdelay $0x1  }
0xa1: {  	s23 =	simm.s32 $0x1B8B  }
0xa2: {  	_ =	swait.ge [sflag:s23], $0x1  }
0xa3: {  	[sflag:s23] =	ssyncset.done $0x0  }
0xa4: {  	s25 =	simm.s32 $0x1B8E;
	s24 =	sld [smem:$0x3FFE];
	[sflag:s23] =	ssyncadd.s32 $0xFFFFFFFF  }
0xa5: {  	s26 =	simm.s32 $execute0_lowered;
	[smem:$0x3FD2] =	sst s25  }
0xa6: {  	s5 =	sshll.u32 s26, $0x1;
	_ =	strace $0x80000046;
	[dreg:$0x1] =	wrdreg $0xFFFFFFFF  }
0xa7: {  	s28 =	simm.s32 $_size_execute0_lowered;
	s3 =	sadd.s32 s3, s5;
	[dreg:$0x0] =	wrdreg $0x0  }
0xa8: {  	s5 =	sshll.u32 s28, $0x1;
	[dreg:$0x2] =	wrdreg s3  }
0xa9: {  	[dreg:$0x3] =	wrdreg s5  }
0xaa: {  	[dreg:$0x4] =	wrdreg $0xC0  }
0xab: {  	_ =	task [dreg:s7], $0x5FFFF  }
0xac: {  	[dreg:$0x1] =	wrdreg $0xFFFFFFFF  }
0xad: {  	[dreg:$0x0] =	wrdreg $0x60  }
0xae: {  	[dreg:$0x2] =	wrdreg s2  }
0xaf: {  	[dreg:$0x3] =	wrdreg s24  }
0xb0: {  	[dreg:$0x4] =	wrdreg $0x80200  }
0xb1: {  	[dreg:$0x5] =	wrdreg $0x1C0200  }
0xb2: {  	[dreg:$0x6] =	wrdreg $0x9  }
0xb3: {  	_ =	task.clear_ibuf [dreg:s7], $0x7FFFF;
	_ =	strace $0x90000046  }
0xb4: {  	s29 =	simm.s32 $0x9;
	_ =	strace $0x80000048  }
0xb5: {  	_ =	swait.ge [sflag:s29], $0x1  }
0xb6: {  	[sflag:s29] =	ssyncadd.s32 $0xFFFFFFFF  }
0xb7: {  	_ =	strace $0x90000048  }
0xb8: {  	_ =	sfence  }
0xb9: {  	s30 =	sld [smem:$0x0];
	_ =	sdelay $0x2  }
0xba: {  	s31 =	sshll.u32 s1, $0xD;
	s1 =	sshrl.u32 s1, $0x2  }
0xbb: {  	s3 =	sand.u32 $0x4000, s31;
	s1 =	sadd.s32 s1, s30  }
0xbc: {  	s0 =	sor.u32 s3, s0;
	s1 =	sshll.u32 s1, $0x11  }
0xbd: {  	s0 =	sor.u32 s1, s0  }
0xbe: {  	s0 =	sadd.s32 $0x8F2B, s0  }
0xbf: {  	[sflag:s0] =	ssyncadd.remote.s32 $0x1  }
0xc0: {  	_ =	sfence.sel $0xFFFF  }
0xc1: {  	[dreg:$0x0] =	wrdreg $0xFFFFFFFF;
	(pc) =	sbr.abs _section_cstart, $3  }
0xc2: {  	[dreg:$0x1] =	wrdreg $0xFFFFFFFF  }
0xc3: {  	_ =	task.clear_ibuf [dreg:s7], $0x2FFFF;
	_ =	strace $0x9FFFFFFF  }
0xc4: {  	(tm) =	ssettm $0x7FFFFFFF  }
0xc5: {  	_ =	shalt  }
tec
execute0_lowered:
.L_overlay_start_1:
0x0: {  	(tag) =	ssettag $0x1  }
0x1: {  	s1 =	rddreg [dreg:$0x0]  }
0x2: {  	s0 =	rddreg [dreg:$0x1]  }
0x3: {  	s3 =	rddreg [dreg:$0x2]  }
0x4: {  	s2 =	srdreg.scid;
	s17 =	stileid.u32  }
0x5: {  	s4 =	rddreg [dreg:$0x3];
	s5 =	simm.s32 $0x0;
	s28 =	simm.s32 $0x7DA0  }
0x6: {  	s29 =	simm.s32 $0x2;
	s30 =	simm.s32 $0x3;
	s31 =	simm.s32 $0x4  }
0x7: {  	s2 =	sand.u32 $0x1, s2;
	s6 =	sshll.u32 s17, $0x1;
	[smem:$0x7FF] =	sst s5  }
0x8: {  	s7 =	sadd.s32 $0x69A00, s0;
	s9 =	sadd.s32 $0x6F000, s0;
	s19 =	sadd.s32 $0x6EA00, s0  }
0x9: {  	s10 =	sadd.s32 $0xA3800, s0;
	s12 =	sadd.s32 $0x71800, s0;
	s14 =	smul.u32 $0x14000, s17  }
0xa: {  	s20 =	smul.u32 $0x2800, s17;
	_ =	strace $0x80000047;
	[dreg:$0x5] =	wrdreg s9  }
0xb: {  	s26 =	sshll.u32 s17, $0x6;
	s6 =	sor.u32 s2, s6;
	[dreg:$0x6] =	wrdreg s19  }
0xc: {  	s9 =	sadd.s32 $0x7B800, s0;
	s11 =	ssub.s32 $0x2, s2;
	p0 =	seq.s32 s2, $0x1  }
0xd: {  	s17 =	sor.u32 $0x1C05, s26;
	s26 =	simm.s32 $0x78A0;
	s8 =	smul.u32 $0x4E2, s6  }
0xe: {  	s6 =	sadd.s32 $0x64A00, s0;
	s13 =	sshrl.u32 s11, $0x1;
	s21 =	sadd.s32 s14, s3  }
0xf: {  	s16 =	sadd.s32 s20, s4;
	s22 =	sshrl.u32 s14, $0x3;
	s9 =	smov.u32 @p0 s10  }
0x10: {  	s11 =	ssub.s32 s11, s13;
	s13 =	sshrl.u32 s20, $0x3;
	s24 =	sadd.s32 s9, s22  }
0x11: {  	s18 =	sshrl.u32 s21, $0x3;
	s19 =	sshrl.u32 s16, $0x3;
	s20 =	simm.s32 $0x28  }
0x12: {  	s21 =	simm.s32 $0x4E20;
	s22 =	simm.s32 $0x7620;
	s9 =	simm.s32 $0x0  }
0x13: {  	s8 =	sadd.s32 s8, s0;
	s0 =	sadd.s32 $0x76800, s0;
	s23 =	smax.u32 s11, $0x1  }
0x14: {  	[dreg:$0xa] =	wrdreg s24;
	s24 =	simm.s32 $0x1;
	s15 =	sadd.s32 $0xC800, s8  }
0x15: {  	s8 =	sadd.s32 $0x2A00, s8;
	s12 =	smov.u32 @p0 s0;
	[dreg:$0x9] =	wrdreg s23  }
0x16: {  	v0 =	vimm.s32 $0x0;
	v1 =	vimm.s32 $0x1;
	s23 =	simm.s32 $0x7B20;
	s0 =	simm.s32 $0x4DF8;
	[dreg:$0x7] =	wrdreg s15  }
0x17: {  	v2 =	vimm.s32 $0x2;
	v3 =	vimm.s32 $0x3;
	v4 =	vimm.s32 $0x4;
	[dreg:$0x8] =	wrdreg s8;
	s25 =	sadd.s32 s12, s13;
	s15 =	simm.s32 $0x5  }
0x18: {  	v5 =	vimm.s32 $0x5;
	v6 =	vimm.s32 $0x6;
	v7 =	vimm.s32 $0x7;
	s8 =	simm.s32 $0x4DD0;
	[dreg:$0xb] =	wrdreg s25;
	s25 =	simm.s32 $0x6220  }
.LBB2_1:
0x19: {  	s2 =	rddreg [dreg:$0x7]  }
0x1a: {  	[tilespmem:s5], [sflag:$0x5] =	stream.linear.gather [hbm4b:s2+s5], $0x2710, $0x38;
	[tilespmem:$0x1E820] =	vst v63  }
0x1b: {  	_ =	swait.ge [sflag:s15], $0x2710  }
0x1c: {  	[sflag:s15] =	ssyncset.done $0x0  }
0x1d: {  	s10 =	simm.s32 $0x2710;
	s13 =	rddreg [dreg:$0x8];
	[sflag:s15] =	ssyncadd.s32 $0xFFFFD8F0  }
0x1e: {  	[tilespmem:s10], [sflag:$0x5] =	stream.linear.gather [hbm4b:s13+s5], $0x2710, $0x38;
	[tilespmem:$0x1E820] =	vst v63  }
0x1f: {  	_ =	swait.ge [sflag:s15], $0x2710  }
0x20: {  	[sflag:s15] =	ssyncset.done $0x0  }
0x21: {  	s14 =	rddreg [dreg:$0x5];
	[sflag:s15] =	ssyncadd.s32 $0xFFFFD8F0  }
0x22: {  	[spmem:s18], [sflag:s17] =	dma.local [hbm:s14], $0x2800  }
0x23: {  	_ =	swait.ge [sflag:s15], $0x2800  }
0x24: {  	[sflag:s15] =	ssyncset.done $0x0  }
0x25: {  	s16 =	rddreg [dreg:$0x6];
	[sflag:s15] =	ssyncadd.s32 $0xFFFFD800  }
0x26: {  	[spmem:s19], [sflag:s17] =	dma.local [hbm:s16], $0x500  }
0x27: {  	_ =	swait.ge [sflag:s15], $0x500  }
0x28: {  	[sflag:s15] =	ssyncset.done $0x0  }
0x29: {  	[sflag:s15] =	ssyncadd.s32 $0xFFFFFB00  }
0x2a: {  	[bflag:$0x0] =	sbarrier.arrive $0xFFFF  }
0x2b: {  	[tilespmem:s21], [sflag:$0x1] =	stream.indirect.gather [hbm4b:s1+s20], $0x80, s5, s20, $0xb8;
	[tilespmem:$0x1E820] =	vst v63  }
0x2c: {  	_ = 	snop  }
0x2d: {  	[tilespmem:s22], [sflag:$0x1] =	stream.indirect.gather [hbm4b:s6+s20], $0x10, s5, s20, $0xb8;
	[tilespmem:$0x1E820] =	vst v63  }
0x2e: {  	_ = 	snop  }
0x2f: {  	[tilespmem:s23], [sflag:$0x1] =	stream.indirect.gather [hbm4b:s7+s20], $0x10, s10, s20, $0xb8;
	[tilespmem:$0x1E820] =	vst v63  }
0x30: {  	s10 =	simm.s32 $0x0  }
.LBB2_2:
0x31: {  	_ =	swait.ge [sflag:s24], $0x1400  }
0x32: {  	[sflag:s24] =	ssyncset.done $0x0  }
0x33: {  	[sflag:s24] =	ssyncadd.s32 $0xFFFFEC00  }
0x34: {  	_ =	swait.ge [sflag:s24], $0x280  }
0x35: {  	[sflag:s24] =	ssyncset.done $0x0  }
0x36: {  	[sflag:s24] =	ssyncadd.s32 $0xFFFFFD80  }
0x37: {  	_ =	swait.ge [sflag:s24], $0x280  }
0x38: {  	p0 =	seq.s32 s10, $0x0;
	[sflag:s24] =	ssyncset.done $0x0  }
0x39: {  	s11 =	simm.s32 @!p0 $0x4;
	[sflag:s24] =	ssyncadd.s32 $0xFFFFFD80  }
0x3a: {  	_ =	swait.ge @!p0 [sflag:s11], $0x1400  }
0x3b: {  	[sflag:s11] =	ssyncset.done @!p0 $0x0  }
0x3c: {  	[sflag:s11] =	ssyncadd.s32 @!p0 $0xFFFFEC00  }
0x3d: {  	s16 =	smul.u32 $0x50, s10;
	_ =	swait.ge @!p0 [sflag:s11], $0x280  }
0x3e: {  	[sflag:s11] =	ssyncset.done @!p0 $0x0  }
0x3f: {  	s14 =	sadd.s32 $0x28, s16;
	[sflag:s11] =	ssyncadd.s32 @!p0 $0xFFFFFD80  }
0x40: {  	[tilespmem:s25], [sflag:$0x2] =	stream.indirect.gather [hbm4b:s1+s20], $0x80, s14, s20, $0xb8;
	[tilespmem:$0x1E820] =	vst v63  }
0x41: {  	_ = 	snop  }
0x42: {  	[tilespmem:s26], [sflag:$0x2] =	stream.indirect.gather [hbm4b:s6+s20], $0x10, s14, s20, $0xb8;
	[tilespmem:$0x1E820] =	vst v63  }
0x43: {  	s13 =	simm.s32 $0x0;
	s11 =	sadd.s32 $0x2738, s16  }
0x44: {  	[tilespmem:s28], [sflag:$0x2] =	stream.indirect.gather [hbm4b:s7+s20], $0x10, s11, s20, $0xb8;
	[tilespmem:$0x1E820] =	vst v63  }
0x45: {  	v8 =	vld [tilespmem:s13+$0x7620]  }
0x46: {  	v9 =	vld [tilespmem:s13+$0x7B20];
	_ =	sdelay $0x4  }
0x47: {  	v8 =	vadd.f32 v9, v8;
	_ =	sdelay $0x1  }
0x48: {  	v9 =	vmul.f32 $2.000000030e-01, v8  }
0x49: {  	vm0 =	vge.f32 v8, $0.0e+00  }
0x4a: {  	v8 =	vsel vm0, v8, v9  }
0x4b: {  	v8 =	vmul.f32 $1.442695020e+00, v8;
	_ =	sdelay $0x1  }
0x4c: {  	(erf) = vpow2.f32 v8;
	_ =	sdelay $0x8  }
0x4d: {  	v8 =	vpop (erf)  }
0x4e: {  	s12 =	simm.s32 $0x4E60;
	[tilespmem:s13+$0x7620] =	vst v8  }
0x4f: {  	v16 =	vld [tilespmem:s12+$0x30]  }
0x50: {  	v14 =	vld [tilespmem:s12+$0x10]  }
0x51: {  	v13 =	vld [tilespmem:s12+$0xFFFFFFE0]  }
0x52: {  	v18 =	vperm.xlane v8, v7;
	v10 =	vld [tilespmem:s12+$0x20]  }
0x53: {  	v9 =	vperm.xlane v8, v6;
	v17 =	vperm.xlane v8, v5;
	v12 =	vld [tilespmem:s12+$0xFFFFFFD0]  }
0x54: {  	s14 =	simm.s32 $0x4E60;
	s13 =	simm.s32 $0x40;
	v15 =	vperm.xlane v8, v2;
	v11 =	vld [tilespmem:s12+$0x0];
	v16 =	vmul.f32 v16, v18  }
.LBB2_3:
0x55: {  	p0 =	sne.s32 s13, $0x9C0  }
0x56: {  	v18 =	vld [tilespmem:s12+$0xFFFFFFF0];
	v14 =	vmul.f32 v14, v17;
	s14 =	sadd.s32 $0x80, s14;
	s2 =	smov.u32 s13;
	s13 =	sadd.s32 $0x40, s13  }
0x57: {  	v19 =	vperm.xlane v8, v1;
	v17 =	vld [tilespmem:s12+$0xFFFFFFC0];
	v13 =	vmul.f32 v13, v15;
	[tilespmem:s12+$0x30] =	vst v16  }
0x58: {  	v15 =	vperm.xlane v8, v4;
	[tilespmem:s12+$0x10] =	vst v14;
	v9 =	vmul.f32 v10, v9  }
0x59: {  	v10 =	vmul.f32 v12, v19;
	[tilespmem:s12+$0xFFFFFFE0] =	vst v13;
	v12 =	vperm.xlane v8, v3  }
0x5a: {  	v8 =	vperm.xlane v8, v0;
	v11 =	vmul.f32 v11, v15;
	[tilespmem:s12+$0x20] =	vst v9  }
0x5b: {  	[tilespmem:s12+$0xFFFFFFD0] =	vst v10;
	v9 =	vmul.f32 v18, v12  }
0x5c: {  	v8 =	vmul.f32 v17, v8;
	[tilespmem:s12+$0x0] =	vst v11  }
0x5d: {  	[tilespmem:s12+$0xFFFFFFF0] =	vst v9  }
0x5e: {  	s2 =	sshra.s32 s2, $0x2;
	[tilespmem:s12+$0xFFFFFFC0] =	vst v8;
	s12 =	smov.u32 s14  }
0x5f: {  	v8 =	vld [tilespmem:s2+$0x7620]  }
0x60: {  	v9 =	vld [tilespmem:s2+$0x7B20];
	_ =	sdelay $0x4  }
0x61: {  	v8 =	vadd.f32 v9, v8;
	_ =	sdelay $0x1  }
0x62: {  	vm0 =	vge.f32 v8, $0.0e+00;
	v9 =	vmul.f32 $2.000000030e-01, v8;
	_ =	sdelay $0x1  }
0x63: {  	v8 =	vsel vm0, v8, v9  }
0x64: {  	v8 =	vmul.f32 $1.442695020e+00, v8;
	_ =	sdelay $0x1  }
0x65: {  	(erf) = vpow2.f32 v8;
	_ =	sdelay $0x8  }
0x66: {  	v8 =	vpop (erf)  }
0x67: {  	[tilespmem:s2+$0x7620] =	vst v8;
	v9 =	vperm.xlane v8, v6  }
0x68: {  	v16 =	vld [tilespmem:s14+$0x30]  }
.Ltmp0:
0x69: {  	v14 =	vld [tilespmem:s14+$0x10];
	(pc) =	sbr.rel @p0 .LBB2_3-.Ltmp0, $4  }
0x6a: {  	v18 =	vperm.xlane v8, v7;
	v13 =	vld [tilespmem:s14+$0xFFFFFFE0]  }
0x6b: {  	v10 =	vld [tilespmem:s14+$0x20]  }
0x6c: {  	v17 =	vperm.xlane v8, v5;
	v12 =	vld [tilespmem:s14+$0xFFFFFFD0]  }
0x6d: {  	v15 =	vperm.xlane v8, v2;
	v11 =	vld [tilespmem:s14+$0x0];
	v16 =	vmul.f32 v16, v18  }
0x6e: {  	v18 =	vld [tilespmem:s12+$0xFFFFFFF0];
	v14 =	vmul.f32 v14, v17  }
0x6f: {  	v17 =	vld [tilespmem:s12+$0xFFFFFFC0];
	v19 =	vperm.xlane v8, v1;
	v13 =	vmul.f32 v13, v15;
	[tilespmem:s12+$0x30] =	vst v16  }
0x70: {  	v15 =	vperm.xlane v8, v4;
	[tilespmem:s12+$0x10] =	vst v14;
	v9 =	vmul.f32 v10, v9  }
0x71: {  	v10 =	vmul.f32 v12, v19;
	[tilespmem:s12+$0xFFFFFFE0] =	vst v13;
	v12 =	vperm.xlane v8, v3  }
0x72: {  	v8 =	vperm.xlane v8, v0;
	v11 =	vmul.f32 v11, v15;
	[tilespmem:s12+$0x20] =	vst v9  }
0x73: {  	s2 =	smul.u32 $0x140, s10;
	[tilespmem:s12+$0xFFFFFFD0] =	vst v10;
	v9 =	vmul.f32 v18, v12  }
0x74: {  	v8 =	vmul.f32 v17, v8;
	[tilespmem:s12+$0x0] =	vst v11  }
0x75: {  	s2 =	sshra.s32 s2, $0x2;
	[tilespmem:s12+$0xFFFFFFF0] =	vst v9  }
0x76: {  	s2 =	sadd.s32 $0x2710, s2;
	[tilespmem:s12+$0xFFFFFFC0] =	vst v8  }
0x77: {  	[spmem:s3] =	stream.indirect.scatter.add.f32 [tilespmem:s21], [sflag:$0x3], $0x80, s2, s20, $0xb8;
	[tilespmem:$0x1E820] =	vst v63  }
0x78: {  	_ = 	snop  }
0x79: {  	[spmem:s4] =	stream.indirect.scatter.add.f32 [tilespmem:s22], [sflag:$0x3], $0x10, s2, s20, $0xb8;
	[tilespmem:$0x1E820] =	vst v63  }
0x7a: {  	_ =	swait.ge [sflag:s29], $0x1400  }
0x7b: {  	[sflag:s29] =	ssyncset.done $0x0  }
0x7c: {  	[sflag:s29] =	ssyncadd.s32 $0xFFFFEC00  }
0x7d: {  	_ =	swait.ge [sflag:s29], $0x280  }
0x7e: {  	[sflag:s29] =	ssyncset.done $0x0  }
0x7f: {  	[sflag:s29] =	ssyncadd.s32 $0xFFFFFD80  }
0x80: {  	_ =	swait.ge [sflag:s29], $0x280  }
0x81: {  	[sflag:s29] =	ssyncset.done $0x0  }
0x82: {  	[sflag:s29] =	ssyncadd.s32 $0xFFFFFD80  }
0x83: {  	_ =	swait.ge [sflag:s30], $0x1400  }
0x84: {  	[sflag:s30] =	ssyncset.done $0x0  }
0x85: {  	[sflag:s30] =	ssyncadd.s32 $0xFFFFEC00  }
0x86: {  	_ =	swait.ge [sflag:s30], $0x280  }
0x87: {  	[sflag:s30] =	ssyncset.done $0x0  }
0x88: {  	s13 =	sadd.s32 $0x50, s16;
	[sflag:s30] =	ssyncadd.s32 $0xFFFFFD80  }
0x89: {  	[tilespmem:s21], [sflag:$0x1] =	stream.indirect.gather [hbm4b:s1+s20], $0x80, s13, s20, $0xb8;
	[tilespmem:$0x1E820] =	vst v63  }
0x8a: {  	_ = 	snop  }
0x8b: {  	[tilespmem:s22], [sflag:$0x1] =	stream.indirect.gather [hbm4b:s6+s20], $0x10, s13, s20, $0xb8;
	[tilespmem:$0x1E820] =	vst v63  }
0x8c: {  	s14 =	sadd.s32 $0x2760, s16;
	s16 =	simm.s32 $0x0  }
0x8d: {  	[tilespmem:s23], [sflag:$0x1] =	stream.indirect.gather [hbm4b:s7+s20], $0x10, s14, s20, $0xb8;
	[tilespmem:$0x1E820] =	vst v63  }
0x8e: {  	v8 =	vld [tilespmem:s16+$0x78A0]  }
0x8f: {  	v9 =	vld [tilespmem:s16+$0x7DA0];
	_ =	sdelay $0x4  }
0x90: {  	v8 =	vadd.f32 v9, v8;
	_ =	sdelay $0x1  }
0x91: {  	v9 =	vmul.f32 $2.000000030e-01, v8  }
0x92: {  	vm0 =	vge.f32 v8, $0.0e+00  }
0x93: {  	v8 =	vsel vm0, v8, v9  }
0x94: {  	v8 =	vmul.f32 $1.442695020e+00, v8;
	_ =	sdelay $0x1  }
0x95: {  	(erf) = vpow2.f32 v8;
	_ =	sdelay $0x8  }
0x96: {  	v8 =	vpop (erf)  }
0x97: {  	s12 =	simm.s32 $0x6260;
	[tilespmem:s16+$0x78A0] =	vst v8  }
0x98: {  	v16 =	vld [tilespmem:s12+$0x30]  }
0x99: {  	v14 =	vld [tilespmem:s12+$0x10]  }
0x9a: {  	v13 =	vld [tilespmem:s12+$0xFFFFFFE0]  }
0x9b: {  	v18 =	vperm.xlane v8, v7;
	v10 =	vld [tilespmem:s12+$0x20]  }
0x9c: {  	v9 =	vperm.xlane v8, v6;
	v17 =	vperm.xlane v8, v5;
	v12 =	vld [tilespmem:s12+$0xFFFFFFD0]  }
0x9d: {  	s13 =	simm.s32 $0x40;
	s14 =	simm.s32 $0x6260;
	v15 =	vperm.xlane v8, v2;
	v11 =	vld [tilespmem:s12+$0x0];
	v16 =	vmul.f32 v16, v18  }
.LBB2_5:
0x9e: {  	p0 =	sne.s32 s13, $0x9C0  }
0x9f: {  	v18 =	vld [tilespmem:s12+$0xFFFFFFF0];
	v14 =	vmul.f32 v14, v17;
	s14 =	sadd.s32 $0x80, s14;
	s2 =	smov.u32 s13;
	s13 =	sadd.s32 $0x40, s13  }
0xa0: {  	v19 =	vperm.xlane v8, v1;
	v17 =	vld [tilespmem:s12+$0xFFFFFFC0];
	v13 =	vmul.f32 v13, v15;
	[tilespmem:s12+$0x30] =	vst v16  }
0xa1: {  	v15 =	vperm.xlane v8, v4;
	[tilespmem:s12+$0x10] =	vst v14;
	v9 =	vmul.f32 v10, v9  }
0xa2: {  	v10 =	vmul.f32 v12, v19;
	[tilespmem:s12+$0xFFFFFFE0] =	vst v13;
	v12 =	vperm.xlane v8, v3  }
0xa3: {  	v8 =	vperm.xlane v8, v0;
	v11 =	vmul.f32 v11, v15;
	[tilespmem:s12+$0x20] =	vst v9  }
0xa4: {  	[tilespmem:s12+$0xFFFFFFD0] =	vst v10;
	v9 =	vmul.f32 v18, v12  }
0xa5: {  	v8 =	vmul.f32 v17, v8;
	[tilespmem:s12+$0x0] =	vst v11  }
0xa6: {  	[tilespmem:s12+$0xFFFFFFF0] =	vst v9  }
0xa7: {  	s2 =	sshra.s32 s2, $0x2;
	[tilespmem:s12+$0xFFFFFFC0] =	vst v8;
	s12 =	smov.u32 s14  }
0xa8: {  	v8 =	vld [tilespmem:s2+$0x78A0]  }
0xa9: {  	v9 =	vld [tilespmem:s2+$0x7DA0];
	_ =	sdelay $0x4  }
0xaa: {  	v8 =	vadd.f32 v9, v8;
	_ =	sdelay $0x1  }
0xab: {  	vm0 =	vge.f32 v8, $0.0e+00;
	v9 =	vmul.f32 $2.000000030e-01, v8;
	_ =	sdelay $0x1  }
0xac: {  	v8 =	vsel vm0, v8, v9  }
0xad: {  	v8 =	vmul.f32 $1.442695020e+00, v8;
	_ =	sdelay $0x1  }
0xae: {  	(erf) = vpow2.f32 v8;
	_ =	sdelay $0x8  }
0xaf: {  	v8 =	vpop (erf)  }
0xb0: {  	[tilespmem:s2+$0x78A0] =	vst v8;
	v9 =	vperm.xlane v8, v6  }
0xb1: {  	v16 =	vld [tilespmem:s14+$0x30]  }
.Ltmp1:
0xb2: {  	v14 =	vld [tilespmem:s14+$0x10];
	(pc) =	sbr.rel @p0 .LBB2_5-.Ltmp1, $4  }
0xb3: {  	v18 =	vperm.xlane v8, v7;
	v13 =	vld [tilespmem:s14+$0xFFFFFFE0]  }
0xb4: {  	v10 =	vld [tilespmem:s14+$0x20]  }
0xb5: {  	v17 =	vperm.xlane v8, v5;
	v12 =	vld [tilespmem:s14+$0xFFFFFFD0]  }
0xb6: {  	v15 =	vperm.xlane v8, v2;
	v11 =	vld [tilespmem:s14+$0x0];
	v16 =	vmul.f32 v16, v18  }
0xb7: {  	v18 =	vld [tilespmem:s12+$0xFFFFFFF0];
	v14 =	vmul.f32 v14, v17  }
0xb8: {  	v59 =	vld [tilespmem:s12+$0xFFFFFFC0];
	v19 =	vperm.xlane v8, v1;
	v13 =	vmul.f32 v13, v15;
	[tilespmem:s12+$0x30] =	vst v16  }
0xb9: {  	v60 =	vperm.xlane v8, v4;
	[tilespmem:s12+$0x10] =	vst v14;
	v9 =	vmul.f32 v10, v9  }
0xba: {  	v62 =	vperm.xlane v8, v3;
	v61 =	vmul.f32 v12, v19;
	[tilespmem:s12+$0xFFFFFFE0] =	vst v13  }
0xbb: {  	v8 =	vperm.xlane v8, v0;
	v11 =	vmul.f32 v11, v60;
	[tilespmem:s12+$0x20] =	vst v9  }
0xbc: {  	s10 =	sadd.s32 $0x1, s10;
	[tilespmem:s12+$0xFFFFFFD0] =	vst v61;
	v63 =	vmul.f32 v18, v62  }
0xbd: {  	p0 =	sne.s32 s10, $0x7C;
	v8 =	vmul.f32 v59, v8;
	[tilespmem:s12+$0x0] =	vst v11  }
.Ltmp2:
0xbe: {  	[tilespmem:s12+$0xFFFFFFF0] =	vst v63;
	(pc) =	sbr.rel @p0 .LBB2_2-.Ltmp2, $4  }
0xbf: {  	[tilespmem:s12+$0xFFFFFFC0] =	vst v8  }
0xc0: {  	[spmem:s3] =	stream.indirect.scatter.add.f32 [tilespmem:s25], [sflag:$0x4], $0x80, s11, s20, $0xb8;
	[tilespmem:$0x1E820] =	vst v63  }
0xc1: {  	_ = 	snop  }
0xc2: {  	[spmem:s4] =	stream.indirect.scatter.add.f32 [tilespmem:s26], [sflag:$0x4], $0x10, s11, s20, $0xb8;
	[tilespmem:$0x1E820] =	vst v63  }
0xc3: {  	_ =	swait.ge [sflag:s24], $0x1400  }
0xc4: {  	[sflag:s24] =	ssyncset.done $0x0  }
0xc5: {  	[sflag:s24] =	ssyncadd.s32 $0xFFFFEC00  }
0xc6: {  	_ =	swait.ge [sflag:s24], $0x280  }
0xc7: {  	[sflag:s24] =	ssyncset.done $0x0  }
0xc8: {  	[sflag:s24] =	ssyncadd.s32 $0xFFFFFD80  }
0xc9: {  	_ =	swait.ge [sflag:s24], $0x280  }
0xca: {  	[sflag:s24] =	ssyncset.done $0x0  }
0xcb: {  	[sflag:s24] =	ssyncadd.s32 $0xFFFFFD80  }
0xcc: {  	_ =	swait.ge [sflag:s31], $0x1400  }
0xcd: {  	[sflag:s31] =	ssyncset.done $0x0  }
0xce: {  	[sflag:s31] =	ssyncadd.s32 $0xFFFFEC00  }
0xcf: {  	_ =	swait.ge [sflag:s31], $0x280  }
0xd0: {  	[sflag:s31] =	ssyncset.done $0x0  }
0xd1: {  	s2 =	simm.s32 $0x26E8;
	[sflag:s31] =	ssyncadd.s32 $0xFFFFFD80  }
0xd2: {  	[tilespmem:s25], [sflag:$0x2] =	stream.indirect.gather [hbm4b:s1+s20], $0x80, s2, s20, $0xb8;
	[tilespmem:$0x1E820] =	vst v63  }
0xd3: {  	_ = 	snop  }
0xd4: {  	[tilespmem:s26], [sflag:$0x2] =	stream.indirect.gather [hbm4b:s6+s20], $0x10, s2, s20, $0xb8;
	[tilespmem:$0x1E820] =	vst v63  }
0xd5: {  	s16 =	simm.s32 $0x0  }
0xd6: {  	[tilespmem:s28], [sflag:$0x2] =	stream.indirect.gather [hbm4b:s7+s20], $0x10, s0, s20, $0xb8;
	[tilespmem:$0x1E820] =	vst v63  }
0xd7: {  	v8 =	vld [tilespmem:s16+$0x7620]  }
0xd8: {  	v9 =	vld [tilespmem:s16+$0x7B20];
	_ =	sdelay $0x4  }
0xd9: {  	v8 =	vadd.f32 v9, v8;
	_ =	sdelay $0x1  }
0xda: {  	v9 =	vmul.f32 $2.000000030e-01, v8  }
0xdb: {  	vm0 =	vge.f32 v8, $0.0e+00  }
0xdc: {  	v8 =	vsel vm0, v8, v9  }
0xdd: {  	v8 =	vmul.f32 $1.442695020e+00, v8;
	_ =	sdelay $0x1  }
0xde: {  	(erf) = vpow2.f32 v8;
	_ =	sdelay $0x8  }
0xdf: {  	v8 =	vpop (erf)  }
0xe0: {  	s10 =	simm.s32 $0x4E60;
	[tilespmem:s16+$0x7620] =	vst v8  }
0xe1: {  	v16 =	vld [tilespmem:s10+$0x30]  }
0xe2: {  	v14 =	vld [tilespmem:s10+$0x10]  }
0xe3: {  	v13 =	vld [tilespmem:s10+$0xFFFFFFE0]  }
0xe4: {  	v18 =	vperm.xlane v8, v7;
	v10 =	vld [tilespmem:s10+$0x20]  }
0xe5: {  	v9 =	vperm.xlane v8, v6;
	v17 =	vperm.xlane v8, v5;
	v12 =	vld [tilespmem:s10+$0xFFFFFFD0]  }
0xe6: {  	s11 =	simm.s32 $0x40;
	s12 =	simm.s32 $0x4E60;
	v15 =	vperm.xlane v8, v2;
	v11 =	vld [tilespmem:s10+$0x0];
	v16 =	vmul.f32 v16, v18  }
.LBB2_8:
0xe7: {  	p0 =	sne.s32 s11, $0x9C0  }
0xe8: {  	v18 =	vld [tilespmem:s10+$0xFFFFFFF0];
	v14 =	vmul.f32 v14, v17;
	s12 =	sadd.s32 $0x80, s12;
	s2 =	smov.u32 s11;
	s11 =	sadd.s32 $0x40, s11  }
0xe9: {  	v19 =	vperm.xlane v8, v1;
	v17 =	vld [tilespmem:s10+$0xFFFFFFC0];
	v13 =	vmul.f32 v13, v15;
	[tilespmem:s10+$0x30] =	vst v16  }
0xea: {  	v15 =	vperm.xlane v8, v4;
	[tilespmem:s10+$0x10] =	vst v14;
	v9 =	vmul.f32 v10, v9  }
0xeb: {  	v10 =	vmul.f32 v12, v19;
	[tilespmem:s10+$0xFFFFFFE0] =	vst v13;
	v12 =	vperm.xlane v8, v3  }
0xec: {  	v8 =	vperm.xlane v8, v0;
	v11 =	vmul.f32 v11, v15;
	[tilespmem:s10+$0x20] =	vst v9  }
0xed: {  	[tilespmem:s10+$0xFFFFFFD0] =	vst v10;
	v9 =	vmul.f32 v18, v12  }
0xee: {  	v8 =	vmul.f32 v17, v8;
	[tilespmem:s10+$0x0] =	vst v11  }
0xef: {  	[tilespmem:s10+$0xFFFFFFF0] =	vst v9  }
0xf0: {  	s2 =	sshra.s32 s2, $0x2;
	[tilespmem:s10+$0xFFFFFFC0] =	vst v8;
	s10 =	smov.u32 s12  }
0xf1: {  	v8 =	vld [tilespmem:s2+$0x7620]  }
0xf2: {  	v9 =	vld [tilespmem:s2+$0x7B20];
	_ =	sdelay $0x4  }
0xf3: {  	v8 =	vadd.f32 v9, v8;
	_ =	sdelay $0x1  }
0xf4: {  	vm0 =	vge.f32 v8, $0.0e+00;
	v9 =	vmul.f32 $2.000000030e-01, v8;
	_ =	sdelay $0x1  }
0xf5: {  	v8 =	vsel vm0, v8, v9  }
0xf6: {  	v8 =	vmul.f32 $1.442695020e+00, v8;
	_ =	sdelay $0x1  }
0xf7: {  	(erf) = vpow2.f32 v8;
	_ =	sdelay $0x8  }
0xf8: {  	v8 =	vpop (erf)  }
0xf9: {  	[tilespmem:s2+$0x7620] =	vst v8;
	v9 =	vperm.xlane v8, v6  }
0xfa: {  	v16 =	vld [tilespmem:s12+$0x30]  }
.Ltmp3:
0xfb: {  	v14 =	vld [tilespmem:s12+$0x10];
	(pc) =	sbr.rel @p0 .LBB2_8-.Ltmp3, $4  }
0xfc: {  	v18 =	vperm.xlane v8, v7;
	v13 =	vld [tilespmem:s12+$0xFFFFFFE0]  }
0xfd: {  	v10 =	vld [tilespmem:s12+$0x20]  }
0xfe: {  	v17 =	vperm.xlane v8, v5;
	v12 =	vld [tilespmem:s12+$0xFFFFFFD0]  }
0xff: {  	v15 =	vperm.xlane v8, v2;
	v11 =	vld [tilespmem:s12+$0x0];
	v16 =	vmul.f32 v16, v18  }
0x100: {  	v18 =	vld [tilespmem:s10+$0xFFFFFFF0];
	v14 =	vmul.f32 v14, v17  }
0x101: {  	v17 =	vld [tilespmem:s10+$0xFFFFFFC0];
	v19 =	vperm.xlane v8, v1;
	v13 =	vmul.f32 v13, v15;
	[tilespmem:s10+$0x30] =	vst v16  }
0x102: {  	v15 =	vperm.xlane v8, v4;
	[tilespmem:s10+$0x10] =	vst v14;
	v9 =	vmul.f32 v10, v9  }
0x103: {  	v10 =	vmul.f32 v12, v19;
	[tilespmem:s10+$0xFFFFFFE0] =	vst v13;
	v12 =	vperm.xlane v8, v3  }
0x104: {  	v8 =	vperm.xlane v8, v0;
	v11 =	vmul.f32 v11, v15;
	[tilespmem:s10+$0x20] =	vst v9  }
0x105: {  	[tilespmem:s10+$0xFFFFFFD0] =	vst v10;
	v9 =	vmul.f32 v18, v12  }
0x106: {  	v8 =	vmul.f32 v17, v8;
	[tilespmem:s10+$0x0] =	vst v11  }
0x107: {  	[tilespmem:s10+$0xFFFFFFF0] =	vst v9  }
0x108: {  	[tilespmem:s10+$0xFFFFFFC0] =	vst v8  }
0x109: {  	[spmem:s3] =	stream.indirect.scatter.add.f32 [tilespmem:s21], [sflag:$0x3], $0x80, s8, s20, $0xb8;
	[tilespmem:$0x1E820] =	vst v63  }
0x10a: {  	_ = 	snop  }
0x10b: {  	[spmem:s4] =	stream.indirect.scatter.add.f32 [tilespmem:s22], [sflag:$0x3], $0x10, s8, s20, $0xb8;
	[tilespmem:$0x1E820] =	vst v63  }
0x10c: {  	_ =	swait.ge [sflag:s29], $0x1400  }
0x10d: {  	[sflag:s29] =	ssyncset.done $0x0  }
0x10e: {  	[sflag:s29] =	ssyncadd.s32 $0xFFFFEC00  }
0x10f: {  	_ =	swait.ge [sflag:s29], $0x280  }
0x110: {  	[sflag:s29] =	ssyncset.done $0x0  }
0x111: {  	[sflag:s29] =	ssyncadd.s32 $0xFFFFFD80  }
0x112: {  	_ =	swait.ge [sflag:s29], $0x280  }
0x113: {  	[sflag:s29] =	ssyncset.done $0x0  }
0x114: {  	[sflag:s29] =	ssyncadd.s32 $0xFFFFFD80  }
0x115: {  	_ =	swait.ge [sflag:s30], $0x1400  }
0x116: {  	[sflag:s30] =	ssyncset.done $0x0  }
0x117: {  	[sflag:s30] =	ssyncadd.s32 $0xFFFFEC00  }
0x118: {  	_ =	swait.ge [sflag:s30], $0x280  }
0x119: {  	[sflag:s30] =	ssyncset.done $0x0  }
0x11a: {  	s2 =	simm.s32 $0x0;
	[sflag:s30] =	ssyncadd.s32 $0xFFFFFD80  }
0x11b: {  	v8 =	vld [tilespmem:s2+$0x78A0]  }
0x11c: {  	v9 =	vld [tilespmem:s2+$0x7DA0];
	_ =	sdelay $0x4  }
0x11d: {  	v8 =	vadd.f32 v9, v8;
	_ =	sdelay $0x1  }
0x11e: {  	v9 =	vmul.f32 $2.000000030e-01, v8  }
0x11f: {  	vm0 =	vge.f32 v8, $0.0e+00  }
0x120: {  	v8 =	vsel vm0, v8, v9  }
0x121: {  	v8 =	vmul.f32 $1.442695020e+00, v8;
	_ =	sdelay $0x1  }
0x122: {  	(erf) = vpow2.f32 v8;
	_ =	sdelay $0x8  }
0x123: {  	v8 =	vpop (erf)  }
0x124: {  	s10 =	simm.s32 $0x6260;
	[tilespmem:s2+$0x78A0] =	vst v8  }
0x125: {  	v16 =	vld [tilespmem:s10+$0x30]  }
0x126: {  	v14 =	vld [tilespmem:s10+$0x10]  }
0x127: {  	v13 =	vld [tilespmem:s10+$0xFFFFFFE0]  }
0x128: {  	v18 =	vperm.xlane v8, v7;
	v10 =	vld [tilespmem:s10+$0x20]  }
0x129: {  	v9 =	vperm.xlane v8, v6;
	v17 =	vperm.xlane v8, v5;
	v12 =	vld [tilespmem:s10+$0xFFFFFFD0]  }
0x12a: {  	s11 =	simm.s32 $0x40;
	s12 =	simm.s32 $0x6260;
	v15 =	vperm.xlane v8, v2;
	v11 =	vld [tilespmem:s10+$0x0];
	v16 =	vmul.f32 v16, v18  }
.LBB2_10:
0x12b: {  	p0 =	sne.s32 s11, $0x9C0  }
0x12c: {  	v18 =	vld [tilespmem:s10+$0xFFFFFFF0];
	v14 =	vmul.f32 v14, v17;
	s12 =	sadd.s32 $0x80, s12;
	s2 =	smov.u32 s11;
	s11 =	sadd.s32 $0x40, s11  }
0x12d: {  	v19 =	vperm.xlane v8, v1;
	v17 =	vld [tilespmem:s10+$0xFFFFFFC0];
	v13 =	vmul.f32 v13, v15;
	[tilespmem:s10+$0x30] =	vst v16  }
0x12e: {  	v15 =	vperm.xlane v8, v4;
	[tilespmem:s10+$0x10] =	vst v14;
	v9 =	vmul.f32 v10, v9  }
0x12f: {  	v10 =	vmul.f32 v12, v19;
	[tilespmem:s10+$0xFFFFFFE0] =	vst v13;
	v12 =	vperm.xlane v8, v3  }
0x130: {  	v8 =	vperm.xlane v8, v0;
	v11 =	vmul.f32 v11, v15;
	[tilespmem:s10+$0x20] =	vst v9  }
0x131: {  	[tilespmem:s10+$0xFFFFFFD0] =	vst v10;
	v9 =	vmul.f32 v18, v12  }
0x132: {  	v8 =	vmul.f32 v17, v8;
	[tilespmem:s10+$0x0] =	vst v11  }
0x133: {  	[tilespmem:s10+$0xFFFFFFF0] =	vst v9  }
0x134: {  	s2 =	sshra.s32 s2, $0x2;
	[tilespmem:s10+$0xFFFFFFC0] =	vst v8;
	s10 =	smov.u32 s12  }
0x135: {  	v8 =	vld [tilespmem:s2+$0x78A0]  }
0x136: {  	v9 =	vld [tilespmem:s2+$0x7DA0];
	_ =	sdelay $0x4  }
0x137: {  	v8 =	vadd.f32 v9, v8;
	_ =	sdelay $0x1  }
0x138: {  	vm0 =	vge.f32 v8, $0.0e+00;
	v9 =	vmul.f32 $2.000000030e-01, v8;
	_ =	sdelay $0x1  }
0x139: {  	v8 =	vsel vm0, v8, v9  }
0x13a: {  	v8 =	vmul.f32 $1.442695020e+00, v8;
	_ =	sdelay $0x1  }
0x13b: {  	(erf) = vpow2.f32 v8;
	_ =	sdelay $0x8  }
0x13c: {  	v8 =	vpop (erf)  }
0x13d: {  	[tilespmem:s2+$0x78A0] =	vst v8;
	v9 =	vperm.xlane v8, v6  }
0x13e: {  	v16 =	vld [tilespmem:s12+$0x30]  }
.Ltmp4:
0x13f: {  	v14 =	vld [tilespmem:s12+$0x10];
	(pc) =	sbr.rel @p0 .LBB2_10-.Ltmp4, $4  }
0x140: {  	v18 =	vperm.xlane v8, v7;
	v13 =	vld [tilespmem:s12+$0xFFFFFFE0]  }
0x141: {  	v10 =	vld [tilespmem:s12+$0x20]  }
0x142: {  	v17 =	vperm.xlane v8, v5;
	v12 =	vld [tilespmem:s12+$0xFFFFFFD0]  }
0x143: {  	v15 =	vperm.xlane v8, v2;
	v11 =	vld [tilespmem:s12+$0x0];
	v16 =	vmul.f32 v16, v18  }
0x144: {  	v18 =	vld [tilespmem:s10+$0xFFFFFFF0];
	v14 =	vmul.f32 v14, v17  }
0x145: {  	v59 =	vld [tilespmem:s10+$0xFFFFFFC0];
	v19 =	vperm.xlane v8, v1;
	v13 =	vmul.f32 v13, v15;
	[tilespmem:s10+$0x30] =	vst v16  }
0x146: {  	v60 =	vperm.xlane v8, v4;
	[tilespmem:s10+$0x10] =	vst v14;
	v9 =	vmul.f32 v10, v9  }
0x147: {  	v62 =	vperm.xlane v8, v3;
	v61 =	vmul.f32 v12, v19;
	[tilespmem:s10+$0xFFFFFFE0] =	vst v13  }
0x148: {  	v8 =	vperm.xlane v8, v0;
	v11 =	vmul.f32 v11, v60;
	[tilespmem:s10+$0x20] =	vst v9  }
0x149: {  	[tilespmem:s10+$0xFFFFFFD0] =	vst v61;
	v63 =	vmul.f32 v18, v62  }
0x14a: {  	v8 =	vmul.f32 v59, v8;
	[tilespmem:s10+$0x0] =	vst v11  }
0x14b: {  	[tilespmem:s10+$0xFFFFFFF0] =	vst v63  }
0x14c: {  	[tilespmem:s10+$0xFFFFFFC0] =	vst v8  }
0x14d: {  	[spmem:s3] =	stream.indirect.scatter.add.f32 [tilespmem:s25], [sflag:$0x4], $0x80, s0, s20, $0xb8;
	[tilespmem:$0x1E820] =	vst v63  }
0x14e: {  	_ = 	snop  }
0x14f: {  	[spmem:s4] =	stream.indirect.scatter.add.f32 [tilespmem:s26], [sflag:$0x4], $0x10, s0, s20, $0xb8;
	[tilespmem:$0x1E820] =	vst v63  }
0x150: {  	_ =	swait.ge [sflag:s31], $0x1400  }
0x151: {  	[sflag:s31] =	ssyncset.done $0x0  }
0x152: {  	[sflag:s31] =	ssyncadd.s32 $0xFFFFEC00  }
0x153: {  	_ =	swait.ge [sflag:s31], $0x280  }
0x154: {  	[sflag:s31] =	ssyncset.done $0x0  }
0x155: {  	[sflag:s31] =	ssyncadd.s32 $0xFFFFFD80  }
0x156: {  	[bflag:$0x0] =	sbarrier.arrive $0xFFFF  }
0x157: {  	s2 =	rddreg [dreg:$0xa]  }
0x158: {  	[hbm:s2], [sflag:s17] =	dma.local [spmem:s18], $0x2800  }
0x159: {  	_ =	swait.ge [sflag:s15], $0x2800  }
0x15a: {  	[sflag:s15] =	ssyncset.done $0x0  }
0x15b: {  	s14 =	rddreg [dreg:$0xb];
	[sflag:s15] =	ssyncadd.s32 $0xFFFFD800  }
0x15c: {  	[hbm:s14], [sflag:s17] =	dma.local [spmem:s19], $0x500  }
0x15d: {  	_ =	swait.ge [sflag:s15], $0x500  }
0x15e: {  	s9 =	sadd.s32 $0x1, s9;
	s16 =	rddreg [dreg:$0x9]  }
0x15f: {  	p0 =	sne.s32 s9, s16  }
.Ltmp5:
0x160: {  	_ = 	snop;
	(pc) =	sbr.rel @p0 .LBB2_1-.Ltmp5, $3  }
0x161: {  	_ =	sdelay $0x1  }
0x162: {  	[sflag:s15] =	ssyncset.done $0x0  }
0x163: {  	[sflag:s15] =	ssyncadd.s32 $0xFFFFFB00  }
0x164: {  	_ =	sfence.sel $0x180000  }
0x165: {  	[bflag:$0x0] =	sbarrier.arrive $0xFFFF  }
0x166: {  	_ =	strace $0x90000047  }
0x167: {  	s0 =	stileid.u32;
	[bflag:$0x2] =	sbarrier.arrive $0xFFFF  }
0x168: {  	p0 =	sne.s32 s0, $0x0;
	s0 =	rddreg [dreg:$0x4]  }
0x169: {  	s0 =	sadd.s32 @!p0 $0x100000, s0  }
0x16a: {  	[sflag:s0] =	ssyncadd.tile.s32 @!p0 $0x1;
	_ =	shalt  }
.Lfunc_end2:
_tile_overlayer_lowered:
.L_overlay_start_2:
0x16b: {  	(tag) =	ssettag $0x2  }
0x16c: {  	s0 =	rddreg [dreg:$0x0];
	s2 =	stileid.u32  }
0x16d: {  	s1 =	rddreg [dreg:$0x1];
	p0 =	sne.s32 s2, $0x0  }
0x16e: {  	s3 =	rddreg [dreg:$0x2];
	[bflag:$0x3] =	sbarrier.arrive $0xFFFF;
	s2 =	simm.s32 @!p0 $0x1C05  }
0x16f: {  	[timem:s3], [sflag:s2] =	dma.local @!p0 [hbm:s0], s1  }
0x170: {  	s0 =	simm.s32 @!p0 $0x5  }
0x171: {  	_ =	swait.ge @!p0 [sflag:s0], s1  }
0x172: {  	s1 =	ssub.s32 @!p0 $0x0, s1;
	[sflag:s0] =	ssyncset.done @!p0 $0x0  }
0x173: {  	[sflag:s0] =	ssyncadd.s32 @!p0 s1  }
0x174: {  	[bflag:$0x3] =	sbarrier.arrive $0xFFFF  }
0x175: {  	_ =	shalt  }

</sc_bundles>
